<compile_context>
chip_gen: v7x
topology: tpu7x:2x2x1
jax: 0.10.2.dev20260603
libtpu: 0.0.44.dev20260713+nightly
codegen_flags: <defaults>
</compile_context>

<pallas_src>
import jax
import jax.numpy as jnp
from jax import lax
from jax.experimental import pallas as pl
from jax.experimental.pallas import tpu as pltpu
from jax.experimental.pallas import tpu_sc as plsc

N = 10000
E = 320000
D = 128
H = 128
O = 128

NC = 2
NS = 16
NW = NC * NS
HP = H // 2
CHK = 1024
CH2 = CHK // 2
NCHUNK = 316
EP = NCHUNK * CHK
HCHUNK = NCHUNK // NC

_f32 = jnp.float32
_i32 = jnp.int32

_MASK14 = (1 << 14) - 1



def _dotT(a, b):
    return lax.dot_general(a, b, (((0,), (0,)), ((), ())),
                           preferred_element_type=_f32)


def _pack_pairs(lo_f32, hi_f32):
    lo = lax.bitcast_convert_type(lo_f32.astype(jnp.bfloat16),
                                  jnp.uint16).astype(jnp.uint32)
    hi = lax.bitcast_convert_type(hi_f32.astype(jnp.bfloat16),
                                  jnp.uint16).astype(jnp.uint32)
    return lax.bitcast_convert_type(lo | (hi << 16), _i32)


def _tc_in_body(x_ref, w_ref, asrc_ref, adst_ref,
                ht_ref, es_ref, ed_ref, hp_ref, ee_ref):
    ht = lax.dot_general(w_ref[...], x_ref[...], (((0,), (1,)), ((), ())),
                         preferred_element_type=_f32)
    ht_ref[...] = ht
    es = _dotT(asrc_ref[...], ht)
    ed = _dotT(adst_ref[...], ht)
    es_ref[...] = es
    ed_ref[...] = ed
    hp_ref[...] = _pack_pairs(ht[:HP], ht[HP:])
    ee_ref[...] = _pack_pairs(es, ed)


def _tc_in(x, W, a_src, a_dst):
    return pl.pallas_call(
        _tc_in_body,
        out_shape=[
            jax.ShapeDtypeStruct((H, N), _f32),
            jax.ShapeDtypeStruct((1, N), _f32),
            jax.ShapeDtypeStruct((1, N), _f32),
            jax.ShapeDtypeStruct((HP, N), _i32),
            jax.ShapeDtypeStruct((1, N), _i32),
        ],
    )(x, W, a_src.reshape(H, 1), a_dst.reshape(H, 1))


def _combine_t(acc_ref, den_ref, ht_ref, es_ref, ed_ref, b_ref):
    t = es_ref[...] + ed_ref[...]
    sw = jnp.exp(jnp.maximum(t, 0.2 * t))
    acc = acc_ref[0] + acc_ref[1]
    num = acc + sw * ht_ref[...]
    den = jnp.sum(den_ref[...], axis=0) + sw
    return jnp.maximum(num / den + b_ref[...], 0.0)


def _tc_mid_body(acc_ref, den_ref, ht_ref, es_ref, ed_ref, b_ref, w_ref,
                 asrc_ref, adst_ref, ht2_ref, es2_ref, ed2_ref,
                 hp2_ref, ee2_ref):
    gt = _combine_t(acc_ref, den_ref, ht_ref, es_ref, ed_ref, b_ref)
    ht2 = _dotT(w_ref[...], gt)
    ht2_ref[...] = ht2
    es2 = _dotT(asrc_ref[...], ht2)
    ed2 = _dotT(adst_ref[...], ht2)
    es2_ref[...] = es2
    ed2_ref[...] = ed2
    hp2_ref[...] = _pack_pairs(ht2[:HP], ht2[HP:])
    ee2_ref[...] = _pack_pairs(es2, ed2)


def _tc_mid(acc, den, ht, es, ed, b, W, a_src, a_dst):
    return pl.pallas_call(
        _tc_mid_body,
        out_shape=[
            jax.ShapeDtypeStruct((H, N), _f32),
            jax.ShapeDtypeStruct((1, N), _f32),
            jax.ShapeDtypeStruct((1, N), _f32),
            jax.ShapeDtypeStruct((HP, N), _i32),
            jax.ShapeDtypeStruct((1, N), _i32),
        ],
    )(acc, den, ht, es, ed, b.reshape(H, 1), W,
      a_src.reshape(H, 1), a_dst.reshape(H, 1))


def _tc_out_body(acc_ref, den_ref, ht_ref, es_ref, ed_ref, b_ref, w_ref,
                 bout_ref, out_ref):
    gt = _combine_t(acc_ref, den_ref, ht_ref, es_ref, ed_ref, b_ref)
    out_ref[...] = _dotT(gt, w_ref[...]) + bout_ref[...]


def _tc_out(acc, den, ht, es, ed, b, Wout, bout):
    return pl.pallas_call(
        _tc_out_body,
        out_shape=jax.ShapeDtypeStruct((N, O), _f32),
    )(acc, den, ht, es, ed, b.reshape(H, 1), Wout, bout.reshape(1, O))



_HIMASK = -65536


def _bf16_lo(word):
    return lax.bitcast_convert_type(word << 16, _f32)


def _bf16_hi(word):
    return lax.bitcast_convert_type(word & _HIMASK, _f32)


def _unpack_pr(pr16):
    return pr16 & _MASK14, lax.shift_right_logical(pr16, 14)


def _sc_edge_body(hp_hbm, ee_hbm, pr_hbm,
                  acc_out, den_out,
                  hp0, hp1, hp2, hp3,
                  ac0, ac1, ac2, ac3, ac4, ac5, ac6, ac7,
                  prA, prB, wA, wB, wtmp, w_sh, sems):
    c = lax.axis_index("c")
    s = lax.axis_index("s")
    wid = c * NS + s
    hp = (hp0, hp1, hp2, hp3)
    ac = (ac0, ac1, ac2, ac3, ac4, ac5, ac6, ac7)
    zero16 = jnp.zeros((16,), _f32)
    lane = lax.iota(_i32, 16)

    pltpu.sync_copy(ee_hbm, hp0)

    @pl.loop(0, N // 16)
    def _zeroden(i):
        ac0[pl.ds(i * 16, 16)] = zero16

    def _weights(s16, d16, gid):
        ws = plsc.load_gather(hp0, [s16])
        wd = plsc.load_gather(hp0, [d16])
        t = _bf16_lo(ws) + _bf16_hi(wd)
        w = jnp.exp(jnp.maximum(t, 0.2 * t))
        return jnp.where(gid < E, w, 0.0)

    @pl.loop(0, (HCHUNK + NS - 1) // NS)
    def _wq(q):
        ch = q * NS + s

        @pl.when(ch < HCHUNK)
        def _():
            g = c * HCHUNK + ch
            pltpu.async_copy(pr_hbm.at[pl.ds(g * CHK, CHK)], prA,
                             sems.at[0]).wait()

            @plsc.parallel_loop(0, CH2, step=16, unroll=4)
            def _vreg(off):
                slo, dlo = _unpack_pr(prA[pl.ds(off, 16)])
                shi, dhi = _unpack_pr(prA[pl.ds(CH2 + off, 16)])
                base = g * CHK + off + lane
                wlo = _weights(slo, dlo, base)
                whi = _weights(shi, dhi, base + CH2)
                rlo = lax.bitcast_convert_type(wlo, _i32) + 0x8000
                rhi = lax.bitcast_convert_type(whi, _i32) + 0x8000
                word = lax.shift_right_logical(rlo, 16) | (rhi & _HIMASK)
                wtmp[pl.ds(off, 16)] = word
                plsc.addupdate_scatter(ac0, [dlo], _bf16_lo(word))
                plsc.addupdate_scatter(ac0, [dhi], _bf16_hi(word))

            pltpu.sync_copy(wtmp, w_sh.at[pl.ds(ch * CH2, CH2)])

    pltpu.sync_copy(ac0, den_out.at[pl.ds(wid * N, N)])

    for k in range(4):
        pltpu.sync_copy(hp_hbm.at[pl.ds((s * 4 + k) * N, N)], hp[k])

    @pl.loop(0, N // 16)
    def _zero(i):
        for k in range(8):
            ac[k][pl.ds(i * 16, 16)] = zero16

    plsc.subcore_barrier()

    def _stage(ch, prbuf, wbuf, si):
        return (
            pltpu.async_copy(pr_hbm.at[pl.ds((c * HCHUNK + ch) * CHK, CHK)],
                             prbuf, sems.at[si]),
            pltpu.async_copy(w_sh.at[pl.ds(ch * CH2, CH2)], wbuf,
                             sems.at[si + 1]),
        )

    def _process(prbuf, wbuf):
        @plsc.parallel_loop(0, CH2, step=16, unroll=4)
        def _vreg(off):
            wword = wbuf[pl.ds(off, 16)]
            wlo = _bf16_lo(wword)
            whi = _bf16_hi(wword)
            slo, dlo = _unpack_pr(prbuf[pl.ds(off, 16)])
            shi, dhi = _unpack_pr(prbuf[pl.ds(CH2 + off, 16)])
            for k in range(4):
                a = plsc.load_gather(hp[k], [slo])
                plsc.addupdate_scatter(ac[k], [dlo], _bf16_lo(a) * wlo)
                plsc.addupdate_scatter(ac[4 + k], [dlo], _bf16_hi(a) * wlo)
                b = plsc.load_gather(hp[k], [shi])
                plsc.addupdate_scatter(ac[k], [dhi], _bf16_lo(b) * whi)
                plsc.addupdate_scatter(ac[4 + k], [dhi], _bf16_hi(b) * whi)

    _stage(0, prA, wA, 0)
    _stage(1, prB, wB, 2)

    @pl.loop(0, HCHUNK // 2)
    def _pair(p):
        ch0 = p * 2
        pltpu.make_async_copy(pr_hbm.at[pl.ds(0, CHK)], prA,
                              sems.at[0]).wait()
        pltpu.make_async_copy(w_sh.at[pl.ds(0, CH2)], wA, sems.at[1]).wait()
        _process(prA, wA)

        @pl.when(p < HCHUNK // 2 - 1)
        def _():
            _stage(ch0 + 2, prA, wA, 0)

        pltpu.make_async_copy(pr_hbm.at[pl.ds(0, CHK)], prB,
                              sems.at[2]).wait()
        pltpu.make_async_copy(w_sh.at[pl.ds(0, CH2)], wB, sems.at[3]).wait()
        _process(prB, wB)

        @pl.when(p < HCHUNK // 2 - 1)
        def _():
            _stage(ch0 + 3, prB, wB, 2)

    for k in range(4):
        col_lo = s * 4 + k
        pltpu.sync_copy(ac[k], acc_out.at[pl.ds((c * H + col_lo) * N, N)])
        pltpu.sync_copy(ac[4 + k],
                        acc_out.at[pl.ds((c * H + HP + col_lo) * N, N)])


_sc_edge = pl.kernel(
    _sc_edge_body,
    out_type=[
        jax.ShapeDtypeStruct((NC * H * N,), _f32),
        jax.ShapeDtypeStruct((NW * N,), _f32),
    ],
    mesh=plsc.VectorSubcoreMesh(core_axis_name="c", subcore_axis_name="s",
                                num_cores=NC, num_subcores=NS),
    compiler_params=pltpu.CompilerParams(needs_layout_passes=False),
    scratch_types=(
        [pltpu.VMEM((N,), _i32) for _ in range(4)]
        + [pltpu.VMEM((N,), _f32) for _ in range(8)]
        + [pltpu.VMEM((CHK,), _i32) for _ in range(2)]
        + [pltpu.VMEM((CH2,), _i32) for _ in range(3)]
        + [pltpu.VMEM_SHARED((HCHUNK * CH2,), _i32)]
        + [pltpu.SemaphoreType.DMA((4,))]
    ),
)



def kernel(x, edge_index, W1, a_src1, a_dst1, b1, W2, a_src2, a_dst2, b2,
           Wout, bout):
    src = edge_index[0].astype(_i32)
    dst = edge_index[1].astype(_i32)
    pr = src | (dst << 14)
    pr = jnp.concatenate([pr, jnp.zeros((EP - E,), _i32)])

    ht1, es1, ed1, hpk1, ee1 = _tc_in(x, W1, a_src1, a_dst1)
    acc1, den1 = _sc_edge(hpk1.reshape(HP * N), ee1.reshape(N), pr)

    ht2, es2, ed2, hpk2, ee2 = _tc_mid(
        acc1.reshape(NC, H, N), den1.reshape(NW, 1, N),
        ht1, es1, ed1, b1, W2, a_src2, a_dst2)
    acc2, den2 = _sc_edge(hpk2.reshape(HP * N), ee2.reshape(N), pr)

    return _tc_out(acc2.reshape(NC, H, N), den2.reshape(NW, 1, N),
                   ht2, es2, ed2, b2, Wout, bout)

# --- scband reference (transcript-rebuilt; emitter-appended) ---
"""Pipeline reference for scband-gat-model-74337293959432 (READ-ONLY COPY).

The authoritative reference and input builder live on the scoring server;
editing this copy changes nothing except your own understanding.
"""

import jax, jax.numpy as jnp
import numpy as np

N = 10000
E = 320000
D = 128
H = 128
O = 128

def setup_inputs(seed: int = 0) -> dict:
    key = jax.random.key(seed)
    ks = jax.random.split(key, 16)
    s = 0.05
    x = jax.random.normal(ks[0], (N, D), dtype=jnp.float32)
    edge_index = jax.random.randint(ks[1], (2, E), 0, N).astype(jnp.int64)
    W1 = jax.random.normal(ks[2], (D, H), dtype=jnp.float32) * s
    a_src1 = jax.random.normal(ks[3], (H,), dtype=jnp.float32) * s
    a_dst1 = jax.random.normal(ks[4], (H,), dtype=jnp.float32) * s
    b1 = jnp.zeros((H,), dtype=jnp.float32)
    W2 = jax.random.normal(ks[5], (H, H), dtype=jnp.float32) * s
    a_src2 = jax.random.normal(ks[6], (H,), dtype=jnp.float32) * s
    a_dst2 = jax.random.normal(ks[7], (H,), dtype=jnp.float32) * s
    b2 = jnp.zeros((H,), dtype=jnp.float32)
    Wout = jax.random.normal(ks[8], (H, O), dtype=jnp.float32) * s
    bout = jnp.zeros((O,), dtype=jnp.float32)
    return {"x": x, "edge_index": edge_index, "W1": W1, "a_src1": a_src1, "a_dst1": a_dst1, "b1": b1, "W2": W2, "a_src2": a_src2, "a_dst2": a_dst2, "b2": b2, "Wout": Wout, "bout": bout}

def _gat_layer(x, edge_index, W, a_src, a_dst, b):
    # PyG GATConv, heads=1, concat=True, negative_slope=0.2, add_self_loops=True
    n = x.shape[0]
    loops = jnp.arange(n, dtype=edge_index.dtype)
    src = jnp.concatenate([edge_index[0], loops])
    dst = jnp.concatenate([edge_index[1], loops])
    h = x @ W
    e = (h @ a_src)[src] + (h @ a_dst)[dst]
    e = jax.nn.leaky_relu(e, negative_slope=0.2)
    m = jax.ops.segment_max(e, dst, num_segments=n)
    ex = jnp.exp(e - m[dst])
    denom = jax.ops.segment_sum(ex, dst, num_segments=n)
    alpha = ex / denom[dst]
    out = jax.ops.segment_sum(alpha[:, None] * h[src], dst, num_segments=n)
    return out + b

def reference(x, edge_index, W1, a_src1, a_dst1, b1, W2, a_src2, a_dst2, b2, Wout, bout):
    # layer 1: GATConv(-1 -> H) + ReLU + Dropout(p=0.0)
    h = jax.nn.relu(_gat_layer(x, edge_index, W1, a_src1, a_dst1, b1))
    # layer 2: GATConv(H -> H) + ReLU + Dropout(p=0.0)
    h = jax.nn.relu(_gat_layer(h, edge_index, W2, a_src2, a_dst2, b2))
    # final Linear(H -> O)
    return h @ Wout + bout

if __name__ == "__main__":
    import jax
    _d = setup_inputs()
    print(jax.jit(kernel)(*tuple(_d.values())))

</pallas_src>

<mosaic_0001>
#map = affine_map<(d0, d1) -> (0)>
module attributes {stable_mosaic.version = 14 : i64} {
  func.func @_sc_edge_body(%arg0: i32, %arg1: i32, %arg2: memref<640000xi32, #tpu.memory_space<hbm>>, %arg3: memref<10000xi32, #tpu.memory_space<hbm>>, %arg4: memref<323584xi32, #tpu.memory_space<hbm>>, %arg5: memref<2560000xf32, #tpu.memory_space<hbm>>, %arg6: memref<320000xf32, #tpu.memory_space<hbm>>, %arg7: memref<10000xi32, #tpu.memory_space<vmem>>, %arg8: memref<10000xi32, #tpu.memory_space<vmem>>, %arg9: memref<10000xi32, #tpu.memory_space<vmem>>, %arg10: memref<10000xi32, #tpu.memory_space<vmem>>, %arg11: memref<10000xf32, #tpu.memory_space<vmem>>, %arg12: memref<10000xf32, #tpu.memory_space<vmem>>, %arg13: memref<10000xf32, #tpu.memory_space<vmem>>, %arg14: memref<10000xf32, #tpu.memory_space<vmem>>, %arg15: memref<10000xf32, #tpu.memory_space<vmem>>, %arg16: memref<10000xf32, #tpu.memory_space<vmem>>, %arg17: memref<10000xf32, #tpu.memory_space<vmem>>, %arg18: memref<10000xf32, #tpu.memory_space<vmem>>, %arg19: memref<1024xi32, #tpu.memory_space<vmem>>, %arg20: memref<1024xi32, #tpu.memory_space<vmem>>, %arg21: memref<512xi32, #tpu.memory_space<vmem>>, %arg22: memref<512xi32, #tpu.memory_space<vmem>>, %arg23: memref<512xi32, #tpu.memory_space<vmem>>, %arg24: memref<80896xi32, #tpu.memory_space<vmem_shared>>, %arg25: memref<4x!tpu.dma_semaphore, #tpu.memory_space<semaphore_mem>>) attributes {dimension_semantics = [#tpu.dimension_semantics<core_parallel>, #tpu.dimension_semantics<subcore_parallel>], iteration_bounds = array<i64: 2, 16>, scalar_prefetch = 0 : i64, scratch_operands = 19 : i64, tpu.core_type = #tpu.core_type<sc_vector_subcore>, window_params = [{transform_indices = #map}, {transform_indices = #map}, {transform_indices = #map}, {transform_indices = #map}, {transform_indices = #map}]} {
    %mul3A = arith.constant 16 : i32
    %mul3A_0 = arith.muli %arg0, %mul3A : i32
    %add3A = arith.addi %mul3A_0, %arg1 : i32
    %broadcast_in_dim3A = arith.constant 0.000000e+00 : f32
    %broadcast_in_dim3A_1 = vector.broadcast %broadcast_in_dim3A : f32 to vector<16xf32>
    %iota3A = tpu.iota {dimensions = array<i32: 0>} : vector<16xi32>
    "tpu.region"() ({
      %run_scoped3A = tpu.sem_alloc : memref<!tpu.dma_semaphore, #tpu.memory_space<semaphore_mem>>
      tpu.enqueue_dma source(%arg3 : memref<10000xi32, #tpu.memory_space<hbm>>) target(%arg7 : memref<10000xi32, #tpu.memory_space<vmem>>) target_semaphore(%run_scoped3A : memref<!tpu.dma_semaphore, #tpu.memory_space<semaphore_mem>>)
      tpu.wait_dma2 semaphore(%run_scoped3A : memref<!tpu.dma_semaphore, #tpu.memory_space<semaphore_mem>>) src(%arg3 : memref<10000xi32, #tpu.memory_space<hbm>>) dst(%arg7 : memref<10000xi32, #tpu.memory_space<vmem>>)
      tpu.yield
    }) : () -> ()
    %scan3A = arith.constant 0 : i32
    %scan3A_2 = arith.constant 625 : i32
    %scan3A_3 = arith.addi %scan3A, %scan3A_2 : i32
    %scan3A_4 = arith.constant 1 : i32
    scf.for %scan3A_146 = %scan3A to %scan3A_3 step %scan3A_4  : i32 {
      %mul3A_147 = arith.constant 1 : i32
      %mul3A_148 = arith.muli %scan3A_146, %mul3A_147 : i32
      %add3A_149 = arith.constant 0 : i32
      %add3A_150 = arith.addi %add3A_149, %mul3A_148 : i32
      %mul3A_151 = arith.constant 16 : i32
      %mul3A_152 = arith.muli %add3A_150, %mul3A_151 : i32
      %swap3A = arith.index_cast %mul3A_152 : i32 to index
      %swap3A_153 = tpu.vector_load %arg11[%swap3A] {strides = array<i32>} : memref<10000xf32, #tpu.memory_space<vmem>>, vector<16xf32>,
      tpu.vector_store %arg11[%swap3A], %broadcast_in_dim3A_1 {strides = array<i32>} : memref<10000xf32, #tpu.memory_space<vmem>>, vector<16xf32>,
    }
    %scan3A_5 = arith.constant 625 : i32
    %scan3A_6 = arith.constant 0 : i32
    %scan3A_7 = arith.constant 10 : i32
    %scan3A_8 = arith.addi %scan3A_6, %scan3A_7 : i32
    %scan3A_9 = arith.constant 1 : i32
    scf.for %scan3A_146 = %scan3A_6 to %scan3A_8 step %scan3A_9  : i32 {
      %mul3A_147 = arith.constant 1 : i32
      %mul3A_148 = arith.muli %scan3A_146, %mul3A_147 : i32
      %add3A_149 = arith.constant 0 : i32
      %add3A_150 = arith.addi %add3A_149, %mul3A_148 : i32
      %mul3A_151 = arith.constant 16 : i32
      %mul3A_152 = arith.muli %add3A_150, %mul3A_151 : i32
      %add3A_153 = arith.addi %mul3A_152, %arg1 : i32
      %lt3A = arith.constant 158 : i32
      %lt3A_154 = arith.cmpi slt, %add3A_153, %lt3A : i32
      %convert_element_type3A = arith.extui %lt3A_154 : i1 to i32
      %cond3A = arith.constant 0 : i32
      %cond3A_155 = arith.cmpi ne, %convert_element_type3A, %cond3A : i32
      scf.if %cond3A_155 {
        %mul3A_156 = arith.constant 158 : i32
        %mul3A_157 = arith.muli %arg0, %mul3A_156 : i32
        %add3A_158 = arith.addi %mul3A_157, %add3A_153 : i32
        %mul3A_159 = arith.constant 1024 : i32
        %mul3A_160 = arith.muli %add3A_158, %mul3A_159 : i32
        %dma_start3A_161 = arith.constant 0 : i32
        %dma_start3A_162 = tpu.memref_slice %arg4[%mul3A_160] : memref<323584xi32, #tpu.memory_space<hbm>> -> memref<1024xi32, #tpu.memory_space<hbm>>
        %dma_start3A_163 = tpu.memref_slice %arg25[%dma_start3A_161] : memref<4x!tpu.dma_semaphore, #tpu.memory_space<semaphore_mem>> -> memref<1x!tpu.dma_semaphore, #tpu.memory_space<semaphore_mem>>
        %dma_start3A_164 = tpu.memref_squeeze %dma_start3A_163 : memref<1x!tpu.dma_semaphore, #tpu.memory_space<semaphore_mem>> -> memref<!tpu.dma_semaphore, #tpu.memory_space<semaphore_mem>>
        %dma_start3A_165 = tpu.memref_slice %arg4[%mul3A_160] : memref<323584xi32, #tpu.memory_space<hbm>> -> memref<1024xi32, #tpu.memory_space<hbm>>
        tpu.enqueue_dma source(%dma_start3A_165 : memref<1024xi32, #tpu.memory_space<hbm>>) target(%arg19 : memref<1024xi32, #tpu.memory_space<vmem>>) target_semaphore(%dma_start3A_164 : memref<!tpu.dma_semaphore, #tpu.memory_space<semaphore_mem>>)
        %dma_wait3A = arith.constant 0 : i32
        %dma_wait3A_166 = tpu.memref_slice %arg4[%mul3A_160] : memref<323584xi32, #tpu.memory_space<hbm>> -> memref<1024xi32, #tpu.memory_space<hbm>>
        %dma_wait3A_167 = tpu.memref_slice %arg25[%dma_wait3A] : memref<4x!tpu.dma_semaphore, #tpu.memory_space<semaphore_mem>> -> memref<1x!tpu.dma_semaphore, #tpu.memory_space<semaphore_mem>>
        %dma_wait3A_168 = tpu.memref_squeeze %dma_wait3A_167 : memref<1x!tpu.dma_semaphore, #tpu.memory_space<semaphore_mem>> -> memref<!tpu.dma_semaphore, #tpu.memory_space<semaphore_mem>>
        %dma_wait3A_169 = tpu.memref_slice %arg4[%mul3A_160] : memref<323584xi32, #tpu.memory_space<hbm>> -> memref<1024xi32, #tpu.memory_space<hbm>>
        tpu.wait_dma2 semaphore(%dma_wait3A_168 : memref<!tpu.dma_semaphore, #tpu.memory_space<semaphore_mem>>) src(%dma_wait3A_169 : memref<1024xi32, #tpu.memory_space<hbm>>) dst(%arg19 : memref<1024xi32, #tpu.memory_space<vmem>>)
        %parallel_loop3A = arith.constant 0 : i32
        %parallel_loop3A_170 = arith.constant 512 : i32
        %parallel_loop3A_171 = arith.constant 16 : i32
        scf.for %parallel_loop3A_174 = %parallel_loop3A to %parallel_loop3A_170 step %parallel_loop3A_171  : i32 {
          %parallel_loop3A_175 = arith.index_cast %parallel_loop3A_174 : i32 to index
          %parallel_loop3A_176 = tpu.vector_load %arg19[%parallel_loop3A_175] {strides = array<i32>} : memref<1024xi32, #tpu.memory_space<vmem>>, vector<16xi32>,
          %parallel_loop3A_177 = arith.constant 16383 : i32
          %parallel_loop3A_178 = vector.broadcast %parallel_loop3A_177 : i32 to vector<16xi32>
          %parallel_loop3A_179 = arith.andi %parallel_loop3A_176, %parallel_loop3A_178 : vector<16xi32>
          %parallel_loop3A_180 = arith.constant 14 : i32
          %parallel_loop3A_181 = vector.broadcast %parallel_loop3A_180 : i32 to vector<16xi32>
          %parallel_loop3A_182 = arith.shrui %parallel_loop3A_176, %parallel_loop3A_181 : vector<16xi32>
          %parallel_loop3A_183 = arith.constant 512 : i32
          %parallel_loop3A_184 = arith.addi %parallel_loop3A_183, %parallel_loop3A_174 : i32
          %parallel_loop3A_185 = arith.index_cast %parallel_loop3A_184 : i32 to index
          %parallel_loop3A_186 = tpu.vector_load %arg19[%parallel_loop3A_185] {strides = array<i32>} : memref<1024xi32, #tpu.memory_space<vmem>>, vector<16xi32>,
          %parallel_loop3A_187 = arith.constant 16383 : i32
          %parallel_loop3A_188 = vector.broadcast %parallel_loop3A_187 : i32 to vector<16xi32>
          %parallel_loop3A_189 = arith.andi %parallel_loop3A_186, %parallel_loop3A_188 : vector<16xi32>
          %parallel_loop3A_190 = arith.constant 14 : i32
          %parallel_loop3A_191 = vector.broadcast %parallel_loop3A_190 : i32 to vector<16xi32>
          %parallel_loop3A_192 = arith.shrui %parallel_loop3A_186, %parallel_loop3A_191 : vector<16xi32>
          %parallel_loop3A_193 = arith.constant 1024 : i32
          %parallel_loop3A_194 = arith.muli %add3A_158, %parallel_loop3A_193 : i32
          %parallel_loop3A_195 = arith.addi %parallel_loop3A_194, %parallel_loop3A_174 : i32
          %parallel_loop3A_196 = vector.broadcast %parallel_loop3A_195 : i32 to vector<16xi32>
          %parallel_loop3A_197 = arith.addi %parallel_loop3A_196, %iota3A : vector<16xi32>
          %parallel_loop3A_198 = tpu.vector_load_idx %arg7[%parallel_loop3A_179] : memref<10000xi32, #tpu.memory_space<vmem>>[vector<16xi32>], vector<16xi32>,
          %parallel_loop3A_199 = tpu.vector_load_idx %arg7[%parallel_loop3A_182] : memref<10000xi32, #tpu.memory_space<vmem>>[vector<16xi32>], vector<16xi32>,
          %parallel_loop3A_200 = arith.constant 16 : i32
          %parallel_loop3A_201 = vector.broadcast %parallel_loop3A_200 : i32 to vector<16xi32>
          %parallel_loop3A_202 = arith.shli %parallel_loop3A_198, %parallel_loop3A_201 : vector<16xi32>
          %parallel_loop3A_203 = tpu.bitcast %parallel_loop3A_202 : vector<16xi32> -> vector<16xf32>
          %parallel_loop3A_204 = arith.constant -65536 : i32
          %parallel_loop3A_205 = vector.broadcast %parallel_loop3A_204 : i32 to vector<16xi32>
          %parallel_loop3A_206 = arith.andi %parallel_loop3A_199, %parallel_loop3A_205 : vector<16xi32>
          %parallel_loop3A_207 = tpu.bitcast %parallel_loop3A_206 : vector<16xi32> -> vector<16xf32>
          %parallel_loop3A_208 = arith.addf %parallel_loop3A_203, %parallel_loop3A_207 : vector<16xf32>
          %parallel_loop3A_209 = arith.constant 2.000000e-01 : f32
          %parallel_loop3A_210 = vector.broadcast %parallel_loop3A_209 : f32 to vector<16xf32>
          %parallel_loop3A_211 = arith.mulf %parallel_loop3A_210, %parallel_loop3A_208 : vector<16xf32>
          %parallel_loop3A_212 = arith.maximumf %parallel_loop3A_208, %parallel_loop3A_211 : vector<16xf32>
          %parallel_loop3A_213 = math.exp %parallel_loop3A_212 : vector<16xf32>
          %parallel_loop3A_214 = arith.constant 320000 : i32
          %parallel_loop3A_215 = vector.broadcast %parallel_loop3A_214 : i32 to vector<16xi32>
          %parallel_loop3A_216 = arith.cmpi slt, %parallel_loop3A_197, %parallel_loop3A_215 : vector<16xi32>
          %parallel_loop3A_217 = arith.constant 0.000000e+00 : f32
          %parallel_loop3A_218 = vector.broadcast %parallel_loop3A_217 : f32 to vector<16xf32>
          %parallel_loop3A_219 = arith.select %parallel_loop3A_216, %parallel_loop3A_213, %parallel_loop3A_218 : vector<16xi1>, vector<16xf32>
          %parallel_loop3A_220 = arith.constant 512 : i32
          %parallel_loop3A_221 = vector.broadcast %parallel_loop3A_220 : i32 to vector<16xi32>
          %parallel_loop3A_222 = arith.addi %parallel_loop3A_197, %parallel_loop3A_221 : vector<16xi32>
          %parallel_loop3A_223 = tpu.vector_load_idx %arg7[%parallel_loop3A_189] : memref<10000xi32, #tpu.memory_space<vmem>>[vector<16xi32>], vector<16xi32>,
          %parallel_loop3A_224 = tpu.vector_load_idx %arg7[%parallel_loop3A_192] : memref<10000xi32, #tpu.memory_space<vmem>>[vector<16xi32>], vector<16xi32>,
          %parallel_loop3A_225 = arith.constant 16 : i32
          %parallel_loop3A_226 = vector.broadcast %parallel_loop3A_225 : i32 to vector<16xi32>
          %parallel_loop3A_227 = arith.shli %parallel_loop3A_223, %parallel_loop3A_226 : vector<16xi32>
          %parallel_loop3A_228 = tpu.bitcast %parallel_loop3A_227 : vector<16xi32> -> vector<16xf32>
          %parallel_loop3A_229 = arith.constant -65536 : i32
          %parallel_loop3A_230 = vector.broadcast %parallel_loop3A_229 : i32 to vector<16xi32>
          %parallel_loop3A_231 = arith.andi %parallel_loop3A_224, %parallel_loop3A_230 : vector<16xi32>
          %parallel_loop3A_232 = tpu.bitcast %parallel_loop3A_231 : vector<16xi32> -> vector<16xf32>
          %parallel_loop3A_233 = arith.addf %parallel_loop3A_228, %parallel_loop3A_232 : vector<16xf32>
          %parallel_loop3A_234 = arith.constant 2.000000e-01 : f32
          %parallel_loop3A_235 = vector.broadcast %parallel_loop3A_234 : f32 to vector<16xf32>
          %parallel_loop3A_236 = arith.mulf %parallel_loop3A_235, %parallel_loop3A_233 : vector<16xf32>
          %parallel_loop3A_237 = arith.maximumf %parallel_loop3A_233, %parallel_loop3A_236 : vector<16xf32>
          %parallel_loop3A_238 = math.exp %parallel_loop3A_237 : vector<16xf32>
          %parallel_loop3A_239 = arith.constant 320000 : i32
          %parallel_loop3A_240 = vector.broadcast %parallel_loop3A_239 : i32 to vector<16xi32>
          %parallel_loop3A_241 = arith.cmpi slt, %parallel_loop3A_222, %parallel_loop3A_240 : vector<16xi32>
          %parallel_loop3A_242 = arith.constant 0.000000e+00 : f32
          %parallel_loop3A_243 = vector.broadcast %parallel_loop3A_242 : f32 to vector<16xf32>
          %parallel_loop3A_244 = arith.select %parallel_loop3A_241, %parallel_loop3A_238, %parallel_loop3A_243 : vector<16xi1>, vector<16xf32>
          %parallel_loop3A_245 = tpu.bitcast %parallel_loop3A_219 : vector<16xf32> -> vector<16xi32>
          %parallel_loop3A_246 = arith.constant 32768 : i32
          %parallel_loop3A_247 = vector.broadcast %parallel_loop3A_246 : i32 to vector<16xi32>
          %parallel_loop3A_248 = arith.addi %parallel_loop3A_245, %parallel_loop3A_247 : vector<16xi32>
          %parallel_loop3A_249 = tpu.bitcast %parallel_loop3A_244 : vector<16xf32> -> vector<16xi32>
          %parallel_loop3A_250 = arith.constant 32768 : i32
          %parallel_loop3A_251 = vector.broadcast %parallel_loop3A_250 : i32 to vector<16xi32>
          %parallel_loop3A_252 = arith.addi %parallel_loop3A_249, %parallel_loop3A_251 : vector<16xi32>
          %parallel_loop3A_253 = arith.constant 16 : i32
          %parallel_loop3A_254 = vector.broadcast %parallel_loop3A_253 : i32 to vector<16xi32>
          %parallel_loop3A_255 = arith.shrui %parallel_loop3A_248, %parallel_loop3A_254 : vector<16xi32>
          %parallel_loop3A_256 = arith.constant -65536 : i32
          %parallel_loop3A_257 = vector.broadcast %parallel_loop3A_256 : i32 to vector<16xi32>
          %parallel_loop3A_258 = arith.andi %parallel_loop3A_252, %parallel_loop3A_257 : vector<16xi32>
          %parallel_loop3A_259 = arith.ori %parallel_loop3A_255, %parallel_loop3A_258 : vector<16xi32>
          %parallel_loop3A_260 = arith.index_cast %parallel_loop3A_174 : i32 to index
          %parallel_loop3A_261 = tpu.vector_load %arg23[%parallel_loop3A_260] {strides = array<i32>} : memref<512xi32, #tpu.memory_space<vmem>>, vector<16xi32>,
          tpu.vector_store %arg23[%parallel_loop3A_260], %parallel_loop3A_259 {strides = array<i32>} : memref<512xi32, #tpu.memory_space<vmem>>, vector<16xi32>,
          %parallel_loop3A_262 = arith.constant 16 : i32
          %parallel_loop3A_263 = vector.broadcast %parallel_loop3A_262 : i32 to vector<16xi32>
          %parallel_loop3A_264 = arith.shli %parallel_loop3A_259, %parallel_loop3A_263 : vector<16xi32>
          %parallel_loop3A_265 = tpu.bitcast %parallel_loop3A_264 : vector<16xi32> -> vector<16xf32>
          tpu.vector_store_idx %arg11[%parallel_loop3A_182], %parallel_loop3A_265 {add = true} : memref<10000xf32, #tpu.memory_space<vmem>>[vector<16xi32>], vector<16xf32>,
          %parallel_loop3A_266 = arith.constant -65536 : i32
          %parallel_loop3A_267 = vector.broadcast %parallel_loop3A_266 : i32 to vector<16xi32>
          %parallel_loop3A_268 = arith.andi %parallel_loop3A_259, %parallel_loop3A_267 : vector<16xi32>
          %parallel_loop3A_269 = tpu.bitcast %parallel_loop3A_268 : vector<16xi32> -> vector<16xf32>
          tpu.vector_store_idx %arg11[%parallel_loop3A_192], %parallel_loop3A_269 {add = true} : memref<10000xf32, #tpu.memory_space<vmem>>[vector<16xi32>], vector<16xf32>,
        } {sc.loop_unroll_factor = 4 : i64, sc.parallel_access}
        %mul3A_172 = arith.constant 512 : i32
        %mul3A_173 = arith.muli %add3A_153, %mul3A_172 : i32
        "tpu.region"() ({
          %run_scoped3A = tpu.sem_alloc : memref<!tpu.dma_semaphore, #tpu.memory_space<semaphore_mem>>
          %dma_start3A_174 = tpu.memref_slice %arg24[%mul3A_173] : memref<80896xi32, #tpu.memory_space<vmem_shared>> -> memref<512xi32, #tpu.memory_space<vmem_shared>>
          %dma_start3A_175 = tpu.memref_slice %arg24[%mul3A_173] : memref<80896xi32, #tpu.memory_space<vmem_shared>> -> memref<512xi32, #tpu.memory_space<vmem_shared>>
          tpu.enqueue_dma source(%arg23 : memref<512xi32, #tpu.memory_space<vmem>>) target(%dma_start3A_175 : memref<512xi32, #tpu.memory_space<vmem_shared>>) target_semaphore(%run_scoped3A : memref<!tpu.dma_semaphore, #tpu.memory_space<semaphore_mem>>)
          %dma_wait3A_176 = tpu.memref_slice %arg24[%mul3A_173] : memref<80896xi32, #tpu.memory_space<vmem_shared>> -> memref<512xi32, #tpu.memory_space<vmem_shared>>
          %dma_wait3A_177 = tpu.memref_slice %arg24[%mul3A_173] : memref<80896xi32, #tpu.memory_space<vmem_shared>> -> memref<512xi32, #tpu.memory_space<vmem_shared>>
          tpu.wait_dma2 semaphore(%run_scoped3A : memref<!tpu.dma_semaphore, #tpu.memory_space<semaphore_mem>>) src(%arg23 : memref<512xi32, #tpu.memory_space<vmem>>) dst(%dma_wait3A_177 : memref<512xi32, #tpu.memory_space<vmem_shared>>)
          tpu.yield
        }) : () -> ()
      } else {
      }
    }
    %scan3A_10 = arith.constant 10 : i32
    %mul3A_11 = arith.constant 10000 : i32
    %mul3A_12 = arith.muli %add3A, %mul3A_11 : i32
    "tpu.region"() ({
      %run_scoped3A = tpu.sem_alloc : memref<!tpu.dma_semaphore, #tpu.memory_space<semaphore_mem>>
      %dma_start3A_146 = tpu.memref_slice %arg6[%mul3A_12] : memref<320000xf32, #tpu.memory_space<hbm>> -> memref<10000xf32, #tpu.memory_space<hbm>>
      %dma_start3A_147 = tpu.memref_slice %arg6[%mul3A_12] : memref<320000xf32, #tpu.memory_space<hbm>> -> memref<10000xf32, #tpu.memory_space<hbm>>
      tpu.enqueue_dma source(%arg11 : memref<10000xf32, #tpu.memory_space<vmem>>) target(%dma_start3A_147 : memref<10000xf32, #tpu.memory_space<hbm>>) target_semaphore(%run_scoped3A : memref<!tpu.dma_semaphore, #tpu.memory_space<semaphore_mem>>)
      %dma_wait3A = tpu.memref_slice %arg6[%mul3A_12] : memref<320000xf32, #tpu.memory_space<hbm>> -> memref<10000xf32, #tpu.memory_space<hbm>>
      %dma_wait3A_148 = tpu.memref_slice %arg6[%mul3A_12] : memref<320000xf32, #tpu.memory_space<hbm>> -> memref<10000xf32, #tpu.memory_space<hbm>>
      tpu.wait_dma2 semaphore(%run_scoped3A : memref<!tpu.dma_semaphore, #tpu.memory_space<semaphore_mem>>) src(%arg11 : memref<10000xf32, #tpu.memory_space<vmem>>) dst(%dma_wait3A_148 : memref<10000xf32, #tpu.memory_space<hbm>>)
      tpu.yield
    }) : () -> ()
    %mul3A_13 = arith.constant 4 : i32
    %mul3A_14 = arith.muli %arg1, %mul3A_13 : i32
    %add3A_15 = arith.constant 0 : i32
    %add3A_16 = arith.addi %mul3A_14, %add3A_15 : i32
    %mul3A_17 = arith.constant 10000 : i32
    %mul3A_18 = arith.muli %add3A_16, %mul3A_17 : i32
    "tpu.region"() ({
      %run_scoped3A = tpu.sem_alloc : memref<!tpu.dma_semaphore, #tpu.memory_space<semaphore_mem>>
      %dma_start3A_146 = tpu.memref_slice %arg2[%mul3A_18] : memref<640000xi32, #tpu.memory_space<hbm>> -> memref<10000xi32, #tpu.memory_space<hbm>>
      %dma_start3A_147 = tpu.memref_slice %arg2[%mul3A_18] : memref<640000xi32, #tpu.memory_space<hbm>> -> memref<10000xi32, #tpu.memory_space<hbm>>
      tpu.enqueue_dma source(%dma_start3A_147 : memref<10000xi32, #tpu.memory_space<hbm>>) target(%arg7 : memref<10000xi32, #tpu.memory_space<vmem>>) target_semaphore(%run_scoped3A : memref<!tpu.dma_semaphore, #tpu.memory_space<semaphore_mem>>)
      %dma_wait3A = tpu.memref_slice %arg2[%mul3A_18] : memref<640000xi32, #tpu.memory_space<hbm>> -> memref<10000xi32, #tpu.memory_space<hbm>>
      %dma_wait3A_148 = tpu.memref_slice %arg2[%mul3A_18] : memref<640000xi32, #tpu.memory_space<hbm>> -> memref<10000xi32, #tpu.memory_space<hbm>>
      tpu.wait_dma2 semaphore(%run_scoped3A : memref<!tpu.dma_semaphore, #tpu.memory_space<semaphore_mem>>) src(%dma_wait3A_148 : memref<10000xi32, #tpu.memory_space<hbm>>) dst(%arg7 : memref<10000xi32, #tpu.memory_space<vmem>>)
      tpu.yield
    }) : () -> ()
    %mul3A_19 = arith.constant 4 : i32
    %mul3A_20 = arith.muli %arg1, %mul3A_19 : i32
    %add3A_21 = arith.constant 1 : i32
    %add3A_22 = arith.addi %mul3A_20, %add3A_21 : i32
    %mul3A_23 = arith.constant 10000 : i32
    %mul3A_24 = arith.muli %add3A_22, %mul3A_23 : i32
    "tpu.region"() ({
      %run_scoped3A = tpu.sem_alloc : memref<!tpu.dma_semaphore, #tpu.memory_space<semaphore_mem>>
      %dma_start3A_146 = tpu.memref_slice %arg2[%mul3A_24] : memref<640000xi32, #tpu.memory_space<hbm>> -> memref<10000xi32, #tpu.memory_space<hbm>>
      %dma_start3A_147 = tpu.memref_slice %arg2[%mul3A_24] : memref<640000xi32, #tpu.memory_space<hbm>> -> memref<10000xi32, #tpu.memory_space<hbm>>
      tpu.enqueue_dma source(%dma_start3A_147 : memref<10000xi32, #tpu.memory_space<hbm>>) target(%arg8 : memref<10000xi32, #tpu.memory_space<vmem>>) target_semaphore(%run_scoped3A : memref<!tpu.dma_semaphore, #tpu.memory_space<semaphore_mem>>)
      %dma_wait3A = tpu.memref_slice %arg2[%mul3A_24] : memref<640000xi32, #tpu.memory_space<hbm>> -> memref<10000xi32, #tpu.memory_space<hbm>>
      %dma_wait3A_148 = tpu.memref_slice %arg2[%mul3A_24] : memref<640000xi32, #tpu.memory_space<hbm>> -> memref<10000xi32, #tpu.memory_space<hbm>>
      tpu.wait_dma2 semaphore(%run_scoped3A : memref<!tpu.dma_semaphore, #tpu.memory_space<semaphore_mem>>) src(%dma_wait3A_148 : memref<10000xi32, #tpu.memory_space<hbm>>) dst(%arg8 : memref<10000xi32, #tpu.memory_space<vmem>>)
      tpu.yield
    }) : () -> ()
    %mul3A_25 = arith.constant 4 : i32
    %mul3A_26 = arith.muli %arg1, %mul3A_25 : i32
    %add3A_27 = arith.constant 2 : i32
    %add3A_28 = arith.addi %mul3A_26, %add3A_27 : i32
    %mul3A_29 = arith.constant 10000 : i32
    %mul3A_30 = arith.muli %add3A_28, %mul3A_29 : i32
    "tpu.region"() ({
      %run_scoped3A = tpu.sem_alloc : memref<!tpu.dma_semaphore, #tpu.memory_space<semaphore_mem>>
      %dma_start3A_146 = tpu.memref_slice %arg2[%mul3A_30] : memref<640000xi32, #tpu.memory_space<hbm>> -> memref<10000xi32, #tpu.memory_space<hbm>>
      %dma_start3A_147 = tpu.memref_slice %arg2[%mul3A_30] : memref<640000xi32, #tpu.memory_space<hbm>> -> memref<10000xi32, #tpu.memory_space<hbm>>
      tpu.enqueue_dma source(%dma_start3A_147 : memref<10000xi32, #tpu.memory_space<hbm>>) target(%arg9 : memref<10000xi32, #tpu.memory_space<vmem>>) target_semaphore(%run_scoped3A : memref<!tpu.dma_semaphore, #tpu.memory_space<semaphore_mem>>)
      %dma_wait3A = tpu.memref_slice %arg2[%mul3A_30] : memref<640000xi32, #tpu.memory_space<hbm>> -> memref<10000xi32, #tpu.memory_space<hbm>>
      %dma_wait3A_148 = tpu.memref_slice %arg2[%mul3A_30] : memref<640000xi32, #tpu.memory_space<hbm>> -> memref<10000xi32, #tpu.memory_space<hbm>>
      tpu.wait_dma2 semaphore(%run_scoped3A : memref<!tpu.dma_semaphore, #tpu.memory_space<semaphore_mem>>) src(%dma_wait3A_148 : memref<10000xi32, #tpu.memory_space<hbm>>) dst(%arg9 : memref<10000xi32, #tpu.memory_space<vmem>>)
      tpu.yield
    }) : () -> ()
    %mul3A_31 = arith.constant 4 : i32
    %mul3A_32 = arith.muli %arg1, %mul3A_31 : i32
    %add3A_33 = arith.constant 3 : i32
    %add3A_34 = arith.addi %mul3A_32, %add3A_33 : i32
    %mul3A_35 = arith.constant 10000 : i32
    %mul3A_36 = arith.muli %add3A_34, %mul3A_35 : i32
    "tpu.region"() ({
      %run_scoped3A = tpu.sem_alloc : memref<!tpu.dma_semaphore, #tpu.memory_space<semaphore_mem>>
      %dma_start3A_146 = tpu.memref_slice %arg2[%mul3A_36] : memref<640000xi32, #tpu.memory_space<hbm>> -> memref<10000xi32, #tpu.memory_space<hbm>>
      %dma_start3A_147 = tpu.memref_slice %arg2[%mul3A_36] : memref<640000xi32, #tpu.memory_space<hbm>> -> memref<10000xi32, #tpu.memory_space<hbm>>
      tpu.enqueue_dma source(%dma_start3A_147 : memref<10000xi32, #tpu.memory_space<hbm>>) target(%arg10 : memref<10000xi32, #tpu.memory_space<vmem>>) target_semaphore(%run_scoped3A : memref<!tpu.dma_semaphore, #tpu.memory_space<semaphore_mem>>)
      %dma_wait3A = tpu.memref_slice %arg2[%mul3A_36] : memref<640000xi32, #tpu.memory_space<hbm>> -> memref<10000xi32, #tpu.memory_space<hbm>>
      %dma_wait3A_148 = tpu.memref_slice %arg2[%mul3A_36] : memref<640000xi32, #tpu.memory_space<hbm>> -> memref<10000xi32, #tpu.memory_space<hbm>>
      tpu.wait_dma2 semaphore(%run_scoped3A : memref<!tpu.dma_semaphore, #tpu.memory_space<semaphore_mem>>) src(%dma_wait3A_148 : memref<10000xi32, #tpu.memory_space<hbm>>) dst(%arg10 : memref<10000xi32, #tpu.memory_space<vmem>>)
      tpu.yield
    }) : () -> ()
    %scan3A_37 = arith.constant 0 : i32
    %scan3A_38 = arith.constant 625 : i32
    %scan3A_39 = arith.addi %scan3A_37, %scan3A_38 : i32
    %scan3A_40 = arith.constant 1 : i32
    scf.for %scan3A_146 = %scan3A_37 to %scan3A_39 step %scan3A_40  : i32 {
      %mul3A_147 = arith.constant 1 : i32
      %mul3A_148 = arith.muli %scan3A_146, %mul3A_147 : i32
      %add3A_149 = arith.constant 0 : i32
      %add3A_150 = arith.addi %add3A_149, %mul3A_148 : i32
      %mul3A_151 = arith.constant 16 : i32
      %mul3A_152 = arith.muli %add3A_150, %mul3A_151 : i32
      %swap3A = arith.index_cast %mul3A_152 : i32 to index
      %swap3A_153 = tpu.vector_load %arg11[%swap3A] {strides = array<i32>} : memref<10000xf32, #tpu.memory_space<vmem>>, vector<16xf32>,
      tpu.vector_store %arg11[%swap3A], %broadcast_in_dim3A_1 {strides = array<i32>} : memref<10000xf32, #tpu.memory_space<vmem>>, vector<16xf32>,
      %mul3A_154 = arith.constant 16 : i32
      %mul3A_155 = arith.muli %add3A_150, %mul3A_154 : i32
      %swap3A_156 = arith.index_cast %mul3A_155 : i32 to index
      %swap3A_157 = tpu.vector_load %arg12[%swap3A_156] {strides = array<i32>} : memref<10000xf32, #tpu.memory_space<vmem>>, vector<16xf32>,
      tpu.vector_store %arg12[%swap3A_156], %broadcast_in_dim3A_1 {strides = array<i32>} : memref<10000xf32, #tpu.memory_space<vmem>>, vector<16xf32>,
      %mul3A_158 = arith.constant 16 : i32
      %mul3A_159 = arith.muli %add3A_150, %mul3A_158 : i32
      %swap3A_160 = arith.index_cast %mul3A_159 : i32 to index
      %swap3A_161 = tpu.vector_load %arg13[%swap3A_160] {strides = array<i32>} : memref<10000xf32, #tpu.memory_space<vmem>>, vector<16xf32>,
      tpu.vector_store %arg13[%swap3A_160], %broadcast_in_dim3A_1 {strides = array<i32>} : memref<10000xf32, #tpu.memory_space<vmem>>, vector<16xf32>,
      %mul3A_162 = arith.constant 16 : i32
      %mul3A_163 = arith.muli %add3A_150, %mul3A_162 : i32
      %swap3A_164 = arith.index_cast %mul3A_163 : i32 to index
      %swap3A_165 = tpu.vector_load %arg14[%swap3A_164] {strides = array<i32>} : memref<10000xf32, #tpu.memory_space<vmem>>, vector<16xf32>,
      tpu.vector_store %arg14[%swap3A_164], %broadcast_in_dim3A_1 {strides = array<i32>} : memref<10000xf32, #tpu.memory_space<vmem>>, vector<16xf32>,
      %mul3A_166 = arith.constant 16 : i32
      %mul3A_167 = arith.muli %add3A_150, %mul3A_166 : i32
      %swap3A_168 = arith.index_cast %mul3A_167 : i32 to index
      %swap3A_169 = tpu.vector_load %arg15[%swap3A_168] {strides = array<i32>} : memref<10000xf32, #tpu.memory_space<vmem>>, vector<16xf32>,
      tpu.vector_store %arg15[%swap3A_168], %broadcast_in_dim3A_1 {strides = array<i32>} : memref<10000xf32, #tpu.memory_space<vmem>>, vector<16xf32>,
      %mul3A_170 = arith.constant 16 : i32
      %mul3A_171 = arith.muli %add3A_150, %mul3A_170 : i32
      %swap3A_172 = arith.index_cast %mul3A_171 : i32 to index
      %swap3A_173 = tpu.vector_load %arg16[%swap3A_172] {strides = array<i32>} : memref<10000xf32, #tpu.memory_space<vmem>>, vector<16xf32>,
      tpu.vector_store %arg16[%swap3A_172], %broadcast_in_dim3A_1 {strides = array<i32>} : memref<10000xf32, #tpu.memory_space<vmem>>, vector<16xf32>,
      %mul3A_174 = arith.constant 16 : i32
      %mul3A_175 = arith.muli %add3A_150, %mul3A_174 : i32
      %swap3A_176 = arith.index_cast %mul3A_175 : i32 to index
      %swap3A_177 = tpu.vector_load %arg17[%swap3A_176] {strides = array<i32>} : memref<10000xf32, #tpu.memory_space<vmem>>, vector<16xf32>,
      tpu.vector_store %arg17[%swap3A_176], %broadcast_in_dim3A_1 {strides = array<i32>} : memref<10000xf32, #tpu.memory_space<vmem>>, vector<16xf32>,
      %mul3A_178 = arith.constant 16 : i32
      %mul3A_179 = arith.muli %add3A_150, %mul3A_178 : i32
      %swap3A_180 = arith.index_cast %mul3A_179 : i32 to index
      %swap3A_181 = tpu.vector_load %arg18[%swap3A_180] {strides = array<i32>} : memref<10000xf32, #tpu.memory_space<vmem>>, vector<16xf32>,
      tpu.vector_store %arg18[%swap3A_180], %broadcast_in_dim3A_1 {strides = array<i32>} : memref<10000xf32, #tpu.memory_space<vmem>>, vector<16xf32>,
    }
    %scan3A_41 = arith.constant 625 : i32
    %barrier3A = arith.constant 0 : index
    tpu.barrier barrier_id(%barrier3A)
    %mul3A_42 = arith.constant 158 : i32
    %mul3A_43 = arith.muli %arg0, %mul3A_42 : i32
    %add3A_44 = arith.constant 0 : i32
    %add3A_45 = arith.addi %mul3A_43, %add3A_44 : i32
    %mul3A_46 = arith.constant 1024 : i32
    %mul3A_47 = arith.muli %add3A_45, %mul3A_46 : i32
    %dma_start3A = arith.constant 0 : i32
    %dma_start3A_48 = tpu.memref_slice %arg4[%mul3A_47] : memref<323584xi32, #tpu.memory_space<hbm>> -> memref<1024xi32, #tpu.memory_space<hbm>>
    %dma_start3A_49 = tpu.memref_slice %arg25[%dma_start3A] : memref<4x!tpu.dma_semaphore, #tpu.memory_space<semaphore_mem>> -> memref<1x!tpu.dma_semaphore, #tpu.memory_space<semaphore_mem>>
    %dma_start3A_50 = tpu.memref_squeeze %dma_start3A_49 : memref<1x!tpu.dma_semaphore, #tpu.memory_space<semaphore_mem>> -> memref<!tpu.dma_semaphore, #tpu.memory_space<semaphore_mem>>
    %dma_start3A_51 = tpu.memref_slice %arg4[%mul3A_47] : memref<323584xi32, #tpu.memory_space<hbm>> -> memref<1024xi32, #tpu.memory_space<hbm>>
    tpu.enqueue_dma source(%dma_start3A_51 : memref<1024xi32, #tpu.memory_space<hbm>>) target(%arg19 : memref<1024xi32, #tpu.memory_space<vmem>>) target_semaphore(%dma_start3A_50 : memref<!tpu.dma_semaphore, #tpu.memory_space<semaphore_mem>>)
    %dma_start3A_52 = arith.constant 1 : i32
    %dma_start3A_53 = arith.constant 0 : i32
    %dma_start3A_54 = tpu.memref_slice %arg24[%dma_start3A_53] : memref<80896xi32, #tpu.memory_space<vmem_shared>> -> memref<512xi32, #tpu.memory_space<vmem_shared>>
    %dma_start3A_55 = tpu.memref_slice %arg25[%dma_start3A_52] : memref<4x!tpu.dma_semaphore, #tpu.memory_space<semaphore_mem>> -> memref<1x!tpu.dma_semaphore, #tpu.memory_space<semaphore_mem>>
    %dma_start3A_56 = tpu.memref_squeeze %dma_start3A_55 : memref<1x!tpu.dma_semaphore, #tpu.memory_space<semaphore_mem>> -> memref<!tpu.dma_semaphore, #tpu.memory_space<semaphore_mem>>
    %dma_start3A_57 = arith.constant 0 : i32
    %dma_start3A_58 = tpu.memref_slice %arg24[%dma_start3A_57] : memref<80896xi32, #tpu.memory_space<vmem_shared>> -> memref<512xi32, #tpu.memory_space<vmem_shared>>
    tpu.enqueue_dma source(%dma_start3A_58 : memref<512xi32, #tpu.memory_space<vmem_shared>>) target(%arg21 : memref<512xi32, #tpu.memory_space<vmem>>) target_semaphore(%dma_start3A_56 : memref<!tpu.dma_semaphore, #tpu.memory_space<semaphore_mem>>)
    %mul3A_59 = arith.constant 158 : i32
    %mul3A_60 = arith.muli %arg0, %mul3A_59 : i32
    %add3A_61 = arith.constant 1 : i32
    %add3A_62 = arith.addi %mul3A_60, %add3A_61 : i32
    %mul3A_63 = arith.constant 1024 : i32
    %mul3A_64 = arith.muli %add3A_62, %mul3A_63 : i32
    %dma_start3A_65 = arith.constant 2 : i32
    %dma_start3A_66 = tpu.memref_slice %arg4[%mul3A_64] : memref<323584xi32, #tpu.memory_space<hbm>> -> memref<1024xi32, #tpu.memory_space<hbm>>
    %dma_start3A_67 = tpu.memref_slice %arg25[%dma_start3A_65] : memref<4x!tpu.dma_semaphore, #tpu.memory_space<semaphore_mem>> -> memref<1x!tpu.dma_semaphore, #tpu.memory_space<semaphore_mem>>
    %dma_start3A_68 = tpu.memref_squeeze %dma_start3A_67 : memref<1x!tpu.dma_semaphore, #tpu.memory_space<semaphore_mem>> -> memref<!tpu.dma_semaphore, #tpu.memory_space<semaphore_mem>>
    %dma_start3A_69 = tpu.memref_slice %arg4[%mul3A_64] : memref<323584xi32, #tpu.memory_space<hbm>> -> memref<1024xi32, #tpu.memory_space<hbm>>
    tpu.enqueue_dma source(%dma_start3A_69 : memref<1024xi32, #tpu.memory_space<hbm>>) target(%arg20 : memref<1024xi32, #tpu.memory_space<vmem>>) target_semaphore(%dma_start3A_68 : memref<!tpu.dma_semaphore, #tpu.memory_space<semaphore_mem>>)
    %dma_start3A_70 = arith.constant 3 : i32
    %dma_start3A_71 = arith.constant 512 : i32
    %dma_start3A_72 = tpu.memref_slice %arg24[%dma_start3A_71] : memref<80896xi32, #tpu.memory_space<vmem_shared>> -> memref<512xi32, #tpu.memory_space<vmem_shared>>
    %dma_start3A_73 = tpu.memref_slice %arg25[%dma_start3A_70] : memref<4x!tpu.dma_semaphore, #tpu.memory_space<semaphore_mem>> -> memref<1x!tpu.dma_semaphore, #tpu.memory_space<semaphore_mem>>
    %dma_start3A_74 = tpu.memref_squeeze %dma_start3A_73 : memref<1x!tpu.dma_semaphore, #tpu.memory_space<semaphore_mem>> -> memref<!tpu.dma_semaphore, #tpu.memory_space<semaphore_mem>>
    %dma_start3A_75 = arith.constant 512 : i32
    %dma_start3A_76 = tpu.memref_slice %arg24[%dma_start3A_75] : memref<80896xi32, #tpu.memory_space<vmem_shared>> -> memref<512xi32, #tpu.memory_space<vmem_shared>>
    tpu.enqueue_dma source(%dma_start3A_76 : memref<512xi32, #tpu.memory_space<vmem_shared>>) target(%arg22 : memref<512xi32, #tpu.memory_space<vmem>>) target_semaphore(%dma_start3A_74 : memref<!tpu.dma_semaphore, #tpu.memory_space<semaphore_mem>>)
    %scan3A_77 = arith.constant 0 : i32
    %scan3A_78 = arith.constant 79 : i32
    %scan3A_79 = arith.addi %scan3A_77, %scan3A_78 : i32
    %scan3A_80 = arith.constant 1 : i32
    scf.for %scan3A_146 = %scan3A_77 to %scan3A_79 step %scan3A_80  : i32 {
      %mul3A_147 = arith.constant 1 : i32
      %mul3A_148 = arith.muli %scan3A_146, %mul3A_147 : i32
      %add3A_149 = arith.constant 0 : i32
      %add3A_150 = arith.addi %add3A_149, %mul3A_148 : i32
      %mul3A_151 = arith.constant 2 : i32
      %mul3A_152 = arith.muli %add3A_150, %mul3A_151 : i32
      %dma_wait3A = arith.constant 0 : i32
      %dma_wait3A_153 = arith.constant 0 : i32
      %dma_wait3A_154 = tpu.memref_slice %arg4[%dma_wait3A_153] : memref<323584xi32, #tpu.memory_space<hbm>> -> memref<1024xi32, #tpu.memory_space<hbm>>
      %dma_wait3A_155 = tpu.memref_slice %arg25[%dma_wait3A] : memref<4x!tpu.dma_semaphore, #tpu.memory_space<semaphore_mem>> -> memref<1x!tpu.dma_semaphore, #tpu.memory_space<semaphore_mem>>
      %dma_wait3A_156 = tpu.memref_squeeze %dma_wait3A_155 : memref<1x!tpu.dma_semaphore, #tpu.memory_space<semaphore_mem>> -> memref<!tpu.dma_semaphore, #tpu.memory_space<semaphore_mem>>
      %dma_wait3A_157 = arith.constant 0 : i32
      %dma_wait3A_158 = tpu.memref_slice %arg4[%dma_wait3A_157] : memref<323584xi32, #tpu.memory_space<hbm>> -> memref<1024xi32, #tpu.memory_space<hbm>>
      tpu.wait_dma2 semaphore(%dma_wait3A_156 : memref<!tpu.dma_semaphore, #tpu.memory_space<semaphore_mem>>) src(%dma_wait3A_158 : memref<1024xi32, #tpu.memory_space<hbm>>) dst(%arg19 : memref<1024xi32, #tpu.memory_space<vmem>>)
      %dma_wait3A_159 = arith.constant 1 : i32
      %dma_wait3A_160 = arith.constant 0 : i32
      %dma_wait3A_161 = tpu.memref_slice %arg24[%dma_wait3A_160] : memref<80896xi32, #tpu.memory_space<vmem_shared>> -> memref<512xi32, #tpu.memory_space<vmem_shared>>
      %dma_wait3A_162 = tpu.memref_slice %arg25[%dma_wait3A_159] : memref<4x!tpu.dma_semaphore, #tpu.memory_space<semaphore_mem>> -> memref<1x!tpu.dma_semaphore, #tpu.memory_space<semaphore_mem>>
      %dma_wait3A_163 = tpu.memref_squeeze %dma_wait3A_162 : memref<1x!tpu.dma_semaphore, #tpu.memory_space<semaphore_mem>> -> memref<!tpu.dma_semaphore, #tpu.memory_space<semaphore_mem>>
      %dma_wait3A_164 = arith.constant 0 : i32
      %dma_wait3A_165 = tpu.memref_slice %arg24[%dma_wait3A_164] : memref<80896xi32, #tpu.memory_space<vmem_shared>> -> memref<512xi32, #tpu.memory_space<vmem_shared>>
      tpu.wait_dma2 semaphore(%dma_wait3A_163 : memref<!tpu.dma_semaphore, #tpu.memory_space<semaphore_mem>>) src(%dma_wait3A_165 : memref<512xi32, #tpu.memory_space<vmem_shared>>) dst(%arg21 : memref<512xi32, #tpu.memory_space<vmem>>)
      %parallel_loop3A = arith.constant 0 : i32
      %parallel_loop3A_166 = arith.constant 512 : i32
      %parallel_loop3A_167 = arith.constant 16 : i32
      scf.for %parallel_loop3A_192 = %parallel_loop3A to %parallel_loop3A_166 step %parallel_loop3A_167  : i32 {
        %parallel_loop3A_193 = arith.index_cast %parallel_loop3A_192 : i32 to index
        %parallel_loop3A_194 = tpu.vector_load %arg21[%parallel_loop3A_193] {strides = array<i32>} : memref<512xi32, #tpu.memory_space<vmem>>, vector<16xi32>,
        %parallel_loop3A_195 = arith.constant 16 : i32
        %parallel_loop3A_196 = vector.broadcast %parallel_loop3A_195 : i32 to vector<16xi32>
        %parallel_loop3A_197 = arith.shli %parallel_loop3A_194, %parallel_loop3A_196 : vector<16xi32>
        %parallel_loop3A_198 = tpu.bitcast %parallel_loop3A_197 : vector<16xi32> -> vector<16xf32>
        %parallel_loop3A_199 = arith.constant -65536 : i32
        %parallel_loop3A_200 = vector.broadcast %parallel_loop3A_199 : i32 to vector<16xi32>
        %parallel_loop3A_201 = arith.andi %parallel_loop3A_194, %parallel_loop3A_200 : vector<16xi32>
        %parallel_loop3A_202 = tpu.bitcast %parallel_loop3A_201 : vector<16xi32> -> vector<16xf32>
        %parallel_loop3A_203 = arith.index_cast %parallel_loop3A_192 : i32 to index
        %parallel_loop3A_204 = tpu.vector_load %arg19[%parallel_loop3A_203] {strides = array<i32>} : memref<1024xi32, #tpu.memory_space<vmem>>, vector<16xi32>,
        %parallel_loop3A_205 = arith.constant 16383 : i32
        %parallel_loop3A_206 = vector.broadcast %parallel_loop3A_205 : i32 to vector<16xi32>
        %parallel_loop3A_207 = arith.andi %parallel_loop3A_204, %parallel_loop3A_206 : vector<16xi32>
        %parallel_loop3A_208 = arith.constant 14 : i32
        %parallel_loop3A_209 = vector.broadcast %parallel_loop3A_208 : i32 to vector<16xi32>
        %parallel_loop3A_210 = arith.shrui %parallel_loop3A_204, %parallel_loop3A_209 : vector<16xi32>
        %parallel_loop3A_211 = arith.constant 512 : i32
        %parallel_loop3A_212 = arith.addi %parallel_loop3A_211, %parallel_loop3A_192 : i32
        %parallel_loop3A_213 = arith.index_cast %parallel_loop3A_212 : i32 to index
        %parallel_loop3A_214 = tpu.vector_load %arg19[%parallel_loop3A_213] {strides = array<i32>} : memref<1024xi32, #tpu.memory_space<vmem>>, vector<16xi32>,
        %parallel_loop3A_215 = arith.constant 16383 : i32
        %parallel_loop3A_216 = vector.broadcast %parallel_loop3A_215 : i32 to vector<16xi32>
        %parallel_loop3A_217 = arith.andi %parallel_loop3A_214, %parallel_loop3A_216 : vector<16xi32>
        %parallel_loop3A_218 = arith.constant 14 : i32
        %parallel_loop3A_219 = vector.broadcast %parallel_loop3A_218 : i32 to vector<16xi32>
        %parallel_loop3A_220 = arith.shrui %parallel_loop3A_214, %parallel_loop3A_219 : vector<16xi32>
        %parallel_loop3A_221 = tpu.vector_load_idx %arg7[%parallel_loop3A_207] : memref<10000xi32, #tpu.memory_space<vmem>>[vector<16xi32>], vector<16xi32>,
        %parallel_loop3A_222 = arith.constant 16 : i32
        %parallel_loop3A_223 = vector.broadcast %parallel_loop3A_222 : i32 to vector<16xi32>
        %parallel_loop3A_224 = arith.shli %parallel_loop3A_221, %parallel_loop3A_223 : vector<16xi32>
        %parallel_loop3A_225 = tpu.bitcast %parallel_loop3A_224 : vector<16xi32> -> vector<16xf32>
        %parallel_loop3A_226 = arith.mulf %parallel_loop3A_225, %parallel_loop3A_198 : vector<16xf32>
        tpu.vector_store_idx %arg11[%parallel_loop3A_210], %parallel_loop3A_226 {add = true} : memref<10000xf32, #tpu.memory_space<vmem>>[vector<16xi32>], vector<16xf32>,
        %parallel_loop3A_227 = arith.constant -65536 : i32
        %parallel_loop3A_228 = vector.broadcast %parallel_loop3A_227 : i32 to vector<16xi32>
        %parallel_loop3A_229 = arith.andi %parallel_loop3A_221, %parallel_loop3A_228 : vector<16xi32>
        %parallel_loop3A_230 = tpu.bitcast %parallel_loop3A_229 : vector<16xi32> -> vector<16xf32>
        %parallel_loop3A_231 = arith.mulf %parallel_loop3A_230, %parallel_loop3A_198 : vector<16xf32>
        tpu.vector_store_idx %arg15[%parallel_loop3A_210], %parallel_loop3A_231 {add = true} : memref<10000xf32, #tpu.memory_space<vmem>>[vector<16xi32>], vector<16xf32>,
        %parallel_loop3A_232 = tpu.vector_load_idx %arg7[%parallel_loop3A_217] : memref<10000xi32, #tpu.memory_space<vmem>>[vector<16xi32>], vector<16xi32>,
        %parallel_loop3A_233 = arith.constant 16 : i32
        %parallel_loop3A_234 = vector.broadcast %parallel_loop3A_233 : i32 to vector<16xi32>
        %parallel_loop3A_235 = arith.shli %parallel_loop3A_232, %parallel_loop3A_234 : vector<16xi32>
        %parallel_loop3A_236 = tpu.bitcast %parallel_loop3A_235 : vector<16xi32> -> vector<16xf32>
        %parallel_loop3A_237 = arith.mulf %parallel_loop3A_236, %parallel_loop3A_202 : vector<16xf32>
        tpu.vector_store_idx %arg11[%parallel_loop3A_220], %parallel_loop3A_237 {add = true} : memref<10000xf32, #tpu.memory_space<vmem>>[vector<16xi32>], vector<16xf32>,
        %parallel_loop3A_238 = arith.constant -65536 : i32
        %parallel_loop3A_239 = vector.broadcast %parallel_loop3A_238 : i32 to vector<16xi32>
        %parallel_loop3A_240 = arith.andi %parallel_loop3A_232, %parallel_loop3A_239 : vector<16xi32>
        %parallel_loop3A_241 = tpu.bitcast %parallel_loop3A_240 : vector<16xi32> -> vector<16xf32>
        %parallel_loop3A_242 = arith.mulf %parallel_loop3A_241, %parallel_loop3A_202 : vector<16xf32>
        tpu.vector_store_idx %arg15[%parallel_loop3A_220], %parallel_loop3A_242 {add = true} : memref<10000xf32, #tpu.memory_space<vmem>>[vector<16xi32>], vector<16xf32>,
        %parallel_loop3A_243 = tpu.vector_load_idx %arg8[%parallel_loop3A_207] : memref<10000xi32, #tpu.memory_space<vmem>>[vector<16xi32>], vector<16xi32>,
        %parallel_loop3A_244 = arith.constant 16 : i32
        %parallel_loop3A_245 = vector.broadcast %parallel_loop3A_244 : i32 to vector<16xi32>
        %parallel_loop3A_246 = arith.shli %parallel_loop3A_243, %parallel_loop3A_245 : vector<16xi32>
        %parallel_loop3A_247 = tpu.bitcast %parallel_loop3A_246 : vector<16xi32> -> vector<16xf32>
        %parallel_loop3A_248 = arith.mulf %parallel_loop3A_247, %parallel_loop3A_198 : vector<16xf32>
        tpu.vector_store_idx %arg12[%parallel_loop3A_210], %parallel_loop3A_248 {add = true} : memref<10000xf32, #tpu.memory_space<vmem>>[vector<16xi32>], vector<16xf32>,
        %parallel_loop3A_249 = arith.constant -65536 : i32
        %parallel_loop3A_250 = vector.broadcast %parallel_loop3A_249 : i32 to vector<16xi32>
        %parallel_loop3A_251 = arith.andi %parallel_loop3A_243, %parallel_loop3A_250 : vector<16xi32>
        %parallel_loop3A_252 = tpu.bitcast %parallel_loop3A_251 : vector<16xi32> -> vector<16xf32>
        %parallel_loop3A_253 = arith.mulf %parallel_loop3A_252, %parallel_loop3A_198 : vector<16xf32>
        tpu.vector_store_idx %arg16[%parallel_loop3A_210], %parallel_loop3A_253 {add = true} : memref<10000xf32, #tpu.memory_space<vmem>>[vector<16xi32>], vector<16xf32>,
        %parallel_loop3A_254 = tpu.vector_load_idx %arg8[%parallel_loop3A_217] : memref<10000xi32, #tpu.memory_space<vmem>>[vector<16xi32>], vector<16xi32>,
        %parallel_loop3A_255 = arith.constant 16 : i32
        %parallel_loop3A_256 = vector.broadcast %parallel_loop3A_255 : i32 to vector<16xi32>
        %parallel_loop3A_257 = arith.shli %parallel_loop3A_254, %parallel_loop3A_256 : vector<16xi32>
        %parallel_loop3A_258 = tpu.bitcast %parallel_loop3A_257 : vector<16xi32> -> vector<16xf32>
        %parallel_loop3A_259 = arith.mulf %parallel_loop3A_258, %parallel_loop3A_202 : vector<16xf32>
        tpu.vector_store_idx %arg12[%parallel_loop3A_220], %parallel_loop3A_259 {add = true} : memref<10000xf32, #tpu.memory_space<vmem>>[vector<16xi32>], vector<16xf32>,
        %parallel_loop3A_260 = arith.constant -65536 : i32
        %parallel_loop3A_261 = vector.broadcast %parallel_loop3A_260 : i32 to vector<16xi32>
        %parallel_loop3A_262 = arith.andi %parallel_loop3A_254, %parallel_loop3A_261 : vector<16xi32>
        %parallel_loop3A_263 = tpu.bitcast %parallel_loop3A_262 : vector<16xi32> -> vector<16xf32>
        %parallel_loop3A_264 = arith.mulf %parallel_loop3A_263, %parallel_loop3A_202 : vector<16xf32>
        tpu.vector_store_idx %arg16[%parallel_loop3A_220], %parallel_loop3A_264 {add = true} : memref<10000xf32, #tpu.memory_space<vmem>>[vector<16xi32>], vector<16xf32>,
        %parallel_loop3A_265 = tpu.vector_load_idx %arg9[%parallel_loop3A_207] : memref<10000xi32, #tpu.memory_space<vmem>>[vector<16xi32>], vector<16xi32>,
        %parallel_loop3A_266 = arith.constant 16 : i32
        %parallel_loop3A_267 = vector.broadcast %parallel_loop3A_266 : i32 to vector<16xi32>
        %parallel_loop3A_268 = arith.shli %parallel_loop3A_265, %parallel_loop3A_267 : vector<16xi32>
        %parallel_loop3A_269 = tpu.bitcast %parallel_loop3A_268 : vector<16xi32> -> vector<16xf32>
        %parallel_loop3A_270 = arith.mulf %parallel_loop3A_269, %parallel_loop3A_198 : vector<16xf32>
        tpu.vector_store_idx %arg13[%parallel_loop3A_210], %parallel_loop3A_270 {add = true} : memref<10000xf32, #tpu.memory_space<vmem>>[vector<16xi32>], vector<16xf32>,
        %parallel_loop3A_271 = arith.constant -65536 : i32
        %parallel_loop3A_272 = vector.broadcast %parallel_loop3A_271 : i32 to vector<16xi32>
        %parallel_loop3A_273 = arith.andi %parallel_loop3A_265, %parallel_loop3A_272 : vector<16xi32>
        %parallel_loop3A_274 = tpu.bitcast %parallel_loop3A_273 : vector<16xi32> -> vector<16xf32>
        %parallel_loop3A_275 = arith.mulf %parallel_loop3A_274, %parallel_loop3A_198 : vector<16xf32>
        tpu.vector_store_idx %arg17[%parallel_loop3A_210], %parallel_loop3A_275 {add = true} : memref<10000xf32, #tpu.memory_space<vmem>>[vector<16xi32>], vector<16xf32>,
        %parallel_loop3A_276 = tpu.vector_load_idx %arg9[%parallel_loop3A_217] : memref<10000xi32, #tpu.memory_space<vmem>>[vector<16xi32>], vector<16xi32>,
        %parallel_loop3A_277 = arith.constant 16 : i32
        %parallel_loop3A_278 = vector.broadcast %parallel_loop3A_277 : i32 to vector<16xi32>
        %parallel_loop3A_279 = arith.shli %parallel_loop3A_276, %parallel_loop3A_278 : vector<16xi32>
        %parallel_loop3A_280 = tpu.bitcast %parallel_loop3A_279 : vector<16xi32> -> vector<16xf32>
        %parallel_loop3A_281 = arith.mulf %parallel_loop3A_280, %parallel_loop3A_202 : vector<16xf32>
        tpu.vector_store_idx %arg13[%parallel_loop3A_220], %parallel_loop3A_281 {add = true} : memref<10000xf32, #tpu.memory_space<vmem>>[vector<16xi32>], vector<16xf32>,
        %parallel_loop3A_282 = arith.constant -65536 : i32
        %parallel_loop3A_283 = vector.broadcast %parallel_loop3A_282 : i32 to vector<16xi32>
        %parallel_loop3A_284 = arith.andi %parallel_loop3A_276, %parallel_loop3A_283 : vector<16xi32>
        %parallel_loop3A_285 = tpu.bitcast %parallel_loop3A_284 : vector<16xi32> -> vector<16xf32>
        %parallel_loop3A_286 = arith.mulf %parallel_loop3A_285, %parallel_loop3A_202 : vector<16xf32>
        tpu.vector_store_idx %arg17[%parallel_loop3A_220], %parallel_loop3A_286 {add = true} : memref<10000xf32, #tpu.memory_space<vmem>>[vector<16xi32>], vector<16xf32>,
        %parallel_loop3A_287 = tpu.vector_load_idx %arg10[%parallel_loop3A_207] : memref<10000xi32, #tpu.memory_space<vmem>>[vector<16xi32>], vector<16xi32>,
        %parallel_loop3A_288 = arith.constant 16 : i32
        %parallel_loop3A_289 = vector.broadcast %parallel_loop3A_288 : i32 to vector<16xi32>
        %parallel_loop3A_290 = arith.shli %parallel_loop3A_287, %parallel_loop3A_289 : vector<16xi32>
        %parallel_loop3A_291 = tpu.bitcast %parallel_loop3A_290 : vector<16xi32> -> vector<16xf32>
        %parallel_loop3A_292 = arith.mulf %parallel_loop3A_291, %parallel_loop3A_198 : vector<16xf32>
        tpu.vector_store_idx %arg14[%parallel_loop3A_210], %parallel_loop3A_292 {add = true} : memref<10000xf32, #tpu.memory_space<vmem>>[vector<16xi32>], vector<16xf32>,
        %parallel_loop3A_293 = arith.constant -65536 : i32
        %parallel_loop3A_294 = vector.broadcast %parallel_loop3A_293 : i32 to vector<16xi32>
        %parallel_loop3A_295 = arith.andi %parallel_loop3A_287, %parallel_loop3A_294 : vector<16xi32>
        %parallel_loop3A_296 = tpu.bitcast %parallel_loop3A_295 : vector<16xi32> -> vector<16xf32>
        %parallel_loop3A_297 = arith.mulf %parallel_loop3A_296, %parallel_loop3A_198 : vector<16xf32>
        tpu.vector_store_idx %arg18[%parallel_loop3A_210], %parallel_loop3A_297 {add = true} : memref<10000xf32, #tpu.memory_space<vmem>>[vector<16xi32>], vector<16xf32>,
        %parallel_loop3A_298 = tpu.vector_load_idx %arg10[%parallel_loop3A_217] : memref<10000xi32, #tpu.memory_space<vmem>>[vector<16xi32>], vector<16xi32>,
        %parallel_loop3A_299 = arith.constant 16 : i32
        %parallel_loop3A_300 = vector.broadcast %parallel_loop3A_299 : i32 to vector<16xi32>
        %parallel_loop3A_301 = arith.shli %parallel_loop3A_298, %parallel_loop3A_300 : vector<16xi32>
        %parallel_loop3A_302 = tpu.bitcast %parallel_loop3A_301 : vector<16xi32> -> vector<16xf32>
        %parallel_loop3A_303 = arith.mulf %parallel_loop3A_302, %parallel_loop3A_202 : vector<16xf32>
        tpu.vector_store_idx %arg14[%parallel_loop3A_220], %parallel_loop3A_303 {add = true} : memref<10000xf32, #tpu.memory_space<vmem>>[vector<16xi32>], vector<16xf32>,
        %parallel_loop3A_304 = arith.constant -65536 : i32
        %parallel_loop3A_305 = vector.broadcast %parallel_loop3A_304 : i32 to vector<16xi32>
        %parallel_loop3A_306 = arith.andi %parallel_loop3A_298, %parallel_loop3A_305 : vector<16xi32>
        %parallel_loop3A_307 = tpu.bitcast %parallel_loop3A_306 : vector<16xi32> -> vector<16xf32>
        %parallel_loop3A_308 = arith.mulf %parallel_loop3A_307, %parallel_loop3A_202 : vector<16xf32>
        tpu.vector_store_idx %arg18[%parallel_loop3A_220], %parallel_loop3A_308 {add = true} : memref<10000xf32, #tpu.memory_space<vmem>>[vector<16xi32>], vector<16xf32>,
      } {sc.loop_unroll_factor = 4 : i64, sc.parallel_access}
      %lt3A = arith.constant 78 : i32
      %lt3A_168 = arith.cmpi slt, %add3A_150, %lt3A : i32
      %convert_element_type3A = arith.extui %lt3A_168 : i1 to i32
      %cond3A = arith.constant 0 : i32
      %cond3A_169 = arith.cmpi ne, %convert_element_type3A, %cond3A : i32
      scf.if %cond3A_169 {
        %add3A_192 = arith.constant 2 : i32
        %add3A_193 = arith.addi %mul3A_152, %add3A_192 : i32
        %mul3A_194 = arith.constant 158 : i32
        %mul3A_195 = arith.muli %arg0, %mul3A_194 : i32
        %add3A_196 = arith.addi %mul3A_195, %add3A_193 : i32
        %mul3A_197 = arith.constant 1024 : i32
        %mul3A_198 = arith.muli %add3A_196, %mul3A_197 : i32
        %dma_start3A_199 = arith.constant 0 : i32
        %dma_start3A_200 = tpu.memref_slice %arg4[%mul3A_198] : memref<323584xi32, #tpu.memory_space<hbm>> -> memref<1024xi32, #tpu.memory_space<hbm>>
        %dma_start3A_201 = tpu.memref_slice %arg25[%dma_start3A_199] : memref<4x!tpu.dma_semaphore, #tpu.memory_space<semaphore_mem>> -> memref<1x!tpu.dma_semaphore, #tpu.memory_space<semaphore_mem>>
        %dma_start3A_202 = tpu.memref_squeeze %dma_start3A_201 : memref<1x!tpu.dma_semaphore, #tpu.memory_space<semaphore_mem>> -> memref<!tpu.dma_semaphore, #tpu.memory_space<semaphore_mem>>
        %dma_start3A_203 = tpu.memref_slice %arg4[%mul3A_198] : memref<323584xi32, #tpu.memory_space<hbm>> -> memref<1024xi32, #tpu.memory_space<hbm>>
        tpu.enqueue_dma source(%dma_start3A_203 : memref<1024xi32, #tpu.memory_space<hbm>>) target(%arg19 : memref<1024xi32, #tpu.memory_space<vmem>>) target_semaphore(%dma_start3A_202 : memref<!tpu.dma_semaphore, #tpu.memory_space<semaphore_mem>>)
        %mul3A_204 = arith.constant 512 : i32
        %mul3A_205 = arith.muli %add3A_193, %mul3A_204 : i32
        %dma_start3A_206 = arith.constant 1 : i32
        %dma_start3A_207 = tpu.memref_slice %arg24[%mul3A_205] : memref<80896xi32, #tpu.memory_space<vmem_shared>> -> memref<512xi32, #tpu.memory_space<vmem_shared>>
        %dma_start3A_208 = tpu.memref_slice %arg25[%dma_start3A_206] : memref<4x!tpu.dma_semaphore, #tpu.memory_space<semaphore_mem>> -> memref<1x!tpu.dma_semaphore, #tpu.memory_space<semaphore_mem>>
        %dma_start3A_209 = tpu.memref_squeeze %dma_start3A_208 : memref<1x!tpu.dma_semaphore, #tpu.memory_space<semaphore_mem>> -> memref<!tpu.dma_semaphore, #tpu.memory_space<semaphore_mem>>
        %dma_start3A_210 = tpu.memref_slice %arg24[%mul3A_205] : memref<80896xi32, #tpu.memory_space<vmem_shared>> -> memref<512xi32, #tpu.memory_space<vmem_shared>>
        tpu.enqueue_dma source(%dma_start3A_210 : memref<512xi32, #tpu.memory_space<vmem_shared>>) target(%arg21 : memref<512xi32, #tpu.memory_space<vmem>>) target_semaphore(%dma_start3A_209 : memref<!tpu.dma_semaphore, #tpu.memory_space<semaphore_mem>>)
      } else {
      }
      %dma_wait3A_170 = arith.constant 2 : i32
      %dma_wait3A_171 = arith.constant 0 : i32
      %dma_wait3A_172 = tpu.memref_slice %arg4[%dma_wait3A_171] : memref<323584xi32, #tpu.memory_space<hbm>> -> memref<1024xi32, #tpu.memory_space<hbm>>
      %dma_wait3A_173 = tpu.memref_slice %arg25[%dma_wait3A_170] : memref<4x!tpu.dma_semaphore, #tpu.memory_space<semaphore_mem>> -> memref<1x!tpu.dma_semaphore, #tpu.memory_space<semaphore_mem>>
      %dma_wait3A_174 = tpu.memref_squeeze %dma_wait3A_173 : memref<1x!tpu.dma_semaphore, #tpu.memory_space<semaphore_mem>> -> memref<!tpu.dma_semaphore, #tpu.memory_space<semaphore_mem>>
      %dma_wait3A_175 = arith.constant 0 : i32
      %dma_wait3A_176 = tpu.memref_slice %arg4[%dma_wait3A_175] : memref<323584xi32, #tpu.memory_space<hbm>> -> memref<1024xi32, #tpu.memory_space<hbm>>
      tpu.wait_dma2 semaphore(%dma_wait3A_174 : memref<!tpu.dma_semaphore, #tpu.memory_space<semaphore_mem>>) src(%dma_wait3A_176 : memref<1024xi32, #tpu.memory_space<hbm>>) dst(%arg20 : memref<1024xi32, #tpu.memory_space<vmem>>)
      %dma_wait3A_177 = arith.constant 3 : i32
      %dma_wait3A_178 = arith.constant 0 : i32
      %dma_wait3A_179 = tpu.memref_slice %arg24[%dma_wait3A_178] : memref<80896xi32, #tpu.memory_space<vmem_shared>> -> memref<512xi32, #tpu.memory_space<vmem_shared>>
      %dma_wait3A_180 = tpu.memref_slice %arg25[%dma_wait3A_177] : memref<4x!tpu.dma_semaphore, #tpu.memory_space<semaphore_mem>> -> memref<1x!tpu.dma_semaphore, #tpu.memory_space<semaphore_mem>>
      %dma_wait3A_181 = tpu.memref_squeeze %dma_wait3A_180 : memref<1x!tpu.dma_semaphore, #tpu.memory_space<semaphore_mem>> -> memref<!tpu.dma_semaphore, #tpu.memory_space<semaphore_mem>>
      %dma_wait3A_182 = arith.constant 0 : i32
      %dma_wait3A_183 = tpu.memref_slice %arg24[%dma_wait3A_182] : memref<80896xi32, #tpu.memory_space<vmem_shared>> -> memref<512xi32, #tpu.memory_space<vmem_shared>>
      tpu.wait_dma2 semaphore(%dma_wait3A_181 : memref<!tpu.dma_semaphore, #tpu.memory_space<semaphore_mem>>) src(%dma_wait3A_183 : memref<512xi32, #tpu.memory_space<vmem_shared>>) dst(%arg22 : memref<512xi32, #tpu.memory_space<vmem>>)
      %parallel_loop3A_184 = arith.constant 0 : i32
      %parallel_loop3A_185 = arith.constant 512 : i32
      %parallel_loop3A_186 = arith.constant 16 : i32
      scf.for %parallel_loop3A_192 = %parallel_loop3A_184 to %parallel_loop3A_185 step %parallel_loop3A_186  : i32 {
        %parallel_loop3A_193 = arith.index_cast %parallel_loop3A_192 : i32 to index
        %parallel_loop3A_194 = tpu.vector_load %arg22[%parallel_loop3A_193] {strides = array<i32>} : memref<512xi32, #tpu.memory_space<vmem>>, vector<16xi32>,
        %parallel_loop3A_195 = arith.constant 16 : i32
        %parallel_loop3A_196 = vector.broadcast %parallel_loop3A_195 : i32 to vector<16xi32>
        %parallel_loop3A_197 = arith.shli %parallel_loop3A_194, %parallel_loop3A_196 : vector<16xi32>
        %parallel_loop3A_198 = tpu.bitcast %parallel_loop3A_197 : vector<16xi32> -> vector<16xf32>
        %parallel_loop3A_199 = arith.constant -65536 : i32
        %parallel_loop3A_200 = vector.broadcast %parallel_loop3A_199 : i32 to vector<16xi32>
        %parallel_loop3A_201 = arith.andi %parallel_loop3A_194, %parallel_loop3A_200 : vector<16xi32>
        %parallel_loop3A_202 = tpu.bitcast %parallel_loop3A_201 : vector<16xi32> -> vector<16xf32>
        %parallel_loop3A_203 = arith.index_cast %parallel_loop3A_192 : i32 to index
        %parallel_loop3A_204 = tpu.vector_load %arg20[%parallel_loop3A_203] {strides = array<i32>} : memref<1024xi32, #tpu.memory_space<vmem>>, vector<16xi32>,
        %parallel_loop3A_205 = arith.constant 16383 : i32
        %parallel_loop3A_206 = vector.broadcast %parallel_loop3A_205 : i32 to vector<16xi32>
        %parallel_loop3A_207 = arith.andi %parallel_loop3A_204, %parallel_loop3A_206 : vector<16xi32>
        %parallel_loop3A_208 = arith.constant 14 : i32
        %parallel_loop3A_209 = vector.broadcast %parallel_loop3A_208 : i32 to vector<16xi32>
        %parallel_loop3A_210 = arith.shrui %parallel_loop3A_204, %parallel_loop3A_209 : vector<16xi32>
        %parallel_loop3A_211 = arith.constant 512 : i32
        %parallel_loop3A_212 = arith.addi %parallel_loop3A_211, %parallel_loop3A_192 : i32
        %parallel_loop3A_213 = arith.index_cast %parallel_loop3A_212 : i32 to index
        %parallel_loop3A_214 = tpu.vector_load %arg20[%parallel_loop3A_213] {strides = array<i32>} : memref<1024xi32, #tpu.memory_space<vmem>>, vector<16xi32>,
        %parallel_loop3A_215 = arith.constant 16383 : i32
        %parallel_loop3A_216 = vector.broadcast %parallel_loop3A_215 : i32 to vector<16xi32>
        %parallel_loop3A_217 = arith.andi %parallel_loop3A_214, %parallel_loop3A_216 : vector<16xi32>
        %parallel_loop3A_218 = arith.constant 14 : i32
        %parallel_loop3A_219 = vector.broadcast %parallel_loop3A_218 : i32 to vector<16xi32>
        %parallel_loop3A_220 = arith.shrui %parallel_loop3A_214, %parallel_loop3A_219 : vector<16xi32>
        %parallel_loop3A_221 = tpu.vector_load_idx %arg7[%parallel_loop3A_207] : memref<10000xi32, #tpu.memory_space<vmem>>[vector<16xi32>], vector<16xi32>,
        %parallel_loop3A_222 = arith.constant 16 : i32
        %parallel_loop3A_223 = vector.broadcast %parallel_loop3A_222 : i32 to vector<16xi32>
        %parallel_loop3A_224 = arith.shli %parallel_loop3A_221, %parallel_loop3A_223 : vector<16xi32>
        %parallel_loop3A_225 = tpu.bitcast %parallel_loop3A_224 : vector<16xi32> -> vector<16xf32>
        %parallel_loop3A_226 = arith.mulf %parallel_loop3A_225, %parallel_loop3A_198 : vector<16xf32>
        tpu.vector_store_idx %arg11[%parallel_loop3A_210], %parallel_loop3A_226 {add = true} : memref<10000xf32, #tpu.memory_space<vmem>>[vector<16xi32>], vector<16xf32>,
        %parallel_loop3A_227 = arith.constant -65536 : i32
        %parallel_loop3A_228 = vector.broadcast %parallel_loop3A_227 : i32 to vector<16xi32>
        %parallel_loop3A_229 = arith.andi %parallel_loop3A_221, %parallel_loop3A_228 : vector<16xi32>
        %parallel_loop3A_230 = tpu.bitcast %parallel_loop3A_229 : vector<16xi32> -> vector<16xf32>
        %parallel_loop3A_231 = arith.mulf %parallel_loop3A_230, %parallel_loop3A_198 : vector<16xf32>
        tpu.vector_store_idx %arg15[%parallel_loop3A_210], %parallel_loop3A_231 {add = true} : memref<10000xf32, #tpu.memory_space<vmem>>[vector<16xi32>], vector<16xf32>,
        %parallel_loop3A_232 = tpu.vector_load_idx %arg7[%parallel_loop3A_217] : memref<10000xi32, #tpu.memory_space<vmem>>[vector<16xi32>], vector<16xi32>,
        %parallel_loop3A_233 = arith.constant 16 : i32
        %parallel_loop3A_234 = vector.broadcast %parallel_loop3A_233 : i32 to vector<16xi32>
        %parallel_loop3A_235 = arith.shli %parallel_loop3A_232, %parallel_loop3A_234 : vector<16xi32>
        %parallel_loop3A_236 = tpu.bitcast %parallel_loop3A_235 : vector<16xi32> -> vector<16xf32>
        %parallel_loop3A_237 = arith.mulf %parallel_loop3A_236, %parallel_loop3A_202 : vector<16xf32>
        tpu.vector_store_idx %arg11[%parallel_loop3A_220], %parallel_loop3A_237 {add = true} : memref<10000xf32, #tpu.memory_space<vmem>>[vector<16xi32>], vector<16xf32>,
        %parallel_loop3A_238 = arith.constant -65536 : i32
        %parallel_loop3A_239 = vector.broadcast %parallel_loop3A_238 : i32 to vector<16xi32>
        %parallel_loop3A_240 = arith.andi %parallel_loop3A_232, %parallel_loop3A_239 : vector<16xi32>
        %parallel_loop3A_241 = tpu.bitcast %parallel_loop3A_240 : vector<16xi32> -> vector<16xf32>
        %parallel_loop3A_242 = arith.mulf %parallel_loop3A_241, %parallel_loop3A_202 : vector<16xf32>
        tpu.vector_store_idx %arg15[%parallel_loop3A_220], %parallel_loop3A_242 {add = true} : memref<10000xf32, #tpu.memory_space<vmem>>[vector<16xi32>], vector<16xf32>,
        %parallel_loop3A_243 = tpu.vector_load_idx %arg8[%parallel_loop3A_207] : memref<10000xi32, #tpu.memory_space<vmem>>[vector<16xi32>], vector<16xi32>,
        %parallel_loop3A_244 = arith.constant 16 : i32
        %parallel_loop3A_245 = vector.broadcast %parallel_loop3A_244 : i32 to vector<16xi32>
        %parallel_loop3A_246 = arith.shli %parallel_loop3A_243, %parallel_loop3A_245 : vector<16xi32>
        %parallel_loop3A_247 = tpu.bitcast %parallel_loop3A_246 : vector<16xi32> -> vector<16xf32>
        %parallel_loop3A_248 = arith.mulf %parallel_loop3A_247, %parallel_loop3A_198 : vector<16xf32>
        tpu.vector_store_idx %arg12[%parallel_loop3A_210], %parallel_loop3A_248 {add = true} : memref<10000xf32, #tpu.memory_space<vmem>>[vector<16xi32>], vector<16xf32>,
        %parallel_loop3A_249 = arith.constant -65536 : i32
        %parallel_loop3A_250 = vector.broadcast %parallel_loop3A_249 : i32 to vector<16xi32>
        %parallel_loop3A_251 = arith.andi %parallel_loop3A_243, %parallel_loop3A_250 : vector<16xi32>
        %parallel_loop3A_252 = tpu.bitcast %parallel_loop3A_251 : vector<16xi32> -> vector<16xf32>
        %parallel_loop3A_253 = arith.mulf %parallel_loop3A_252, %parallel_loop3A_198 : vector<16xf32>
        tpu.vector_store_idx %arg16[%parallel_loop3A_210], %parallel_loop3A_253 {add = true} : memref<10000xf32, #tpu.memory_space<vmem>>[vector<16xi32>], vector<16xf32>,
        %parallel_loop3A_254 = tpu.vector_load_idx %arg8[%parallel_loop3A_217] : memref<10000xi32, #tpu.memory_space<vmem>>[vector<16xi32>], vector<16xi32>,
        %parallel_loop3A_255 = arith.constant 16 : i32
        %parallel_loop3A_256 = vector.broadcast %parallel_loop3A_255 : i32 to vector<16xi32>
        %parallel_loop3A_257 = arith.shli %parallel_loop3A_254, %parallel_loop3A_256 : vector<16xi32>
        %parallel_loop3A_258 = tpu.bitcast %parallel_loop3A_257 : vector<16xi32> -> vector<16xf32>
        %parallel_loop3A_259 = arith.mulf %parallel_loop3A_258, %parallel_loop3A_202 : vector<16xf32>
        tpu.vector_store_idx %arg12[%parallel_loop3A_220], %parallel_loop3A_259 {add = true} : memref<10000xf32, #tpu.memory_space<vmem>>[vector<16xi32>], vector<16xf32>,
        %parallel_loop3A_260 = arith.constant -65536 : i32
        %parallel_loop3A_261 = vector.broadcast %parallel_loop3A_260 : i32 to vector<16xi32>
        %parallel_loop3A_262 = arith.andi %parallel_loop3A_254, %parallel_loop3A_261 : vector<16xi32>
        %parallel_loop3A_263 = tpu.bitcast %parallel_loop3A_262 : vector<16xi32> -> vector<16xf32>
        %parallel_loop3A_264 = arith.mulf %parallel_loop3A_263, %parallel_loop3A_202 : vector<16xf32>
        tpu.vector_store_idx %arg16[%parallel_loop3A_220], %parallel_loop3A_264 {add = true} : memref<10000xf32, #tpu.memory_space<vmem>>[vector<16xi32>], vector<16xf32>,
        %parallel_loop3A_265 = tpu.vector_load_idx %arg9[%parallel_loop3A_207] : memref<10000xi32, #tpu.memory_space<vmem>>[vector<16xi32>], vector<16xi32>,
        %parallel_loop3A_266 = arith.constant 16 : i32
        %parallel_loop3A_267 = vector.broadcast %parallel_loop3A_266 : i32 to vector<16xi32>
        %parallel_loop3A_268 = arith.shli %parallel_loop3A_265, %parallel_loop3A_267 : vector<16xi32>
        %parallel_loop3A_269 = tpu.bitcast %parallel_loop3A_268 : vector<16xi32> -> vector<16xf32>
        %parallel_loop3A_270 = arith.mulf %parallel_loop3A_269, %parallel_loop3A_198 : vector<16xf32>
        tpu.vector_store_idx %arg13[%parallel_loop3A_210], %parallel_loop3A_270 {add = true} : memref<10000xf32, #tpu.memory_space<vmem>>[vector<16xi32>], vector<16xf32>,
        %parallel_loop3A_271 = arith.constant -65536 : i32
        %parallel_loop3A_272 = vector.broadcast %parallel_loop3A_271 : i32 to vector<16xi32>
        %parallel_loop3A_273 = arith.andi %parallel_loop3A_265, %parallel_loop3A_272 : vector<16xi32>
        %parallel_loop3A_274 = tpu.bitcast %parallel_loop3A_273 : vector<16xi32> -> vector<16xf32>
        %parallel_loop3A_275 = arith.mulf %parallel_loop3A_274, %parallel_loop3A_198 : vector<16xf32>
        tpu.vector_store_idx %arg17[%parallel_loop3A_210], %parallel_loop3A_275 {add = true} : memref<10000xf32, #tpu.memory_space<vmem>>[vector<16xi32>], vector<16xf32>,
        %parallel_loop3A_276 = tpu.vector_load_idx %arg9[%parallel_loop3A_217] : memref<10000xi32, #tpu.memory_space<vmem>>[vector<16xi32>], vector<16xi32>,
        %parallel_loop3A_277 = arith.constant 16 : i32
        %parallel_loop3A_278 = vector.broadcast %parallel_loop3A_277 : i32 to vector<16xi32>
        %parallel_loop3A_279 = arith.shli %parallel_loop3A_276, %parallel_loop3A_278 : vector<16xi32>
        %parallel_loop3A_280 = tpu.bitcast %parallel_loop3A_279 : vector<16xi32> -> vector<16xf32>
        %parallel_loop3A_281 = arith.mulf %parallel_loop3A_280, %parallel_loop3A_202 : vector<16xf32>
        tpu.vector_store_idx %arg13[%parallel_loop3A_220], %parallel_loop3A_281 {add = true} : memref<10000xf32, #tpu.memory_space<vmem>>[vector<16xi32>], vector<16xf32>,
        %parallel_loop3A_282 = arith.constant -65536 : i32
        %parallel_loop3A_283 = vector.broadcast %parallel_loop3A_282 : i32 to vector<16xi32>
        %parallel_loop3A_284 = arith.andi %parallel_loop3A_276, %parallel_loop3A_283 : vector<16xi32>
        %parallel_loop3A_285 = tpu.bitcast %parallel_loop3A_284 : vector<16xi32> -> vector<16xf32>
        %parallel_loop3A_286 = arith.mulf %parallel_loop3A_285, %parallel_loop3A_202 : vector<16xf32>
        tpu.vector_store_idx %arg17[%parallel_loop3A_220], %parallel_loop3A_286 {add = true} : memref<10000xf32, #tpu.memory_space<vmem>>[vector<16xi32>], vector<16xf32>,
        %parallel_loop3A_287 = tpu.vector_load_idx %arg10[%parallel_loop3A_207] : memref<10000xi32, #tpu.memory_space<vmem>>[vector<16xi32>], vector<16xi32>,
        %parallel_loop3A_288 = arith.constant 16 : i32
        %parallel_loop3A_289 = vector.broadcast %parallel_loop3A_288 : i32 to vector<16xi32>
        %parallel_loop3A_290 = arith.shli %parallel_loop3A_287, %parallel_loop3A_289 : vector<16xi32>
        %parallel_loop3A_291 = tpu.bitcast %parallel_loop3A_290 : vector<16xi32> -> vector<16xf32>
        %parallel_loop3A_292 = arith.mulf %parallel_loop3A_291, %parallel_loop3A_198 : vector<16xf32>
        tpu.vector_store_idx %arg14[%parallel_loop3A_210], %parallel_loop3A_292 {add = true} : memref<10000xf32, #tpu.memory_space<vmem>>[vector<16xi32>], vector<16xf32>,
        %parallel_loop3A_293 = arith.constant -65536 : i32
        %parallel_loop3A_294 = vector.broadcast %parallel_loop3A_293 : i32 to vector<16xi32>
        %parallel_loop3A_295 = arith.andi %parallel_loop3A_287, %parallel_loop3A_294 : vector<16xi32>
        %parallel_loop3A_296 = tpu.bitcast %parallel_loop3A_295 : vector<16xi32> -> vector<16xf32>
        %parallel_loop3A_297 = arith.mulf %parallel_loop3A_296, %parallel_loop3A_198 : vector<16xf32>
        tpu.vector_store_idx %arg18[%parallel_loop3A_210], %parallel_loop3A_297 {add = true} : memref<10000xf32, #tpu.memory_space<vmem>>[vector<16xi32>], vector<16xf32>,
        %parallel_loop3A_298 = tpu.vector_load_idx %arg10[%parallel_loop3A_217] : memref<10000xi32, #tpu.memory_space<vmem>>[vector<16xi32>], vector<16xi32>,
        %parallel_loop3A_299 = arith.constant 16 : i32
        %parallel_loop3A_300 = vector.broadcast %parallel_loop3A_299 : i32 to vector<16xi32>
        %parallel_loop3A_301 = arith.shli %parallel_loop3A_298, %parallel_loop3A_300 : vector<16xi32>
        %parallel_loop3A_302 = tpu.bitcast %parallel_loop3A_301 : vector<16xi32> -> vector<16xf32>
        %parallel_loop3A_303 = arith.mulf %parallel_loop3A_302, %parallel_loop3A_202 : vector<16xf32>
        tpu.vector_store_idx %arg14[%parallel_loop3A_220], %parallel_loop3A_303 {add = true} : memref<10000xf32, #tpu.memory_space<vmem>>[vector<16xi32>], vector<16xf32>,
        %parallel_loop3A_304 = arith.constant -65536 : i32
        %parallel_loop3A_305 = vector.broadcast %parallel_loop3A_304 : i32 to vector<16xi32>
        %parallel_loop3A_306 = arith.andi %parallel_loop3A_298, %parallel_loop3A_305 : vector<16xi32>
        %parallel_loop3A_307 = tpu.bitcast %parallel_loop3A_306 : vector<16xi32> -> vector<16xf32>
        %parallel_loop3A_308 = arith.mulf %parallel_loop3A_307, %parallel_loop3A_202 : vector<16xf32>
        tpu.vector_store_idx %arg18[%parallel_loop3A_220], %parallel_loop3A_308 {add = true} : memref<10000xf32, #tpu.memory_space<vmem>>[vector<16xi32>], vector<16xf32>,
      } {sc.loop_unroll_factor = 4 : i64, sc.parallel_access}
      %lt3A_187 = arith.constant 78 : i32
      %lt3A_188 = arith.cmpi slt, %add3A_150, %lt3A_187 : i32
      %convert_element_type3A_189 = arith.extui %lt3A_188 : i1 to i32
      %cond3A_190 = arith.constant 0 : i32
      %cond3A_191 = arith.cmpi ne, %convert_element_type3A_189, %cond3A_190 : i32
      scf.if %cond3A_191 {
        %add3A_192 = arith.constant 3 : i32
        %add3A_193 = arith.addi %mul3A_152, %add3A_192 : i32
        %mul3A_194 = arith.constant 158 : i32
        %mul3A_195 = arith.muli %arg0, %mul3A_194 : i32
        %add3A_196 = arith.addi %mul3A_195, %add3A_193 : i32
        %mul3A_197 = arith.constant 1024 : i32
        %mul3A_198 = arith.muli %add3A_196, %mul3A_197 : i32
        %dma_start3A_199 = arith.constant 2 : i32
        %dma_start3A_200 = tpu.memref_slice %arg4[%mul3A_198] : memref<323584xi32, #tpu.memory_space<hbm>> -> memref<1024xi32, #tpu.memory_space<hbm>>
        %dma_start3A_201 = tpu.memref_slice %arg25[%dma_start3A_199] : memref<4x!tpu.dma_semaphore, #tpu.memory_space<semaphore_mem>> -> memref<1x!tpu.dma_semaphore, #tpu.memory_space<semaphore_mem>>
        %dma_start3A_202 = tpu.memref_squeeze %dma_start3A_201 : memref<1x!tpu.dma_semaphore, #tpu.memory_space<semaphore_mem>> -> memref<!tpu.dma_semaphore, #tpu.memory_space<semaphore_mem>>
        %dma_start3A_203 = tpu.memref_slice %arg4[%mul3A_198] : memref<323584xi32, #tpu.memory_space<hbm>> -> memref<1024xi32, #tpu.memory_space<hbm>>
        tpu.enqueue_dma source(%dma_start3A_203 : memref<1024xi32, #tpu.memory_space<hbm>>) target(%arg20 : memref<1024xi32, #tpu.memory_space<vmem>>) target_semaphore(%dma_start3A_202 : memref<!tpu.dma_semaphore, #tpu.memory_space<semaphore_mem>>)
        %mul3A_204 = arith.constant 512 : i32
        %mul3A_205 = arith.muli %add3A_193, %mul3A_204 : i32
        %dma_start3A_206 = arith.constant 3 : i32
        %dma_start3A_207 = tpu.memref_slice %arg24[%mul3A_205] : memref<80896xi32, #tpu.memory_space<vmem_shared>> -> memref<512xi32, #tpu.memory_space<vmem_shared>>
        %dma_start3A_208 = tpu.memref_slice %arg25[%dma_start3A_206] : memref<4x!tpu.dma_semaphore, #tpu.memory_space<semaphore_mem>> -> memref<1x!tpu.dma_semaphore, #tpu.memory_space<semaphore_mem>>
        %dma_start3A_209 = tpu.memref_squeeze %dma_start3A_208 : memref<1x!tpu.dma_semaphore, #tpu.memory_space<semaphore_mem>> -> memref<!tpu.dma_semaphore, #tpu.memory_space<semaphore_mem>>
        %dma_start3A_210 = tpu.memref_slice %arg24[%mul3A_205] : memref<80896xi32, #tpu.memory_space<vmem_shared>> -> memref<512xi32, #tpu.memory_space<vmem_shared>>
        tpu.enqueue_dma source(%dma_start3A_210 : memref<512xi32, #tpu.memory_space<vmem_shared>>) target(%arg22 : memref<512xi32, #tpu.memory_space<vmem>>) target_semaphore(%dma_start3A_209 : memref<!tpu.dma_semaphore, #tpu.memory_space<semaphore_mem>>)
      } else {
      }
    }
    %scan3A_81 = arith.constant 79 : i32
    %mul3A_82 = arith.constant 4 : i32
    %mul3A_83 = arith.muli %arg1, %mul3A_82 : i32
    %add3A_84 = arith.constant 0 : i32
    %add3A_85 = arith.addi %mul3A_83, %add3A_84 : i32
    %mul3A_86 = arith.constant 128 : i32
    %mul3A_87 = arith.muli %arg0, %mul3A_86 : i32
    %add3A_88 = arith.addi %mul3A_87, %add3A_85 : i32
    %mul3A_89 = arith.constant 10000 : i32
    %mul3A_90 = arith.muli %add3A_88, %mul3A_89 : i32
    "tpu.region"() ({
      %run_scoped3A = tpu.sem_alloc : memref<!tpu.dma_semaphore, #tpu.memory_space<semaphore_mem>>
      %dma_start3A_146 = tpu.memref_slice %arg5[%mul3A_90] : memref<2560000xf32, #tpu.memory_space<hbm>> -> memref<10000xf32, #tpu.memory_space<hbm>>
      %dma_start3A_147 = tpu.memref_slice %arg5[%mul3A_90] : memref<2560000xf32, #tpu.memory_space<hbm>> -> memref<10000xf32, #tpu.memory_space<hbm>>
      tpu.enqueue_dma source(%arg11 : memref<10000xf32, #tpu.memory_space<vmem>>) target(%dma_start3A_147 : memref<10000xf32, #tpu.memory_space<hbm>>) target_semaphore(%run_scoped3A : memref<!tpu.dma_semaphore, #tpu.memory_space<semaphore_mem>>)
      %dma_wait3A = tpu.memref_slice %arg5[%mul3A_90] : memref<2560000xf32, #tpu.memory_space<hbm>> -> memref<10000xf32, #tpu.memory_space<hbm>>
      %dma_wait3A_148 = tpu.memref_slice %arg5[%mul3A_90] : memref<2560000xf32, #tpu.memory_space<hbm>> -> memref<10000xf32, #tpu.memory_space<hbm>>
      tpu.wait_dma2 semaphore(%run_scoped3A : memref<!tpu.dma_semaphore, #tpu.memory_space<semaphore_mem>>) src(%arg11 : memref<10000xf32, #tpu.memory_space<vmem>>) dst(%dma_wait3A_148 : memref<10000xf32, #tpu.memory_space<hbm>>)
      tpu.yield
    }) : () -> ()
    %mul3A_91 = arith.constant 128 : i32
    %mul3A_92 = arith.muli %arg0, %mul3A_91 : i32
    %add3A_93 = arith.constant 64 : i32
    %add3A_94 = arith.addi %mul3A_92, %add3A_93 : i32
    %add3A_95 = arith.addi %add3A_94, %add3A_85 : i32
    %mul3A_96 = arith.constant 10000 : i32
    %mul3A_97 = arith.muli %add3A_95, %mul3A_96 : i32
    "tpu.region"() ({
      %run_scoped3A = tpu.sem_alloc : memref<!tpu.dma_semaphore, #tpu.memory_space<semaphore_mem>>
      %dma_start3A_146 = tpu.memref_slice %arg5[%mul3A_97] : memref<2560000xf32, #tpu.memory_space<hbm>> -> memref<10000xf32, #tpu.memory_space<hbm>>
      %dma_start3A_147 = tpu.memref_slice %arg5[%mul3A_97] : memref<2560000xf32, #tpu.memory_space<hbm>> -> memref<10000xf32, #tpu.memory_space<hbm>>
      tpu.enqueue_dma source(%arg15 : memref<10000xf32, #tpu.memory_space<vmem>>) target(%dma_start3A_147 : memref<10000xf32, #tpu.memory_space<hbm>>) target_semaphore(%run_scoped3A : memref<!tpu.dma_semaphore, #tpu.memory_space<semaphore_mem>>)
      %dma_wait3A = tpu.memref_slice %arg5[%mul3A_97] : memref<2560000xf32, #tpu.memory_space<hbm>> -> memref<10000xf32, #tpu.memory_space<hbm>>
      %dma_wait3A_148 = tpu.memref_slice %arg5[%mul3A_97] : memref<2560000xf32, #tpu.memory_space<hbm>> -> memref<10000xf32, #tpu.memory_space<hbm>>
      tpu.wait_dma2 semaphore(%run_scoped3A : memref<!tpu.dma_semaphore, #tpu.memory_space<semaphore_mem>>) src(%arg15 : memref<10000xf32, #tpu.memory_space<vmem>>) dst(%dma_wait3A_148 : memref<10000xf32, #tpu.memory_space<hbm>>)
      tpu.yield
    }) : () -> ()
    %mul3A_98 = arith.constant 4 : i32
    %mul3A_99 = arith.muli %arg1, %mul3A_98 : i32
    %add3A_100 = arith.constant 1 : i32
    %add3A_101 = arith.addi %mul3A_99, %add3A_100 : i32
    %mul3A_102 = arith.constant 128 : i32
    %mul3A_103 = arith.muli %arg0, %mul3A_102 : i32
    %add3A_104 = arith.addi %mul3A_103, %add3A_101 : i32
    %mul3A_105 = arith.constant 10000 : i32
    %mul3A_106 = arith.muli %add3A_104, %mul3A_105 : i32
    "tpu.region"() ({
      %run_scoped3A = tpu.sem_alloc : memref<!tpu.dma_semaphore, #tpu.memory_space<semaphore_mem>>
      %dma_start3A_146 = tpu.memref_slice %arg5[%mul3A_106] : memref<2560000xf32, #tpu.memory_space<hbm>> -> memref<10000xf32, #tpu.memory_space<hbm>>
      %dma_start3A_147 = tpu.memref_slice %arg5[%mul3A_106] : memref<2560000xf32, #tpu.memory_space<hbm>> -> memref<10000xf32, #tpu.memory_space<hbm>>
      tpu.enqueue_dma source(%arg12 : memref<10000xf32, #tpu.memory_space<vmem>>) target(%dma_start3A_147 : memref<10000xf32, #tpu.memory_space<hbm>>) target_semaphore(%run_scoped3A : memref<!tpu.dma_semaphore, #tpu.memory_space<semaphore_mem>>)
      %dma_wait3A = tpu.memref_slice %arg5[%mul3A_106] : memref<2560000xf32, #tpu.memory_space<hbm>> -> memref<10000xf32, #tpu.memory_space<hbm>>
      %dma_wait3A_148 = tpu.memref_slice %arg5[%mul3A_106] : memref<2560000xf32, #tpu.memory_space<hbm>> -> memref<10000xf32, #tpu.memory_space<hbm>>
      tpu.wait_dma2 semaphore(%run_scoped3A : memref<!tpu.dma_semaphore, #tpu.memory_space<semaphore_mem>>) src(%arg12 : memref<10000xf32, #tpu.memory_space<vmem>>) dst(%dma_wait3A_148 : memref<10000xf32, #tpu.memory_space<hbm>>)
      tpu.yield
    }) : () -> ()
    %mul3A_107 = arith.constant 128 : i32
    %mul3A_108 = arith.muli %arg0, %mul3A_107 : i32
    %add3A_109 = arith.constant 64 : i32
    %add3A_110 = arith.addi %mul3A_108, %add3A_109 : i32
    %add3A_111 = arith.addi %add3A_110, %add3A_101 : i32
    %mul3A_112 = arith.constant 10000 : i32
    %mul3A_113 = arith.muli %add3A_111, %mul3A_112 : i32
    "tpu.region"() ({
      %run_scoped3A = tpu.sem_alloc : memref<!tpu.dma_semaphore, #tpu.memory_space<semaphore_mem>>
      %dma_start3A_146 = tpu.memref_slice %arg5[%mul3A_113] : memref<2560000xf32, #tpu.memory_space<hbm>> -> memref<10000xf32, #tpu.memory_space<hbm>>
      %dma_start3A_147 = tpu.memref_slice %arg5[%mul3A_113] : memref<2560000xf32, #tpu.memory_space<hbm>> -> memref<10000xf32, #tpu.memory_space<hbm>>
      tpu.enqueue_dma source(%arg16 : memref<10000xf32, #tpu.memory_space<vmem>>) target(%dma_start3A_147 : memref<10000xf32, #tpu.memory_space<hbm>>) target_semaphore(%run_scoped3A : memref<!tpu.dma_semaphore, #tpu.memory_space<semaphore_mem>>)
      %dma_wait3A = tpu.memref_slice %arg5[%mul3A_113] : memref<2560000xf32, #tpu.memory_space<hbm>> -> memref<10000xf32, #tpu.memory_space<hbm>>
      %dma_wait3A_148 = tpu.memref_slice %arg5[%mul3A_113] : memref<2560000xf32, #tpu.memory_space<hbm>> -> memref<10000xf32, #tpu.memory_space<hbm>>
      tpu.wait_dma2 semaphore(%run_scoped3A : memref<!tpu.dma_semaphore, #tpu.memory_space<semaphore_mem>>) src(%arg16 : memref<10000xf32, #tpu.memory_space<vmem>>) dst(%dma_wait3A_148 : memref<10000xf32, #tpu.memory_space<hbm>>)
      tpu.yield
    }) : () -> ()
    %mul3A_114 = arith.constant 4 : i32
    %mul3A_115 = arith.muli %arg1, %mul3A_114 : i32
    %add3A_116 = arith.constant 2 : i32
    %add3A_117 = arith.addi %mul3A_115, %add3A_116 : i32
    %mul3A_118 = arith.constant 128 : i32
    %mul3A_119 = arith.muli %arg0, %mul3A_118 : i32
    %add3A_120 = arith.addi %mul3A_119, %add3A_117 : i32
    %mul3A_121 = arith.constant 10000 : i32
    %mul3A_122 = arith.muli %add3A_120, %mul3A_121 : i32
    "tpu.region"() ({
      %run_scoped3A = tpu.sem_alloc : memref<!tpu.dma_semaphore, #tpu.memory_space<semaphore_mem>>
      %dma_start3A_146 = tpu.memref_slice %arg5[%mul3A_122] : memref<2560000xf32, #tpu.memory_space<hbm>> -> memref<10000xf32, #tpu.memory_space<hbm>>
      %dma_start3A_147 = tpu.memref_slice %arg5[%mul3A_122] : memref<2560000xf32, #tpu.memory_space<hbm>> -> memref<10000xf32, #tpu.memory_space<hbm>>
      tpu.enqueue_dma source(%arg13 : memref<10000xf32, #tpu.memory_space<vmem>>) target(%dma_start3A_147 : memref<10000xf32, #tpu.memory_space<hbm>>) target_semaphore(%run_scoped3A : memref<!tpu.dma_semaphore, #tpu.memory_space<semaphore_mem>>)
      %dma_wait3A = tpu.memref_slice %arg5[%mul3A_122] : memref<2560000xf32, #tpu.memory_space<hbm>> -> memref<10000xf32, #tpu.memory_space<hbm>>
      %dma_wait3A_148 = tpu.memref_slice %arg5[%mul3A_122] : memref<2560000xf32, #tpu.memory_space<hbm>> -> memref<10000xf32, #tpu.memory_space<hbm>>
      tpu.wait_dma2 semaphore(%run_scoped3A : memref<!tpu.dma_semaphore, #tpu.memory_space<semaphore_mem>>) src(%arg13 : memref<10000xf32, #tpu.memory_space<vmem>>) dst(%dma_wait3A_148 : memref<10000xf32, #tpu.memory_space<hbm>>)
      tpu.yield
    }) : () -> ()
    %mul3A_123 = arith.constant 128 : i32
    %mul3A_124 = arith.muli %arg0, %mul3A_123 : i32
    %add3A_125 = arith.constant 64 : i32
    %add3A_126 = arith.addi %mul3A_124, %add3A_125 : i32
    %add3A_127 = arith.addi %add3A_126, %add3A_117 : i32
    %mul3A_128 = arith.constant 10000 : i32
    %mul3A_129 = arith.muli %add3A_127, %mul3A_128 : i32
    "tpu.region"() ({
      %run_scoped3A = tpu.sem_alloc : memref<!tpu.dma_semaphore, #tpu.memory_space<semaphore_mem>>
      %dma_start3A_146 = tpu.memref_slice %arg5[%mul3A_129] : memref<2560000xf32, #tpu.memory_space<hbm>> -> memref<10000xf32, #tpu.memory_space<hbm>>
      %dma_start3A_147 = tpu.memref_slice %arg5[%mul3A_129] : memref<2560000xf32, #tpu.memory_space<hbm>> -> memref<10000xf32, #tpu.memory_space<hbm>>
      tpu.enqueue_dma source(%arg17 : memref<10000xf32, #tpu.memory_space<vmem>>) target(%dma_start3A_147 : memref<10000xf32, #tpu.memory_space<hbm>>) target_semaphore(%run_scoped3A : memref<!tpu.dma_semaphore, #tpu.memory_space<semaphore_mem>>)
      %dma_wait3A = tpu.memref_slice %arg5[%mul3A_129] : memref<2560000xf32, #tpu.memory_space<hbm>> -> memref<10000xf32, #tpu.memory_space<hbm>>
      %dma_wait3A_148 = tpu.memref_slice %arg5[%mul3A_129] : memref<2560000xf32, #tpu.memory_space<hbm>> -> memref<10000xf32, #tpu.memory_space<hbm>>
      tpu.wait_dma2 semaphore(%run_scoped3A : memref<!tpu.dma_semaphore, #tpu.memory_space<semaphore_mem>>) src(%arg17 : memref<10000xf32, #tpu.memory_space<vmem>>) dst(%dma_wait3A_148 : memref<10000xf32, #tpu.memory_space<hbm>>)
      tpu.yield
    }) : () -> ()
    %mul3A_130 = arith.constant 4 : i32
    %mul3A_131 = arith.muli %arg1, %mul3A_130 : i32
    %add3A_132 = arith.constant 3 : i32
    %add3A_133 = arith.addi %mul3A_131, %add3A_132 : i32
    %mul3A_134 = arith.constant 128 : i32
    %mul3A_135 = arith.muli %arg0, %mul3A_134 : i32
    %add3A_136 = arith.addi %mul3A_135, %add3A_133 : i32
    %mul3A_137 = arith.constant 10000 : i32
    %mul3A_138 = arith.muli %add3A_136, %mul3A_137 : i32
    "tpu.region"() ({
      %run_scoped3A = tpu.sem_alloc : memref<!tpu.dma_semaphore, #tpu.memory_space<semaphore_mem>>
      %dma_start3A_146 = tpu.memref_slice %arg5[%mul3A_138] : memref<2560000xf32, #tpu.memory_space<hbm>> -> memref<10000xf32, #tpu.memory_space<hbm>>
      %dma_start3A_147 = tpu.memref_slice %arg5[%mul3A_138] : memref<2560000xf32, #tpu.memory_space<hbm>> -> memref<10000xf32, #tpu.memory_space<hbm>>
      tpu.enqueue_dma source(%arg14 : memref<10000xf32, #tpu.memory_space<vmem>>) target(%dma_start3A_147 : memref<10000xf32, #tpu.memory_space<hbm>>) target_semaphore(%run_scoped3A : memref<!tpu.dma_semaphore, #tpu.memory_space<semaphore_mem>>)
      %dma_wait3A = tpu.memref_slice %arg5[%mul3A_138] : memref<2560000xf32, #tpu.memory_space<hbm>> -> memref<10000xf32, #tpu.memory_space<hbm>>
      %dma_wait3A_148 = tpu.memref_slice %arg5[%mul3A_138] : memref<2560000xf32, #tpu.memory_space<hbm>> -> memref<10000xf32, #tpu.memory_space<hbm>>
      tpu.wait_dma2 semaphore(%run_scoped3A : memref<!tpu.dma_semaphore, #tpu.memory_space<semaphore_mem>>) src(%arg14 : memref<10000xf32, #tpu.memory_space<vmem>>) dst(%dma_wait3A_148 : memref<10000xf32, #tpu.memory_space<hbm>>)
      tpu.yield
    }) : () -> ()
    %mul3A_139 = arith.constant 128 : i32
    %mul3A_140 = arith.muli %arg0, %mul3A_139 : i32
    %add3A_141 = arith.constant 64 : i32
    %add3A_142 = arith.addi %mul3A_140, %add3A_141 : i32
    %add3A_143 = arith.addi %add3A_142, %add3A_133 : i32
    %mul3A_144 = arith.constant 10000 : i32
    %mul3A_145 = arith.muli %add3A_143, %mul3A_144 : i32
    "tpu.region"() ({
      %run_scoped3A = tpu.sem_alloc : memref<!tpu.dma_semaphore, #tpu.memory_space<semaphore_mem>>
      %dma_start3A_146 = tpu.memref_slice %arg5[%mul3A_145] : memref<2560000xf32, #tpu.memory_space<hbm>> -> memref<10000xf32, #tpu.memory_space<hbm>>
      %dma_start3A_147 = tpu.memref_slice %arg5[%mul3A_145] : memref<2560000xf32, #tpu.memory_space<hbm>> -> memref<10000xf32, #tpu.memory_space<hbm>>
      tpu.enqueue_dma source(%arg18 : memref<10000xf32, #tpu.memory_space<vmem>>) target(%dma_start3A_147 : memref<10000xf32, #tpu.memory_space<hbm>>) target_semaphore(%run_scoped3A : memref<!tpu.dma_semaphore, #tpu.memory_space<semaphore_mem>>)
      %dma_wait3A = tpu.memref_slice %arg5[%mul3A_145] : memref<2560000xf32, #tpu.memory_space<hbm>> -> memref<10000xf32, #tpu.memory_space<hbm>>
      %dma_wait3A_148 = tpu.memref_slice %arg5[%mul3A_145] : memref<2560000xf32, #tpu.memory_space<hbm>> -> memref<10000xf32, #tpu.memory_space<hbm>>
      tpu.wait_dma2 semaphore(%run_scoped3A : memref<!tpu.dma_semaphore, #tpu.memory_space<semaphore_mem>>) src(%arg18 : memref<10000xf32, #tpu.memory_space<vmem>>) dst(%dma_wait3A_148 : memref<10000xf32, #tpu.memory_space<hbm>>)
      tpu.yield
    }) : () -> ()
    return
  }
}

#map = affine_map<(d0, d1) -> (0)>
module attributes {stable_mosaic.version = 14 : i64} {
  func.func @_sc_edge_body(%arg0: i32, %arg1: i32, %arg2: memref<640000xi32, #tpu.memory_space<hbm>>, %arg3: memref<10000xi32, #tpu.memory_space<hbm>>, %arg4: memref<323584xi32, #tpu.memory_space<hbm>>, %arg5: memref<2560000xf32, #tpu.memory_space<hbm>>, %arg6: memref<320000xf32, #tpu.memory_space<hbm>>, %arg7: memref<10000xi32, #tpu.memory_space<vmem>>, %arg8: memref<10000xi32, #tpu.memory_space<vmem>>, %arg9: memref<10000xi32, #tpu.memory_space<vmem>>, %arg10: memref<10000xi32, #tpu.memory_space<vmem>>, %arg11: memref<10000xf32, #tpu.memory_space<vmem>>, %arg12: memref<10000xf32, #tpu.memory_space<vmem>>, %arg13: memref<10000xf32, #tpu.memory_space<vmem>>, %arg14: memref<10000xf32, #tpu.memory_space<vmem>>, %arg15: memref<10000xf32, #tpu.memory_space<vmem>>, %arg16: memref<10000xf32, #tpu.memory_space<vmem>>, %arg17: memref<10000xf32, #tpu.memory_space<vmem>>, %arg18: memref<10000xf32, #tpu.memory_space<vmem>>, %arg19: memref<1024xi32, #tpu.memory_space<vmem>>, %arg20: memref<1024xi32, #tpu.memory_space<vmem>>, %arg21: memref<512xi32, #tpu.memory_space<vmem>>, %arg22: memref<512xi32, #tpu.memory_space<vmem>>, %arg23: memref<512xi32, #tpu.memory_space<vmem>>, %arg24: memref<80896xi32, #tpu.memory_space<vmem_shared>>, %arg25: memref<4x!tpu.dma_semaphore, #tpu.memory_space<semaphore_mem>>) attributes {dimension_semantics = [#tpu.dimension_semantics<core_parallel>, #tpu.dimension_semantics<subcore_parallel>], iteration_bounds = array<i64: 2, 16>, scalar_prefetch = 0 : i64, scratch_operands = 19 : i64, tpu.core_type = #tpu.core_type<sc_vector_subcore>, window_params = [{transform_indices = #map}, {transform_indices = #map}, {transform_indices = #map}, {transform_indices = #map}, {transform_indices = #map}]} {
    %mul3A = arith.constant 16 : i32
    %mul3A_0 = arith.muli %arg0, %mul3A : i32
    %add3A = arith.addi %mul3A_0, %arg1 : i32
    %broadcast_in_dim3A = arith.constant 0.000000e+00 : f32
    %broadcast_in_dim3A_1 = vector.broadcast %broadcast_in_dim3A : f32 to vector<16xf32>
    %iota3A = tpu.iota {dimensions = array<i32: 0>} : vector<16xi32>
    "tpu.region"() ({
      %run_scoped3A = tpu.sem_alloc : memref<!tpu.dma_semaphore, #tpu.memory_space<semaphore_mem>>
      tpu.enqueue_dma source(%arg3 : memref<10000xi32, #tpu.memory_space<hbm>>) target(%arg7 : memref<10000xi32, #tpu.memory_space<vmem>>) target_semaphore(%run_scoped3A : memref<!tpu.dma_semaphore, #tpu.memory_space<semaphore_mem>>)
      tpu.wait_dma2 semaphore(%run_scoped3A : memref<!tpu.dma_semaphore, #tpu.memory_space<semaphore_mem>>) src(%arg3 : memref<10000xi32, #tpu.memory_space<hbm>>) dst(%arg7 : memref<10000xi32, #tpu.memory_space<vmem>>)
      tpu.yield
    }) : () -> ()
    %scan3A = arith.constant 0 : i32
    %scan3A_2 = arith.constant 625 : i32
    %scan3A_3 = arith.addi %scan3A, %scan3A_2 : i32
    %scan3A_4 = arith.constant 1 : i32
    scf.for %scan3A_146 = %scan3A to %scan3A_3 step %scan3A_4  : i32 {
      %mul3A_147 = arith.constant 1 : i32
      %mul3A_148 = arith.muli %scan3A_146, %mul3A_147 : i32
      %add3A_149 = arith.constant 0 : i32
      %add3A_150 = arith.addi %add3A_149, %mul3A_148 : i32
      %mul3A_151 = arith.constant 16 : i32
      %mul3A_152 = arith.muli %add3A_150, %mul3A_151 : i32
      %swap3A = arith.index_cast %mul3A_152 : i32 to index
      %swap3A_153 = tpu.vector_load %arg11[%swap3A] {strides = array<i32>} : memref<10000xf32, #tpu.memory_space<vmem>>, vector<16xf32>,
      tpu.vector_store %arg11[%swap3A], %broadcast_in_dim3A_1 {strides = array<i32>} : memref<10000xf32, #tpu.memory_space<vmem>>, vector<16xf32>,
    }
    %scan3A_5 = arith.constant 625 : i32
    %scan3A_6 = arith.constant 0 : i32
    %scan3A_7 = arith.constant 10 : i32
    %scan3A_8 = arith.addi %scan3A_6, %scan3A_7 : i32
    %scan3A_9 = arith.constant 1 : i32
    scf.for %scan3A_146 = %scan3A_6 to %scan3A_8 step %scan3A_9  : i32 {
      %mul3A_147 = arith.constant 1 : i32
      %mul3A_148 = arith.muli %scan3A_146, %mul3A_147 : i32
      %add3A_149 = arith.constant 0 : i32
      %add3A_150 = arith.addi %add3A_149, %mul3A_148 : i32
      %mul3A_151 = arith.constant 16 : i32
      %mul3A_152 = arith.muli %add3A_150, %mul3A_151 : i32
      %add3A_153 = arith.addi %mul3A_152, %arg1 : i32
      %lt3A = arith.constant 158 : i32
      %lt3A_154 = arith.cmpi slt, %add3A_153, %lt3A : i32
      %convert_element_type3A = arith.extui %lt3A_154 : i1 to i32
      %cond3A = arith.constant 0 : i32
      %cond3A_155 = arith.cmpi ne, %convert_element_type3A, %cond3A : i32
      scf.if %cond3A_155 {
        %mul3A_156 = arith.constant 158 : i32
        %mul3A_157 = arith.muli %arg0, %mul3A_156 : i32
        %add3A_158 = arith.addi %mul3A_157, %add3A_153 : i32
        %mul3A_159 = arith.constant 1024 : i32
        %mul3A_160 = arith.muli %add3A_158, %mul3A_159 : i32
        %dma_start3A_161 = arith.constant 0 : i32
        %dma_start3A_162 = tpu.memref_slice %arg4[%mul3A_160] : memref<323584xi32, #tpu.memory_space<hbm>> -> memref<1024xi32, #tpu.memory_space<hbm>>
        %dma_start3A_163 = tpu.memref_slice %arg25[%dma_start3A_161] : memref<4x!tpu.dma_semaphore, #tpu.memory_space<semaphore_mem>> -> memref<1x!tpu.dma_semaphore, #tpu.memory_space<semaphore_mem>>
        %dma_start3A_164 = tpu.memref_squeeze %dma_start3A_163 : memref<1x!tpu.dma_semaphore, #tpu.memory_space<semaphore_mem>> -> memref<!tpu.dma_semaphore, #tpu.memory_space<semaphore_mem>>
        %dma_start3A_165 = tpu.memref_slice %arg4[%mul3A_160] : memref<323584xi32, #tpu.memory_space<hbm>> -> memref<1024xi32, #tpu.memory_space<hbm>>
        tpu.enqueue_dma source(%dma_start3A_165 : memref<1024xi32, #tpu.memory_space<hbm>>) target(%arg19 : memref<1024xi32, #tpu.memory_space<vmem>>) target_semaphore(%dma_start3A_164 : memref<!tpu.dma_semaphore, #tpu.memory_space<semaphore_mem>>)
        %dma_wait3A = arith.constant 0 : i32
        %dma_wait3A_166 = tpu.memref_slice %arg4[%mul3A_160] : memref<323584xi32, #tpu.memory_space<hbm>> -> memref<1024xi32, #tpu.memory_space<hbm>>
        %dma_wait3A_167 = tpu.memref_slice %arg25[%dma_wait3A] : memref<4x!tpu.dma_semaphore, #tpu.memory_space<semaphore_mem>> -> memref<1x!tpu.dma_semaphore, #tpu.memory_space<semaphore_mem>>
        %dma_wait3A_168 = tpu.memref_squeeze %dma_wait3A_167 : memref<1x!tpu.dma_semaphore, #tpu.memory_space<semaphore_mem>> -> memref<!tpu.dma_semaphore, #tpu.memory_space<semaphore_mem>>
        %dma_wait3A_169 = tpu.memref_slice %arg4[%mul3A_160] : memref<323584xi32, #tpu.memory_space<hbm>> -> memref<1024xi32, #tpu.memory_space<hbm>>
        tpu.wait_dma2 semaphore(%dma_wait3A_168 : memref<!tpu.dma_semaphore, #tpu.memory_space<semaphore_mem>>) src(%dma_wait3A_169 : memref<1024xi32, #tpu.memory_space<hbm>>) dst(%arg19 : memref<1024xi32, #tpu.memory_space<vmem>>)
        %parallel_loop3A = arith.constant 0 : i32
        %parallel_loop3A_170 = arith.constant 512 : i32
        %parallel_loop3A_171 = arith.constant 16 : i32
        scf.for %parallel_loop3A_174 = %parallel_loop3A to %parallel_loop3A_170 step %parallel_loop3A_171  : i32 {
          %parallel_loop3A_175 = arith.index_cast %parallel_loop3A_174 : i32 to index
          %parallel_loop3A_176 = tpu.vector_load %arg19[%parallel_loop3A_175] {strides = array<i32>} : memref<1024xi32, #tpu.memory_space<vmem>>, vector<16xi32>,
          %parallel_loop3A_177 = arith.constant 16383 : i32
          %parallel_loop3A_178 = vector.broadcast %parallel_loop3A_177 : i32 to vector<16xi32>
          %parallel_loop3A_179 = arith.andi %parallel_loop3A_176, %parallel_loop3A_178 : vector<16xi32>
          %parallel_loop3A_180 = arith.constant 14 : i32
          %parallel_loop3A_181 = vector.broadcast %parallel_loop3A_180 : i32 to vector<16xi32>
          %parallel_loop3A_182 = arith.shrui %parallel_loop3A_176, %parallel_loop3A_181 : vector<16xi32>
          %parallel_loop3A_183 = arith.constant 512 : i32
          %parallel_loop3A_184 = arith.addi %parallel_loop3A_183, %parallel_loop3A_174 : i32
          %parallel_loop3A_185 = arith.index_cast %parallel_loop3A_184 : i32 to index
          %parallel_loop3A_186 = tpu.vector_load %arg19[%parallel_loop3A_185] {strides = array<i32>} : memref<1024xi32, #tpu.memory_space<vmem>>, vector<16xi32>,
          %parallel_loop3A_187 = arith.constant 16383 : i32
          %parallel_loop3A_188 = vector.broadcast %parallel_loop3A_187 : i32 to vector<16xi32>
          %parallel_loop3A_189 = arith.andi %parallel_loop3A_186, %parallel_loop3A_188 : vector<16xi32>
          %parallel_loop3A_190 = arith.constant 14 : i32
          %parallel_loop3A_191 = vector.broadcast %parallel_loop3A_190 : i32 to vector<16xi32>
          %parallel_loop3A_192 = arith.shrui %parallel_loop3A_186, %parallel_loop3A_191 : vector<16xi32>
          %parallel_loop3A_193 = arith.constant 1024 : i32
          %parallel_loop3A_194 = arith.muli %add3A_158, %parallel_loop3A_193 : i32
          %parallel_loop3A_195 = arith.addi %parallel_loop3A_194, %parallel_loop3A_174 : i32
          %parallel_loop3A_196 = vector.broadcast %parallel_loop3A_195 : i32 to vector<16xi32>
          %parallel_loop3A_197 = arith.addi %parallel_loop3A_196, %iota3A : vector<16xi32>
          %parallel_loop3A_198 = tpu.vector_load_idx %arg7[%parallel_loop3A_179] : memref<10000xi32, #tpu.memory_space<vmem>>[vector<16xi32>], vector<16xi32>,
          %parallel_loop3A_199 = tpu.vector_load_idx %arg7[%parallel_loop3A_182] : memref<10000xi32, #tpu.memory_space<vmem>>[vector<16xi32>], vector<16xi32>,
          %parallel_loop3A_200 = arith.constant 16 : i32
          %parallel_loop3A_201 = vector.broadcast %parallel_loop3A_200 : i32 to vector<16xi32>
          %parallel_loop3A_202 = arith.shli %parallel_loop3A_198, %parallel_loop3A_201 : vector<16xi32>
          %parallel_loop3A_203 = tpu.bitcast %parallel_loop3A_202 : vector<16xi32> -> vector<16xf32>
          %parallel_loop3A_204 = arith.constant -65536 : i32
          %parallel_loop3A_205 = vector.broadcast %parallel_loop3A_204 : i32 to vector<16xi32>
          %parallel_loop3A_206 = arith.andi %parallel_loop3A_199, %parallel_loop3A_205 : vector<16xi32>
          %parallel_loop3A_207 = tpu.bitcast %parallel_loop3A_206 : vector<16xi32> -> vector<16xf32>
          %parallel_loop3A_208 = arith.addf %parallel_loop3A_203, %parallel_loop3A_207 : vector<16xf32>
          %parallel_loop3A_209 = arith.constant 2.000000e-01 : f32
          %parallel_loop3A_210 = vector.broadcast %parallel_loop3A_209 : f32 to vector<16xf32>
          %parallel_loop3A_211 = arith.mulf %parallel_loop3A_210, %parallel_loop3A_208 : vector<16xf32>
          %parallel_loop3A_212 = arith.maximumf %parallel_loop3A_208, %parallel_loop3A_211 : vector<16xf32>
          %parallel_loop3A_213 = math.exp %parallel_loop3A_212 : vector<16xf32>
          %parallel_loop3A_214 = arith.constant 320000 : i32
          %parallel_loop3A_215 = vector.broadcast %parallel_loop3A_214 : i32 to vector<16xi32>
          %parallel_loop3A_216 = arith.cmpi slt, %parallel_loop3A_197, %parallel_loop3A_215 : vector<16xi32>
          %parallel_loop3A_217 = arith.constant 0.000000e+00 : f32
          %parallel_loop3A_218 = vector.broadcast %parallel_loop3A_217 : f32 to vector<16xf32>
          %parallel_loop3A_219 = arith.select %parallel_loop3A_216, %parallel_loop3A_213, %parallel_loop3A_218 : vector<16xi1>, vector<16xf32>
          %parallel_loop3A_220 = arith.constant 512 : i32
          %parallel_loop3A_221 = vector.broadcast %parallel_loop3A_220 : i32 to vector<16xi32>
          %parallel_loop3A_222 = arith.addi %parallel_loop3A_197, %parallel_loop3A_221 : vector<16xi32>
          %parallel_loop3A_223 = tpu.vector_load_idx %arg7[%parallel_loop3A_189] : memref<10000xi32, #tpu.memory_space<vmem>>[vector<16xi32>], vector<16xi32>,
          %parallel_loop3A_224 = tpu.vector_load_idx %arg7[%parallel_loop3A_192] : memref<10000xi32, #tpu.memory_space<vmem>>[vector<16xi32>], vector<16xi32>,
          %parallel_loop3A_225 = arith.constant 16 : i32
          %parallel_loop3A_226 = vector.broadcast %parallel_loop3A_225 : i32 to vector<16xi32>
          %parallel_loop3A_227 = arith.shli %parallel_loop3A_223, %parallel_loop3A_226 : vector<16xi32>
          %parallel_loop3A_228 = tpu.bitcast %parallel_loop3A_227 : vector<16xi32> -> vector<16xf32>
          %parallel_loop3A_229 = arith.constant -65536 : i32
          %parallel_loop3A_230 = vector.broadcast %parallel_loop3A_229 : i32 to vector<16xi32>
          %parallel_loop3A_231 = arith.andi %parallel_loop3A_224, %parallel_loop3A_230 : vector<16xi32>
          %parallel_loop3A_232 = tpu.bitcast %parallel_loop3A_231 : vector<16xi32> -> vector<16xf32>
          %parallel_loop3A_233 = arith.addf %parallel_loop3A_228, %parallel_loop3A_232 : vector<16xf32>
          %parallel_loop3A_234 = arith.constant 2.000000e-01 : f32
          %parallel_loop3A_235 = vector.broadcast %parallel_loop3A_234 : f32 to vector<16xf32>
          %parallel_loop3A_236 = arith.mulf %parallel_loop3A_235, %parallel_loop3A_233 : vector<16xf32>
          %parallel_loop3A_237 = arith.maximumf %parallel_loop3A_233, %parallel_loop3A_236 : vector<16xf32>
          %parallel_loop3A_238 = math.exp %parallel_loop3A_237 : vector<16xf32>
          %parallel_loop3A_239 = arith.constant 320000 : i32
          %parallel_loop3A_240 = vector.broadcast %parallel_loop3A_239 : i32 to vector<16xi32>
          %parallel_loop3A_241 = arith.cmpi slt, %parallel_loop3A_222, %parallel_loop3A_240 : vector<16xi32>
          %parallel_loop3A_242 = arith.constant 0.000000e+00 : f32
          %parallel_loop3A_243 = vector.broadcast %parallel_loop3A_242 : f32 to vector<16xf32>
          %parallel_loop3A_244 = arith.select %parallel_loop3A_241, %parallel_loop3A_238, %parallel_loop3A_243 : vector<16xi1>, vector<16xf32>
          %parallel_loop3A_245 = tpu.bitcast %parallel_loop3A_219 : vector<16xf32> -> vector<16xi32>
          %parallel_loop3A_246 = arith.constant 32768 : i32
          %parallel_loop3A_247 = vector.broadcast %parallel_loop3A_246 : i32 to vector<16xi32>
          %parallel_loop3A_248 = arith.addi %parallel_loop3A_245, %parallel_loop3A_247 : vector<16xi32>
          %parallel_loop3A_249 = tpu.bitcast %parallel_loop3A_244 : vector<16xf32> -> vector<16xi32>
          %parallel_loop3A_250 = arith.constant 32768 : i32
          %parallel_loop3A_251 = vector.broadcast %parallel_loop3A_250 : i32 to vector<16xi32>
          %parallel_loop3A_252 = arith.addi %parallel_loop3A_249, %parallel_loop3A_251 : vector<16xi32>
          %parallel_loop3A_253 = arith.constant 16 : i32
          %parallel_loop3A_254 = vector.broadcast %parallel_loop3A_253 : i32 to vector<16xi32>
          %parallel_loop3A_255 = arith.shrui %parallel_loop3A_248, %parallel_loop3A_254 : vector<16xi32>
          %parallel_loop3A_256 = arith.constant -65536 : i32
          %parallel_loop3A_257 = vector.broadcast %parallel_loop3A_256 : i32 to vector<16xi32>
          %parallel_loop3A_258 = arith.andi %parallel_loop3A_252, %parallel_loop3A_257 : vector<16xi32>
          %parallel_loop3A_259 = arith.ori %parallel_loop3A_255, %parallel_loop3A_258 : vector<16xi32>
          %parallel_loop3A_260 = arith.index_cast %parallel_loop3A_174 : i32 to index
          %parallel_loop3A_261 = tpu.vector_load %arg23[%parallel_loop3A_260] {strides = array<i32>} : memref<512xi32, #tpu.memory_space<vmem>>, vector<16xi32>,
          tpu.vector_store %arg23[%parallel_loop3A_260], %parallel_loop3A_259 {strides = array<i32>} : memref<512xi32, #tpu.memory_space<vmem>>, vector<16xi32>,
          %parallel_loop3A_262 = arith.constant 16 : i32
          %parallel_loop3A_263 = vector.broadcast %parallel_loop3A_262 : i32 to vector<16xi32>
          %parallel_loop3A_264 = arith.shli %parallel_loop3A_259, %parallel_loop3A_263 : vector<16xi32>
          %parallel_loop3A_265 = tpu.bitcast %parallel_loop3A_264 : vector<16xi32> -> vector<16xf32>
          tpu.vector_store_idx %arg11[%parallel_loop3A_182], %parallel_loop3A_265 {add = true} : memref<10000xf32, #tpu.memory_space<vmem>>[vector<16xi32>], vector<16xf32>,
          %parallel_loop3A_266 = arith.constant -65536 : i32
          %parallel_loop3A_267 = vector.broadcast %parallel_loop3A_266 : i32 to vector<16xi32>
          %parallel_loop3A_268 = arith.andi %parallel_loop3A_259, %parallel_loop3A_267 : vector<16xi32>
          %parallel_loop3A_269 = tpu.bitcast %parallel_loop3A_268 : vector<16xi32> -> vector<16xf32>
          tpu.vector_store_idx %arg11[%parallel_loop3A_192], %parallel_loop3A_269 {add = true} : memref<10000xf32, #tpu.memory_space<vmem>>[vector<16xi32>], vector<16xf32>,
        } {sc.loop_unroll_factor = 4 : i64, sc.parallel_access}
        %mul3A_172 = arith.constant 512 : i32
        %mul3A_173 = arith.muli %add3A_153, %mul3A_172 : i32
        "tpu.region"() ({
          %run_scoped3A = tpu.sem_alloc : memref<!tpu.dma_semaphore, #tpu.memory_space<semaphore_mem>>
          %dma_start3A_174 = tpu.memref_slice %arg24[%mul3A_173] : memref<80896xi32, #tpu.memory_space<vmem_shared>> -> memref<512xi32, #tpu.memory_space<vmem_shared>>
          %dma_start3A_175 = tpu.memref_slice %arg24[%mul3A_173] : memref<80896xi32, #tpu.memory_space<vmem_shared>> -> memref<512xi32, #tpu.memory_space<vmem_shared>>
          tpu.enqueue_dma source(%arg23 : memref<512xi32, #tpu.memory_space<vmem>>) target(%dma_start3A_175 : memref<512xi32, #tpu.memory_space<vmem_shared>>) target_semaphore(%run_scoped3A : memref<!tpu.dma_semaphore, #tpu.memory_space<semaphore_mem>>)
          %dma_wait3A_176 = tpu.memref_slice %arg24[%mul3A_173] : memref<80896xi32, #tpu.memory_space<vmem_shared>> -> memref<512xi32, #tpu.memory_space<vmem_shared>>
          %dma_wait3A_177 = tpu.memref_slice %arg24[%mul3A_173] : memref<80896xi32, #tpu.memory_space<vmem_shared>> -> memref<512xi32, #tpu.memory_space<vmem_shared>>
          tpu.wait_dma2 semaphore(%run_scoped3A : memref<!tpu.dma_semaphore, #tpu.memory_space<semaphore_mem>>) src(%arg23 : memref<512xi32, #tpu.memory_space<vmem>>) dst(%dma_wait3A_177 : memref<512xi32, #tpu.memory_space<vmem_shared>>)
          tpu.yield
        }) : () -> ()
      } else {
      }
    }
    %scan3A_10 = arith.constant 10 : i32
    %mul3A_11 = arith.constant 10000 : i32
    %mul3A_12 = arith.muli %add3A, %mul3A_11 : i32
    "tpu.region"() ({
      %run_scoped3A = tpu.sem_alloc : memref<!tpu.dma_semaphore, #tpu.memory_space<semaphore_mem>>
      %dma_start3A_146 = tpu.memref_slice %arg6[%mul3A_12] : memref<320000xf32, #tpu.memory_space<hbm>> -> memref<10000xf32, #tpu.memory_space<hbm>>
      %dma_start3A_147 = tpu.memref_slice %arg6[%mul3A_12] : memref<320000xf32, #tpu.memory_space<hbm>> -> memref<10000xf32, #tpu.memory_space<hbm>>
      tpu.enqueue_dma source(%arg11 : memref<10000xf32, #tpu.memory_space<vmem>>) target(%dma_start3A_147 : memref<10000xf32, #tpu.memory_space<hbm>>) target_semaphore(%run_scoped3A : memref<!tpu.dma_semaphore, #tpu.memory_space<semaphore_mem>>)
      %dma_wait3A = tpu.memref_slice %arg6[%mul3A_12] : memref<320000xf32, #tpu.memory_space<hbm>> -> memref<10000xf32, #tpu.memory_space<hbm>>
      %dma_wait3A_148 = tpu.memref_slice %arg6[%mul3A_12] : memref<320000xf32, #tpu.memory_space<hbm>> -> memref<10000xf32, #tpu.memory_space<hbm>>
      tpu.wait_dma2 semaphore(%run_scoped3A : memref<!tpu.dma_semaphore, #tpu.memory_space<semaphore_mem>>) src(%arg11 : memref<10000xf32, #tpu.memory_space<vmem>>) dst(%dma_wait3A_148 : memref<10000xf32, #tpu.memory_space<hbm>>)
      tpu.yield
    }) : () -> ()
    %mul3A_13 = arith.constant 4 : i32
    %mul3A_14 = arith.muli %arg1, %mul3A_13 : i32
    %add3A_15 = arith.constant 0 : i32
    %add3A_16 = arith.addi %mul3A_14, %add3A_15 : i32
    %mul3A_17 = arith.constant 10000 : i32
    %mul3A_18 = arith.muli %add3A_16, %mul3A_17 : i32
    "tpu.region"() ({
      %run_scoped3A = tpu.sem_alloc : memref<!tpu.dma_semaphore, #tpu.memory_space<semaphore_mem>>
      %dma_start3A_146 = tpu.memref_slice %arg2[%mul3A_18] : memref<640000xi32, #tpu.memory_space<hbm>> -> memref<10000xi32, #tpu.memory_space<hbm>>
      %dma_start3A_147 = tpu.memref_slice %arg2[%mul3A_18] : memref<640000xi32, #tpu.memory_space<hbm>> -> memref<10000xi32, #tpu.memory_space<hbm>>
      tpu.enqueue_dma source(%dma_start3A_147 : memref<10000xi32, #tpu.memory_space<hbm>>) target(%arg7 : memref<10000xi32, #tpu.memory_space<vmem>>) target_semaphore(%run_scoped3A : memref<!tpu.dma_semaphore, #tpu.memory_space<semaphore_mem>>)
      %dma_wait3A = tpu.memref_slice %arg2[%mul3A_18] : memref<640000xi32, #tpu.memory_space<hbm>> -> memref<10000xi32, #tpu.memory_space<hbm>>
      %dma_wait3A_148 = tpu.memref_slice %arg2[%mul3A_18] : memref<640000xi32, #tpu.memory_space<hbm>> -> memref<10000xi32, #tpu.memory_space<hbm>>
      tpu.wait_dma2 semaphore(%run_scoped3A : memref<!tpu.dma_semaphore, #tpu.memory_space<semaphore_mem>>) src(%dma_wait3A_148 : memref<10000xi32, #tpu.memory_space<hbm>>) dst(%arg7 : memref<10000xi32, #tpu.memory_space<vmem>>)
      tpu.yield
    }) : () -> ()
    %mul3A_19 = arith.constant 4 : i32
    %mul3A_20 = arith.muli %arg1, %mul3A_19 : i32
    %add3A_21 = arith.constant 1 : i32
    %add3A_22 = arith.addi %mul3A_20, %add3A_21 : i32
    %mul3A_23 = arith.constant 10000 : i32
    %mul3A_24 = arith.muli %add3A_22, %mul3A_23 : i32
    "tpu.region"() ({
      %run_scoped3A = tpu.sem_alloc : memref<!tpu.dma_semaphore, #tpu.memory_space<semaphore_mem>>
      %dma_start3A_146 = tpu.memref_slice %arg2[%mul3A_24] : memref<640000xi32, #tpu.memory_space<hbm>> -> memref<10000xi32, #tpu.memory_space<hbm>>
      %dma_start3A_147 = tpu.memref_slice %arg2[%mul3A_24] : memref<640000xi32, #tpu.memory_space<hbm>> -> memref<10000xi32, #tpu.memory_space<hbm>>
      tpu.enqueue_dma source(%dma_start3A_147 : memref<10000xi32, #tpu.memory_space<hbm>>) target(%arg8 : memref<10000xi32, #tpu.memory_space<vmem>>) target_semaphore(%run_scoped3A : memref<!tpu.dma_semaphore, #tpu.memory_space<semaphore_mem>>)
      %dma_wait3A = tpu.memref_slice %arg2[%mul3A_24] : memref<640000xi32, #tpu.memory_space<hbm>> -> memref<10000xi32, #tpu.memory_space<hbm>>
      %dma_wait3A_148 = tpu.memref_slice %arg2[%mul3A_24] : memref<640000xi32, #tpu.memory_space<hbm>> -> memref<10000xi32, #tpu.memory_space<hbm>>
      tpu.wait_dma2 semaphore(%run_scoped3A : memref<!tpu.dma_semaphore, #tpu.memory_space<semaphore_mem>>) src(%dma_wait3A_148 : memref<10000xi32, #tpu.memory_space<hbm>>) dst(%arg8 : memref<10000xi32, #tpu.memory_space<vmem>>)
      tpu.yield
    }) : () -> ()
    %mul3A_25 = arith.constant 4 : i32
    %mul3A_26 = arith.muli %arg1, %mul3A_25 : i32
    %add3A_27 = arith.constant 2 : i32
    %add3A_28 = arith.addi %mul3A_26, %add3A_27 : i32
    %mul3A_29 = arith.constant 10000 : i32
    %mul3A_30 = arith.muli %add3A_28, %mul3A_29 : i32
    "tpu.region"() ({
      %run_scoped3A = tpu.sem_alloc : memref<!tpu.dma_semaphore, #tpu.memory_space<semaphore_mem>>
      %dma_start3A_146 = tpu.memref_slice %arg2[%mul3A_30] : memref<640000xi32, #tpu.memory_space<hbm>> -> memref<10000xi32, #tpu.memory_space<hbm>>
      %dma_start3A_147 = tpu.memref_slice %arg2[%mul3A_30] : memref<640000xi32, #tpu.memory_space<hbm>> -> memref<10000xi32, #tpu.memory_space<hbm>>
      tpu.enqueue_dma source(%dma_start3A_147 : memref<10000xi32, #tpu.memory_space<hbm>>) target(%arg9 : memref<10000xi32, #tpu.memory_space<vmem>>) target_semaphore(%run_scoped3A : memref<!tpu.dma_semaphore, #tpu.memory_space<semaphore_mem>>)
      %dma_wait3A = tpu.memref_slice %arg2[%mul3A_30] : memref<640000xi32, #tpu.memory_space<hbm>> -> memref<10000xi32, #tpu.memory_space<hbm>>
      %dma_wait3A_148 = tpu.memref_slice %arg2[%mul3A_30] : memref<640000xi32, #tpu.memory_space<hbm>> -> memref<10000xi32, #tpu.memory_space<hbm>>
      tpu.wait_dma2 semaphore(%run_scoped3A : memref<!tpu.dma_semaphore, #tpu.memory_space<semaphore_mem>>) src(%dma_wait3A_148 : memref<10000xi32, #tpu.memory_space<hbm>>) dst(%arg9 : memref<10000xi32, #tpu.memory_space<vmem>>)
      tpu.yield
    }) : () -> ()
    %mul3A_31 = arith.constant 4 : i32
    %mul3A_32 = arith.muli %arg1, %mul3A_31 : i32
    %add3A_33 = arith.constant 3 : i32
    %add3A_34 = arith.addi %mul3A_32, %add3A_33 : i32
    %mul3A_35 = arith.constant 10000 : i32
    %mul3A_36 = arith.muli %add3A_34, %mul3A_35 : i32
    "tpu.region"() ({
      %run_scoped3A = tpu.sem_alloc : memref<!tpu.dma_semaphore, #tpu.memory_space<semaphore_mem>>
      %dma_start3A_146 = tpu.memref_slice %arg2[%mul3A_36] : memref<640000xi32, #tpu.memory_space<hbm>> -> memref<10000xi32, #tpu.memory_space<hbm>>
      %dma_start3A_147 = tpu.memref_slice %arg2[%mul3A_36] : memref<640000xi32, #tpu.memory_space<hbm>> -> memref<10000xi32, #tpu.memory_space<hbm>>
      tpu.enqueue_dma source(%dma_start3A_147 : memref<10000xi32, #tpu.memory_space<hbm>>) target(%arg10 : memref<10000xi32, #tpu.memory_space<vmem>>) target_semaphore(%run_scoped3A : memref<!tpu.dma_semaphore, #tpu.memory_space<semaphore_mem>>)
      %dma_wait3A = tpu.memref_slice %arg2[%mul3A_36] : memref<640000xi32, #tpu.memory_space<hbm>> -> memref<10000xi32, #tpu.memory_space<hbm>>
      %dma_wait3A_148 = tpu.memref_slice %arg2[%mul3A_36] : memref<640000xi32, #tpu.memory_space<hbm>> -> memref<10000xi32, #tpu.memory_space<hbm>>
      tpu.wait_dma2 semaphore(%run_scoped3A : memref<!tpu.dma_semaphore, #tpu.memory_space<semaphore_mem>>) src(%dma_wait3A_148 : memref<10000xi32, #tpu.memory_space<hbm>>) dst(%arg10 : memref<10000xi32, #tpu.memory_space<vmem>>)
      tpu.yield
    }) : () -> ()
    %scan3A_37 = arith.constant 0 : i32
    %scan3A_38 = arith.constant 625 : i32
    %scan3A_39 = arith.addi %scan3A_37, %scan3A_38 : i32
    %scan3A_40 = arith.constant 1 : i32
    scf.for %scan3A_146 = %scan3A_37 to %scan3A_39 step %scan3A_40  : i32 {
      %mul3A_147 = arith.constant 1 : i32
      %mul3A_148 = arith.muli %scan3A_146, %mul3A_147 : i32
      %add3A_149 = arith.constant 0 : i32
      %add3A_150 = arith.addi %add3A_149, %mul3A_148 : i32
      %mul3A_151 = arith.constant 16 : i32
      %mul3A_152 = arith.muli %add3A_150, %mul3A_151 : i32
      %swap3A = arith.index_cast %mul3A_152 : i32 to index
      %swap3A_153 = tpu.vector_load %arg11[%swap3A] {strides = array<i32>} : memref<10000xf32, #tpu.memory_space<vmem>>, vector<16xf32>,
      tpu.vector_store %arg11[%swap3A], %broadcast_in_dim3A_1 {strides = array<i32>} : memref<10000xf32, #tpu.memory_space<vmem>>, vector<16xf32>,
      %mul3A_154 = arith.constant 16 : i32
      %mul3A_155 = arith.muli %add3A_150, %mul3A_154 : i32
      %swap3A_156 = arith.index_cast %mul3A_155 : i32 to index
      %swap3A_157 = tpu.vector_load %arg12[%swap3A_156] {strides = array<i32>} : memref<10000xf32, #tpu.memory_space<vmem>>, vector<16xf32>,
      tpu.vector_store %arg12[%swap3A_156], %broadcast_in_dim3A_1 {strides = array<i32>} : memref<10000xf32, #tpu.memory_space<vmem>>, vector<16xf32>,
      %mul3A_158 = arith.constant 16 : i32
      %mul3A_159 = arith.muli %add3A_150, %mul3A_158 : i32
      %swap3A_160 = arith.index_cast %mul3A_159 : i32 to index
      %swap3A_161 = tpu.vector_load %arg13[%swap3A_160] {strides = array<i32>} : memref<10000xf32, #tpu.memory_space<vmem>>, vector<16xf32>,
      tpu.vector_store %arg13[%swap3A_160], %broadcast_in_dim3A_1 {strides = array<i32>} : memref<10000xf32, #tpu.memory_space<vmem>>, vector<16xf32>,
      %mul3A_162 = arith.constant 16 : i32
      %mul3A_163 = arith.muli %add3A_150, %mul3A_162 : i32
      %swap3A_164 = arith.index_cast %mul3A_163 : i32 to index
      %swap3A_165 = tpu.vector_load %arg14[%swap3A_164] {strides = array<i32>} : memref<10000xf32, #tpu.memory_space<vmem>>, vector<16xf32>,
      tpu.vector_store %arg14[%swap3A_164], %broadcast_in_dim3A_1 {strides = array<i32>} : memref<10000xf32, #tpu.memory_space<vmem>>, vector<16xf32>,
      %mul3A_166 = arith.constant 16 : i32
      %mul3A_167 = arith.muli %add3A_150, %mul3A_166 : i32
      %swap3A_168 = arith.index_cast %mul3A_167 : i32 to index
      %swap3A_169 = tpu.vector_load %arg15[%swap3A_168] {strides = array<i32>} : memref<10000xf32, #tpu.memory_space<vmem>>, vector<16xf32>,
      tpu.vector_store %arg15[%swap3A_168], %broadcast_in_dim3A_1 {strides = array<i32>} : memref<10000xf32, #tpu.memory_space<vmem>>, vector<16xf32>,
      %mul3A_170 = arith.constant 16 : i32
      %mul3A_171 = arith.muli %add3A_150, %mul3A_170 : i32
      %swap3A_172 = arith.index_cast %mul3A_171 : i32 to index
      %swap3A_173 = tpu.vector_load %arg16[%swap3A_172] {strides = array<i32>} : memref<10000xf32, #tpu.memory_space<vmem>>, vector<16xf32>,
      tpu.vector_store %arg16[%swap3A_172], %broadcast_in_dim3A_1 {strides = array<i32>} : memref<10000xf32, #tpu.memory_space<vmem>>, vector<16xf32>,
      %mul3A_174 = arith.constant 16 : i32
      %mul3A_175 = arith.muli %add3A_150, %mul3A_174 : i32
      %swap3A_176 = arith.index_cast %mul3A_175 : i32 to index
      %swap3A_177 = tpu.vector_load %arg17[%swap3A_176] {strides = array<i32>} : memref<10000xf32, #tpu.memory_space<vmem>>, vector<16xf32>,
      tpu.vector_store %arg17[%swap3A_176], %broadcast_in_dim3A_1 {strides = array<i32>} : memref<10000xf32, #tpu.memory_space<vmem>>, vector<16xf32>,
      %mul3A_178 = arith.constant 16 : i32
      %mul3A_179 = arith.muli %add3A_150, %mul3A_178 : i32
      %swap3A_180 = arith.index_cast %mul3A_179 : i32 to index
      %swap3A_181 = tpu.vector_load %arg18[%swap3A_180] {strides = array<i32>} : memref<10000xf32, #tpu.memory_space<vmem>>, vector<16xf32>,
      tpu.vector_store %arg18[%swap3A_180], %broadcast_in_dim3A_1 {strides = array<i32>} : memref<10000xf32, #tpu.memory_space<vmem>>, vector<16xf32>,
    }
    %scan3A_41 = arith.constant 625 : i32
    %barrier3A = arith.constant 0 : index
    tpu.barrier barrier_id(%barrier3A)
    %mul3A_42 = arith.constant 158 : i32
    %mul3A_43 = arith.muli %arg0, %mul3A_42 : i32
    %add3A_44 = arith.constant 0 : i32
    %add3A_45 = arith.addi %mul3A_43, %add3A_44 : i32
    %mul3A_46 = arith.constant 1024 : i32
    %mul3A_47 = arith.muli %add3A_45, %mul3A_46 : i32
    %dma_start3A = arith.constant 0 : i32
    %dma_start3A_48 = tpu.memref_slice %arg4[%mul3A_47] : memref<323584xi32, #tpu.memory_space<hbm>> -> memref<1024xi32, #tpu.memory_space<hbm>>
    %dma_start3A_49 = tpu.memref_slice %arg25[%dma_start3A] : memref<4x!tpu.dma_semaphore, #tpu.memory_space<semaphore_mem>> -> memref<1x!tpu.dma_semaphore, #tpu.memory_space<semaphore_mem>>
    %dma_start3A_50 = tpu.memref_squeeze %dma_start3A_49 : memref<1x!tpu.dma_semaphore, #tpu.memory_space<semaphore_mem>> -> memref<!tpu.dma_semaphore, #tpu.memory_space<semaphore_mem>>
    %dma_start3A_51 = tpu.memref_slice %arg4[%mul3A_47] : memref<323584xi32, #tpu.memory_space<hbm>> -> memref<1024xi32, #tpu.memory_space<hbm>>
    tpu.enqueue_dma source(%dma_start3A_51 : memref<1024xi32, #tpu.memory_space<hbm>>) target(%arg19 : memref<1024xi32, #tpu.memory_space<vmem>>) target_semaphore(%dma_start3A_50 : memref<!tpu.dma_semaphore, #tpu.memory_space<semaphore_mem>>)
    %dma_start3A_52 = arith.constant 1 : i32
    %dma_start3A_53 = arith.constant 0 : i32
    %dma_start3A_54 = tpu.memref_slice %arg24[%dma_start3A_53] : memref<80896xi32, #tpu.memory_space<vmem_shared>> -> memref<512xi32, #tpu.memory_space<vmem_shared>>
    %dma_start3A_55 = tpu.memref_slice %arg25[%dma_start3A_52] : memref<4x!tpu.dma_semaphore, #tpu.memory_space<semaphore_mem>> -> memref<1x!tpu.dma_semaphore, #tpu.memory_space<semaphore_mem>>
    %dma_start3A_56 = tpu.memref_squeeze %dma_start3A_55 : memref<1x!tpu.dma_semaphore, #tpu.memory_space<semaphore_mem>> -> memref<!tpu.dma_semaphore, #tpu.memory_space<semaphore_mem>>
    %dma_start3A_57 = arith.constant 0 : i32
    %dma_start3A_58 = tpu.memref_slice %arg24[%dma_start3A_57] : memref<80896xi32, #tpu.memory_space<vmem_shared>> -> memref<512xi32, #tpu.memory_space<vmem_shared>>
    tpu.enqueue_dma source(%dma_start3A_58 : memref<512xi32, #tpu.memory_space<vmem_shared>>) target(%arg21 : memref<512xi32, #tpu.memory_space<vmem>>) target_semaphore(%dma_start3A_56 : memref<!tpu.dma_semaphore, #tpu.memory_space<semaphore_mem>>)
    %mul3A_59 = arith.constant 158 : i32
    %mul3A_60 = arith.muli %arg0, %mul3A_59 : i32
    %add3A_61 = arith.constant 1 : i32
    %add3A_62 = arith.addi %mul3A_60, %add3A_61 : i32
    %mul3A_63 = arith.constant 1024 : i32
    %mul3A_64 = arith.muli %add3A_62, %mul3A_63 : i32
    %dma_start3A_65 = arith.constant 2 : i32
    %dma_start3A_66 = tpu.memref_slice %arg4[%mul3A_64] : memref<323584xi32, #tpu.memory_space<hbm>> -> memref<1024xi32, #tpu.memory_space<hbm>>
    %dma_start3A_67 = tpu.memref_slice %arg25[%dma_start3A_65] : memref<4x!tpu.dma_semaphore, #tpu.memory_space<semaphore_mem>> -> memref<1x!tpu.dma_semaphore, #tpu.memory_space<semaphore_mem>>
    %dma_start3A_68 = tpu.memref_squeeze %dma_start3A_67 : memref<1x!tpu.dma_semaphore, #tpu.memory_space<semaphore_mem>> -> memref<!tpu.dma_semaphore, #tpu.memory_space<semaphore_mem>>
    %dma_start3A_69 = tpu.memref_slice %arg4[%mul3A_64] : memref<323584xi32, #tpu.memory_space<hbm>> -> memref<1024xi32, #tpu.memory_space<hbm>>
    tpu.enqueue_dma source(%dma_start3A_69 : memref<1024xi32, #tpu.memory_space<hbm>>) target(%arg20 : memref<1024xi32, #tpu.memory_space<vmem>>) target_semaphore(%dma_start3A_68 : memref<!tpu.dma_semaphore, #tpu.memory_space<semaphore_mem>>)
    %dma_start3A_70 = arith.constant 3 : i32
    %dma_start3A_71 = arith.constant 512 : i32
    %dma_start3A_72 = tpu.memref_slice %arg24[%dma_start3A_71] : memref<80896xi32, #tpu.memory_space<vmem_shared>> -> memref<512xi32, #tpu.memory_space<vmem_shared>>
    %dma_start3A_73 = tpu.memref_slice %arg25[%dma_start3A_70] : memref<4x!tpu.dma_semaphore, #tpu.memory_space<semaphore_mem>> -> memref<1x!tpu.dma_semaphore, #tpu.memory_space<semaphore_mem>>
    %dma_start3A_74 = tpu.memref_squeeze %dma_start3A_73 : memref<1x!tpu.dma_semaphore, #tpu.memory_space<semaphore_mem>> -> memref<!tpu.dma_semaphore, #tpu.memory_space<semaphore_mem>>
    %dma_start3A_75 = arith.constant 512 : i32
    %dma_start3A_76 = tpu.memref_slice %arg24[%dma_start3A_75] : memref<80896xi32, #tpu.memory_space<vmem_shared>> -> memref<512xi32, #tpu.memory_space<vmem_shared>>
    tpu.enqueue_dma source(%dma_start3A_76 : memref<512xi32, #tpu.memory_space<vmem_shared>>) target(%arg22 : memref<512xi32, #tpu.memory_space<vmem>>) target_semaphore(%dma_start3A_74 : memref<!tpu.dma_semaphore, #tpu.memory_space<semaphore_mem>>)
    %scan3A_77 = arith.constant 0 : i32
    %scan3A_78 = arith.constant 79 : i32
    %scan3A_79 = arith.addi %scan3A_77, %scan3A_78 : i32
    %scan3A_80 = arith.constant 1 : i32
    scf.for %scan3A_146 = %scan3A_77 to %scan3A_79 step %scan3A_80  : i32 {
      %mul3A_147 = arith.constant 1 : i32
      %mul3A_148 = arith.muli %scan3A_146, %mul3A_147 : i32
      %add3A_149 = arith.constant 0 : i32
      %add3A_150 = arith.addi %add3A_149, %mul3A_148 : i32
      %mul3A_151 = arith.constant 2 : i32
      %mul3A_152 = arith.muli %add3A_150, %mul3A_151 : i32
      %dma_wait3A = arith.constant 0 : i32
      %dma_wait3A_153 = arith.constant 0 : i32
      %dma_wait3A_154 = tpu.memref_slice %arg4[%dma_wait3A_153] : memref<323584xi32, #tpu.memory_space<hbm>> -> memref<1024xi32, #tpu.memory_space<hbm>>
      %dma_wait3A_155 = tpu.memref_slice %arg25[%dma_wait3A] : memref<4x!tpu.dma_semaphore, #tpu.memory_space<semaphore_mem>> -> memref<1x!tpu.dma_semaphore, #tpu.memory_space<semaphore_mem>>
      %dma_wait3A_156 = tpu.memref_squeeze %dma_wait3A_155 : memref<1x!tpu.dma_semaphore, #tpu.memory_space<semaphore_mem>> -> memref<!tpu.dma_semaphore, #tpu.memory_space<semaphore_mem>>
      %dma_wait3A_157 = arith.constant 0 : i32
      %dma_wait3A_158 = tpu.memref_slice %arg4[%dma_wait3A_157] : memref<323584xi32, #tpu.memory_space<hbm>> -> memref<1024xi32, #tpu.memory_space<hbm>>
      tpu.wait_dma2 semaphore(%dma_wait3A_156 : memref<!tpu.dma_semaphore, #tpu.memory_space<semaphore_mem>>) src(%dma_wait3A_158 : memref<1024xi32, #tpu.memory_space<hbm>>) dst(%arg19 : memref<1024xi32, #tpu.memory_space<vmem>>)
      %dma_wait3A_159 = arith.constant 1 : i32
      %dma_wait3A_160 = arith.constant 0 : i32
      %dma_wait3A_161 = tpu.memref_slice %arg24[%dma_wait3A_160] : memref<80896xi32, #tpu.memory_space<vmem_shared>> -> memref<512xi32, #tpu.memory_space<vmem_shared>>
      %dma_wait3A_162 = tpu.memref_slice %arg25[%dma_wait3A_159] : memref<4x!tpu.dma_semaphore, #tpu.memory_space<semaphore_mem>> -> memref<1x!tpu.dma_semaphore, #tpu.memory_space<semaphore_mem>>
      %dma_wait3A_163 = tpu.memref_squeeze %dma_wait3A_162 : memref<1x!tpu.dma_semaphore, #tpu.memory_space<semaphore_mem>> -> memref<!tpu.dma_semaphore, #tpu.memory_space<semaphore_mem>>
      %dma_wait3A_164 = arith.constant 0 : i32
      %dma_wait3A_165 = tpu.memref_slice %arg24[%dma_wait3A_164] : memref<80896xi32, #tpu.memory_space<vmem_shared>> -> memref<512xi32, #tpu.memory_space<vmem_shared>>
      tpu.wait_dma2 semaphore(%dma_wait3A_163 : memref<!tpu.dma_semaphore, #tpu.memory_space<semaphore_mem>>) src(%dma_wait3A_165 : memref<512xi32, #tpu.memory_space<vmem_shared>>) dst(%arg21 : memref<512xi32, #tpu.memory_space<vmem>>)
      %parallel_loop3A = arith.constant 0 : i32
      %parallel_loop3A_166 = arith.constant 512 : i32
      %parallel_loop3A_167 = arith.constant 16 : i32
      scf.for %parallel_loop3A_192 = %parallel_loop3A to %parallel_loop3A_166 step %parallel_loop3A_167  : i32 {
        %parallel_loop3A_193 = arith.index_cast %parallel_loop3A_192 : i32 to index
        %parallel_loop3A_194 = tpu.vector_load %arg21[%parallel_loop3A_193] {strides = array<i32>} : memref<512xi32, #tpu.memory_space<vmem>>, vector<16xi32>,
        %parallel_loop3A_195 = arith.constant 16 : i32
        %parallel_loop3A_196 = vector.broadcast %parallel_loop3A_195 : i32 to vector<16xi32>
        %parallel_loop3A_197 = arith.shli %parallel_loop3A_194, %parallel_loop3A_196 : vector<16xi32>
        %parallel_loop3A_198 = tpu.bitcast %parallel_loop3A_197 : vector<16xi32> -> vector<16xf32>
        %parallel_loop3A_199 = arith.constant -65536 : i32
        %parallel_loop3A_200 = vector.broadcast %parallel_loop3A_199 : i32 to vector<16xi32>
        %parallel_loop3A_201 = arith.andi %parallel_loop3A_194, %parallel_loop3A_200 : vector<16xi32>
        %parallel_loop3A_202 = tpu.bitcast %parallel_loop3A_201 : vector<16xi32> -> vector<16xf32>
        %parallel_loop3A_203 = arith.index_cast %parallel_loop3A_192 : i32 to index
        %parallel_loop3A_204 = tpu.vector_load %arg19[%parallel_loop3A_203] {strides = array<i32>} : memref<1024xi32, #tpu.memory_space<vmem>>, vector<16xi32>,
        %parallel_loop3A_205 = arith.constant 16383 : i32
        %parallel_loop3A_206 = vector.broadcast %parallel_loop3A_205 : i32 to vector<16xi32>
        %parallel_loop3A_207 = arith.andi %parallel_loop3A_204, %parallel_loop3A_206 : vector<16xi32>
        %parallel_loop3A_208 = arith.constant 14 : i32
        %parallel_loop3A_209 = vector.broadcast %parallel_loop3A_208 : i32 to vector<16xi32>
        %parallel_loop3A_210 = arith.shrui %parallel_loop3A_204, %parallel_loop3A_209 : vector<16xi32>
        %parallel_loop3A_211 = arith.constant 512 : i32
        %parallel_loop3A_212 = arith.addi %parallel_loop3A_211, %parallel_loop3A_192 : i32
        %parallel_loop3A_213 = arith.index_cast %parallel_loop3A_212 : i32 to index
        %parallel_loop3A_214 = tpu.vector_load %arg19[%parallel_loop3A_213] {strides = array<i32>} : memref<1024xi32, #tpu.memory_space<vmem>>, vector<16xi32>,
        %parallel_loop3A_215 = arith.constant 16383 : i32
        %parallel_loop3A_216 = vector.broadcast %parallel_loop3A_215 : i32 to vector<16xi32>
        %parallel_loop3A_217 = arith.andi %parallel_loop3A_214, %parallel_loop3A_216 : vector<16xi32>
        %parallel_loop3A_218 = arith.constant 14 : i32
        %parallel_loop3A_219 = vector.broadcast %parallel_loop3A_218 : i32 to vector<16xi32>
        %parallel_loop3A_220 = arith.shrui %parallel_loop3A_214, %parallel_loop3A_219 : vector<16xi32>
        %parallel_loop3A_221 = tpu.vector_load_idx %arg7[%parallel_loop3A_207] : memref<10000xi32, #tpu.memory_space<vmem>>[vector<16xi32>], vector<16xi32>,
        %parallel_loop3A_222 = arith.constant 16 : i32
        %parallel_loop3A_223 = vector.broadcast %parallel_loop3A_222 : i32 to vector<16xi32>
        %parallel_loop3A_224 = arith.shli %parallel_loop3A_221, %parallel_loop3A_223 : vector<16xi32>
        %parallel_loop3A_225 = tpu.bitcast %parallel_loop3A_224 : vector<16xi32> -> vector<16xf32>
        %parallel_loop3A_226 = arith.mulf %parallel_loop3A_225, %parallel_loop3A_198 : vector<16xf32>
        tpu.vector_store_idx %arg11[%parallel_loop3A_210], %parallel_loop3A_226 {add = true} : memref<10000xf32, #tpu.memory_space<vmem>>[vector<16xi32>], vector<16xf32>,
        %parallel_loop3A_227 = arith.constant -65536 : i32
        %parallel_loop3A_228 = vector.broadcast %parallel_loop3A_227 : i32 to vector<16xi32>
        %parallel_loop3A_229 = arith.andi %parallel_loop3A_221, %parallel_loop3A_228 : vector<16xi32>
        %parallel_loop3A_230 = tpu.bitcast %parallel_loop3A_229 : vector<16xi32> -> vector<16xf32>
        %parallel_loop3A_231 = arith.mulf %parallel_loop3A_230, %parallel_loop3A_198 : vector<16xf32>
        tpu.vector_store_idx %arg15[%parallel_loop3A_210], %parallel_loop3A_231 {add = true} : memref<10000xf32, #tpu.memory_space<vmem>>[vector<16xi32>], vector<16xf32>,
        %parallel_loop3A_232 = tpu.vector_load_idx %arg7[%parallel_loop3A_217] : memref<10000xi32, #tpu.memory_space<vmem>>[vector<16xi32>], vector<16xi32>,
        %parallel_loop3A_233 = arith.constant 16 : i32
        %parallel_loop3A_234 = vector.broadcast %parallel_loop3A_233 : i32 to vector<16xi32>
        %parallel_loop3A_235 = arith.shli %parallel_loop3A_232, %parallel_loop3A_234 : vector<16xi32>
        %parallel_loop3A_236 = tpu.bitcast %parallel_loop3A_235 : vector<16xi32> -> vector<16xf32>
        %parallel_loop3A_237 = arith.mulf %parallel_loop3A_236, %parallel_loop3A_202 : vector<16xf32>
        tpu.vector_store_idx %arg11[%parallel_loop3A_220], %parallel_loop3A_237 {add = true} : memref<10000xf32, #tpu.memory_space<vmem>>[vector<16xi32>], vector<16xf32>,
        %parallel_loop3A_238 = arith.constant -65536 : i32
        %parallel_loop3A_239 = vector.broadcast %parallel_loop3A_238 : i32 to vector<16xi32>
        %parallel_loop3A_240 = arith.andi %parallel_loop3A_232, %parallel_loop3A_239 : vector<16xi32>
        %parallel_loop3A_241 = tpu.bitcast %parallel_loop3A_240 : vector<16xi32> -> vector<16xf32>
        %parallel_loop3A_242 = arith.mulf %parallel_loop3A_241, %parallel_loop3A_202 : vector<16xf32>
        tpu.vector_store_idx %arg15[%parallel_loop3A_220], %parallel_loop3A_242 {add = true} : memref<10000xf32, #tpu.memory_space<vmem>>[vector<16xi32>], vector<16xf32>,
        %parallel_loop3A_243 = tpu.vector_load_idx %arg8[%parallel_loop3A_207] : memref<10000xi32, #tpu.memory_space<vmem>>[vector<16xi32>], vector<16xi32>,
        %parallel_loop3A_244 = arith.constant 16 : i32
        %parallel_loop3A_245 = vector.broadcast %parallel_loop3A_244 : i32 to vector<16xi32>
        %parallel_loop3A_246 = arith.shli %parallel_loop3A_243, %parallel_loop3A_245 : vector<16xi32>
        %parallel_loop3A_247 = tpu.bitcast %parallel_loop3A_246 : vector<16xi32> -> vector<16xf32>
        %parallel_loop3A_248 = arith.mulf %parallel_loop3A_247, %parallel_loop3A_198 : vector<16xf32>
        tpu.vector_store_idx %arg12[%parallel_loop3A_210], %parallel_loop3A_248 {add = true} : memref<10000xf32, #tpu.memory_space<vmem>>[vector<16xi32>], vector<16xf32>,
        %parallel_loop3A_249 = arith.constant -65536 : i32
        %parallel_loop3A_250 = vector.broadcast %parallel_loop3A_249 : i32 to vector<16xi32>
        %parallel_loop3A_251 = arith.andi %parallel_loop3A_243, %parallel_loop3A_250 : vector<16xi32>
        %parallel_loop3A_252 = tpu.bitcast %parallel_loop3A_251 : vector<16xi32> -> vector<16xf32>
        %parallel_loop3A_253 = arith.mulf %parallel_loop3A_252, %parallel_loop3A_198 : vector<16xf32>
        tpu.vector_store_idx %arg16[%parallel_loop3A_210], %parallel_loop3A_253 {add = true} : memref<10000xf32, #tpu.memory_space<vmem>>[vector<16xi32>], vector<16xf32>,
        %parallel_loop3A_254 = tpu.vector_load_idx %arg8[%parallel_loop3A_217] : memref<10000xi32, #tpu.memory_space<vmem>>[vector<16xi32>], vector<16xi32>,
        %parallel_loop3A_255 = arith.constant 16 : i32
        %parallel_loop3A_256 = vector.broadcast %parallel_loop3A_255 : i32 to vector<16xi32>
        %parallel_loop3A_257 = arith.shli %parallel_loop3A_254, %parallel_loop3A_256 : vector<16xi32>
        %parallel_loop3A_258 = tpu.bitcast %parallel_loop3A_257 : vector<16xi32> -> vector<16xf32>
        %parallel_loop3A_259 = arith.mulf %parallel_loop3A_258, %parallel_loop3A_202 : vector<16xf32>
        tpu.vector_store_idx %arg12[%parallel_loop3A_220], %parallel_loop3A_259 {add = true} : memref<10000xf32, #tpu.memory_space<vmem>>[vector<16xi32>], vector<16xf32>,
        %parallel_loop3A_260 = arith.constant -65536 : i32
        %parallel_loop3A_261 = vector.broadcast %parallel_loop3A_260 : i32 to vector<16xi32>
        %parallel_loop3A_262 = arith.andi %parallel_loop3A_254, %parallel_loop3A_261 : vector<16xi32>
        %parallel_loop3A_263 = tpu.bitcast %parallel_loop3A_262 : vector<16xi32> -> vector<16xf32>
        %parallel_loop3A_264 = arith.mulf %parallel_loop3A_263, %parallel_loop3A_202 : vector<16xf32>
        tpu.vector_store_idx %arg16[%parallel_loop3A_220], %parallel_loop3A_264 {add = true} : memref<10000xf32, #tpu.memory_space<vmem>>[vector<16xi32>], vector<16xf32>,
        %parallel_loop3A_265 = tpu.vector_load_idx %arg9[%parallel_loop3A_207] : memref<10000xi32, #tpu.memory_space<vmem>>[vector<16xi32>], vector<16xi32>,
        %parallel_loop3A_266 = arith.constant 16 : i32
        %parallel_loop3A_267 = vector.broadcast %parallel_loop3A_266 : i32 to vector<16xi32>
        %parallel_loop3A_268 = arith.shli %parallel_loop3A_265, %parallel_loop3A_267 : vector<16xi32>
        %parallel_loop3A_269 = tpu.bitcast %parallel_loop3A_268 : vector<16xi32> -> vector<16xf32>
        %parallel_loop3A_270 = arith.mulf %parallel_loop3A_269, %parallel_loop3A_198 : vector<16xf32>
        tpu.vector_store_idx %arg13[%parallel_loop3A_210], %parallel_loop3A_270 {add = true} : memref<10000xf32, #tpu.memory_space<vmem>>[vector<16xi32>], vector<16xf32>,
        %parallel_loop3A_271 = arith.constant -65536 : i32
        %parallel_loop3A_272 = vector.broadcast %parallel_loop3A_271 : i32 to vector<16xi32>
        %parallel_loop3A_273 = arith.andi %parallel_loop3A_265, %parallel_loop3A_272 : vector<16xi32>
        %parallel_loop3A_274 = tpu.bitcast %parallel_loop3A_273 : vector<16xi32> -> vector<16xf32>
        %parallel_loop3A_275 = arith.mulf %parallel_loop3A_274, %parallel_loop3A_198 : vector<16xf32>
        tpu.vector_store_idx %arg17[%parallel_loop3A_210], %parallel_loop3A_275 {add = true} : memref<10000xf32, #tpu.memory_space<vmem>>[vector<16xi32>], vector<16xf32>,
        %parallel_loop3A_276 = tpu.vector_load_idx %arg9[%parallel_loop3A_217] : memref<10000xi32, #tpu.memory_space<vmem>>[vector<16xi32>], vector<16xi32>,
        %parallel_loop3A_277 = arith.constant 16 : i32
        %parallel_loop3A_278 = vector.broadcast %parallel_loop3A_277 : i32 to vector<16xi32>
        %parallel_loop3A_279 = arith.shli %parallel_loop3A_276, %parallel_loop3A_278 : vector<16xi32>
        %parallel_loop3A_280 = tpu.bitcast %parallel_loop3A_279 : vector<16xi32> -> vector<16xf32>
        %parallel_loop3A_281 = arith.mulf %parallel_loop3A_280, %parallel_loop3A_202 : vector<16xf32>
        tpu.vector_store_idx %arg13[%parallel_loop3A_220], %parallel_loop3A_281 {add = true} : memref<10000xf32, #tpu.memory_space<vmem>>[vector<16xi32>], vector<16xf32>,
        %parallel_loop3A_282 = arith.constant -65536 : i32
        %parallel_loop3A_283 = vector.broadcast %parallel_loop3A_282 : i32 to vector<16xi32>
        %parallel_loop3A_284 = arith.andi %parallel_loop3A_276, %parallel_loop3A_283 : vector<16xi32>
        %parallel_loop3A_285 = tpu.bitcast %parallel_loop3A_284 : vector<16xi32> -> vector<16xf32>
        %parallel_loop3A_286 = arith.mulf %parallel_loop3A_285, %parallel_loop3A_202 : vector<16xf32>
        tpu.vector_store_idx %arg17[%parallel_loop3A_220], %parallel_loop3A_286 {add = true} : memref<10000xf32, #tpu.memory_space<vmem>>[vector<16xi32>], vector<16xf32>,
        %parallel_loop3A_287 = tpu.vector_load_idx %arg10[%parallel_loop3A_207] : memref<10000xi32, #tpu.memory_space<vmem>>[vector<16xi32>], vector<16xi32>,
        %parallel_loop3A_288 = arith.constant 16 : i32
        %parallel_loop3A_289 = vector.broadcast %parallel_loop3A_288 : i32 to vector<16xi32>
        %parallel_loop3A_290 = arith.shli %parallel_loop3A_287, %parallel_loop3A_289 : vector<16xi32>
        %parallel_loop3A_291 = tpu.bitcast %parallel_loop3A_290 : vector<16xi32> -> vector<16xf32>
        %parallel_loop3A_292 = arith.mulf %parallel_loop3A_291, %parallel_loop3A_198 : vector<16xf32>
        tpu.vector_store_idx %arg14[%parallel_loop3A_210], %parallel_loop3A_292 {add = true} : memref<10000xf32, #tpu.memory_space<vmem>>[vector<16xi32>], vector<16xf32>,
        %parallel_loop3A_293 = arith.constant -65536 : i32
        %parallel_loop3A_294 = vector.broadcast %parallel_loop3A_293 : i32 to vector<16xi32>
        %parallel_loop3A_295 = arith.andi %parallel_loop3A_287, %parallel_loop3A_294 : vector<16xi32>
        %parallel_loop3A_296 = tpu.bitcast %parallel_loop3A_295 : vector<16xi32> -> vector<16xf32>
        %parallel_loop3A_297 = arith.mulf %parallel_loop3A_296, %parallel_loop3A_198 : vector<16xf32>
        tpu.vector_store_idx %arg18[%parallel_loop3A_210], %parallel_loop3A_297 {add = true} : memref<10000xf32, #tpu.memory_space<vmem>>[vector<16xi32>], vector<16xf32>,
        %parallel_loop3A_298 = tpu.vector_load_idx %arg10[%parallel_loop3A_217] : memref<10000xi32, #tpu.memory_space<vmem>>[vector<16xi32>], vector<16xi32>,
        %parallel_loop3A_299 = arith.constant 16 : i32
        %parallel_loop3A_300 = vector.broadcast %parallel_loop3A_299 : i32 to vector<16xi32>
        %parallel_loop3A_301 = arith.shli %parallel_loop3A_298, %parallel_loop3A_300 : vector<16xi32>
        %parallel_loop3A_302 = tpu.bitcast %parallel_loop3A_301 : vector<16xi32> -> vector<16xf32>
        %parallel_loop3A_303 = arith.mulf %parallel_loop3A_302, %parallel_loop3A_202 : vector<16xf32>
        tpu.vector_store_idx %arg14[%parallel_loop3A_220], %parallel_loop3A_303 {add = true} : memref<10000xf32, #tpu.memory_space<vmem>>[vector<16xi32>], vector<16xf32>,
        %parallel_loop3A_304 = arith.constant -65536 : i32
        %parallel_loop3A_305 = vector.broadcast %parallel_loop3A_304 : i32 to vector<16xi32>
        %parallel_loop3A_306 = arith.andi %parallel_loop3A_298, %parallel_loop3A_305 : vector<16xi32>
        %parallel_loop3A_307 = tpu.bitcast %parallel_loop3A_306 : vector<16xi32> -> vector<16xf32>
        %parallel_loop3A_308 = arith.mulf %parallel_loop3A_307, %parallel_loop3A_202 : vector<16xf32>
        tpu.vector_store_idx %arg18[%parallel_loop3A_220], %parallel_loop3A_308 {add = true} : memref<10000xf32, #tpu.memory_space<vmem>>[vector<16xi32>], vector<16xf32>,
      } {sc.loop_unroll_factor = 4 : i64, sc.parallel_access}
      %lt3A = arith.constant 78 : i32
      %lt3A_168 = arith.cmpi slt, %add3A_150, %lt3A : i32
      %convert_element_type3A = arith.extui %lt3A_168 : i1 to i32
      %cond3A = arith.constant 0 : i32
      %cond3A_169 = arith.cmpi ne, %convert_element_type3A, %cond3A : i32
      scf.if %cond3A_169 {
        %add3A_192 = arith.constant 2 : i32
        %add3A_193 = arith.addi %mul3A_152, %add3A_192 : i32
        %mul3A_194 = arith.constant 158 : i32
        %mul3A_195 = arith.muli %arg0, %mul3A_194 : i32
        %add3A_196 = arith.addi %mul3A_195, %add3A_193 : i32
        %mul3A_197 = arith.constant 1024 : i32
        %mul3A_198 = arith.muli %add3A_196, %mul3A_197 : i32
        %dma_start3A_199 = arith.constant 0 : i32
        %dma_start3A_200 = tpu.memref_slice %arg4[%mul3A_198] : memref<323584xi32, #tpu.memory_space<hbm>> -> memref<1024xi32, #tpu.memory_space<hbm>>
        %dma_start3A_201 = tpu.memref_slice %arg25[%dma_start3A_199] : memref<4x!tpu.dma_semaphore, #tpu.memory_space<semaphore_mem>> -> memref<1x!tpu.dma_semaphore, #tpu.memory_space<semaphore_mem>>
        %dma_start3A_202 = tpu.memref_squeeze %dma_start3A_201 : memref<1x!tpu.dma_semaphore, #tpu.memory_space<semaphore_mem>> -> memref<!tpu.dma_semaphore, #tpu.memory_space<semaphore_mem>>
        %dma_start3A_203 = tpu.memref_slice %arg4[%mul3A_198] : memref<323584xi32, #tpu.memory_space<hbm>> -> memref<1024xi32, #tpu.memory_space<hbm>>
        tpu.enqueue_dma source(%dma_start3A_203 : memref<1024xi32, #tpu.memory_space<hbm>>) target(%arg19 : memref<1024xi32, #tpu.memory_space<vmem>>) target_semaphore(%dma_start3A_202 : memref<!tpu.dma_semaphore, #tpu.memory_space<semaphore_mem>>)
        %mul3A_204 = arith.constant 512 : i32
        %mul3A_205 = arith.muli %add3A_193, %mul3A_204 : i32
        %dma_start3A_206 = arith.constant 1 : i32
        %dma_start3A_207 = tpu.memref_slice %arg24[%mul3A_205] : memref<80896xi32, #tpu.memory_space<vmem_shared>> -> memref<512xi32, #tpu.memory_space<vmem_shared>>
        %dma_start3A_208 = tpu.memref_slice %arg25[%dma_start3A_206] : memref<4x!tpu.dma_semaphore, #tpu.memory_space<semaphore_mem>> -> memref<1x!tpu.dma_semaphore, #tpu.memory_space<semaphore_mem>>
        %dma_start3A_209 = tpu.memref_squeeze %dma_start3A_208 : memref<1x!tpu.dma_semaphore, #tpu.memory_space<semaphore_mem>> -> memref<!tpu.dma_semaphore, #tpu.memory_space<semaphore_mem>>
        %dma_start3A_210 = tpu.memref_slice %arg24[%mul3A_205] : memref<80896xi32, #tpu.memory_space<vmem_shared>> -> memref<512xi32, #tpu.memory_space<vmem_shared>>
        tpu.enqueue_dma source(%dma_start3A_210 : memref<512xi32, #tpu.memory_space<vmem_shared>>) target(%arg21 : memref<512xi32, #tpu.memory_space<vmem>>) target_semaphore(%dma_start3A_209 : memref<!tpu.dma_semaphore, #tpu.memory_space<semaphore_mem>>)
      } else {
      }
      %dma_wait3A_170 = arith.constant 2 : i32
      %dma_wait3A_171 = arith.constant 0 : i32
      %dma_wait3A_172 = tpu.memref_slice %arg4[%dma_wait3A_171] : memref<323584xi32, #tpu.memory_space<hbm>> -> memref<1024xi32, #tpu.memory_space<hbm>>
      %dma_wait3A_173 = tpu.memref_slice %arg25[%dma_wait3A_170] : memref<4x!tpu.dma_semaphore, #tpu.memory_space<semaphore_mem>> -> memref<1x!tpu.dma_semaphore, #tpu.memory_space<semaphore_mem>>
      %dma_wait3A_174 = tpu.memref_squeeze %dma_wait3A_173 : memref<1x!tpu.dma_semaphore, #tpu.memory_space<semaphore_mem>> -> memref<!tpu.dma_semaphore, #tpu.memory_space<semaphore_mem>>
      %dma_wait3A_175 = arith.constant 0 : i32
      %dma_wait3A_176 = tpu.memref_slice %arg4[%dma_wait3A_175] : memref<323584xi32, #tpu.memory_space<hbm>> -> memref<1024xi32, #tpu.memory_space<hbm>>
      tpu.wait_dma2 semaphore(%dma_wait3A_174 : memref<!tpu.dma_semaphore, #tpu.memory_space<semaphore_mem>>) src(%dma_wait3A_176 : memref<1024xi32, #tpu.memory_space<hbm>>) dst(%arg20 : memref<1024xi32, #tpu.memory_space<vmem>>)
      %dma_wait3A_177 = arith.constant 3 : i32
      %dma_wait3A_178 = arith.constant 0 : i32
      %dma_wait3A_179 = tpu.memref_slice %arg24[%dma_wait3A_178] : memref<80896xi32, #tpu.memory_space<vmem_shared>> -> memref<512xi32, #tpu.memory_space<vmem_shared>>
      %dma_wait3A_180 = tpu.memref_slice %arg25[%dma_wait3A_177] : memref<4x!tpu.dma_semaphore, #tpu.memory_space<semaphore_mem>> -> memref<1x!tpu.dma_semaphore, #tpu.memory_space<semaphore_mem>>
      %dma_wait3A_181 = tpu.memref_squeeze %dma_wait3A_180 : memref<1x!tpu.dma_semaphore, #tpu.memory_space<semaphore_mem>> -> memref<!tpu.dma_semaphore, #tpu.memory_space<semaphore_mem>>
      %dma_wait3A_182 = arith.constant 0 : i32
      %dma_wait3A_183 = tpu.memref_slice %arg24[%dma_wait3A_182] : memref<80896xi32, #tpu.memory_space<vmem_shared>> -> memref<512xi32, #tpu.memory_space<vmem_shared>>
      tpu.wait_dma2 semaphore(%dma_wait3A_181 : memref<!tpu.dma_semaphore, #tpu.memory_space<semaphore_mem>>) src(%dma_wait3A_183 : memref<512xi32, #tpu.memory_space<vmem_shared>>) dst(%arg22 : memref<512xi32, #tpu.memory_space<vmem>>)
      %parallel_loop3A_184 = arith.constant 0 : i32
      %parallel_loop3A_185 = arith.constant 512 : i32
      %parallel_loop3A_186 = arith.constant 16 : i32
      scf.for %parallel_loop3A_192 = %parallel_loop3A_184 to %parallel_loop3A_185 step %parallel_loop3A_186  : i32 {
        %parallel_loop3A_193 = arith.index_cast %parallel_loop3A_192 : i32 to index
        %parallel_loop3A_194 = tpu.vector_load %arg22[%parallel_loop3A_193] {strides = array<i32>} : memref<512xi32, #tpu.memory_space<vmem>>, vector<16xi32>,
        %parallel_loop3A_195 = arith.constant 16 : i32
        %parallel_loop3A_196 = vector.broadcast %parallel_loop3A_195 : i32 to vector<16xi32>
        %parallel_loop3A_197 = arith.shli %parallel_loop3A_194, %parallel_loop3A_196 : vector<16xi32>
        %parallel_loop3A_198 = tpu.bitcast %parallel_loop3A_197 : vector<16xi32> -> vector<16xf32>
        %parallel_loop3A_199 = arith.constant -65536 : i32
        %parallel_loop3A_200 = vector.broadcast %parallel_loop3A_199 : i32 to vector<16xi32>
        %parallel_loop3A_201 = arith.andi %parallel_loop3A_194, %parallel_loop3A_200 : vector<16xi32>
        %parallel_loop3A_202 = tpu.bitcast %parallel_loop3A_201 : vector<16xi32> -> vector<16xf32>
        %parallel_loop3A_203 = arith.index_cast %parallel_loop3A_192 : i32 to index
        %parallel_loop3A_204 = tpu.vector_load %arg20[%parallel_loop3A_203] {strides = array<i32>} : memref<1024xi32, #tpu.memory_space<vmem>>, vector<16xi32>,
        %parallel_loop3A_205 = arith.constant 16383 : i32
        %parallel_loop3A_206 = vector.broadcast %parallel_loop3A_205 : i32 to vector<16xi32>
        %parallel_loop3A_207 = arith.andi %parallel_loop3A_204, %parallel_loop3A_206 : vector<16xi32>
        %parallel_loop3A_208 = arith.constant 14 : i32
        %parallel_loop3A_209 = vector.broadcast %parallel_loop3A_208 : i32 to vector<16xi32>
        %parallel_loop3A_210 = arith.shrui %parallel_loop3A_204, %parallel_loop3A_209 : vector<16xi32>
        %parallel_loop3A_211 = arith.constant 512 : i32
        %parallel_loop3A_212 = arith.addi %parallel_loop3A_211, %parallel_loop3A_192 : i32
        %parallel_loop3A_213 = arith.index_cast %parallel_loop3A_212 : i32 to index
        %parallel_loop3A_214 = tpu.vector_load %arg20[%parallel_loop3A_213] {strides = array<i32>} : memref<1024xi32, #tpu.memory_space<vmem>>, vector<16xi32>,
        %parallel_loop3A_215 = arith.constant 16383 : i32
        %parallel_loop3A_216 = vector.broadcast %parallel_loop3A_215 : i32 to vector<16xi32>
        %parallel_loop3A_217 = arith.andi %parallel_loop3A_214, %parallel_loop3A_216 : vector<16xi32>
        %parallel_loop3A_218 = arith.constant 14 : i32
        %parallel_loop3A_219 = vector.broadcast %parallel_loop3A_218 : i32 to vector<16xi32>
        %parallel_loop3A_220 = arith.shrui %parallel_loop3A_214, %parallel_loop3A_219 : vector<16xi32>
        %parallel_loop3A_221 = tpu.vector_load_idx %arg7[%parallel_loop3A_207] : memref<10000xi32, #tpu.memory_space<vmem>>[vector<16xi32>], vector<16xi32>,
        %parallel_loop3A_222 = arith.constant 16 : i32
        %parallel_loop3A_223 = vector.broadcast %parallel_loop3A_222 : i32 to vector<16xi32>
        %parallel_loop3A_224 = arith.shli %parallel_loop3A_221, %parallel_loop3A_223 : vector<16xi32>
        %parallel_loop3A_225 = tpu.bitcast %parallel_loop3A_224 : vector<16xi32> -> vector<16xf32>
        %parallel_loop3A_226 = arith.mulf %parallel_loop3A_225, %parallel_loop3A_198 : vector<16xf32>
        tpu.vector_store_idx %arg11[%parallel_loop3A_210], %parallel_loop3A_226 {add = true} : memref<10000xf32, #tpu.memory_space<vmem>>[vector<16xi32>], vector<16xf32>,
        %parallel_loop3A_227 = arith.constant -65536 : i32
        %parallel_loop3A_228 = vector.broadcast %parallel_loop3A_227 : i32 to vector<16xi32>
        %parallel_loop3A_229 = arith.andi %parallel_loop3A_221, %parallel_loop3A_228 : vector<16xi32>
        %parallel_loop3A_230 = tpu.bitcast %parallel_loop3A_229 : vector<16xi32> -> vector<16xf32>
        %parallel_loop3A_231 = arith.mulf %parallel_loop3A_230, %parallel_loop3A_198 : vector<16xf32>
        tpu.vector_store_idx %arg15[%parallel_loop3A_210], %parallel_loop3A_231 {add = true} : memref<10000xf32, #tpu.memory_space<vmem>>[vector<16xi32>], vector<16xf32>,
        %parallel_loop3A_232 = tpu.vector_load_idx %arg7[%parallel_loop3A_217] : memref<10000xi32, #tpu.memory_space<vmem>>[vector<16xi32>], vector<16xi32>,
        %parallel_loop3A_233 = arith.constant 16 : i32
        %parallel_loop3A_234 = vector.broadcast %parallel_loop3A_233 : i32 to vector<16xi32>
        %parallel_loop3A_235 = arith.shli %parallel_loop3A_232, %parallel_loop3A_234 : vector<16xi32>
        %parallel_loop3A_236 = tpu.bitcast %parallel_loop3A_235 : vector<16xi32> -> vector<16xf32>
        %parallel_loop3A_237 = arith.mulf %parallel_loop3A_236, %parallel_loop3A_202 : vector<16xf32>
        tpu.vector_store_idx %arg11[%parallel_loop3A_220], %parallel_loop3A_237 {add = true} : memref<10000xf32, #tpu.memory_space<vmem>>[vector<16xi32>], vector<16xf32>,
        %parallel_loop3A_238 = arith.constant -65536 : i32
        %parallel_loop3A_239 = vector.broadcast %parallel_loop3A_238 : i32 to vector<16xi32>
        %parallel_loop3A_240 = arith.andi %parallel_loop3A_232, %parallel_loop3A_239 : vector<16xi32>
        %parallel_loop3A_241 = tpu.bitcast %parallel_loop3A_240 : vector<16xi32> -> vector<16xf32>
        %parallel_loop3A_242 = arith.mulf %parallel_loop3A_241, %parallel_loop3A_202 : vector<16xf32>
        tpu.vector_store_idx %arg15[%parallel_loop3A_220], %parallel_loop3A_242 {add = true} : memref<10000xf32, #tpu.memory_space<vmem>>[vector<16xi32>], vector<16xf32>,
        %parallel_loop3A_243 = tpu.vector_load_idx %arg8[%parallel_loop3A_207] : memref<10000xi32, #tpu.memory_space<vmem>>[vector<16xi32>], vector<16xi32>,
        %parallel_loop3A_244 = arith.constant 16 : i32
        %parallel_loop3A_245 = vector.broadcast %parallel_loop3A_244 : i32 to vector<16xi32>
        %parallel_loop3A_246 = arith.shli %parallel_loop3A_243, %parallel_loop3A_245 : vector<16xi32>
        %parallel_loop3A_247 = tpu.bitcast %parallel_loop3A_246 : vector<16xi32> -> vector<16xf32>
        %parallel_loop3A_248 = arith.mulf %parallel_loop3A_247, %parallel_loop3A_198 : vector<16xf32>
        tpu.vector_store_idx %arg12[%parallel_loop3A_210], %parallel_loop3A_248 {add = true} : memref<10000xf32, #tpu.memory_space<vmem>>[vector<16xi32>], vector<16xf32>,
        %parallel_loop3A_249 = arith.constant -65536 : i32
        %parallel_loop3A_250 = vector.broadcast %parallel_loop3A_249 : i32 to vector<16xi32>
        %parallel_loop3A_251 = arith.andi %parallel_loop3A_243, %parallel_loop3A_250 : vector<16xi32>
        %parallel_loop3A_252 = tpu.bitcast %parallel_loop3A_251 : vector<16xi32> -> vector<16xf32>
        %parallel_loop3A_253 = arith.mulf %parallel_loop3A_252, %parallel_loop3A_198 : vector<16xf32>
        tpu.vector_store_idx %arg16[%parallel_loop3A_210], %parallel_loop3A_253 {add = true} : memref<10000xf32, #tpu.memory_space<vmem>>[vector<16xi32>], vector<16xf32>,
        %parallel_loop3A_254 = tpu.vector_load_idx %arg8[%parallel_loop3A_217] : memref<10000xi32, #tpu.memory_space<vmem>>[vector<16xi32>], vector<16xi32>,
        %parallel_loop3A_255 = arith.constant 16 : i32
        %parallel_loop3A_256 = vector.broadcast %parallel_loop3A_255 : i32 to vector<16xi32>
        %parallel_loop3A_257 = arith.shli %parallel_loop3A_254, %parallel_loop3A_256 : vector<16xi32>
        %parallel_loop3A_258 = tpu.bitcast %parallel_loop3A_257 : vector<16xi32> -> vector<16xf32>
        %parallel_loop3A_259 = arith.mulf %parallel_loop3A_258, %parallel_loop3A_202 : vector<16xf32>
        tpu.vector_store_idx %arg12[%parallel_loop3A_220], %parallel_loop3A_259 {add = true} : memref<10000xf32, #tpu.memory_space<vmem>>[vector<16xi32>], vector<16xf32>,
        %parallel_loop3A_260 = arith.constant -65536 : i32
        %parallel_loop3A_261 = vector.broadcast %parallel_loop3A_260 : i32 to vector<16xi32>
        %parallel_loop3A_262 = arith.andi %parallel_loop3A_254, %parallel_loop3A_261 : vector<16xi32>
        %parallel_loop3A_263 = tpu.bitcast %parallel_loop3A_262 : vector<16xi32> -> vector<16xf32>
        %parallel_loop3A_264 = arith.mulf %parallel_loop3A_263, %parallel_loop3A_202 : vector<16xf32>
        tpu.vector_store_idx %arg16[%parallel_loop3A_220], %parallel_loop3A_264 {add = true} : memref<10000xf32, #tpu.memory_space<vmem>>[vector<16xi32>], vector<16xf32>,
        %parallel_loop3A_265 = tpu.vector_load_idx %arg9[%parallel_loop3A_207] : memref<10000xi32, #tpu.memory_space<vmem>>[vector<16xi32>], vector<16xi32>,
        %parallel_loop3A_266 = arith.constant 16 : i32
        %parallel_loop3A_267 = vector.broadcast %parallel_loop3A_266 : i32 to vector<16xi32>
        %parallel_loop3A_268 = arith.shli %parallel_loop3A_265, %parallel_loop3A_267 : vector<16xi32>
        %parallel_loop3A_269 = tpu.bitcast %parallel_loop3A_268 : vector<16xi32> -> vector<16xf32>
        %parallel_loop3A_270 = arith.mulf %parallel_loop3A_269, %parallel_loop3A_198 : vector<16xf32>
        tpu.vector_store_idx %arg13[%parallel_loop3A_210], %parallel_loop3A_270 {add = true} : memref<10000xf32, #tpu.memory_space<vmem>>[vector<16xi32>], vector<16xf32>,
        %parallel_loop3A_271 = arith.constant -65536 : i32
        %parallel_loop3A_272 = vector.broadcast %parallel_loop3A_271 : i32 to vector<16xi32>
        %parallel_loop3A_273 = arith.andi %parallel_loop3A_265, %parallel_loop3A_272 : vector<16xi32>
        %parallel_loop3A_274 = tpu.bitcast %parallel_loop3A_273 : vector<16xi32> -> vector<16xf32>
        %parallel_loop3A_275 = arith.mulf %parallel_loop3A_274, %parallel_loop3A_198 : vector<16xf32>
        tpu.vector_store_idx %arg17[%parallel_loop3A_210], %parallel_loop3A_275 {add = true} : memref<10000xf32, #tpu.memory_space<vmem>>[vector<16xi32>], vector<16xf32>,
        %parallel_loop3A_276 = tpu.vector_load_idx %arg9[%parallel_loop3A_217] : memref<10000xi32, #tpu.memory_space<vmem>>[vector<16xi32>], vector<16xi32>,
        %parallel_loop3A_277 = arith.constant 16 : i32
        %parallel_loop3A_278 = vector.broadcast %parallel_loop3A_277 : i32 to vector<16xi32>
        %parallel_loop3A_279 = arith.shli %parallel_loop3A_276, %parallel_loop3A_278 : vector<16xi32>
        %parallel_loop3A_280 = tpu.bitcast %parallel_loop3A_279 : vector<16xi32> -> vector<16xf32>
        %parallel_loop3A_281 = arith.mulf %parallel_loop3A_280, %parallel_loop3A_202 : vector<16xf32>
        tpu.vector_store_idx %arg13[%parallel_loop3A_220], %parallel_loop3A_281 {add = true} : memref<10000xf32, #tpu.memory_space<vmem>>[vector<16xi32>], vector<16xf32>,
        %parallel_loop3A_282 = arith.constant -65536 : i32
        %parallel_loop3A_283 = vector.broadcast %parallel_loop3A_282 : i32 to vector<16xi32>
        %parallel_loop3A_284 = arith.andi %parallel_loop3A_276, %parallel_loop3A_283 : vector<16xi32>
        %parallel_loop3A_285 = tpu.bitcast %parallel_loop3A_284 : vector<16xi32> -> vector<16xf32>
        %parallel_loop3A_286 = arith.mulf %parallel_loop3A_285, %parallel_loop3A_202 : vector<16xf32>
        tpu.vector_store_idx %arg17[%parallel_loop3A_220], %parallel_loop3A_286 {add = true} : memref<10000xf32, #tpu.memory_space<vmem>>[vector<16xi32>], vector<16xf32>,
        %parallel_loop3A_287 = tpu.vector_load_idx %arg10[%parallel_loop3A_207] : memref<10000xi32, #tpu.memory_space<vmem>>[vector<16xi32>], vector<16xi32>,
        %parallel_loop3A_288 = arith.constant 16 : i32
        %parallel_loop3A_289 = vector.broadcast %parallel_loop3A_288 : i32 to vector<16xi32>
        %parallel_loop3A_290 = arith.shli %parallel_loop3A_287, %parallel_loop3A_289 : vector<16xi32>
        %parallel_loop3A_291 = tpu.bitcast %parallel_loop3A_290 : vector<16xi32> -> vector<16xf32>
        %parallel_loop3A_292 = arith.mulf %parallel_loop3A_291, %parallel_loop3A_198 : vector<16xf32>
        tpu.vector_store_idx %arg14[%parallel_loop3A_210], %parallel_loop3A_292 {add = true} : memref<10000xf32, #tpu.memory_space<vmem>>[vector<16xi32>], vector<16xf32>,
        %parallel_loop3A_293 = arith.constant -65536 : i32
        %parallel_loop3A_294 = vector.broadcast %parallel_loop3A_293 : i32 to vector<16xi32>
        %parallel_loop3A_295 = arith.andi %parallel_loop3A_287, %parallel_loop3A_294 : vector<16xi32>
        %parallel_loop3A_296 = tpu.bitcast %parallel_loop3A_295 : vector<16xi32> -> vector<16xf32>
        %parallel_loop3A_297 = arith.mulf %parallel_loop3A_296, %parallel_loop3A_198 : vector<16xf32>
        tpu.vector_store_idx %arg18[%parallel_loop3A_210], %parallel_loop3A_297 {add = true} : memref<10000xf32, #tpu.memory_space<vmem>>[vector<16xi32>], vector<16xf32>,
        %parallel_loop3A_298 = tpu.vector_load_idx %arg10[%parallel_loop3A_217] : memref<10000xi32, #tpu.memory_space<vmem>>[vector<16xi32>], vector<16xi32>,
        %parallel_loop3A_299 = arith.constant 16 : i32
        %parallel_loop3A_300 = vector.broadcast %parallel_loop3A_299 : i32 to vector<16xi32>
        %parallel_loop3A_301 = arith.shli %parallel_loop3A_298, %parallel_loop3A_300 : vector<16xi32>
        %parallel_loop3A_302 = tpu.bitcast %parallel_loop3A_301 : vector<16xi32> -> vector<16xf32>
        %parallel_loop3A_303 = arith.mulf %parallel_loop3A_302, %parallel_loop3A_202 : vector<16xf32>
        tpu.vector_store_idx %arg14[%parallel_loop3A_220], %parallel_loop3A_303 {add = true} : memref<10000xf32, #tpu.memory_space<vmem>>[vector<16xi32>], vector<16xf32>,
        %parallel_loop3A_304 = arith.constant -65536 : i32
        %parallel_loop3A_305 = vector.broadcast %parallel_loop3A_304 : i32 to vector<16xi32>
        %parallel_loop3A_306 = arith.andi %parallel_loop3A_298, %parallel_loop3A_305 : vector<16xi32>
        %parallel_loop3A_307 = tpu.bitcast %parallel_loop3A_306 : vector<16xi32> -> vector<16xf32>
        %parallel_loop3A_308 = arith.mulf %parallel_loop3A_307, %parallel_loop3A_202 : vector<16xf32>
        tpu.vector_store_idx %arg18[%parallel_loop3A_220], %parallel_loop3A_308 {add = true} : memref<10000xf32, #tpu.memory_space<vmem>>[vector<16xi32>], vector<16xf32>,
      } {sc.loop_unroll_factor = 4 : i64, sc.parallel_access}
      %lt3A_187 = arith.constant 78 : i32
      %lt3A_188 = arith.cmpi slt, %add3A_150, %lt3A_187 : i32
      %convert_element_type3A_189 = arith.extui %lt3A_188 : i1 to i32
      %cond3A_190 = arith.constant 0 : i32
      %cond3A_191 = arith.cmpi ne, %convert_element_type3A_189, %cond3A_190 : i32
      scf.if %cond3A_191 {
        %add3A_192 = arith.constant 3 : i32
        %add3A_193 = arith.addi %mul3A_152, %add3A_192 : i32
        %mul3A_194 = arith.constant 158 : i32
        %mul3A_195 = arith.muli %arg0, %mul3A_194 : i32
        %add3A_196 = arith.addi %mul3A_195, %add3A_193 : i32
        %mul3A_197 = arith.constant 1024 : i32
        %mul3A_198 = arith.muli %add3A_196, %mul3A_197 : i32
        %dma_start3A_199 = arith.constant 2 : i32
        %dma_start3A_200 = tpu.memref_slice %arg4[%mul3A_198] : memref<323584xi32, #tpu.memory_space<hbm>> -> memref<1024xi32, #tpu.memory_space<hbm>>
        %dma_start3A_201 = tpu.memref_slice %arg25[%dma_start3A_199] : memref<4x!tpu.dma_semaphore, #tpu.memory_space<semaphore_mem>> -> memref<1x!tpu.dma_semaphore, #tpu.memory_space<semaphore_mem>>
        %dma_start3A_202 = tpu.memref_squeeze %dma_start3A_201 : memref<1x!tpu.dma_semaphore, #tpu.memory_space<semaphore_mem>> -> memref<!tpu.dma_semaphore, #tpu.memory_space<semaphore_mem>>
        %dma_start3A_203 = tpu.memref_slice %arg4[%mul3A_198] : memref<323584xi32, #tpu.memory_space<hbm>> -> memref<1024xi32, #tpu.memory_space<hbm>>
        tpu.enqueue_dma source(%dma_start3A_203 : memref<1024xi32, #tpu.memory_space<hbm>>) target(%arg20 : memref<1024xi32, #tpu.memory_space<vmem>>) target_semaphore(%dma_start3A_202 : memref<!tpu.dma_semaphore, #tpu.memory_space<semaphore_mem>>)
        %mul3A_204 = arith.constant 512 : i32
        %mul3A_205 = arith.muli %add3A_193, %mul3A_204 : i32
        %dma_start3A_206 = arith.constant 3 : i32
        %dma_start3A_207 = tpu.memref_slice %arg24[%mul3A_205] : memref<80896xi32, #tpu.memory_space<vmem_shared>> -> memref<512xi32, #tpu.memory_space<vmem_shared>>
        %dma_start3A_208 = tpu.memref_slice %arg25[%dma_start3A_206] : memref<4x!tpu.dma_semaphore, #tpu.memory_space<semaphore_mem>> -> memref<1x!tpu.dma_semaphore, #tpu.memory_space<semaphore_mem>>
        %dma_start3A_209 = tpu.memref_squeeze %dma_start3A_208 : memref<1x!tpu.dma_semaphore, #tpu.memory_space<semaphore_mem>> -> memref<!tpu.dma_semaphore, #tpu.memory_space<semaphore_mem>>
        %dma_start3A_210 = tpu.memref_slice %arg24[%mul3A_205] : memref<80896xi32, #tpu.memory_space<vmem_shared>> -> memref<512xi32, #tpu.memory_space<vmem_shared>>
        tpu.enqueue_dma source(%dma_start3A_210 : memref<512xi32, #tpu.memory_space<vmem_shared>>) target(%arg22 : memref<512xi32, #tpu.memory_space<vmem>>) target_semaphore(%dma_start3A_209 : memref<!tpu.dma_semaphore, #tpu.memory_space<semaphore_mem>>)
      } else {
      }
    }
    %scan3A_81 = arith.constant 79 : i32
    %mul3A_82 = arith.constant 4 : i32
    %mul3A_83 = arith.muli %arg1, %mul3A_82 : i32
    %add3A_84 = arith.constant 0 : i32
    %add3A_85 = arith.addi %mul3A_83, %add3A_84 : i32
    %mul3A_86 = arith.constant 128 : i32
    %mul3A_87 = arith.muli %arg0, %mul3A_86 : i32
    %add3A_88 = arith.addi %mul3A_87, %add3A_85 : i32
    %mul3A_89 = arith.constant 10000 : i32
    %mul3A_90 = arith.muli %add3A_88, %mul3A_89 : i32
    "tpu.region"() ({
      %run_scoped3A = tpu.sem_alloc : memref<!tpu.dma_semaphore, #tpu.memory_space<semaphore_mem>>
      %dma_start3A_146 = tpu.memref_slice %arg5[%mul3A_90] : memref<2560000xf32, #tpu.memory_space<hbm>> -> memref<10000xf32, #tpu.memory_space<hbm>>
      %dma_start3A_147 = tpu.memref_slice %arg5[%mul3A_90] : memref<2560000xf32, #tpu.memory_space<hbm>> -> memref<10000xf32, #tpu.memory_space<hbm>>
      tpu.enqueue_dma source(%arg11 : memref<10000xf32, #tpu.memory_space<vmem>>) target(%dma_start3A_147 : memref<10000xf32, #tpu.memory_space<hbm>>) target_semaphore(%run_scoped3A : memref<!tpu.dma_semaphore, #tpu.memory_space<semaphore_mem>>)
      %dma_wait3A = tpu.memref_slice %arg5[%mul3A_90] : memref<2560000xf32, #tpu.memory_space<hbm>> -> memref<10000xf32, #tpu.memory_space<hbm>>
      %dma_wait3A_148 = tpu.memref_slice %arg5[%mul3A_90] : memref<2560000xf32, #tpu.memory_space<hbm>> -> memref<10000xf32, #tpu.memory_space<hbm>>
      tpu.wait_dma2 semaphore(%run_scoped3A : memref<!tpu.dma_semaphore, #tpu.memory_space<semaphore_mem>>) src(%arg11 : memref<10000xf32, #tpu.memory_space<vmem>>) dst(%dma_wait3A_148 : memref<10000xf32, #tpu.memory_space<hbm>>)
      tpu.yield
    }) : () -> ()
    %mul3A_91 = arith.constant 128 : i32
    %mul3A_92 = arith.muli %arg0, %mul3A_91 : i32
    %add3A_93 = arith.constant 64 : i32
    %add3A_94 = arith.addi %mul3A_92, %add3A_93 : i32
    %add3A_95 = arith.addi %add3A_94, %add3A_85 : i32
    %mul3A_96 = arith.constant 10000 : i32
    %mul3A_97 = arith.muli %add3A_95, %mul3A_96 : i32
    "tpu.region"() ({
      %run_scoped3A = tpu.sem_alloc : memref<!tpu.dma_semaphore, #tpu.memory_space<semaphore_mem>>
      %dma_start3A_146 = tpu.memref_slice %arg5[%mul3A_97] : memref<2560000xf32, #tpu.memory_space<hbm>> -> memref<10000xf32, #tpu.memory_space<hbm>>
      %dma_start3A_147 = tpu.memref_slice %arg5[%mul3A_97] : memref<2560000xf32, #tpu.memory_space<hbm>> -> memref<10000xf32, #tpu.memory_space<hbm>>
      tpu.enqueue_dma source(%arg15 : memref<10000xf32, #tpu.memory_space<vmem>>) target(%dma_start3A_147 : memref<10000xf32, #tpu.memory_space<hbm>>) target_semaphore(%run_scoped3A : memref<!tpu.dma_semaphore, #tpu.memory_space<semaphore_mem>>)
      %dma_wait3A = tpu.memref_slice %arg5[%mul3A_97] : memref<2560000xf32, #tpu.memory_space<hbm>> -> memref<10000xf32, #tpu.memory_space<hbm>>
      %dma_wait3A_148 = tpu.memref_slice %arg5[%mul3A_97] : memref<2560000xf32, #tpu.memory_space<hbm>> -> memref<10000xf32, #tpu.memory_space<hbm>>
      tpu.wait_dma2 semaphore(%run_scoped3A : memref<!tpu.dma_semaphore, #tpu.memory_space<semaphore_mem>>) src(%arg15 : memref<10000xf32, #tpu.memory_space<vmem>>) dst(%dma_wait3A_148 : memref<10000xf32, #tpu.memory_space<hbm>>)
      tpu.yield
    }) : () -> ()
    %mul3A_98 = arith.constant 4 : i32
    %mul3A_99 = arith.muli %arg1, %mul3A_98 : i32
    %add3A_100 = arith.constant 1 : i32
    %add3A_101 = arith.addi %mul3A_99, %add3A_100 : i32
    %mul3A_102 = arith.constant 128 : i32
    %mul3A_103 = arith.muli %arg0, %mul3A_102 : i32
    %add3A_104 = arith.addi %mul3A_103, %add3A_101 : i32
    %mul3A_105 = arith.constant 10000 : i32
    %mul3A_106 = arith.muli %add3A_104, %mul3A_105 : i32
    "tpu.region"() ({
      %run_scoped3A = tpu.sem_alloc : memref<!tpu.dma_semaphore, #tpu.memory_space<semaphore_mem>>
      %dma_start3A_146 = tpu.memref_slice %arg5[%mul3A_106] : memref<2560000xf32, #tpu.memory_space<hbm>> -> memref<10000xf32, #tpu.memory_space<hbm>>
      %dma_start3A_147 = tpu.memref_slice %arg5[%mul3A_106] : memref<2560000xf32, #tpu.memory_space<hbm>> -> memref<10000xf32, #tpu.memory_space<hbm>>
      tpu.enqueue_dma source(%arg12 : memref<10000xf32, #tpu.memory_space<vmem>>) target(%dma_start3A_147 : memref<10000xf32, #tpu.memory_space<hbm>>) target_semaphore(%run_scoped3A : memref<!tpu.dma_semaphore, #tpu.memory_space<semaphore_mem>>)
      %dma_wait3A = tpu.memref_slice %arg5[%mul3A_106] : memref<2560000xf32, #tpu.memory_space<hbm>> -> memref<10000xf32, #tpu.memory_space<hbm>>
      %dma_wait3A_148 = tpu.memref_slice %arg5[%mul3A_106] : memref<2560000xf32, #tpu.memory_space<hbm>> -> memref<10000xf32, #tpu.memory_space<hbm>>
      tpu.wait_dma2 semaphore(%run_scoped3A : memref<!tpu.dma_semaphore, #tpu.memory_space<semaphore_mem>>) src(%arg12 : memref<10000xf32, #tpu.memory_space<vmem>>) dst(%dma_wait3A_148 : memref<10000xf32, #tpu.memory_space<hbm>>)
      tpu.yield
    }) : () -> ()
    %mul3A_107 = arith.constant 128 : i32
    %mul3A_108 = arith.muli %arg0, %mul3A_107 : i32
    %add3A_109 = arith.constant 64 : i32
    %add3A_110 = arith.addi %mul3A_108, %add3A_109 : i32
    %add3A_111 = arith.addi %add3A_110, %add3A_101 : i32
    %mul3A_112 = arith.constant 10000 : i32
    %mul3A_113 = arith.muli %add3A_111, %mul3A_112 : i32
    "tpu.region"() ({
      %run_scoped3A = tpu.sem_alloc : memref<!tpu.dma_semaphore, #tpu.memory_space<semaphore_mem>>
      %dma_start3A_146 = tpu.memref_slice %arg5[%mul3A_113] : memref<2560000xf32, #tpu.memory_space<hbm>> -> memref<10000xf32, #tpu.memory_space<hbm>>
      %dma_start3A_147 = tpu.memref_slice %arg5[%mul3A_113] : memref<2560000xf32, #tpu.memory_space<hbm>> -> memref<10000xf32, #tpu.memory_space<hbm>>
      tpu.enqueue_dma source(%arg16 : memref<10000xf32, #tpu.memory_space<vmem>>) target(%dma_start3A_147 : memref<10000xf32, #tpu.memory_space<hbm>>) target_semaphore(%run_scoped3A : memref<!tpu.dma_semaphore, #tpu.memory_space<semaphore_mem>>)
      %dma_wait3A = tpu.memref_slice %arg5[%mul3A_113] : memref<2560000xf32, #tpu.memory_space<hbm>> -> memref<10000xf32, #tpu.memory_space<hbm>>
      %dma_wait3A_148 = tpu.memref_slice %arg5[%mul3A_113] : memref<2560000xf32, #tpu.memory_space<hbm>> -> memref<10000xf32, #tpu.memory_space<hbm>>
      tpu.wait_dma2 semaphore(%run_scoped3A : memref<!tpu.dma_semaphore, #tpu.memory_space<semaphore_mem>>) src(%arg16 : memref<10000xf32, #tpu.memory_space<vmem>>) dst(%dma_wait3A_148 : memref<10000xf32, #tpu.memory_space<hbm>>)
      tpu.yield
    }) : () -> ()
    %mul3A_114 = arith.constant 4 : i32
    %mul3A_115 = arith.muli %arg1, %mul3A_114 : i32
    %add3A_116 = arith.constant 2 : i32
    %add3A_117 = arith.addi %mul3A_115, %add3A_116 : i32
    %mul3A_118 = arith.constant 128 : i32
    %mul3A_119 = arith.muli %arg0, %mul3A_118 : i32
    %add3A_120 = arith.addi %mul3A_119, %add3A_117 : i32
    %mul3A_121 = arith.constant 10000 : i32
    %mul3A_122 = arith.muli %add3A_120, %mul3A_121 : i32
    "tpu.region"() ({
      %run_scoped3A = tpu.sem_alloc : memref<!tpu.dma_semaphore, #tpu.memory_space<semaphore_mem>>
      %dma_start3A_146 = tpu.memref_slice %arg5[%mul3A_122] : memref<2560000xf32, #tpu.memory_space<hbm>> -> memref<10000xf32, #tpu.memory_space<hbm>>
      %dma_start3A_147 = tpu.memref_slice %arg5[%mul3A_122] : memref<2560000xf32, #tpu.memory_space<hbm>> -> memref<10000xf32, #tpu.memory_space<hbm>>
      tpu.enqueue_dma source(%arg13 : memref<10000xf32, #tpu.memory_space<vmem>>) target(%dma_start3A_147 : memref<10000xf32, #tpu.memory_space<hbm>>) target_semaphore(%run_scoped3A : memref<!tpu.dma_semaphore, #tpu.memory_space<semaphore_mem>>)
      %dma_wait3A = tpu.memref_slice %arg5[%mul3A_122] : memref<2560000xf32, #tpu.memory_space<hbm>> -> memref<10000xf32, #tpu.memory_space<hbm>>
      %dma_wait3A_148 = tpu.memref_slice %arg5[%mul3A_122] : memref<2560000xf32, #tpu.memory_space<hbm>> -> memref<10000xf32, #tpu.memory_space<hbm>>
      tpu.wait_dma2 semaphore(%run_scoped3A : memref<!tpu.dma_semaphore, #tpu.memory_space<semaphore_mem>>) src(%arg13 : memref<10000xf32, #tpu.memory_space<vmem>>) dst(%dma_wait3A_148 : memref<10000xf32, #tpu.memory_space<hbm>>)
      tpu.yield
    }) : () -> ()
    %mul3A_123 = arith.constant 128 : i32
    %mul3A_124 = arith.muli %arg0, %mul3A_123 : i32
    %add3A_125 = arith.constant 64 : i32
    %add3A_126 = arith.addi %mul3A_124, %add3A_125 : i32
    %add3A_127 = arith.addi %add3A_126, %add3A_117 : i32
    %mul3A_128 = arith.constant 10000 : i32
    %mul3A_129 = arith.muli %add3A_127, %mul3A_128 : i32
    "tpu.region"() ({
      %run_scoped3A = tpu.sem_alloc : memref<!tpu.dma_semaphore, #tpu.memory_space<semaphore_mem>>
      %dma_start3A_146 = tpu.memref_slice %arg5[%mul3A_129] : memref<2560000xf32, #tpu.memory_space<hbm>> -> memref<10000xf32, #tpu.memory_space<hbm>>
      %dma_start3A_147 = tpu.memref_slice %arg5[%mul3A_129] : memref<2560000xf32, #tpu.memory_space<hbm>> -> memref<10000xf32, #tpu.memory_space<hbm>>
      tpu.enqueue_dma source(%arg17 : memref<10000xf32, #tpu.memory_space<vmem>>) target(%dma_start3A_147 : memref<10000xf32, #tpu.memory_space<hbm>>) target_semaphore(%run_scoped3A : memref<!tpu.dma_semaphore, #tpu.memory_space<semaphore_mem>>)
      %dma_wait3A = tpu.memref_slice %arg5[%mul3A_129] : memref<2560000xf32, #tpu.memory_space<hbm>> -> memref<10000xf32, #tpu.memory_space<hbm>>
      %dma_wait3A_148 = tpu.memref_slice %arg5[%mul3A_129] : memref<2560000xf32, #tpu.memory_space<hbm>> -> memref<10000xf32, #tpu.memory_space<hbm>>
      tpu.wait_dma2 semaphore(%run_scoped3A : memref<!tpu.dma_semaphore, #tpu.memory_space<semaphore_mem>>) src(%arg17 : memref<10000xf32, #tpu.memory_space<vmem>>) dst(%dma_wait3A_148 : memref<10000xf32, #tpu.memory_space<hbm>>)
      tpu.yield
    }) : () -> ()
    %mul3A_130 = arith.constant 4 : i32
    %mul3A_131 = arith.muli %arg1, %mul3A_130 : i32
    %add3A_132 = arith.constant 3 : i32
    %add3A_133 = arith.addi %mul3A_131, %add3A_132 : i32
    %mul3A_134 = arith.constant 128 : i32
    %mul3A_135 = arith.muli %arg0, %mul3A_134 : i32
    %add3A_136 = arith.addi %mul3A_135, %add3A_133 : i32
    %mul3A_137 = arith.constant 10000 : i32
    %mul3A_138 = arith.muli %add3A_136, %mul3A_137 : i32
    "tpu.region"() ({
      %run_scoped3A = tpu.sem_alloc : memref<!tpu.dma_semaphore, #tpu.memory_space<semaphore_mem>>
      %dma_start3A_146 = tpu.memref_slice %arg5[%mul3A_138] : memref<2560000xf32, #tpu.memory_space<hbm>> -> memref<10000xf32, #tpu.memory_space<hbm>>
      %dma_start3A_147 = tpu.memref_slice %arg5[%mul3A_138] : memref<2560000xf32, #tpu.memory_space<hbm>> -> memref<10000xf32, #tpu.memory_space<hbm>>
      tpu.enqueue_dma source(%arg14 : memref<10000xf32, #tpu.memory_space<vmem>>) target(%dma_start3A_147 : memref<10000xf32, #tpu.memory_space<hbm>>) target_semaphore(%run_scoped3A : memref<!tpu.dma_semaphore, #tpu.memory_space<semaphore_mem>>)
      %dma_wait3A = tpu.memref_slice %arg5[%mul3A_138] : memref<2560000xf32, #tpu.memory_space<hbm>> -> memref<10000xf32, #tpu.memory_space<hbm>>
      %dma_wait3A_148 = tpu.memref_slice %arg5[%mul3A_138] : memref<2560000xf32, #tpu.memory_space<hbm>> -> memref<10000xf32, #tpu.memory_space<hbm>>
      tpu.wait_dma2 semaphore(%run_scoped3A : memref<!tpu.dma_semaphore, #tpu.memory_space<semaphore_mem>>) src(%arg14 : memref<10000xf32, #tpu.memory_space<vmem>>) dst(%dma_wait3A_148 : memref<10000xf32, #tpu.memory_space<hbm>>)
      tpu.yield
    }) : () -> ()
    %mul3A_139 = arith.constant 128 : i32
    %mul3A_140 = arith.muli %arg0, %mul3A_139 : i32
    %add3A_141 = arith.constant 64 : i32
    %add3A_142 = arith.addi %mul3A_140, %add3A_141 : i32
    %add3A_143 = arith.addi %add3A_142, %add3A_133 : i32
    %mul3A_144 = arith.constant 10000 : i32
    %mul3A_145 = arith.muli %add3A_143, %mul3A_144 : i32
    "tpu.region"() ({
      %run_scoped3A = tpu.sem_alloc : memref<!tpu.dma_semaphore, #tpu.memory_space<semaphore_mem>>
      %dma_start3A_146 = tpu.memref_slice %arg5[%mul3A_145] : memref<2560000xf32, #tpu.memory_space<hbm>> -> memref<10000xf32, #tpu.memory_space<hbm>>
      %dma_start3A_147 = tpu.memref_slice %arg5[%mul3A_145] : memref<2560000xf32, #tpu.memory_space<hbm>> -> memref<10000xf32, #tpu.memory_space<hbm>>
      tpu.enqueue_dma source(%arg18 : memref<10000xf32, #tpu.memory_space<vmem>>) target(%dma_start3A_147 : memref<10000xf32, #tpu.memory_space<hbm>>) target_semaphore(%run_scoped3A : memref<!tpu.dma_semaphore, #tpu.memory_space<semaphore_mem>>)
      %dma_wait3A = tpu.memref_slice %arg5[%mul3A_145] : memref<2560000xf32, #tpu.memory_space<hbm>> -> memref<10000xf32, #tpu.memory_space<hbm>>
      %dma_wait3A_148 = tpu.memref_slice %arg5[%mul3A_145] : memref<2560000xf32, #tpu.memory_space<hbm>> -> memref<10000xf32, #tpu.memory_space<hbm>>
      tpu.wait_dma2 semaphore(%run_scoped3A : memref<!tpu.dma_semaphore, #tpu.memory_space<semaphore_mem>>) src(%arg18 : memref<10000xf32, #tpu.memory_space<vmem>>) dst(%dma_wait3A_148 : memref<10000xf32, #tpu.memory_space<hbm>>)
      tpu.yield
    }) : () -> ()
    return
  }
}

module attributes {stable_mosaic.version = 14 : i64} {
  func.func @_tc_in_body(%arg0: memref<10000x128xf32, #tpu.memory_space<vmem>>, %arg1: memref<128x128xf32, #tpu.memory_space<vmem>>, %arg2: memref<128x1xf32, #tpu.memory_space<vmem>>, %arg3: memref<128x1xf32, #tpu.memory_space<vmem>>, %arg4: memref<128x10000xf32, #tpu.memory_space<vmem>>, %arg5: memref<1x10000xf32, #tpu.memory_space<vmem>>, %arg6: memref<1x10000xf32, #tpu.memory_space<vmem>>, %arg7: memref<64x10000xi32, #tpu.memory_space<vmem>>, %arg8: memref<1x10000xi32, #tpu.memory_space<vmem>>) attributes {dimension_semantics = [], scalar_prefetch = 0 : i64, scratch_operands = 0 : i64, tpu.core_type = #tpu.core_type<tc>} {
    %get3A = arith.constant 0 : index
    %get3A_0 = arith.constant 0 : index
    %get3A_1 = vector.load %arg1[%get3A, %get3A_0] : memref<128x128xf32, #tpu.memory_space<vmem>>, vector<128x128xf32>
    %get3A_2 = arith.constant 0 : index
    %get3A_3 = arith.constant 0 : index
    %get3A_4 = vector.load %arg0[%get3A_2, %get3A_3] : memref<10000x128xf32, #tpu.memory_space<vmem>>, vector<10000x128xf32>
    %dot_general3A = arith.constant dense<0.000000e+00> : vector<128x10000xf32>
    %dot_general3A_5 = tpu.matmul %get3A_1, %get3A_4, %dot_general3A {dimension_numbers = #tpu.dot_dimension_numbers<[0], [1], [1], [0], [0, 1, 1, 0], [], []>, transpose_lhs_hint = false} : vector<128x128xf32>, vector<10000x128xf32>, vector<128x10000xf32> -> vector<128x10000xf32>
    %swap3A = arith.constant 0 : index
    %swap3A_6 = arith.constant 0 : index
    %swap3A_7 = vector.load %arg4[%swap3A, %swap3A_6] : memref<128x10000xf32, #tpu.memory_space<vmem>>, vector<128x10000xf32>
    tpu.vector_store %arg4[%swap3A, %swap3A_6], %dot_general3A_5 {strides = array<i32>} : memref<128x10000xf32, #tpu.memory_space<vmem>>, vector<128x10000xf32>,
    %get3A_8 = arith.constant 0 : index
    %get3A_9 = arith.constant 0 : index
    %get3A_10 = vector.load %arg2[%get3A_8, %get3A_9] : memref<128x1xf32, #tpu.memory_space<vmem>>, vector<128x1xf32>
    %dot_general3A_11 = arith.constant dense<0.000000e+00> : vector<1x10000xf32>
    %dot_general3A_12 = tpu.matmul %get3A_10, %dot_general3A_5, %dot_general3A_11 {dimension_numbers = #tpu.dot_dimension_numbers<[0], [0], [1], [1], [0, 1, 1, 1], [], []>, transpose_lhs_hint = false} : vector<128x1xf32>, vector<128x10000xf32>, vector<1x10000xf32> -> vector<1x10000xf32>
    %get3A_13 = arith.constant 0 : index
    %get3A_14 = arith.constant 0 : index
    %get3A_15 = vector.load %arg3[%get3A_13, %get3A_14] : memref<128x1xf32, #tpu.memory_space<vmem>>, vector<128x1xf32>
    %dot_general3A_16 = arith.constant dense<0.000000e+00> : vector<1x10000xf32>
    %dot_general3A_17 = tpu.matmul %get3A_15, %dot_general3A_5, %dot_general3A_16 {dimension_numbers = #tpu.dot_dimension_numbers<[0], [0], [1], [1], [0, 1, 1, 1], [], []>, transpose_lhs_hint = false} : vector<128x1xf32>, vector<128x10000xf32>, vector<1x10000xf32> -> vector<1x10000xf32>
    %swap3A_18 = arith.constant 0 : index
    %swap3A_19 = arith.constant 0 : index
    %swap3A_20 = vector.load %arg5[%swap3A_18, %swap3A_19] : memref<1x10000xf32, #tpu.memory_space<vmem>>, vector<1x10000xf32>
    tpu.vector_store %arg5[%swap3A_18, %swap3A_19], %dot_general3A_12 {strides = array<i32>} : memref<1x10000xf32, #tpu.memory_space<vmem>>, vector<1x10000xf32>,
    %swap3A_21 = arith.constant 0 : index
    %swap3A_22 = arith.constant 0 : index
    %swap3A_23 = vector.load %arg6[%swap3A_21, %swap3A_22] : memref<1x10000xf32, #tpu.memory_space<vmem>>, vector<1x10000xf32>
    tpu.vector_store %arg6[%swap3A_21, %swap3A_22], %dot_general3A_17 {strides = array<i32>} : memref<1x10000xf32, #tpu.memory_space<vmem>>, vector<1x10000xf32>,
    %slice3A = vector.extract_strided_slice %dot_general3A_5 {offsets = [0, 0], sizes = [64, 10000], strides = [1, 1]} : vector<128x10000xf32> to vector<64x10000xf32>
    %slice3A_24 = vector.extract_strided_slice %dot_general3A_5 {offsets = [64, 0], sizes = [64, 10000], strides = [1, 1]} : vector<128x10000xf32> to vector<64x10000xf32>
    %convert_element_type3A = arith.truncf %slice3A : vector<64x10000xf32> to vector<64x10000xbf16>
    %bitcast_convert_type3A = tpu.bitcast %convert_element_type3A : vector<64x10000xbf16> -> vector<64x10000xi16>
    %convert_element_type3A_25 = arith.extui %bitcast_convert_type3A : vector<64x10000xi16> to vector<64x10000xi32>
    %convert_element_type3A_26 = arith.truncf %slice3A_24 : vector<64x10000xf32> to vector<64x10000xbf16>
    %bitcast_convert_type3A_27 = tpu.bitcast %convert_element_type3A_26 : vector<64x10000xbf16> -> vector<64x10000xi16>
    %convert_element_type3A_28 = arith.extui %bitcast_convert_type3A_27 : vector<64x10000xi16> to vector<64x10000xi32>
    %shift_left3A = arith.constant 16 : i32
    %shift_left3A_29 = vector.broadcast %shift_left3A : i32 to vector<64x10000xi32>
    %shift_left3A_30 = arith.shli %convert_element_type3A_28, %shift_left3A_29 : vector<64x10000xi32>
    %or3A = arith.ori %convert_element_type3A_25, %shift_left3A_30 : vector<64x10000xi32>
    %bitcast_convert_type3A_31 = tpu.bitcast %or3A : vector<64x10000xi32> -> vector<64x10000xi32>
    %swap3A_32 = arith.constant 0 : index
    %swap3A_33 = arith.constant 0 : index
    %swap3A_34 = vector.load %arg7[%swap3A_32, %swap3A_33] : memref<64x10000xi32, #tpu.memory_space<vmem>>, vector<64x10000xi32>
    tpu.vector_store %arg7[%swap3A_32, %swap3A_33], %bitcast_convert_type3A_31 {strides = array<i32>} : memref<64x10000xi32, #tpu.memory_space<vmem>>, vector<64x10000xi32>,
    %convert_element_type3A_35 = arith.truncf %dot_general3A_12 : vector<1x10000xf32> to vector<1x10000xbf16>
    %bitcast_convert_type3A_36 = tpu.bitcast %convert_element_type3A_35 : vector<1x10000xbf16> -> vector<1x10000xi16>
    %convert_element_type3A_37 = arith.extui %bitcast_convert_type3A_36 : vector<1x10000xi16> to vector<1x10000xi32>
    %convert_element_type3A_38 = arith.truncf %dot_general3A_17 : vector<1x10000xf32> to vector<1x10000xbf16>
    %bitcast_convert_type3A_39 = tpu.bitcast %convert_element_type3A_38 : vector<1x10000xbf16> -> vector<1x10000xi16>
    %convert_element_type3A_40 = arith.extui %bitcast_convert_type3A_39 : vector<1x10000xi16> to vector<1x10000xi32>
    %shift_left3A_41 = arith.constant 16 : i32
    %shift_left3A_42 = vector.broadcast %shift_left3A_41 : i32 to vector<1x10000xi32>
    %shift_left3A_43 = arith.shli %convert_element_type3A_40, %shift_left3A_42 : vector<1x10000xi32>
    %or3A_44 = arith.ori %convert_element_type3A_37, %shift_left3A_43 : vector<1x10000xi32>
    %bitcast_convert_type3A_45 = tpu.bitcast %or3A_44 : vector<1x10000xi32> -> vector<1x10000xi32>
    %swap3A_46 = arith.constant 0 : index
    %swap3A_47 = arith.constant 0 : index
    %swap3A_48 = vector.load %arg8[%swap3A_46, %swap3A_47] : memref<1x10000xi32, #tpu.memory_space<vmem>>, vector<1x10000xi32>
    tpu.vector_store %arg8[%swap3A_46, %swap3A_47], %bitcast_convert_type3A_45 {strides = array<i32>} : memref<1x10000xi32, #tpu.memory_space<vmem>>, vector<1x10000xi32>,
    return
  }
}

module attributes {stable_mosaic.version = 14 : i64} {
  func.func @_tc_mid_body(%arg0: memref<2x128x10000xf32, #tpu.memory_space<vmem>>, %arg1: memref<32x1x10000xf32, #tpu.memory_space<vmem>>, %arg2: memref<128x10000xf32, #tpu.memory_space<vmem>>, %arg3: memref<1x10000xf32, #tpu.memory_space<vmem>>, %arg4: memref<1x10000xf32, #tpu.memory_space<vmem>>, %arg5: memref<128x1xf32, #tpu.memory_space<vmem>>, %arg6: memref<128x128xf32, #tpu.memory_space<vmem>>, %arg7: memref<128x1xf32, #tpu.memory_space<vmem>>, %arg8: memref<128x1xf32, #tpu.memory_space<vmem>>, %arg9: memref<128x10000xf32, #tpu.memory_space<vmem>>, %arg10: memref<1x10000xf32, #tpu.memory_space<vmem>>, %arg11: memref<1x10000xf32, #tpu.memory_space<vmem>>, %arg12: memref<64x10000xi32, #tpu.memory_space<vmem>>, %arg13: memref<1x10000xi32, #tpu.memory_space<vmem>>) attributes {dimension_semantics = [], scalar_prefetch = 0 : i64, scratch_operands = 0 : i64, tpu.core_type = #tpu.core_type<tc>} {
    %get3A = arith.constant 0 : index
    %get3A_0 = arith.constant 0 : index
    %get3A_1 = vector.load %arg3[%get3A, %get3A_0] : memref<1x10000xf32, #tpu.memory_space<vmem>>, vector<1x10000xf32>
    %get3A_2 = arith.constant 0 : index
    %get3A_3 = arith.constant 0 : index
    %get3A_4 = vector.load %arg4[%get3A_2, %get3A_3] : memref<1x10000xf32, #tpu.memory_space<vmem>>, vector<1x10000xf32>
    %add3A = arith.addf %get3A_1, %get3A_4 : vector<1x10000xf32>
    %mul3A = arith.constant 2.000000e-01 : f32
    %mul3A_5 = vector.broadcast %mul3A : f32 to vector<1x10000xf32>
    %mul3A_6 = arith.mulf %mul3A_5, %add3A : vector<1x10000xf32>
    %max3A = arith.maximumf %add3A, %mul3A_6 : vector<1x10000xf32>
    %exp3A = math.exp %max3A : vector<1x10000xf32>
    %get3A_7 = arith.constant 0 : index
    %get3A_8 = arith.constant 0 : index
    %get3A_9 = arith.constant 0 : index
    %get3A_10 = vector.load %arg0[%get3A_7, %get3A_8, %get3A_9] : memref<2x128x10000xf32, #tpu.memory_space<vmem>>, vector<1x128x10000xf32>
    %get3A_11 = vector.shape_cast %get3A_10 : vector<1x128x10000xf32> to vector<128x10000xf32>
    %get3A_12 = arith.constant 1 : index
    %get3A_13 = arith.constant 0 : index
    %get3A_14 = arith.constant 0 : index
    %get3A_15 = vector.load %arg0[%get3A_12, %get3A_13, %get3A_14] : memref<2x128x10000xf32, #tpu.memory_space<vmem>>, vector<1x128x10000xf32>
    %get3A_16 = vector.shape_cast %get3A_15 : vector<1x128x10000xf32> to vector<128x10000xf32>
    %add3A_17 = arith.addf %get3A_11, %get3A_16 : vector<128x10000xf32>
    %get3A_18 = arith.constant 0 : index
    %get3A_19 = arith.constant 0 : index
    %get3A_20 = vector.load %arg2[%get3A_18, %get3A_19] : memref<128x10000xf32, #tpu.memory_space<vmem>>, vector<128x10000xf32>
    %mul3A_21 = vector.broadcast %exp3A : vector<1x10000xf32> to vector<128x10000xf32>
    %mul3A_22 = arith.mulf %mul3A_21, %get3A_20 : vector<128x10000xf32>
    %add3A_23 = arith.addf %add3A_17, %mul3A_22 : vector<128x10000xf32>
    %get3A_24 = arith.constant 0 : index
    %get3A_25 = arith.constant 0 : index
    %get3A_26 = arith.constant 0 : index
    %get3A_27 = vector.load %arg1[%get3A_24, %get3A_25, %get3A_26] : memref<32x1x10000xf32, #tpu.memory_space<vmem>>, vector<32x1x10000xf32>
    %reduce_sum3A = arith.constant dense<0.000000e+00> : vector<1x10000xf32>
    %reduce_sum3A_28 = vector.multi_reduction <add>, %get3A_27, %reduce_sum3A [0] : vector<32x1x10000xf32> to vector<1x10000xf32>
    %add3A_29 = arith.addf %reduce_sum3A_28, %exp3A : vector<1x10000xf32>
    %div3A = vector.broadcast %add3A_29 : vector<1x10000xf32> to vector<128x10000xf32>
    %div3A_30 = arith.divf %add3A_23, %div3A : vector<128x10000xf32>
    %get3A_31 = arith.constant 0 : index
    %get3A_32 = arith.constant 0 : index
    %get3A_33 = vector.load %arg5[%get3A_31, %get3A_32] : memref<128x1xf32, #tpu.memory_space<vmem>>, vector<128x1xf32>
    %add3A_34 = vector.broadcast %get3A_33 : vector<128x1xf32> to vector<128x10000xf32>
    %add3A_35 = arith.addf %div3A_30, %add3A_34 : vector<128x10000xf32>
    %max3A_36 = arith.constant 0.000000e+00 : f32
    %max3A_37 = vector.broadcast %max3A_36 : f32 to vector<128x10000xf32>
    %max3A_38 = arith.maximumf %add3A_35, %max3A_37 : vector<128x10000xf32>
    %get3A_39 = arith.constant 0 : index
    %get3A_40 = arith.constant 0 : index
    %get3A_41 = vector.load %arg6[%get3A_39, %get3A_40] : memref<128x128xf32, #tpu.memory_space<vmem>>, vector<128x128xf32>
    %dot_general3A = arith.constant dense<0.000000e+00> : vector<128x10000xf32>
    %dot_general3A_42 = tpu.matmul %get3A_41, %max3A_38, %dot_general3A {dimension_numbers = #tpu.dot_dimension_numbers<[0], [0], [1], [1], [0, 1, 1, 1], [], []>, transpose_lhs_hint = false} : vector<128x128xf32>, vector<128x10000xf32>, vector<128x10000xf32> -> vector<128x10000xf32>
    %swap3A = arith.constant 0 : index
    %swap3A_43 = arith.constant 0 : index
    %swap3A_44 = vector.load %arg9[%swap3A, %swap3A_43] : memref<128x10000xf32, #tpu.memory_space<vmem>>, vector<128x10000xf32>
    tpu.vector_store %arg9[%swap3A, %swap3A_43], %dot_general3A_42 {strides = array<i32>} : memref<128x10000xf32, #tpu.memory_space<vmem>>, vector<128x10000xf32>,
    %get3A_45 = arith.constant 0 : index
    %get3A_46 = arith.constant 0 : index
    %get3A_47 = vector.load %arg7[%get3A_45, %get3A_46] : memref<128x1xf32, #tpu.memory_space<vmem>>, vector<128x1xf32>
    %dot_general3A_48 = arith.constant dense<0.000000e+00> : vector<1x10000xf32>
    %dot_general3A_49 = tpu.matmul %get3A_47, %dot_general3A_42, %dot_general3A_48 {dimension_numbers = #tpu.dot_dimension_numbers<[0], [0], [1], [1], [0, 1, 1, 1], [], []>, transpose_lhs_hint = false} : vector<128x1xf32>, vector<128x10000xf32>, vector<1x10000xf32> -> vector<1x10000xf32>
    %get3A_50 = arith.constant 0 : index
    %get3A_51 = arith.constant 0 : index
    %get3A_52 = vector.load %arg8[%get3A_50, %get3A_51] : memref<128x1xf32, #tpu.memory_space<vmem>>, vector<128x1xf32>
    %dot_general3A_53 = arith.constant dense<0.000000e+00> : vector<1x10000xf32>
    %dot_general3A_54 = tpu.matmul %get3A_52, %dot_general3A_42, %dot_general3A_53 {dimension_numbers = #tpu.dot_dimension_numbers<[0], [0], [1], [1], [0, 1, 1, 1], [], []>, transpose_lhs_hint = false} : vector<128x1xf32>, vector<128x10000xf32>, vector<1x10000xf32> -> vector<1x10000xf32>
    %swap3A_55 = arith.constant 0 : index
    %swap3A_56 = arith.constant 0 : index
    %swap3A_57 = vector.load %arg10[%swap3A_55, %swap3A_56] : memref<1x10000xf32, #tpu.memory_space<vmem>>, vector<1x10000xf32>
    tpu.vector_store %arg10[%swap3A_55, %swap3A_56], %dot_general3A_49 {strides = array<i32>} : memref<1x10000xf32, #tpu.memory_space<vmem>>, vector<1x10000xf32>,
    %swap3A_58 = arith.constant 0 : index
    %swap3A_59 = arith.constant 0 : index
    %swap3A_60 = vector.load %arg11[%swap3A_58, %swap3A_59] : memref<1x10000xf32, #tpu.memory_space<vmem>>, vector<1x10000xf32>
    tpu.vector_store %arg11[%swap3A_58, %swap3A_59], %dot_general3A_54 {strides = array<i32>} : memref<1x10000xf32, #tpu.memory_space<vmem>>, vector<1x10000xf32>,
    %slice3A = vector.extract_strided_slice %dot_general3A_42 {offsets = [0, 0], sizes = [64, 10000], strides = [1, 1]} : vector<128x10000xf32> to vector<64x10000xf32>
    %slice3A_61 = vector.extract_strided_slice %dot_general3A_42 {offsets = [64, 0], sizes = [64, 10000], strides = [1, 1]} : vector<128x10000xf32> to vector<64x10000xf32>
    %convert_element_type3A = arith.truncf %slice3A : vector<64x10000xf32> to vector<64x10000xbf16>
    %bitcast_convert_type3A = tpu.bitcast %convert_element_type3A : vector<64x10000xbf16> -> vector<64x10000xi16>
    %convert_element_type3A_62 = arith.extui %bitcast_convert_type3A : vector<64x10000xi16> to vector<64x10000xi32>
    %convert_element_type3A_63 = arith.truncf %slice3A_61 : vector<64x10000xf32> to vector<64x10000xbf16>
    %bitcast_convert_type3A_64 = tpu.bitcast %convert_element_type3A_63 : vector<64x10000xbf16> -> vector<64x10000xi16>
    %convert_element_type3A_65 = arith.extui %bitcast_convert_type3A_64 : vector<64x10000xi16> to vector<64x10000xi32>
    %shift_left3A = arith.constant 16 : i32
    %shift_left3A_66 = vector.broadcast %shift_left3A : i32 to vector<64x10000xi32>
    %shift_left3A_67 = arith.shli %convert_element_type3A_65, %shift_left3A_66 : vector<64x10000xi32>
    %or3A = arith.ori %convert_element_type3A_62, %shift_left3A_67 : vector<64x10000xi32>
    %bitcast_convert_type3A_68 = tpu.bitcast %or3A : vector<64x10000xi32> -> vector<64x10000xi32>
    %swap3A_69 = arith.constant 0 : index
    %swap3A_70 = arith.constant 0 : index
    %swap3A_71 = vector.load %arg12[%swap3A_69, %swap3A_70] : memref<64x10000xi32, #tpu.memory_space<vmem>>, vector<64x10000xi32>
    tpu.vector_store %arg12[%swap3A_69, %swap3A_70], %bitcast_convert_type3A_68 {strides = array<i32>} : memref<64x10000xi32, #tpu.memory_space<vmem>>, vector<64x10000xi32>,
    %convert_element_type3A_72 = arith.truncf %dot_general3A_49 : vector<1x10000xf32> to vector<1x10000xbf16>
    %bitcast_convert_type3A_73 = tpu.bitcast %convert_element_type3A_72 : vector<1x10000xbf16> -> vector<1x10000xi16>
    %convert_element_type3A_74 = arith.extui %bitcast_convert_type3A_73 : vector<1x10000xi16> to vector<1x10000xi32>
    %convert_element_type3A_75 = arith.truncf %dot_general3A_54 : vector<1x10000xf32> to vector<1x10000xbf16>
    %bitcast_convert_type3A_76 = tpu.bitcast %convert_element_type3A_75 : vector<1x10000xbf16> -> vector<1x10000xi16>
    %convert_element_type3A_77 = arith.extui %bitcast_convert_type3A_76 : vector<1x10000xi16> to vector<1x10000xi32>
    %shift_left3A_78 = arith.constant 16 : i32
    %shift_left3A_79 = vector.broadcast %shift_left3A_78 : i32 to vector<1x10000xi32>
    %shift_left3A_80 = arith.shli %convert_element_type3A_77, %shift_left3A_79 : vector<1x10000xi32>
    %or3A_81 = arith.ori %convert_element_type3A_74, %shift_left3A_80 : vector<1x10000xi32>
    %bitcast_convert_type3A_82 = tpu.bitcast %or3A_81 : vector<1x10000xi32> -> vector<1x10000xi32>
    %swap3A_83 = arith.constant 0 : index
    %swap3A_84 = arith.constant 0 : index
    %swap3A_85 = vector.load %arg13[%swap3A_83, %swap3A_84] : memref<1x10000xi32, #tpu.memory_space<vmem>>, vector<1x10000xi32>
    tpu.vector_store %arg13[%swap3A_83, %swap3A_84], %bitcast_convert_type3A_82 {strides = array<i32>} : memref<1x10000xi32, #tpu.memory_space<vmem>>, vector<1x10000xi32>,
    return
  }
}

module attributes {stable_mosaic.version = 14 : i64} {
  func.func @_tc_out_body(%arg0: memref<2x128x10000xf32, #tpu.memory_space<vmem>>, %arg1: memref<32x1x10000xf32, #tpu.memory_space<vmem>>, %arg2: memref<128x10000xf32, #tpu.memory_space<vmem>>, %arg3: memref<1x10000xf32, #tpu.memory_space<vmem>>, %arg4: memref<1x10000xf32, #tpu.memory_space<vmem>>, %arg5: memref<128x1xf32, #tpu.memory_space<vmem>>, %arg6: memref<128x128xf32, #tpu.memory_space<vmem>>, %arg7: memref<1x128xf32, #tpu.memory_space<vmem>>, %arg8: memref<10000x128xf32, #tpu.memory_space<vmem>>) attributes {dimension_semantics = [], scalar_prefetch = 0 : i64, scratch_operands = 0 : i64, tpu.core_type = #tpu.core_type<tc>} {
    %get3A = arith.constant 0 : index
    %get3A_0 = arith.constant 0 : index
    %get3A_1 = vector.load %arg3[%get3A, %get3A_0] : memref<1x10000xf32, #tpu.memory_space<vmem>>, vector<1x10000xf32>
    %get3A_2 = arith.constant 0 : index
    %get3A_3 = arith.constant 0 : index
    %get3A_4 = vector.load %arg4[%get3A_2, %get3A_3] : memref<1x10000xf32, #tpu.memory_space<vmem>>, vector<1x10000xf32>
    %add3A = arith.addf %get3A_1, %get3A_4 : vector<1x10000xf32>
    %mul3A = arith.constant 2.000000e-01 : f32
    %mul3A_5 = vector.broadcast %mul3A : f32 to vector<1x10000xf32>
    %mul3A_6 = arith.mulf %mul3A_5, %add3A : vector<1x10000xf32>
    %max3A = arith.maximumf %add3A, %mul3A_6 : vector<1x10000xf32>
    %exp3A = math.exp %max3A : vector<1x10000xf32>
    %get3A_7 = arith.constant 0 : index
    %get3A_8 = arith.constant 0 : index
    %get3A_9 = arith.constant 0 : index
    %get3A_10 = vector.load %arg0[%get3A_7, %get3A_8, %get3A_9] : memref<2x128x10000xf32, #tpu.memory_space<vmem>>, vector<1x128x10000xf32>
    %get3A_11 = vector.shape_cast %get3A_10 : vector<1x128x10000xf32> to vector<128x10000xf32>
    %get3A_12 = arith.constant 1 : index
    %get3A_13 = arith.constant 0 : index
    %get3A_14 = arith.constant 0 : index
    %get3A_15 = vector.load %arg0[%get3A_12, %get3A_13, %get3A_14] : memref<2x128x10000xf32, #tpu.memory_space<vmem>>, vector<1x128x10000xf32>
    %get3A_16 = vector.shape_cast %get3A_15 : vector<1x128x10000xf32> to vector<128x10000xf32>
    %add3A_17 = arith.addf %get3A_11, %get3A_16 : vector<128x10000xf32>
    %get3A_18 = arith.constant 0 : index
    %get3A_19 = arith.constant 0 : index
    %get3A_20 = vector.load %arg2[%get3A_18, %get3A_19] : memref<128x10000xf32, #tpu.memory_space<vmem>>, vector<128x10000xf32>
    %mul3A_21 = vector.broadcast %exp3A : vector<1x10000xf32> to vector<128x10000xf32>
    %mul3A_22 = arith.mulf %mul3A_21, %get3A_20 : vector<128x10000xf32>
    %add3A_23 = arith.addf %add3A_17, %mul3A_22 : vector<128x10000xf32>
    %get3A_24 = arith.constant 0 : index
    %get3A_25 = arith.constant 0 : index
    %get3A_26 = arith.constant 0 : index
    %get3A_27 = vector.load %arg1[%get3A_24, %get3A_25, %get3A_26] : memref<32x1x10000xf32, #tpu.memory_space<vmem>>, vector<32x1x10000xf32>
    %reduce_sum3A = arith.constant dense<0.000000e+00> : vector<1x10000xf32>
    %reduce_sum3A_28 = vector.multi_reduction <add>, %get3A_27, %reduce_sum3A [0] : vector<32x1x10000xf32> to vector<1x10000xf32>
    %add3A_29 = arith.addf %reduce_sum3A_28, %exp3A : vector<1x10000xf32>
    %div3A = vector.broadcast %add3A_29 : vector<1x10000xf32> to vector<128x10000xf32>
    %div3A_30 = arith.divf %add3A_23, %div3A : vector<128x10000xf32>
    %get3A_31 = arith.constant 0 : index
    %get3A_32 = arith.constant 0 : index
    %get3A_33 = vector.load %arg5[%get3A_31, %get3A_32] : memref<128x1xf32, #tpu.memory_space<vmem>>, vector<128x1xf32>
    %add3A_34 = vector.broadcast %get3A_33 : vector<128x1xf32> to vector<128x10000xf32>
    %add3A_35 = arith.addf %div3A_30, %add3A_34 : vector<128x10000xf32>
    %max3A_36 = arith.constant 0.000000e+00 : f32
    %max3A_37 = vector.broadcast %max3A_36 : f32 to vector<128x10000xf32>
    %max3A_38 = arith.maximumf %add3A_35, %max3A_37 : vector<128x10000xf32>
    %get3A_39 = arith.constant 0 : index
    %get3A_40 = arith.constant 0 : index
    %get3A_41 = vector.load %arg6[%get3A_39, %get3A_40] : memref<128x128xf32, #tpu.memory_space<vmem>>, vector<128x128xf32>
    %dot_general3A = arith.constant dense<0.000000e+00> : vector<10000x128xf32>
    %dot_general3A_42 = tpu.matmul %max3A_38, %get3A_41, %dot_general3A {dimension_numbers = #tpu.dot_dimension_numbers<[0], [0], [1], [1], [0, 1, 1, 1], [], []>, transpose_lhs_hint = false} : vector<128x10000xf32>, vector<128x128xf32>, vector<10000x128xf32> -> vector<10000x128xf32>
    %get3A_43 = arith.constant 0 : index
    %get3A_44 = arith.constant 0 : index
    %get3A_45 = vector.load %arg7[%get3A_43, %get3A_44] : memref<1x128xf32, #tpu.memory_space<vmem>>, vector<1x128xf32>
    %add3A_46 = vector.broadcast %get3A_45 : vector<1x128xf32> to vector<10000x128xf32>
    %add3A_47 = arith.addf %dot_general3A_42, %add3A_46 : vector<10000x128xf32>
    %swap3A = arith.constant 0 : index
    %swap3A_48 = arith.constant 0 : index
    %swap3A_49 = vector.load %arg8[%swap3A, %swap3A_48] : memref<10000x128xf32, #tpu.memory_space<vmem>>, vector<10000x128xf32>
    tpu.vector_store %arg8[%swap3A, %swap3A_48], %add3A_47 {strides = array<i32>} : memref<10000x128xf32, #tpu.memory_space<vmem>>, vector<10000x128xf32>,
    return
  }
}

</mosaic_0001>

<sc_bundles>
// kernel: kernel.10.cloned.1.call-start
scs
__scs_entry_jumppad:
0x0: {  	(pc) =	sbr.rel $0x88, $3  }
0x1: {  	(tag) =	ssettag $0x0;
	lr =	simm.s32 $0x1  }
0x2: {  	[smem:$0x3F95] =	sst lr;
	_ =	strace $0xD0000000  }
0x3: {  	_ = 	snop  }
0x4: {  	_ = 	snop  }
0x5: {  	_ = 	snop  }
0x6: {  	_ = 	snop  }
0x7: {  	_ = 	snop  }
__scs_overlays_trampoline_lowered:
0x8: {  	[smem:$0x3FA4] =	sst s0  }
0x9: {  	[smem:$0x3FA5] =	sst s1  }
0xa: {  	[smem:$0x3FA6] =	sst s2  }
0xb: {  	[smem:$0x3FA7] =	sst s3  }
0xc: {  	[smem:$0x3FA8] =	sst s4  }
0xd: {  	[smem:$0x3FA9] =	sst s5  }
0xe: {  	[smem:$0x3FAA] =	sst s6  }
0xf: {  	[smem:$0x3FAB] =	sst s7  }
0x10: {  	[smem:$0x3FAC] =	sst s8  }
0x11: {  	[smem:$0x3FAD] =	sst s9;
	s0 =	simm.s32 @!p0 $0x0  }
0x12: {  	s1 =	sld [smem:$0x3F93];
	s0 =	simm.s32 @p0 $0x1  }
0x13: {  	[smem:$0x3FAE] =	sst s0;
	s0 =	simm.s32 @!p1 $0x0  }
0x14: {  	s2 =	sld [smem:$0x3F92];
	s0 =	simm.s32 @p1 $0x1  }
0x15: {  	[smem:$0x3FAF] =	sst s0;
	s0 =	simm.s32 @!p2 $0x0  }
0x16: {  	s3 =	sld [smem:$0x3FDB];
	s0 =	simm.s32 @p2 $0x1  }
0x17: {  	s4 =	simm.s32 $0x1BF5;
	[smem:$0x3FB1] =	sst s0  }
0x18: {  	s0 =	sld [smem:$0x3F94];
	_ =	swait.ge [sflag:s4], $0x0  }
0x19: {  	s7 =	sld [smem:$0x3F95]  }
0x1a: {  	s8 =	sadd.s32 $0xFFFFE003, lr  }
0x1b: {  	s9 =	sadd.s32 $0xFFFFFEF7, lr;
	s5 =	simm.s32 $0xFFFFFFFF;
	p2 =	slt.u32 s8, $0xFFFFF086  }
0x1c: {  	p1 =	slt.u32 s9, $0xF7A;
	s5 =	simm.s32 @!p2 $0x0  }
0x1d: {  	s5 =	simm.s32 @p1 $0x1;
	p0 =	seq.s32 s7, s2  }
0x1e: {  	s7 =	smul.u32 @!p0 $0xF7A, s2;
	p2 =	seq.s32 @!p0 s5, $0x0  }
0x1f: {  	s9 =	smul.u32 $0xF7A, s1;
	s8 =	simm.s32 @!p0 $0x1BF5;
	p2 =	por !p2, p0  }
0x20: {  	[sflag:s8] =	ssyncset.s32 @!p0 $0xFFFFF086;
	s6 =	sadd.s32 @!p0 s3, s7;
	s7 =	simm.s32 @!p0 $0x108  }
0x21: {  	s3 =	sadd.s32 s3, s9;
	s6 =	sadd.s32 @!p0 $0x88, s6;
	s7 =	simm.s32 @p2 $0x1082  }
0x22: {  	[simem:s7], [sflag:s8] =	dma.local @!p0 [hbm:s6], $0xF7A  }
0x23: {  	s9 =	sor.u32 $0xD0000000, s2;
	s6 =	simm.s32 $0x108;
	_ =	swait.ge @!p0 [sflag:s8], $0x0  }
0x24: {  	s3 =	sadd.s32 $0x88, s3;
	s6 =	simm.s32 @!p1 $0x1082;
	[sflag:s4] =	ssyncset.s32 $0xFFFFF086  }
0x25: {  	[simem:s6], [sflag:s4] =	dma.local [hbm:s3], $0xF7A  }
0x26: {  	[smem:$0x3F95] =	sst s1;
	(tag) =	ssettag s2;
	_ =	strace s9  }
0x27: {  	s1 =	sld [smem:$0x3FA5]  }
0x28: {  	s2 =	sld [smem:$0x3FA6]  }
0x29: {  	s4 =	sld [smem:$0x3FA8]  }
0x2a: {  	p0 =	seq.s32 s5, $0x0;
	s5 =	sld [smem:$0x3FA9]  }
0x2b: {  	s6 =	sld [smem:$0x3FAA]  }
0x2c: {  	s7 =	sld [smem:$0x3FAB]  }
0x2d: {  	s3 =	simm.s32 $0x108;
	s8 =	sld [smem:$0x3FAC]  }
0x2e: {  	s3 =	simm.s32 @!p0 $0x1082;
	s9 =	sld [smem:$0x3FAD]  }
0x2f: {  	lr =	sadd.s32 s0, s3;
	s0 =	sld [smem:$0x3FA4]  }
0x30: {  	s3 =	sld [smem:$0x3FA7]  }
0x31: {  	[smem:$0x3FB0] =	sst s10  }
0x32: {  	s10 =	sld [smem:$0x3FAE];
	_ =	sdelay $0x3  }
0x33: {  	p0 =	seq.s32 s10, $0x1;
	s10 =	sld [smem:$0x3FB0];
	_ =	sdelay $0x3  }
0x34: {  	[smem:$0x3FB0] =	sst s10  }
0x35: {  	s10 =	sld [smem:$0x3FAF];
	_ =	sdelay $0x3  }
0x36: {  	p1 =	seq.s32 s10, $0x1;
	s10 =	sld [smem:$0x3FB0];
	_ =	sdelay $0x3  }
0x37: {  	[smem:$0x3FB0] =	sst s10  }
0x38: {  	s10 =	sld [smem:$0x3FB1]  }
0x39: {  	_ = 	snop;
	(pc) =	sbr.ind lr, $3  }
0x3a: {  	_ = 	snop  }
0x3b: {  	_ = 	snop  }
0x3c: {  	p2 =	seq.s32 s10, $0x1;
	s10 =	sld [smem:$0x3FB0]  }
0x3d: {  	_ =	shalt  }
0x3e: {  	_ =	shalt  }
0x3f: {  	_ =	shalt  }
0x40: {  	_ =	shalt  }
0x41: {  	_ =	shalt  }
0x42: {  	_ =	shalt  }
0x43: {  	_ =	shalt  }
0x44: {  	_ =	shalt  }
0x45: {  	_ =	shalt  }
0x46: {  	_ =	shalt  }
0x47: {  	_ =	shalt  }
0x48: {  	_ =	shalt  }
0x49: {  	_ =	shalt  }
0x4a: {  	_ =	shalt  }
0x4b: {  	_ =	shalt  }
0x4c: {  	_ =	shalt  }
0x4d: {  	_ =	shalt  }
0x4e: {  	_ =	shalt  }
0x4f: {  	_ =	shalt  }
0x50: {  	_ =	shalt  }
0x51: {  	_ =	shalt  }
0x52: {  	_ =	shalt  }
0x53: {  	_ =	shalt  }
0x54: {  	_ =	shalt  }
0x55: {  	_ =	shalt  }
0x56: {  	_ =	shalt  }
0x57: {  	_ =	shalt  }
0x58: {  	_ =	shalt  }
0x59: {  	_ =	shalt  }
0x5a: {  	_ =	shalt  }
0x5b: {  	_ =	shalt  }
0x5c: {  	_ =	shalt  }
0x5d: {  	_ =	shalt  }
0x5e: {  	_ =	shalt  }
0x5f: {  	_ =	shalt  }
0x60: {  	_ =	shalt  }
0x61: {  	_ =	shalt  }
0x62: {  	_ =	shalt  }
0x63: {  	_ =	shalt  }
0x64: {  	_ =	shalt  }
0x65: {  	_ =	shalt  }
0x66: {  	_ =	shalt  }
0x67: {  	_ =	shalt  }
0x68: {  	_ =	shalt  }
0x69: {  	_ =	shalt  }
0x6a: {  	_ =	shalt  }
0x6b: {  	_ =	shalt  }
0x6c: {  	_ =	shalt  }
0x6d: {  	_ =	shalt  }
0x6e: {  	_ =	shalt  }
0x6f: {  	_ =	shalt  }
0x70: {  	_ =	shalt  }
0x71: {  	_ =	shalt  }
0x72: {  	_ =	shalt  }
0x73: {  	_ =	shalt  }
0x74: {  	_ =	shalt  }
0x75: {  	_ =	shalt  }
0x76: {  	_ =	shalt  }
0x77: {  	_ =	shalt  }
0x78: {  	_ =	shalt  }
0x79: {  	_ =	shalt  }
0x7a: {  	_ =	shalt  }
0x7b: {  	_ =	shalt  }
0x7c: {  	_ =	shalt  }
0x7d: {  	_ =	shalt  }
0x7e: {  	_ =	shalt  }
0x7f: {  	_ =	shalt  }
0x80: {  	_ =	shalt  }
0x81: {  	_ =	shalt  }
0x82: {  	_ =	shalt  }
0x83: {  	_ =	shalt  }
0x84: {  	_ =	shalt  }
0x85: {  	_ =	shalt  }
0x86: {  	_ =	shalt  }
0x87: {  	_ =	shalt  }
.Lfunc_end0:
.L_simem_size_0:
called_computation.1_lowered:
.L_overlay_start_0:
0x88: {  	s2 =	sld [smem:$0x3FD9]  }
0x89: {  	s3 =	sld [smem:$0x3FFE];
	_ =	sdelay $0x1  }
0x8a: {  	s1 =	srdreg.scid  }
0x8b: {  	s0 =	sand.u32 $0x1, s1  }
0x8c: {  	s17 =	sshll.u32 s0, $0xA;
	s2 =	sadd.s32 s3, s2  }
0x8d: {  	s2 =	sadd.s32 s2, s17  }
0x8e: {  	[smem:$0x3FBC] =	sst s2  }
0x8f: {  	_ = 	snop  }
0x90: {  	s2 =	sld [smem:$0x3FD0];
	(tm) =	ssettm $0x1  }
0x91: {  	s18 =	sld [smem:$0x3FFB];
	_ =	sdelay $0x3  }
0x92: {  	_ =	strace s18  }
0x93: {  	s3 =	sld [smem:$0x3FFC];
	_ =	sdelay $0x3  }
0x94: {  	_ =	strace s3  }
0x95: {  	s3 =	sld [smem:$0x3FFD];
	_ =	sdelay $0x3  }
0x96: {  	_ =	strace s3  }
0x97: {  	_ =	strace $0x8FFFFFFF  }
0x98: {  	s19 =	sld [smem:$0x3FDB];
	_ =	sdelay $0x1  }
0x99: {  	s4 =	simm.s32 $_scs_section_size  }
0x9a: {  	s5 =	simm.s32 $_size__tile_overlayer_lowered;
	s6 =	simm.s32 $_tile_overlayer_lowered  }
0x9b: {  	s22 =	simm.s32 $0x1BFF;
	s21 =	sshll.u32 s6, $0x1;
	s3 =	sadd.s32 s4, s19  }
0x9c: {  	s7 =	simm.s32 $0x0;
	s20 =	sshll.u32 s5, $0x1;
	s5 =	sadd.s32 s21, s3  }
0x9d: {  	[timem:s7], [sflag:s22] =	dma.local [hbm:s5], s20  }
0x9e: {  	_ =	swait.ge [sflag:s22], s20  }
0x9f: {  	s4 =	ssub.s32 $0x0, s20;
	[sflag:s22] =	ssyncset.done $0x0  }
0xa0: {  	[sflag:s22] =	ssyncadd.s32 s4;
	_ =	sdelay $0x1  }
0xa1: {  	s23 =	simm.s32 $0x1B8B  }
0xa2: {  	_ =	swait.ge [sflag:s23], $0x1  }
0xa3: {  	[sflag:s23] =	ssyncset.done $0x0  }
0xa4: {  	s25 =	simm.s32 $0x1B8E;
	s24 =	sld [smem:$0x3FFE];
	[sflag:s23] =	ssyncadd.s32 $0xFFFFFFFF  }
0xa5: {  	s26 =	simm.s32 $execute0_lowered;
	[smem:$0x3FD2] =	sst s25  }
0xa6: {  	s5 =	sshll.u32 s26, $0x1;
	_ =	strace $0x80000049;
	[dreg:$0x1] =	wrdreg $0xFFFFFFFF  }
0xa7: {  	s28 =	simm.s32 $_size_execute0_lowered;
	s3 =	sadd.s32 s3, s5;
	[dreg:$0x0] =	wrdreg $0x0  }
0xa8: {  	s5 =	sshll.u32 s28, $0x1;
	[dreg:$0x2] =	wrdreg s3  }
0xa9: {  	[dreg:$0x3] =	wrdreg s5  }
0xaa: {  	[dreg:$0x4] =	wrdreg $0xC0  }
0xab: {  	_ =	task [dreg:s7], $0x5FFFF  }
0xac: {  	[dreg:$0x1] =	wrdreg $0xFFFFFFFF  }
0xad: {  	[dreg:$0x0] =	wrdreg $0x60  }
0xae: {  	[dreg:$0x2] =	wrdreg s2  }
0xaf: {  	[dreg:$0x3] =	wrdreg s24  }
0xb0: {  	[dreg:$0x4] =	wrdreg $0x1E8000  }
0xb1: {  	[dreg:$0x5] =	wrdreg $0x9  }
0xb2: {  	_ =	task.clear_ibuf [dreg:s7], $0x6FFFF;
	_ =	strace $0x90000049  }
0xb3: {  	s29 =	simm.s32 $0x9;
	_ =	strace $0x8000004B  }
0xb4: {  	_ =	swait.ge [sflag:s29], $0x1  }
0xb5: {  	[sflag:s29] =	ssyncadd.s32 $0xFFFFFFFF  }
0xb6: {  	_ =	strace $0x9000004B  }
0xb7: {  	_ =	sfence  }
0xb8: {  	s30 =	sld [smem:$0x0];
	_ =	sdelay $0x2  }
0xb9: {  	s31 =	sshll.u32 s1, $0xD;
	s1 =	sshrl.u32 s1, $0x2  }
0xba: {  	s3 =	sand.u32 $0x4000, s31;
	s1 =	sadd.s32 s1, s30  }
0xbb: {  	s0 =	sor.u32 s3, s0;
	s1 =	sshll.u32 s1, $0x11  }
0xbc: {  	s0 =	sor.u32 s1, s0  }
0xbd: {  	s0 =	sadd.s32 $0x8F2B, s0  }
0xbe: {  	[sflag:s0] =	ssyncadd.remote.s32 $0x1  }
0xbf: {  	_ =	sfence.sel $0xFFFF  }
0xc0: {  	[dreg:$0x0] =	wrdreg $0xFFFFFFFF;
	(pc) =	sbr.abs _section_cstart, $3  }
0xc1: {  	[dreg:$0x1] =	wrdreg $0xFFFFFFFF  }
0xc2: {  	_ =	task.clear_ibuf [dreg:s7], $0x2FFFF;
	_ =	strace $0x9FFFFFFF  }
0xc3: {  	(tm) =	ssettm $0x7FFFFFFF  }
tec
execute0_lowered:
.L_overlay_start_1:
0x0: {  	(tag) =	ssettag $0x1  }
0x1: {  	s0 =	rddreg [dreg:$0x0]  }
0x2: {  	s1 =	srdreg.scid;
	s4 =	rddreg [dreg:$0x1]  }
0x3: {  	s2 =	rddreg [dreg:$0x2];
	s19 =	stileid.u32;
	s3 =	simm.s32 $0x0  }
0x4: {  	s28 =	simm.s32 $0x9E00;
	s30 =	simm.s32 $0x2780;
	s31 =	simm.s32 $0x4F00  }
0x5: {  	s29 =	simm.s32 $0x1DE00;
	s1 =	sand.u32 $0x1, s1;
	[smem:$0x7FF] =	sst s3  }
0x6: {  	s17 =	sadd.s32 $0x1C00, s4;
	s7 =	sadd.s32 $0xC000, s4;
	s10 =	sshll.u32 s19, $0x2  }
0x7: {  	s18 =	smul.u32 $0x1388, s19;
	s13 =	sshllo.u32 s19, $0x2;
	s5 =	sshll.u32 s1, $0x4  }
0x8: {  	_ =	strace $0x8000004A;
	[dreg:$0x4] =	wrdreg s17;
	s22 =	smul.u32 $0x4E2, s13  }
0x9: {  	s8 =	ssub.s32 $0x2, s1;
	s11 =	sor.u32 $0x1, s10;
	s15 =	smul.u32 $0x4F00, s1  }
0xa: {  	s12 =	sor.u32 $0x2, s10;
	s14 =	sshll.u32 s1, $0x7;
	s20 =	smul.u32 $0x4E2, s11  }
0xb: {  	s5 =	sor.u32 s19, s5;
	s9 =	sshrl.u32 s8, $0x1;
	s21 =	smul.u32 $0x4E2, s12  }
0xc: {  	s16 =	sor.u32 s10, s14;
	s17 =	sor.u32 $0x40, s14;
	s25 =	sor.u32 s14, s11  }
0xd: {  	s6 =	smul.u32 $0x4E2, s5;
	s5 =	sadd.s32 $0x2200, s4;
	s8 =	ssub.s32 s8, s9  }
0xe: {  	s9 =	sadd.s32 s0, s18;
	s23 =	smul.u32 $0x4E2, s16;
	s10 =	sor.u32 s10, s17  }
0xf: {  	s26 =	sor.u32 s11, s17;
	s16 =	sor.u32 s14, s12;
	s24 =	smul.u32 $0x4E2, s10  }
0x10: {  	s12 =	sor.u32 s12, s17;
	s14 =	sor.u32 s14, s13;
	s10 =	smul.u32 $0x4E2, s26  }
0x11: {  	s13 =	sor.u32 s13, s17;
	s17 =	sadd.s32 $0x200, s2;
	s11 =	smul.u32 $0x4E2, s16  }
0x12: {  	[dreg:$0x6] =	wrdreg s9;
	s9 =	sadd.s32 s0, s21;
	s12 =	smul.u32 $0x4E2, s12  }
0x13: {  	s15 =	sadd.s32 s5, s15;
	[dreg:$0xc] =	wrdreg s17;
	s18 =	smul.u32 $0x4E2, s14  }
0x14: {  	s21 =	smul.u32 $0x4E2, s13;
	s26 =	smax.u32 s8, $0x1;
	s8 =	simm.s32 $0x2  }
0x15: {  	s13 =	simm.s32 $0xED00;
	s14 =	simm.s32 $0x18B00;
	[dreg:$0x8] =	wrdreg s9  }
0x16: {  	s16 =	simm.s32 $0x1B280;
	s17 =	simm.s32 $0x3;
	[dreg:$0xa] =	wrdreg s15  }
0x17: {  	s4 =	sadd.s32 s6, s4;
	s15 =	sadd.s32 $0x80, s15;
	[dreg:$0x15] =	wrdreg s26  }
0x18: {  	s6 =	smul.u32 $0x9E, s1;
	s9 =	sadd.s32 s7, s23;
	[dreg:$0xb] =	wrdreg s15  }
0x19: {  	s1 =	smul.u32 $0x27800, s1;
	s4 =	sadd.s32 $0x5A200, s4;
	[dreg:$0xd] =	wrdreg s9  }
0x1a: {  	s26 =	simm.s32 $0x1;
	s23 =	sadd.s32 s7, s12;
	[dreg:$0x5] =	wrdreg s4  }
0x1b: {  	s9 =	simm.s32 $0x13C00;
	s4 =	sadd.s32 s0, s20;
	[dreg:$0x12] =	wrdreg s23  }
0x1c: {  	s15 =	simm.s32 $0x11480;
	s0 =	sadd.s32 s0, s22;
	[dreg:$0x7] =	wrdreg s4  }
0x1d: {  	s20 =	sadd.s32 s7, s10;
	s22 =	sadd.s32 s7, s11;
	[dreg:$0x9] =	wrdreg s0  }
0x1e: {  	s10 =	simm.s32 $0xC580;
	s11 =	simm.s32 $0x16380;
	[dreg:$0x10] =	wrdreg s20  }
0x1f: {  	s4 =	smul.u32 $0x4E2, s25;
	s0 =	sadd.s32 s7, s24;
	[dreg:$0x11] =	wrdreg s22  }
.Ltmp0:
0x20: {  	s24 =	sadd.s32 s7, s21;
	[dreg:$0xe] =	wrdreg s0;
	(pc) =	sbr.rel .LBB2_1-.Ltmp0, $4  }
0x21: {  	v0 =	vlaneseq.u32;
	s25 =	sshll.u32 s19, $0xA;
	s0 =	sadd.s32 s7, s18;
	[dreg:$0x14] =	wrdreg s24  }
0x22: {  	v1 =	vmul.u32 $0xFFFFFFFF, v0;
	s18 =	simm.s32 $0x4;
	s4 =	sadd.s32 s7, s4;
	[dreg:$0x13] =	wrdreg s0  }
0x23: {  	s0 =	sadd.s32 s25, s1;
	s25 =	simm.s32 $0x5;
	[dreg:$0xf] =	wrdreg s4  }
0x24: {  	v0 =	vimm.f32 $0.0e+00;
	v1 =	vadd.s32 $0x4E000, v1;
	[dreg:$0x16] =	wrdreg s0;
	s0 =	simm.s32 $0x7680;
	s4 =	simm.s32 $0x0  }
.LBB2_18:
0x25: {  	s1 =	rddreg [dreg:$0xd]  }
0x26: {  	[hbm4b:s1+s3] =	stream.linear.scatter [tilespmem:s28], [sflag:$0x5], $0x2710, $0x38;
	[tilespmem:$0x1FBC0] =	vst v63  }
0x27: {  	_ =	swait.ge [sflag:s25], $0x2710  }
0x28: {  	[sflag:s25] =	ssyncset.done $0x0  }
0x29: {  	s4 =	rddreg [dreg:$0xe];
	[sflag:s25] =	ssyncadd.s32 $0xFFFFD8F0  }
0x2a: {  	[hbm4b:s4+s3] =	stream.linear.scatter [tilespmem:s9], [sflag:$0x5], $0x2710, $0x38;
	[tilespmem:$0x1FBC0] =	vst v63  }
0x2b: {  	_ =	swait.ge [sflag:s25], $0x2710  }
0x2c: {  	[sflag:s25] =	ssyncset.done $0x0  }
0x2d: {  	s7 =	rddreg [dreg:$0xf];
	[sflag:s25] =	ssyncadd.s32 $0xFFFFD8F0  }
0x2e: {  	[hbm4b:s7+s3] =	stream.linear.scatter [tilespmem:s10], [sflag:$0x5], $0x2710, $0x38;
	[tilespmem:$0x1FBC0] =	vst v63  }
0x2f: {  	_ =	swait.ge [sflag:s25], $0x2710  }
0x30: {  	[sflag:s25] =	ssyncset.done $0x0  }
0x31: {  	s12 =	rddreg [dreg:$0x10];
	[sflag:s25] =	ssyncadd.s32 $0xFFFFD8F0  }
0x32: {  	[hbm4b:s12+s3] =	stream.linear.scatter [tilespmem:s11], [sflag:$0x5], $0x2710, $0x38;
	[tilespmem:$0x1FBC0] =	vst v63  }
0x33: {  	_ =	swait.ge [sflag:s25], $0x2710  }
0x34: {  	[sflag:s25] =	ssyncset.done $0x0  }
0x35: {  	s20 =	rddreg [dreg:$0x11];
	[sflag:s25] =	ssyncadd.s32 $0xFFFFD8F0  }
0x36: {  	[hbm4b:s20+s3] =	stream.linear.scatter [tilespmem:s13], [sflag:$0x5], $0x2710, $0x38;
	[tilespmem:$0x1FBC0] =	vst v63  }
0x37: {  	_ =	swait.ge [sflag:s25], $0x2710  }
0x38: {  	[sflag:s25] =	ssyncset.done $0x0  }
0x39: {  	s21 =	rddreg [dreg:$0x12];
	[sflag:s25] =	ssyncadd.s32 $0xFFFFD8F0  }
0x3a: {  	[hbm4b:s21+s3] =	stream.linear.scatter [tilespmem:s14], [sflag:$0x5], $0x2710, $0x38;
	[tilespmem:$0x1FBC0] =	vst v63  }
0x3b: {  	_ =	swait.ge [sflag:s25], $0x2710  }
0x3c: {  	[sflag:s25] =	ssyncset.done $0x0  }
0x3d: {  	s22 =	rddreg [dreg:$0x13];
	[sflag:s25] =	ssyncadd.s32 $0xFFFFD8F0  }
0x3e: {  	[hbm4b:s22+s3] =	stream.linear.scatter [tilespmem:s15], [sflag:$0x5], $0x2710, $0x38;
	[tilespmem:$0x1FBC0] =	vst v63  }
0x3f: {  	_ =	swait.ge [sflag:s25], $0x2710  }
0x40: {  	[sflag:s25] =	ssyncset.done $0x0  }
0x41: {  	s23 =	rddreg [dreg:$0x14];
	[sflag:s25] =	ssyncadd.s32 $0xFFFFD8F0  }
0x42: {  	[hbm4b:s23+s3] =	stream.linear.scatter [tilespmem:s16], [sflag:$0x5], $0x2710, $0x38;
	[tilespmem:$0x1FBC0] =	vst v63  }
0x43: {  	_ =	swait.ge [sflag:s25], $0x2710  }
0x44: {  	s4 =	rddreg [dreg:$0x17]  }
0x45: {  	s24 =	rddreg [dreg:$0x15];
	s4 =	sadd.s32 $0x1, s4  }
0x46: {  	p0 =	sne.s32 s4, s24  }
.Ltmp1:
0x47: {  	_ = 	snop;
	(pc) =	sbr.rel @!p0 .LBB2_19-.Ltmp1, $3  }
0x48: {  	_ =	sdelay $0x1  }
0x49: {  	[sflag:s25] =	ssyncset.done $0x0  }
0x4a: {  	[sflag:s25] =	ssyncadd.s32 $0xFFFFD8F0  }
.LBB2_1:
0x4b: {  	[dreg:$0x17] =	wrdreg s4  }
0x4c: {  	s1 =	rddreg [dreg:$0x4]  }
0x4d: {  	[tilespmem:s3], [sflag:$0x5] =	stream.linear.gather [hbm4b:s1+s3], $0x2780, $0x38;
	[tilespmem:$0x1FBC0] =	vst v63  }
0x4e: {  	_ =	swait.ge [sflag:s25], $0x2780  }
0x4f: {  	[sflag:s25] =	ssyncset.done $0x0  }
0x50: {  	s1 =	simm.s32 $0x0;
	[sflag:s25] =	ssyncadd.s32 $0xFFFFD880  }
.LBB2_2:
0x51: {  	p0 =	sne.s32 s1, $0x9C00  }
.Ltmp2:
0x52: {  	_ = 	snop;
	(pc) =	sbr.rel @p0 .LBB2_2-.Ltmp2, $3  }
0x53: {  	_ =	sdelay $0x1  }
0x54: {  	s4 =	sshra.s32 s1, $0x2  }
0x55: {  	s1 =	sadd.s32 $0x40, s1;
	[tilespmem:s4+$0x9E00] =	vst v0  }
.Ltmp3:
0x56: {  	(pc) =	sbr.rel .LBB2_4-.Ltmp3, $2  }
0x57: {  	_ =	sdelay $0x2  }
0x58: {  	s20 =	simm.s32 $0x0;
	s21 =	rddreg [dreg:$0x16]  }
.LBB2_8:
0x59: {  	s20 =	sadd.s32 $0x1, s20  }
0x5a: {  	p0 =	sne.s32 s20, $0xA  }
.Ltmp4:
0x5b: {  	_ = 	snop;
	(pc) =	sbr.rel @!p0 .LBB2_9-.Ltmp4, $2  }
0x5c: {  	_ =	sdelay $0x2  }
0x5d: {  	s21 =	sadd.s32 $0x4000, s21  }
.LBB2_4:
0x5e: {  	s1 =	sshll.u32 s20, $0x4  }
0x5f: {  	s22 =	sor.u32 s19, s1  }
0x60: {  	p0 =	sgt.u32 s22, $0x9D  }
.Ltmp5:
0x61: {  	_ = 	snop;
	(pc) =	sbr.rel @p0 .LBB2_8-.Ltmp5, $1  }
0x62: {  	_ =	sdelay $0x3  }
0x63: {  	s1 =	sadd.s32 s6, s22  }
0x64: {  	s1 =	sshll.u32 s1, $0x7  }
0x65: {  	s4 =	simm.s32 $0x1DA00;
	s1 =	sadd.s32 s5, s1  }
0x66: {  	[tilespmem:s4], [sflag:$0x1] =	stream.linear.gather [hbm4b:s1+s3], $0x400, $0x38;
	[tilespmem:$0x1FBC0] =	vst v63  }
0x67: {  	_ =	swait.ge [sflag:s26], $0x400  }
0x68: {  	s12 =	simm.s32 $0x0;
	[sflag:s26] =	ssyncset.done $0x0  }
0x69: {  	s1 =	sand.u32 $0x1C0, s12;
	[sflag:s26] =	ssyncadd.s32 $0xFFFFFC00  }
0x6a: {  	v2 =	vld [tilespmem:s1+$0x1DC00];
	_ =	sdelay $0x1  }
0x6b: {  	v3 =	vld [tilespmem:s4+$0x0];
	_ =	sdelay $0x1  }
0x6c: {  	v5 =	vld [tilespmem:s4+$0x10]  }
0x6d: {  	v4 =	vand.u32 $0x3FFF, v2  }
0x6e: {  	v6 =	vld [tilespmem:s4+$0x210];
	v2 =	vshrl.u32 v2, $0xE  }
0x6f: {  	v8 =	vld [tilespmem:s4+$0x20];
	v7 =	vand.u32 $0x3FFF, v3  }
0x70: {  	v9 =	vld [tilespmem:s4+$0x220];
	v3 =	vshrl.u32 v3, $0xE  }
0x71: {  	v11 =	vld [tilespmem:s4+$0x30];
	v10 =	vand.u32 $0x3FFF, v5  }
0x72: {  	v12 =	vshrl.u32 v5, $0xE;
	v4 =	vld.idx.msk [tilespmem:v4+s3+$0x0], $0xffff  }
0x73: {  	v5 =	vld.idx.msk [tilespmem:v2+s3+$0x0], $0xffff  }
0x74: {  	v7 =	vld.idx.msk [tilespmem:v7+s3+$0x0], $0xffff  }
0x75: {  	v15 =	vand.u32 $0x3FFF, v6;
	v13 =	vshrl.u32 v6, $0xE;
	v6 =	vld.idx.msk [tilespmem:v3+s3+$0x0], $0xffff  }
0x76: {  	v16 =	vand.u32 $0x3FFF, v8;
	v14 =	vshrl.u32 v8, $0xE;
	v8 =	vld.idx.msk [tilespmem:v10+s3+$0x0], $0xffff  }
0x77: {  	v18 =	vld.idx.msk [tilespmem:v12+s3+$0x0], $0xffff;
	_ =	sdelay $0x1  }
0x78: {  	v17 =	vld [tilespmem:s4+$0x230];
	v19 =	vand.u32 $0x3FFF, v11;
	v11 =	vshrl.u32 v11, $0xE  }
0x79: {  	v10 =	vshrl.u32 v9, $0xE;
	v9 =	vand.u32 $0x3FFF, v9;
	v20 =	vld.idx.msk [tilespmem:v15+s3+$0x0], $0xffff;
	v4 =	vshll.u32 v4, $0x10  }
0x7a: {  	v21 =	vld.idx.msk [tilespmem:v13+s3+$0x0], $0xffff;
	v5 =	vand.u32 $0xFFFF0000, v5;
	v7 =	vshll.u32 v7, $0x10;
	v6 =	vand.u32 $0xFFFF0000, v6  }
0x7b: {  	v8 =	vshll.u32 v8, $0x10;
	v18 =	vand.u32 $0xFFFF0000, v18;
	v4 =	vadd.f32 v5, v4;
	v5 =	vld.idx.msk [tilespmem:v16+s3+$0x0], $0xffff  }
0x7c: {  	v6 =	vadd.f32 v6, v7;
	v7 =	vld.idx.msk [tilespmem:v14+s3+$0x0], $0xffff;
	v8 =	vadd.f32 v18, v8  }
0x7d: {  	v15 =	vshrl.u32 v17, $0xE;
	v19 =	vld.idx.msk [tilespmem:v19+s3+$0x0], $0xffff;
	v22 =	vmul.f32 $2.000000030e-01, v4  }
0x7e: {  	v16 =	vand.u32 $0x3FFF, v17;
	v17 =	vld.idx.msk [tilespmem:v10+s3+$0x0], $0xffff;
	v23 =	vmul.f32 $2.000000030e-01, v6;
	v47 =	vmul.f32 $2.000000030e-01, v8  }
0x7f: {  	v9 =	vld.idx.msk [tilespmem:v9+s3+$0x0], $0xffff;
	v18 =	vshll.u32 v20, $0x10;
	v20 =	vand.u32 $0xFFFF0000, v21;
	v4 =	vmax.f32 v4, v22  }
0x80: {  	v46 =	vld.idx.msk [tilespmem:v11+s3+$0x0], $0xffff;
	v6 =	vmax.f32 v6, v23;
	v8 =	vmax.f32 v8, v47;
	v4 =	vmul.f32 $1.442695020e+00, v4  }
0x81: {  	s12 =	simm.s32 $0x1DA40;
	v6 =	vmul.f32 $1.442695020e+00, v6;
	v5 =	vshll.u32 v5, $0x10;
	v7 =	vand.u32 $0xFFFF0000, v7  }
0x82: {  	v48 =	vld [tilespmem:s12+$0x220];
	v5 =	vadd.f32 v7, v5;
	(erf) = vpow2.f32 v4;
	v4 =	vadd.f32 v20, v18  }
0x83: {  	v16 =	vld.idx.msk [tilespmem:v16+s3+$0x0], $0xffff;
	v17 =	vand.u32 $0xFFFF0000, v17;
	v8 =	vmul.f32 $1.442695020e+00, v8;
	(erf) = vpow2.f32 v6  }
0x84: {  	v7 =	vshll.u32 v9, $0x10;
	v6 =	vld.idx.msk [tilespmem:v15+s3+$0x0], $0xffff;
	v18 =	vmul.f32 $2.000000030e-01, v5;
	v9 =	vmul.f32 $2.000000030e-01, v4  }
0x85: {  	v7 =	vadd.f32 v17, v7;
	v17 =	vshll.u32 v19, $0x10;
	v19 =	vand.u32 $0xFFFF0000, v46  }
0x86: {  	v5 =	vmax.f32 v5, v18;
	v4 =	vmax.f32 v4, v9;
	v9 =	vadd.f32 v19, v17  }
0x87: {  	s1 =	sadd.s32 $0xFFFFFFC0, s21;
	v21 =	vand.u32 $0x3FFF, v48;
	v17 =	vmul.f32 $2.000000030e-01, v7;
	v5 =	vmul.f32 $1.442695020e+00, v5  }
0x88: {  	s19 =	sadd.s32 $0x40, s1;
	v16 =	vshll.u32 v16, $0x10;
	v4 =	vmul.f32 $1.442695020e+00, v4;
	v18 =	vmul.f32 $2.000000030e-01, v9  }
0x89: {  	v6 =	vand.u32 $0xFFFF0000, v6;
	v7 =	vmax.f32 v7, v17;
	v17 =	vmov s19  }
0x8a: {  	s24 =	simm.s32 $0x40;
	v6 =	vadd.f32 v6, v16;
	v7 =	vmul.f32 $1.442695020e+00, v7;
	vm0 =	vlt.u32 v17, $0x4E200  }
0x8b: {  	s23 =	sand.u32 $0x1C0, s24;
	vm1 =	vlt.u32 v17, v1;
	v9 =	vmax.f32 v9, v18;
	v16 =	vpop (erf);
	(erf) = vpow2.f32 v8  }
0x8c: {  	v17 =	vld [tilespmem:s23+$0x1DC00];
	v8 =	vmul.f32 $2.000000030e-01, v6;
	v18 =	vpop (erf);
	(erf) = vpow2.f32 v4;
	v16 =	vadd.s32 $0x8000, v16  }
0x8d: {  	v21 =	vld.idx.msk [tilespmem:v21+s3+$0x0], $0xffff;
	v9 =	vmul.f32 $1.442695020e+00, v9;
	v4 =	vadd.s32 $0x8000, v18;
	v16 =	vand.u32 $0xFFFF0000, v16  }
0x8e: {  	v6 =	vmax.f32 v6, v8;
	(erf) = vpow2.f32 v5;
	v4 =	vshrl.u32 v4, $0x10  }
0x8f: {  	s7 =	sadd.s32 $0x50, s1;
	v16 =	vnsel vm1, $0x0, v16;
	v5 =	vmul.f32 $1.442695020e+00, v6;
	v6 =	vld [tilespmem:s12+$0x0];
	(erf) = vpow2.f32 v7  }
0x90: {  	v7 =	vmov s7;
	v4 =	vnsel vm0, $0x0, v4;
	(erf) = vpow2.f32 v9;
	v9 =	vld [tilespmem:s12+$0x10]  }
0x91: {  	s23 =	simm.s32 $0x1E620;
	v8 =	vor.u32 v4, v16;
	(erf) = vpow2.f32 v5;
	v5 =	vand.u32 $0x3FFF, v17  }
0x92: {  	v21 =	vshll.u32 v21, $0x10;
	v19 =	vld [tilespmem:s12+$0x20];
	s19 =	sadd.s32 $0x60, s1;
	v4 =	vshll.u32 v4, $0x10;
	[tilespmem:s23+$0xFFFFFFE0] =	vst v8  }
0x93: {  	vm4 =	vlt.u32 v7, $0x4E200;
	v8 =	vmov s19;
	[tilespmem:v3+s28+$0x0] =	vst.idx.add.f32.msk $0xffff, v4;
	v4 =	vshrl.u32 v17, $0xE  }
0x94: {  	s1 =	sadd.s32 $0x70, s1;
	vm5 =	vlt.u32 v7, v1;
	vm14 =	vlt.u32 v8, $0x4E200;
	vm2 =	vlt.u32 v8, v1;
	v8 =	vld [tilespmem:s12+$0x210];
	v7 =	vpop (erf)  }
0x95: {  	v3 =	vmov s1;
	v18 =	vand.u32 $0x3FFF, v6;
	[tilespmem:v2+s28+$0x0] =	vst.idx.add.f32.msk $0xffff, v16;
	v2 =	vshrl.u32 v9, $0xE;
	v17 =	vpop (erf)  }
0x96: {  	v9 =	vand.u32 $0x3FFF, v9;
	v7 =	vadd.s32 $0x8000, v7;
	v50 =	vld.idx.msk [tilespmem:v5+s3+$0x0], $0xffff;
	v17 =	vadd.s32 $0x8000, v17  }
0x97: {  	v20 =	vshrl.u32 v7, $0x10;
	v7 =	vshrl.u32 v6, $0xE;
	v6 =	vand.u32 $0xFFFF0000, v17;
	v17 =	vld [tilespmem:s12+$0x30]  }
0x98: {  	vm15 =	vlt.u32 v3, $0x4E200;
	vm3 =	vlt.u32 v3, v1;
	v5 =	vshrl.u32 v19, $0xE;
	v26 =	vld.idx.msk [tilespmem:v4+s3+$0x0], $0xffff  }
0x99: {  	v19 =	vand.u32 $0x3FFF, v19;
	v20 =	vnsel vm4, $0x0, v20;
	v49 =	vnsel vm5, $0x0, v6  }
0x9a: {  	v3 =	vshrl.u32 v8, $0xE;
	v24 =	vand.u32 $0x3FFF, v8;
	v18 =	vld.idx.msk [tilespmem:v18+s3+$0x0], $0xffff;
	v16 =	vor.u32 v20, v49;
	v6 =	vpop (erf)  }
0x9b: {  	v32 =	vld.idx.msk [tilespmem:v9+s3+$0x0], $0xffff;
	v20 =	vshll.u32 v20, $0x10;
	v23 =	vshll.u32 v50, $0x10;
	v25 =	vadd.s32 $0x8000, v6;
	v6 =	vpop (erf)  }
0x9c: {  	v30 =	vld.idx.msk [tilespmem:v7+s3+$0x0], $0xffff;
	v27 =	vadd.s32 $0x8000, v6;
	v8 =	vpop (erf);
	v6 =	vshrl.u32 v48, $0xE;
	v25 =	vshrl.u32 v25, $0x10  }
0x9d: {  	v31 =	vld [tilespmem:s12+$0x230];
	v26 =	vand.u32 $0xFFFF0000, v26;
	v28 =	vadd.s32 $0x8000, v8;
	v8 =	vshrl.u32 v17, $0xE  }
0x9e: {  	v51 =	vld.idx.msk [tilespmem:v2+s3+$0x0], $0xffff;
	v29 =	vpop (erf);
	v17 =	vand.u32 $0x3FFF, v17;
	v27 =	vand.u32 $0xFFFF0000, v27;
	v25 =	vnsel vm14, $0x0, v25  }
0x9f: {  	v19 =	vld.idx.msk [tilespmem:v19+s3+$0x0], $0xffff;
	v23 =	vadd.f32 v26, v23;
	v29 =	vadd.s32 $0x8000, v29;
	v28 =	vshrl.u32 v28, $0x10  }
0xa0: {  	v35 =	vld.idx.msk [tilespmem:v5+s3+$0x0], $0xffff;
	v27 =	vnsel vm2, $0x0, v27;
	v32 =	vshll.u32 v32, $0x10;
	v9 =	vand.u32 $0xFFFF0000, v29  }
0xa1: {  	v24 =	vld.idx.msk [tilespmem:v24+s3+$0x0], $0xffff;
	v33 =	vnsel vm3, $0x0, v9;
	v9 =	vshll.u32 v18, $0x10;
	v18 =	vand.u32 $0xFFFF0000, v30  }
0xa2: {  	v52 =	vld.idx.msk [tilespmem:v3+s3+$0x0], $0xffff;
	v28 =	vnsel vm15, $0x0, v28;
	v34 =	vor.u32 v25, v27;
	v18 =	vadd.f32 v18, v9  }
0xa3: {  	v53 =	vmul.f32 $2.000000030e-01, v23;
	v9 =	vshrl.u32 v31, $0xE;
	v31 =	vand.u32 $0x3FFF, v31;
	v54 =	vld.idx.msk [tilespmem:v6+s3+$0x0], $0xffff  }
0xa4: {  	v25 =	vshll.u32 v25, $0x10;
	v29 =	vand.u32 $0xFFFF0000, v51;
	v17 =	vld.idx.msk [tilespmem:v17+s3+$0x0], $0xffff;
	v36 =	vmul.f32 $2.000000030e-01, v18  }
0xa5: {  	v19 =	vshll.u32 v19, $0x10;
	v35 =	vand.u32 $0xFFFF0000, v35;
	v23 =	vmax.f32 v23, v53;
	v56 =	vld.idx.msk [tilespmem:v8+s3+$0x0], $0xffff  }
0xa6: {  	v29 =	vadd.f32 v29, v32;
	v23 =	vmul.f32 $1.442695020e+00, v23;
	v18 =	vmax.f32 v18, v36  }
0xa7: {  	v24 =	vshll.u32 v24, $0x10;
	v26 =	vand.u32 $0xFFFF0000, v52;
	v18 =	vmul.f32 $1.442695020e+00, v18  }
0xa8: {  	v24 =	vadd.f32 v26, v24;
	(erf) = vpow2.f32 v23;
	v57 =	vld.idx.msk [tilespmem:v31+s3+$0x0], $0xffff;
	v60 =	vand.u32 $0xFFFF0000, v54  }
0xa9: {  	v19 =	vadd.f32 v35, v19;
	v59 =	vld.idx.msk [tilespmem:v9+s3+$0x0], $0xffff;
	v21 =	vadd.f32 v60, v21;
	(erf) = vpow2.f32 v18  }
0xaa: {  	[tilespmem:s23+$0xFFFFFFF0] =	vst v16;
	v17 =	vshll.u32 v17, $0x10;
	v62 =	vand.u32 $0xFFFF0000, v56;
	v18 =	vmul.f32 $2.000000030e-01, v24  }
0xab: {  	[tilespmem:v12+s28+$0x0] =	vst.idx.add.f32.msk $0xffff, v20;
	v55 =	vor.u32 v28, v33;
	v61 =	vmul.f32 $2.000000030e-01, v19;
	v17 =	vadd.f32 v62, v17  }
0xac: {  	[tilespmem:v13+s28+$0x0] =	vst.idx.add.f32.msk $0xffff, v49;
	v58 =	vmul.f32 $2.000000030e-01, v29;
	v12 =	vmul.f32 $2.000000030e-01, v21;
	v18 =	vmax.f32 v24, v18  }
0xad: {  	[tilespmem:s23+$0x0] =	vst v34;
	v63 =	vmul.f32 $1.442695020e+00, v18;
	v18 =	vmax.f32 v19, v61;
	v19 =	vmul.f32 $2.000000030e-01, v17  }
0xae: {  	[tilespmem:v14+s28+$0x0] =	vst.idx.add.f32.msk $0xffff, v25;
	v16 =	vmax.f32 v29, v58;
	v20 =	vshll.u32 v57, $0x10;
	v13 =	vand.u32 $0xFFFF0000, v59  }
0xaf: {  	[tilespmem:s23+$0x10] =	vst v55;
	v16 =	vmul.f32 $1.442695020e+00, v16;
	v12 =	vmax.f32 v21, v12;
	v13 =	vadd.f32 v13, v20  }
0xb0: {  	s4 =	sadd.s32 $0x0, s21;
	[tilespmem:v10+s28+$0x0] =	vst.idx.add.f32.msk $0xffff, v27;
	v10 =	vshll.u32 v28, $0x10;
	v14 =	vmul.f32 $1.442695020e+00, v18;
	v12 =	vmul.f32 $1.442695020e+00, v12  }
0xb1: {  	s7 =	sadd.s32 $0x40, s4;
	[tilespmem:v11+s28+$0x0] =	vst.idx.add.f32.msk $0xffff, v10;
	v20 =	vmax.f32 v17, v19;
	v17 =	vmul.f32 $2.000000030e-01, v13;
	v19 =	vpop (erf);
	(erf) = vpow2.f32 v16  }
0xb2: {  	s29 =	sadd.s32 $0x60, s4;
	s1 =	sadd.s32 $0x50, s4;
	s4 =	sadd.s32 $0x70, s4;
	[tilespmem:v15+s28+$0x0] =	vst.idx.add.f32.msk $0xffff, v33;
	v18 =	vmov s7;
	v16 =	vmul.f32 $1.442695020e+00, v20;
	v11 =	vpop (erf);
	(erf) = vpow2.f32 v63  }
.LBB2_6:
0xb3: {  	vm0 =	vlt.u32 v18, $0x4E200;
	v15 =	vadd.s32 $0x8000, v11;
	v19 =	vadd.s32 $0x8000, v19;
	v11 =	vmovc v8;
	v10 =	vmovc v9;
	s19 =	smov.u32 s24;
	s24 =	sadd.s32 $0x40, s24  }
0xb4: {  	vm1 =	vlt.u32 v18, v1;
	s7 =	sand.u32 $0x1C0, s24;
	v8 =	vshrl.u32 v15, $0x10;
	v9 =	vand.u32 $0xFFFF0000, v19  }
0xb5: {  	v13 =	vmax.f32 v13, v17;
	v15 =	vld [tilespmem:s7+$0x1DC00];
	v8 =	vnsel vm0, $0x0, v8;
	v9 =	vnsel vm1, $0x0, v9  }
0xb6: {  	s12 =	sadd.s32 $0x40, s12;
	s23 =	sadd.s32 $0x40, s23;
	v13 =	vmul.f32 $1.442695020e+00, v13;
	v17 =	vor.u32 v8, v9;
	(erf) = vpow2.f32 v14  }
0xb7: {  	v8 =	vshll.u32 v8, $0x10;
	v14 =	vld [tilespmem:s12+$0x0];
	[tilespmem:s23+$0xFFFFFFE0] =	vst v17;
	v17 =	vmov s1;
	(erf) = vpow2.f32 v12  }
0xb8: {  	v18 =	vmov s29;
	p0 =	slt.u32 s24, $0x1C0;
	[tilespmem:v7+s28+$0x0] =	vst.idx.add.f32.msk $0xffff, v8;
	v8 =	vmov s4;
	(erf) = vpow2.f32 v16  }
0xb9: {  	vm4 =	vlt.u32 v17, $0x4E200;
	vm5 =	vlt.u32 v17, v1;
	[tilespmem:v4+s28+$0x0] =	vst.idx.add.f32.msk $0xffff, v9;
	(erf) = vpow2.f32 v13  }
0xba: {  	vm0 =	vlt.u32 v18, $0x4E200;
	vm1 =	vlt.u32 v18, v1;
	v9 =	vand.u32 $0x3FFF, v15;
	v12 =	vld [tilespmem:s12+$0x10];
	v7 =	vpop (erf)  }
0xbb: {  	vm2 =	vlt.u32 v8, $0x4E200;
	v4 =	vshrl.u32 v15, $0xE;
	v13 =	vld [tilespmem:s12+$0x210];
	v7 =	vadd.s32 $0x8000, v7;
	v15 =	vpop (erf)  }
0xbc: {  	v16 =	vand.u32 $0x3FFF, v14;
	v17 =	vld [tilespmem:s12+$0x20];
	v15 =	vadd.s32 $0x8000, v15;
	v18 =	vshrl.u32 v7, $0x10  }
0xbd: {  	vm3 =	vlt.u32 v8, v1;
	v7 =	vshrl.u32 v14, $0xE;
	v14 =	vld [tilespmem:s12+$0x220];
	v15 =	vand.u32 $0xFFFF0000, v15  }
0xbe: {  	v18 =	vnsel vm4, $0x0, v18;
	v19 =	vld [tilespmem:s12+$0x30];
	v15 =	vnsel vm5, $0x0, v15  }
0xbf: {  	v9 =	vld.idx.msk [tilespmem:v9+s3+$0x0], $0xffff;
	v20 =	vshrl.u32 v12, $0xE;
	v12 =	vand.u32 $0x3FFF, v12;
	v24 =	vor.u32 v18, v15;
	v21 =	vpop (erf)  }
0xc0: {  	v22 =	vld.idx.msk [tilespmem:v4+s3+$0x0], $0xffff;
	v23 =	vshrl.u32 v13, $0xE;
	v13 =	vand.u32 $0x3FFF, v13;
	[tilespmem:s23+$0xFFFFFFF0] =	vst v24;
	v21 =	vadd.s32 $0x8000, v21;
	v8 =	vpop (erf)  }
0xc1: {  	v16 =	vld.idx.msk [tilespmem:v16+s3+$0x0], $0xffff;
	v24 =	vshrl.u32 v17, $0xE;
	v17 =	vand.u32 $0x3FFF, v17;
	v25 =	vadd.s32 $0x8000, v8;
	v8 =	vpop (erf)  }
0xc2: {  	v26 =	vld.idx.msk [tilespmem:v7+s3+$0x0], $0xffff;
	v27 =	vshrl.u32 v14, $0xE;
	v14 =	vand.u32 $0x3FFF, v14;
	v28 =	vadd.s32 $0x8000, v8;
	v29 =	vpop (erf)  }
0xc3: {  	v8 =	vshrl.u32 v19, $0xE;
	v30 =	vld [tilespmem:s12+$0x230];
	v19 =	vand.u32 $0x3FFF, v19;
	v29 =	vadd.s32 $0x8000, v29  }
0xc4: {  	v21 =	vshrl.u32 v21, $0x10;
	v25 =	vand.u32 $0xFFFF0000, v25;
	v28 =	vshrl.u32 v28, $0x10;
	v12 =	vld.idx.msk [tilespmem:v12+s3+$0x0], $0xffff  }
0xc5: {  	v21 =	vnsel vm0, $0x0, v21;
	v25 =	vnsel vm1, $0x0, v25;
	v29 =	vand.u32 $0xFFFF0000, v29;
	v31 =	vld.idx.msk [tilespmem:v20+s3+$0x0], $0xffff  }
0xc6: {  	v18 =	vshll.u32 v18, $0x10;
	v28 =	vnsel vm2, $0x0, v28;
	v29 =	vnsel vm3, $0x0, v29;
	v13 =	vld.idx.msk [tilespmem:v13+s3+$0x0], $0xffff  }
0xc7: {  	v9 =	vshll.u32 v9, $0x10;
	v33 =	vor.u32 v21, v25;
	v22 =	vand.u32 $0xFFFF0000, v22;
	v32 =	vld.idx.msk [tilespmem:v23+s3+$0x0], $0xffff  }
0xc8: {  	v16 =	vshll.u32 v16, $0x10;
	v22 =	vadd.f32 v22, v9;
	v26 =	vand.u32 $0xFFFF0000, v26;
	v17 =	vld.idx.msk [tilespmem:v17+s3+$0x0], $0xffff;
	[tilespmem:s23+$0x0] =	vst v33  }
0xc9: {  	v16 =	vadd.f32 v26, v16;
	v9 =	vshrl.u32 v30, $0xE;
	v30 =	vand.u32 $0x3FFF, v30;
	v26 =	vld.idx.msk [tilespmem:v24+s3+$0x0], $0xffff  }
0xca: {  	v21 =	vshll.u32 v21, $0x10;
	v33 =	vmul.f32 $2.000000030e-01, v22;
	v12 =	vshll.u32 v12, $0x10;
	v14 =	vld.idx.msk [tilespmem:v14+s3+$0x0], $0xffff  }
0xcb: {  	v36 =	vor.u32 v28, v29;
	v34 =	vmul.f32 $2.000000030e-01, v16;
	v31 =	vand.u32 $0xFFFF0000, v31;
	v35 =	vld.idx.msk [tilespmem:v27+s3+$0x0], $0xffff  }
0xcc: {  	v22 =	vmax.f32 v22, v33;
	v12 =	vadd.f32 v31, v12;
	v13 =	vshll.u32 v13, $0x10;
	v19 =	vld.idx.msk [tilespmem:v19+s3+$0x0], $0xffff;
	[tilespmem:s23+$0x10] =	vst v36  }
0xcd: {  	v22 =	vmul.f32 $1.442695020e+00, v22;
	v16 =	vmax.f32 v16, v34;
	v31 =	vand.u32 $0xFFFF0000, v32;
	v32 =	vld.idx.msk [tilespmem:v8+s3+$0x0], $0xffff  }
0xce: {  	v16 =	vmul.f32 $1.442695020e+00, v16;
	v13 =	vadd.f32 v31, v13;
	v17 =	vshll.u32 v17, $0x10;
	v30 =	vld.idx.msk [tilespmem:v30+s3+$0x0], $0xffff  }
0xcf: {  	v31 =	vmul.f32 $2.000000030e-01, v12;
	v26 =	vand.u32 $0xFFFF0000, v26;
	v33 =	vld.idx.msk [tilespmem:v9+s3+$0x0], $0xffff;
	(erf) = vpow2.f32 v22  }
0xd0: {  	v17 =	vadd.f32 v26, v17;
	v14 =	vshll.u32 v14, $0x10;
	(erf) = vpow2.f32 v16;
	[tilespmem:v2+s28+$0x0] =	vst.idx.add.f32.msk $0xffff, v18;
	v2 =	vmovc v20  }
0xd1: {  	v12 =	vmax.f32 v12, v31;
	v16 =	vmul.f32 $2.000000030e-01, v13;
	v18 =	vand.u32 $0xFFFF0000, v35;
	[tilespmem:v3+s28+$0x0] =	vst.idx.add.f32.msk $0xffff, v15;
	v3 =	vmovc v23  }
0xd2: {  	v15 =	vmul.f32 $2.000000030e-01, v17;
	v14 =	vadd.f32 v18, v14;
	v18 =	vshll.u32 v19, $0x10;
	[tilespmem:v5+s28+$0x0] =	vst.idx.add.f32.msk $0xffff, v21;
	v5 =	vmovc v24  }
0xd3: {  	v20 =	vmul.f32 $1.442695020e+00, v12;
	v12 =	vmax.f32 v13, v16;
	v13 =	vand.u32 $0xFFFF0000, v32;
	[tilespmem:v6+s28+$0x0] =	vst.idx.add.f32.msk $0xffff, v25;
	v6 =	vmovc v27  }
0xd4: {  	v16 =	vmul.f32 $2.000000030e-01, v14;
	v18 =	vadd.f32 v13, v18;
	v13 =	vshll.u32 v30, $0x10  }
.Ltmp6:
0xd5: {  	v21 =	vmul.f32 $1.442695020e+00, v12;
	v12 =	vmax.f32 v17, v15;
	v15 =	vand.u32 $0xFFFF0000, v33;
	(pc) =	sbr.rel @p0 .LBB2_6-.Ltmp6, $4  }
0xd6: {  	v16 =	vmax.f32 v14, v16;
	v17 =	vmul.f32 $2.000000030e-01, v18;
	v13 =	vadd.f32 v15, v13  }
0xd7: {  	s4 =	sadd.s32 s19, s21;
	v14 =	vmul.f32 $1.442695020e+00, v12;
	v15 =	vshll.u32 v28, $0x10;
	v12 =	vmul.f32 $1.442695020e+00, v16  }
0xd8: {  	s7 =	sadd.s32 $0x40, s4;
	s1 =	sadd.s32 $0x50, s4;
	s29 =	sadd.s32 $0x60, s4;
	v16 =	vmax.f32 v18, v17;
	v17 =	vmul.f32 $2.000000030e-01, v13;
	v19 =	vpop (erf);
	(erf) = vpow2.f32 v20;
	[tilespmem:v11+s28+$0x0] =	vst.idx.add.f32.msk $0xffff, v15  }
0xd9: {  	s4 =	sadd.s32 $0x70, s4;
	v18 =	vmov s7;
	v16 =	vmul.f32 $1.442695020e+00, v16;
	v11 =	vpop (erf);
	(erf) = vpow2.f32 v21;
	[tilespmem:v10+s28+$0x0] =	vst.idx.add.f32.msk $0xffff, v29  }
0xda: {  	(erf) = vpow2.f32 v14  }
0xdb: {  	v10 =	vmax.f32 v13, v17;
	(erf) = vpow2.f32 v12  }
0xdc: {  	vm0 =	vlt.u32 v18, $0x4E200;
	v10 =	vmul.f32 $1.442695020e+00, v10  }
0xdd: {  	v11 =	vadd.s32 $0x8000, v11;
	v38 =	vadd.s32 $0x8000, v19;
	(erf) = vpow2.f32 v16  }
0xde: {  	vm1 =	vlt.u32 v18, v1;
	v42 =	vmov s1;
	(erf) = vpow2.f32 v10  }
0xdf: {  	v43 =	vmov s29;
	v44 =	vmov s4;
	v39 =	vshrl.u32 v11, $0x10  }
0xe0: {  	v40 =	vand.u32 $0xFFFF0000, v38;
	vm13 =	vlt.u32 v42, $0x4E200;
	vm14 =	vlt.u32 v42, v1  }
0xe1: {  	vm2 =	vlt.u32 v43, $0x4E200;
	vm3 =	vlt.u32 v43, v1;
	vm4 =	vlt.u32 v44, $0x4E200;
	v15 =	vpop (erf)  }
0xe2: {  	v11 =	vnsel vm1, $0x0, v40;
	v10 =	vnsel vm0, $0x0, v39;
	v45 =	vpop (erf);
	v15 =	vadd.s32 $0x8000, v15  }
0xe3: {  	s19 =	sadd.s32 $0x40, s23;
	v41 =	vor.u32 v10, v11;
	v13 =	vadd.s32 $0x8000, v45;
	v46 =	vpop (erf);
	v47 =	vshrl.u32 v15, $0x10  }
0xe4: {  	v10 =	vshll.u32 v10, $0x10;
	[tilespmem:s19+$0xFFFFFFE0] =	vst v41;
	v13 =	vand.u32 $0xFFFF0000, v13;
	v48 =	vpop (erf);
	v14 =	vnsel vm13, $0x0, v47  }
0xe5: {  	[tilespmem:v7+s28+$0x0] =	vst.idx.add.f32.msk $0xffff, v10;
	v17 =	vadd.s32 $0x8000, v46;
	v13 =	vnsel vm14, $0x0, v13;
	v52 =	vadd.s32 $0x8000, v48  }
0xe6: {  	[tilespmem:v4+s28+$0x0] =	vst.idx.add.f32.msk $0xffff, v11;
	v49 =	vpop (erf);
	v55 =	vshrl.u32 v17, $0x10;
	v50 =	vor.u32 v14, v13;
	v56 =	vand.u32 $0xFFFF0000, v52  }
0xe7: {  	v51 =	vpop (erf);
	v58 =	vnsel vm2, $0x0, v55;
	v14 =	vshll.u32 v14, $0x10;
	v59 =	vnsel vm3, $0x0, v56;
	[tilespmem:s19+$0xFFFFFFF0] =	vst v50  }
0xe8: {  	v53 =	vadd.s32 $0x8000, v49;
	v54 =	vadd.s32 $0x8000, v51;
	v62 =	vor.u32 v58, v59;
	[tilespmem:v2+s28+$0x0] =	vst.idx.add.f32.msk $0xffff, v14  }
0xe9: {  	vm15 =	vlt.u32 v44, v1;
	v57 =	vshrl.u32 v53, $0x10;
	v60 =	vand.u32 $0xFFFF0000, v54;
	[tilespmem:s19+$0x0] =	vst v62  }
0xea: {  	v61 =	vnsel vm4, $0x0, v57;
	v2 =	vshll.u32 v58, $0x10;
	v10 =	vnsel vm15, $0x0, v60;
	[tilespmem:v3+s28+$0x0] =	vst.idx.add.f32.msk $0xffff, v13  }
0xeb: {  	v63 =	vor.u32 v61, v10;
	[tilespmem:v5+s28+$0x0] =	vst.idx.add.f32.msk $0xffff, v2  }
0xec: {  	[tilespmem:s19+$0x10] =	vst v63  }
0xed: {  	s23 =	sshll.u32 s22, $0x9;
	v2 =	vshll.u32 v61, $0x10;
	[tilespmem:v6+s28+$0x0] =	vst.idx.add.f32.msk $0xffff, v59  }
0xee: {  	s1 =	sand.u32 $0x3FFFFE00, s23;
	[tilespmem:v8+s28+$0x0] =	vst.idx.add.f32.msk $0xffff, v2  }
.Ltmp7:
0xef: {  	s24 =	simm.s32 $0x1E600;
	s1 =	sadd.s32 s1, s2;
	[tilespmem:v9+s28+$0x0] =	vst.idx.add.f32.msk $0xffff, v10;
	(pc) =	sbr.rel .LBB2_8-.Ltmp7, $4  }
0xf0: {  	[spmem:s1] =	stream.linear.scatter [tilespmem:s24], [sflag:$0x5], $0x200, $0x38;
	[tilespmem:$0x1FBC0] =	vst v63  }
0xf1: {  	_ =	swait.ge [sflag:s25], $0x200  }
0xf2: {  	[sflag:s25] =	ssyncset.done $0x0  }
0xf3: {  	s29 =	simm.s32 $0x1DE00;
	s19 =	stileid.u32;
	[sflag:s25] =	ssyncadd.s32 $0xFFFFFE00  }
.LBB2_9:
0xf4: {  	s1 =	simm.s32 $0x0;
	s4 =	rddreg [dreg:$0x5]  }
0xf5: {  	[hbm4b:s4+s1] =	stream.linear.scatter [tilespmem:s28], [sflag:$0x5], $0x2710, $0x38;
	[tilespmem:$0x1FBC0] =	vst v63  }
0xf6: {  	_ =	swait.ge [sflag:s25], $0x2710  }
0xf7: {  	[sflag:s25] =	ssyncset.done $0x0  }
0xf8: {  	s21 =	rddreg [dreg:$0x6];
	[sflag:s25] =	ssyncadd.s32 $0xFFFFD8F0  }
0xf9: {  	[tilespmem:s1], [sflag:$0x5] =	stream.linear.gather [hbm4b:s21+s1], $0x2710, $0x38;
	[tilespmem:$0x1FBC0] =	vst v63  }
0xfa: {  	_ =	swait.ge [sflag:s25], $0x2710  }
0xfb: {  	[sflag:s25] =	ssyncset.done $0x0  }
0xfc: {  	s22 =	rddreg [dreg:$0x7];
	[sflag:s25] =	ssyncadd.s32 $0xFFFFD8F0  }
0xfd: {  	[tilespmem:s30], [sflag:$0x5] =	stream.linear.gather [hbm4b:s22+s1], $0x2710, $0x38;
	[tilespmem:$0x1FBC0] =	vst v63  }
0xfe: {  	_ =	swait.ge [sflag:s25], $0x2710  }
0xff: {  	[sflag:s25] =	ssyncset.done $0x0  }
0x100: {  	s23 =	rddreg [dreg:$0x8];
	[sflag:s25] =	ssyncadd.s32 $0xFFFFD8F0  }
0x101: {  	[tilespmem:s31], [sflag:$0x5] =	stream.linear.gather [hbm4b:s23+s1], $0x2710, $0x38;
	[tilespmem:$0x1FBC0] =	vst v63  }
0x102: {  	_ =	swait.ge [sflag:s25], $0x2710  }
0x103: {  	[sflag:s25] =	ssyncset.done $0x0  }
0x104: {  	s24 =	rddreg [dreg:$0x9];
	[sflag:s25] =	ssyncadd.s32 $0xFFFFD8F0  }
0x105: {  	[tilespmem:s0], [sflag:$0x5] =	stream.linear.gather [hbm4b:s24+s1], $0x2710, $0x38;
	[tilespmem:$0x1FBC0] =	vst v63  }
0x106: {  	_ =	swait.ge [sflag:s25], $0x2710  }
0x107: {  	[sflag:s25] =	ssyncset.done $0x0  }
0x108: {  	s4 =	simm.s32 $0x40;
	s1 =	simm.s32 $0x0;
	[sflag:s25] =	ssyncadd.s32 $0xFFFFD8F0  }
.LBB2_10:
0x109: {  	p0 =	sne.s32 s4, $0x9C00;
	[tilespmem:s1+$0x1B280] =	vst v0  }
0x10a: {  	[tilespmem:s1+$0x9E00] =	vst v0  }
0x10b: {  	[tilespmem:s1+$0xC580] =	vst v0  }
.Ltmp8:
0x10c: {  	[tilespmem:s1+$0xED00] =	vst v0;
	(pc) =	sbr.rel @p0 .LBB2_10-.Ltmp8, $4  }
0x10d: {  	[tilespmem:s1+$0x11480] =	vst v0  }
0x10e: {  	[tilespmem:s1+$0x13C00] =	vst v0  }
0x10f: {  	[tilespmem:s1+$0x16380] =	vst v0  }
0x110: {  	[tilespmem:s1+$0x18B00] =	vst v0;
	s1 =	sshra.s32 s4, $0x2;
	s4 =	sadd.s32 $0x40, s4  }
0x111: {  	[tilespmem:s1+$0x1B280] =	vst v0  }
0x112: {  	[tilespmem:s1+$0x9E00] =	vst v0  }
0x113: {  	[tilespmem:s1+$0xC580] =	vst v0  }
0x114: {  	[tilespmem:s1+$0xED00] =	vst v0  }
0x115: {  	[tilespmem:s1+$0x11480] =	vst v0  }
0x116: {  	[tilespmem:s1+$0x13C00] =	vst v0  }
0x117: {  	[tilespmem:s1+$0x16380] =	vst v0  }
0x118: {  	[tilespmem:s1+$0x18B00] =	vst v0  }
0x119: {  	[bflag:$0x0] =	sbarrier.arrive $0xFFFF  }
0x11a: {  	s20 =	simm.s32 $0x0;
	s4 =	simm.s32 $0x1DA00;
	s12 =	rddreg [dreg:$0xa]  }
0x11b: {  	[tilespmem:s4], [sflag:$0x1] =	stream.linear.gather [hbm4b:s12+s20], $0x400, $0x38;
	[tilespmem:$0x1FBC0] =	vst v63  }
0x11c: {  	s21 =	simm.s32 $0x1E200  }
0x11d: {  	[tilespmem:s21], [sflag:$0x2] =	stream.linear.gather [spmem:s2], $0x200, $0x38;
	[tilespmem:$0x1FBC0] =	vst v63  }
0x11e: {  	s22 =	rddreg [dreg:$0xb]  }
0x11f: {  	[tilespmem:s29], [sflag:$0x3] =	stream.linear.gather [hbm4b:s22+s20], $0x400, $0x38;
	[tilespmem:$0x1FBC0] =	vst v63  }
0x120: {  	s24 =	simm.s32 $0x1E400;
	s23 =	rddreg [dreg:$0xc]  }
0x121: {  	[tilespmem:s24], [sflag:$0x4] =	stream.linear.gather [spmem:s23], $0x200, $0x38;
	[tilespmem:$0x1FBC0] =	vst v63  }
.LBB2_12:
0x122: {  	_ =	swait.ge [sflag:s26], $0x400  }
0x123: {  	[sflag:s26] =	ssyncset.done $0x0  }
0x124: {  	[sflag:s26] =	ssyncadd.s32 $0xFFFFFC00  }
0x125: {  	_ =	swait.ge [sflag:s8], $0x200  }
0x126: {  	[sflag:s8] =	ssyncset.done $0x0  }
0x127: {  	s1 =	simm.s32 $0x1DA00;
	[sflag:s8] =	ssyncadd.s32 $0xFFFFFE00  }
0x128: {  	v2 =	vld [tilespmem:s1+$0x30];
	_ =	sdelay $0x1  }
0x129: {  	v3 =	vld [tilespmem:s1+$0x0]  }
0x12a: {  	s4 =	simm.s32 $0x1E220;
	v6 =	vld [tilespmem:s1+$0x10]  }
0x12b: {  	s7 =	simm.s32 $0x0;
	v7 =	vld [tilespmem:s4+$0x10]  }
0x12c: {  	s7 =	sand.u32 $0x1C0, s7;
	v14 =	vld [tilespmem:s1+$0x230];
	v18 =	vand.u32 $0x3FFF, v2  }
0x12d: {  	v21 =	vld [tilespmem:s7+$0x1DC00]  }
0x12e: {  	v15 =	vld [tilespmem:s1+$0x20]  }
0x12f: {  	v22 =	vld [tilespmem:s1+$0x210]  }
0x130: {  	v25 =	vld [tilespmem:s4+$0xFFFFFFE0]  }
0x131: {  	v5 =	vld.idx.msk [tilespmem:v18+s3+$0x0], $0xffff  }
0x132: {  	v26 =	vld [tilespmem:s4+$0xFFFFFFF0];
	v8 =	vand.u32 $0x3FFF, v3  }
0x133: {  	v27 =	vld [tilespmem:s1+$0x220];
	v4 =	vand.u32 $0x3FFF, v6  }
0x134: {  	s22 =	simm.s32 $0x1DA40;
	v29 =	vld [tilespmem:s4+$0x0];
	v13 =	vshrl.u32 v2, $0xE  }
0x135: {  	v33 =	vld [tilespmem:s22+$0x210]  }
0x136: {  	v34 =	vld [tilespmem:s22+$0x220];
	v19 =	vshll.u32 v7, $0x10;
	v16 =	vand.u32 $0x3FFF, v14;
	v9 =	vshll.u32 v5, $0x10  }
0x137: {  	v2 =	vld.idx.msk [tilespmem:v8+s3+$0x0], $0xffff;
	v5 =	vand.u32 $0xFFFF0000, v5;
	v10 =	vmul.f32 v9, v19  }
0x138: {  	v23 =	vld.idx.msk [tilespmem:v4+s3+$0x0], $0xffff;
	v11 =	vmul.f32 v5, v19  }
0x139: {  	v9 =	vand.u32 $0x3FFF, v15;
	[tilespmem:v13+s28+$0x0] =	vst.idx.add.f32.msk $0xffff, v10  }
0x13a: {  	v5 =	vshrl.u32 v3, $0xE;
	[tilespmem:v13+s9+$0x0] =	vst.idx.add.f32.msk $0xffff, v11  }
0x13b: {  	s23 =	simm.s32 $0x1E260;
	v3 =	vshrl.u32 v6, $0xE;
	v6 =	vld.idx.msk [tilespmem:v16+s3+$0x0], $0xffff  }
0x13c: {  	v36 =	vld [tilespmem:s23+$0xFFFFFFF0];
	v12 =	vshll.u32 v26, $0x10;
	v10 =	vshll.u32 v25, $0x10;
	v11 =	vshll.u32 v2, $0x10  }
0x13d: {  	v37 =	vld [tilespmem:s23+$0x0];
	v2 =	vand.u32 $0xFFFF0000, v2;
	v28 =	vmul.f32 v11, v10;
	v11 =	vand.u32 $0x3FFF, v21  }
0x13e: {  	v17 =	vshrl.u32 v14, $0xE;
	v20 =	vshll.u32 v23, $0x10;
	v2 =	vmul.f32 v2, v10;
	v24 =	vld.idx.msk [tilespmem:v9+s3+$0x0], $0xffff  }
0x13f: {  	v14 =	vmul.f32 v20, v12;
	[tilespmem:v5+s28+$0x0] =	vst.idx.add.f32.msk $0xffff, v28  }
0x140: {  	v20 =	vand.u32 $0xFFFF0000, v7;
	[tilespmem:v5+s9+$0x0] =	vst.idx.add.f32.msk $0xffff, v2;
	v2 =	vshll.u32 v6, $0x10  }
0x141: {  	[tilespmem:v3+s28+$0x0] =	vst.idx.add.f32.msk $0xffff, v14;
	v7 =	vand.u32 $0xFFFF0000, v6;
	v2 =	vmul.f32 v2, v20  }
0x142: {  	v14 =	vand.u32 $0x3FFF, v22;
	v6 =	vshrl.u32 v15, $0xE;
	v28 =	vld.idx.msk [tilespmem:v11+s3+$0x0], $0xffff;
	v15 =	vmul.f32 v7, v20  }
0x143: {  	v7 =	vand.u32 $0xFFFF0000, v23;
	[tilespmem:v17+s28+$0x0] =	vst.idx.add.f32.msk $0xffff, v2  }
0x144: {  	v23 =	vmul.f32 v7, v12;
	v7 =	vshll.u32 v29, $0x10;
	[tilespmem:v17+s9+$0x0] =	vst.idx.add.f32.msk $0xffff, v15  }
0x145: {  	v2 =	vshll.u32 v24, $0x10;
	v24 =	vand.u32 $0xFFFF0000, v24;
	v15 =	vand.u32 $0x3FFF, v27;
	v30 =	vld.idx.msk [tilespmem:v18+s30+$0x0], $0xffff  }
0x146: {  	v2 =	vmul.f32 v2, v7;
	v31 =	vmul.f32 v24, v7;
	[tilespmem:v3+s9+$0x0] =	vst.idx.add.f32.msk $0xffff, v23;
	v24 =	vshrl.u32 v21, $0xE  }
0x147: {  	v21 =	vld.idx.msk [tilespmem:v14+s3+$0x0], $0xffff  }
0x148: {  	v25 =	vand.u32 $0xFFFF0000, v25;
	[tilespmem:v6+s28+$0x0] =	vst.idx.add.f32.msk $0xffff, v2;
	v2 =	vshll.u32 v28, $0x10  }
0x149: {  	v23 =	vand.u32 $0xFFFF0000, v28;
	[tilespmem:v6+s9+$0x0] =	vst.idx.add.f32.msk $0xffff, v31;
	v2 =	vmul.f32 v2, v25  }
0x14a: {  	v23 =	vmul.f32 v23, v25;
	v28 =	vld.idx.msk [tilespmem:v15+s3+$0x0], $0xffff;
	v31 =	vshll.u32 v30, $0x10  }
0x14b: {  	[tilespmem:v24+s28+$0x0] =	vst.idx.add.f32.msk $0xffff, v2;
	v2 =	vmul.f32 v31, v19  }
0x14c: {  	v22 =	vshrl.u32 v22, $0xE;
	v30 =	vand.u32 $0xFFFF0000, v30;
	[tilespmem:v24+s9+$0x0] =	vst.idx.add.f32.msk $0xffff, v23  }
0x14d: {  	v23 =	vand.u32 $0xFFFF0000, v26;
	v39 =	vshll.u32 v21, $0x10;
	v30 =	vmul.f32 v30, v19;
	[tilespmem:v13+s10+$0x0] =	vst.idx.add.f32.msk $0xffff, v2  }
0x14e: {  	v2 =	vshrl.u32 v27, $0xE;
	v27 =	vand.u32 $0xFFFF0000, v21;
	v21 =	vand.u32 $0xFFFF0000, v29;
	v29 =	vld.idx.msk [tilespmem:v8+s30+$0x0], $0xffff  }
0x14f: {  	v26 =	vmul.f32 v39, v23;
	[tilespmem:v13+s11+$0x0] =	vst.idx.add.f32.msk $0xffff, v30  }
0x150: {  	v27 =	vmul.f32 v27, v23;
	v30 =	vld.idx.msk [tilespmem:v16+s30+$0x0], $0xffff  }
0x151: {  	[tilespmem:v22+s28+$0x0] =	vst.idx.add.f32.msk $0xffff, v26;
	v31 =	vshll.u32 v28, $0x10  }
0x152: {  	v28 =	vand.u32 $0xFFFF0000, v28;
	v31 =	vmul.f32 v31, v21;
	[tilespmem:v22+s9+$0x0] =	vst.idx.add.f32.msk $0xffff, v27  }
0x153: {  	v40 =	vmul.f32 v28, v21;
	v27 =	vld.idx.msk [tilespmem:v4+s30+$0x0], $0xffff  }
0x154: {  	[tilespmem:v2+s28+$0x0] =	vst.idx.add.f32.msk $0xffff, v31;
	v31 =	vshll.u32 v29, $0x10  }
0x155: {  	v42 =	vand.u32 $0xFFFF0000, v29;
	[tilespmem:v2+s9+$0x0] =	vst.idx.add.f32.msk $0xffff, v40;
	v29 =	vmul.f32 v31, v10;
	v41 =	vshll.u32 v30, $0x10  }
0x156: {  	v28 =	vand.u32 $0xFFFF0000, v30;
	v30 =	vld.idx.msk [tilespmem:v9+s30+$0x0], $0xffff;
	v26 =	vmul.f32 v41, v20  }
0x157: {  	v28 =	vmul.f32 v28, v20;
	[tilespmem:v5+s10+$0x0] =	vst.idx.add.f32.msk $0xffff, v29  }
0x158: {  	[tilespmem:v17+s10+$0x0] =	vst.idx.add.f32.msk $0xffff, v26  }
0x159: {  	v29 =	vshll.u32 v27, $0x10;
	v26 =	vmul.f32 v42, v10;
	[tilespmem:v17+s11+$0x0] =	vst.idx.add.f32.msk $0xffff, v28  }
0x15a: {  	v43 =	vand.u32 $0xFFFF0000, v27;
	v27 =	vmul.f32 v29, v12;
	v28 =	vld.idx.msk [tilespmem:v18+s31+$0x0], $0xffff  }
0x15b: {  	[tilespmem:v5+s11+$0x0] =	vst.idx.add.f32.msk $0xffff, v26  }
0x15c: {  	v31 =	vshll.u32 v30, $0x10;
	v26 =	vmul.f32 v43, v12;
	[tilespmem:v3+s10+$0x0] =	vst.idx.add.f32.msk $0xffff, v27  }
0x15d: {  	v29 =	vld.idx.msk [tilespmem:v11+s30+$0x0], $0xffff;
	v31 =	vmul.f32 v31, v7  }
0x15e: {  	v30 =	vand.u32 $0xFFFF0000, v30;
	[tilespmem:v3+s11+$0x0] =	vst.idx.add.f32.msk $0xffff, v26  }
0x15f: {  	v45 =	vmul.f32 v30, v7;
	[tilespmem:v6+s10+$0x0] =	vst.idx.add.f32.msk $0xffff, v31;
	v44 =	vshll.u32 v28, $0x10  }
0x160: {  	v27 =	vand.u32 $0xFFFF0000, v28;
	v28 =	vld.idx.msk [tilespmem:v14+s30+$0x0], $0xffff;
	v26 =	vmul.f32 v44, v19  }
0x161: {  	[tilespmem:v6+s11+$0x0] =	vst.idx.add.f32.msk $0xffff, v45;
	v27 =	vmul.f32 v27, v19  }
0x162: {  	[tilespmem:v13+s13+$0x0] =	vst.idx.add.f32.msk $0xffff, v26  }
0x163: {  	[tilespmem:v13+s14+$0x0] =	vst.idx.add.f32.msk $0xffff, v27;
	v27 =	vshll.u32 v29, $0x10  }
0x164: {  	v30 =	vld.idx.msk [tilespmem:v16+s31+$0x0], $0xffff;
	v46 =	vmul.f32 v27, v25;
	v27 =	vand.u32 $0xFFFF0000, v29  }
0x165: {  	v29 =	vld.idx.msk [tilespmem:v15+s30+$0x0], $0xffff;
	v47 =	vshll.u32 v28, $0x10;
	v27 =	vmul.f32 v27, v25  }
0x166: {  	v26 =	vmul.f32 v47, v23;
	[tilespmem:v24+s10+$0x0] =	vst.idx.add.f32.msk $0xffff, v46  }
0x167: {  	[tilespmem:v24+s11+$0x0] =	vst.idx.add.f32.msk $0xffff, v27;
	v27 =	vand.u32 $0xFFFF0000, v28  }
0x168: {  	[tilespmem:v22+s10+$0x0] =	vst.idx.add.f32.msk $0xffff, v26;
	v27 =	vmul.f32 v27, v23  }
0x169: {  	v28 =	vld.idx.msk [tilespmem:v8+s31+$0x0], $0xffff;
	v31 =	vshll.u32 v30, $0x10;
	v30 =	vand.u32 $0xFFFF0000, v30  }
0x16a: {  	v48 =	vmul.f32 v31, v20;
	[tilespmem:v22+s11+$0x0] =	vst.idx.add.f32.msk $0xffff, v27;
	v27 =	vmul.f32 v30, v20;
	v30 =	vshll.u32 v29, $0x10  }
0x16b: {  	v49 =	vand.u32 $0xFFFF0000, v29;
	v29 =	vmul.f32 v30, v21;
	v30 =	vld [tilespmem:s22+$0x20]  }
0x16c: {  	[tilespmem:v17+s13+$0x0] =	vst.idx.add.f32.msk $0xffff, v48  }
0x16d: {  	[tilespmem:v17+s14+$0x0] =	vst.idx.add.f32.msk $0xffff, v27  }
0x16e: {  	v18 =	vld.idx.msk [tilespmem:v18+s0+$0x0], $0xffff  }
0x16f: {  	v26 =	vmul.f32 v49, v21;
	[tilespmem:v2+s10+$0x0] =	vst.idx.add.f32.msk $0xffff, v29  }
0x170: {  	v50 =	vshll.u32 v28, $0x10;
	v27 =	vand.u32 $0xFFFF0000, v28;
	v28 =	vld.idx.msk [tilespmem:v4+s31+$0x0], $0xffff  }
0x171: {  	[tilespmem:v2+s11+$0x0] =	vst.idx.add.f32.msk $0xffff, v26;
	v26 =	vmul.f32 v50, v10  }
0x172: {  	v27 =	vmul.f32 v27, v10;
	v29 =	vld.idx.msk [tilespmem:v9+s31+$0x0], $0xffff  }
0x173: {  	[tilespmem:v5+s13+$0x0] =	vst.idx.add.f32.msk $0xffff, v26;
	v51 =	vshll.u32 v18, $0x10  }
0x174: {  	[tilespmem:v5+s14+$0x0] =	vst.idx.add.f32.msk $0xffff, v27;
	v18 =	vand.u32 $0xFFFF0000, v18;
	v26 =	vmul.f32 v51, v19  }
0x175: {  	v27 =	vld.idx.msk [tilespmem:v11+s31+$0x0], $0xffff;
	v18 =	vmul.f32 v18, v19;
	v19 =	vshll.u32 v28, $0x10  }
0x176: {  	v19 =	vmul.f32 v19, v12;
	[tilespmem:v13+s15+$0x0] =	vst.idx.add.f32.msk $0xffff, v26  }
0x177: {  	v52 =	vand.u32 $0xFFFF0000, v28;
	[tilespmem:v13+s16+$0x0] =	vst.idx.add.f32.msk $0xffff, v18  }
0x178: {  	v13 =	vshll.u32 v29, $0x10;
	v18 =	vmul.f32 v52, v12;
	[tilespmem:v3+s13+$0x0] =	vst.idx.add.f32.msk $0xffff, v19  }
0x179: {  	v53 =	vand.u32 $0xFFFF0000, v29;
	v16 =	vld.idx.msk [tilespmem:v16+s0+$0x0], $0xffff;
	v13 =	vmul.f32 v13, v7  }
0x17a: {  	v19 =	vmul.f32 v53, v7;
	[tilespmem:v3+s14+$0x0] =	vst.idx.add.f32.msk $0xffff, v18  }
0x17b: {  	[tilespmem:v6+s13+$0x0] =	vst.idx.add.f32.msk $0xffff, v13  }
0x17c: {  	v13 =	vshll.u32 v27, $0x10;
	[tilespmem:v6+s14+$0x0] =	vst.idx.add.f32.msk $0xffff, v19  }
0x17d: {  	v18 =	vand.u32 $0xFFFF0000, v27;
	v13 =	vmul.f32 v13, v25;
	v19 =	vld.idx.msk [tilespmem:v14+s31+$0x0], $0xffff  }
0x17e: {  	v18 =	vmul.f32 v18, v25;
	v54 =	vld.idx.msk [tilespmem:v15+s31+$0x0], $0xffff  }
0x17f: {  	v27 =	vshll.u32 v16, $0x10;
	[tilespmem:v24+s13+$0x0] =	vst.idx.add.f32.msk $0xffff, v13  }
0x180: {  	v16 =	vand.u32 $0xFFFF0000, v16;
	v13 =	vmul.f32 v27, v20;
	[tilespmem:v24+s14+$0x0] =	vst.idx.add.f32.msk $0xffff, v18  }
0x181: {  	v16 =	vmul.f32 v16, v20;
	v8 =	vld.idx.msk [tilespmem:v8+s0+$0x0], $0xffff  }
0x182: {  	[tilespmem:v17+s15+$0x0] =	vst.idx.add.f32.msk $0xffff, v13;
	v13 =	vshll.u32 v19, $0x10  }
0x183: {  	[tilespmem:v17+s16+$0x0] =	vst.idx.add.f32.msk $0xffff, v16;
	v16 =	vand.u32 $0xFFFF0000, v19;
	v13 =	vmul.f32 v13, v23  }
0x184: {  	v20 =	vld [tilespmem:s22+$0x10];
	v17 =	vshll.u32 v54, $0x10;
	v16 =	vmul.f32 v16, v23  }
0x185: {  	v18 =	vand.u32 $0xFFFF0000, v54;
	v17 =	vmul.f32 v17, v21;
	[tilespmem:v22+s13+$0x0] =	vst.idx.add.f32.msk $0xffff, v13  }
0x186: {  	v13 =	vmul.f32 v18, v21;
	[tilespmem:v22+s14+$0x0] =	vst.idx.add.f32.msk $0xffff, v16  }
0x187: {  	[tilespmem:v2+s13+$0x0] =	vst.idx.add.f32.msk $0xffff, v17;
	v16 =	vshll.u32 v8, $0x10  }
0x188: {  	[tilespmem:v2+s14+$0x0] =	vst.idx.add.f32.msk $0xffff, v13;
	v13 =	vmul.f32 v16, v10  }
0x189: {  	v4 =	vld.idx.msk [tilespmem:v4+s0+$0x0], $0xffff  }
0x18a: {  	s21 =	simm.s32 $0x40;
	[tilespmem:v5+s15+$0x0] =	vst.idx.add.f32.msk $0xffff, v13  }
0x18b: {  	s24 =	sand.u32 $0x1C0, s21;
	v13 =	vld [tilespmem:s22+$0x30]  }
0x18c: {  	v19 =	vld [tilespmem:s24+$0x1DC00]  }
0x18d: {  	v18 =	vld [tilespmem:s22+$0x0];
	v8 =	vand.u32 $0xFFFF0000, v8  }
0x18e: {  	v8 =	vmul.f32 v8, v10;
	v10 =	vld [tilespmem:s23+$0x10]  }
0x18f: {  	v17 =	vld.idx.msk [tilespmem:v9+s0+$0x0], $0xffff  }
0x190: {  	[tilespmem:v5+s16+$0x0] =	vst.idx.add.f32.msk $0xffff, v8;
	v9 =	vshll.u32 v4, $0x10;
	v28 =	vand.u32 $0x3FFF, v13  }
0x191: {  	v41 =	vld.idx.msk [tilespmem:v11+s0+$0x0], $0xffff;
	v4 =	vand.u32 $0xFFFF0000, v4;
	v9 =	vmul.f32 v9, v12  }
0x192: {  	v16 =	vand.u32 $0x3FFF, v18;
	v4 =	vmul.f32 v4, v12;
	v12 =	vld [tilespmem:s22+$0x230]  }
0x193: {  	v8 =	vand.u32 $0x3FFF, v20;
	[tilespmem:v3+s15+$0x0] =	vst.idx.add.f32.msk $0xffff, v9  }
0x194: {  	[tilespmem:v3+s16+$0x0] =	vst.idx.add.f32.msk $0xffff, v4  }
0x195: {  	v3 =	vld.idx.msk [tilespmem:v28+s3+$0x0], $0xffff  }
0x196: {  	v26 =	vshrl.u32 v13, $0xE;
	v13 =	vld [tilespmem:s23+$0xFFFFFFE0];
	v9 =	vand.u32 $0x3FFF, v30;
	v4 =	vshll.u32 v17, $0x10  }
0x197: {  	v31 =	vld.idx.msk [tilespmem:v16+s3+$0x0], $0xffff;
	v48 =	vshll.u32 v41, $0x10;
	v4 =	vmul.f32 v4, v7  }
0x198: {  	v32 =	vld.idx.msk [tilespmem:v8+s3+$0x0], $0xffff;
	v49 =	vmul.f32 v48, v25  }
0x199: {  	v29 =	vshll.u32 v10, $0x10;
	v17 =	vand.u32 $0xFFFF0000, v17;
	[tilespmem:v6+s15+$0x0] =	vst.idx.add.f32.msk $0xffff, v4  }
0x19a: {  	v7 =	vmul.f32 v17, v7;
	v27 =	vand.u32 $0x3FFF, v12;
	[tilespmem:v24+s15+$0x0] =	vst.idx.add.f32.msk $0xffff, v49;
	v5 =	vshll.u32 v3, $0x10  }
0x19b: {  	v35 =	vld.idx.msk [tilespmem:v9+s3+$0x0], $0xffff;
	v38 =	vand.u32 $0xFFFF0000, v3;
	v3 =	vshrl.u32 v18, $0xE;
	v5 =	vmul.f32 v5, v29  }
0x19c: {  	v4 =	vshrl.u32 v20, $0xE;
	[tilespmem:v6+s16+$0x0] =	vst.idx.add.f32.msk $0xffff, v7;
	v18 =	vmul.f32 v38, v29  }
0x19d: {  	v20 =	vshll.u32 v13, $0x10;
	v17 =	vshll.u32 v31, $0x10;
	v6 =	vand.u32 $0xFFFF0000, v32;
	[tilespmem:v26+s28+$0x0] =	vst.idx.add.f32.msk $0xffff, v5  }
0x19e: {  	v17 =	vmul.f32 v17, v20;
	v5 =	vshrl.u32 v30, $0xE;
	[tilespmem:v26+s9+$0x0] =	vst.idx.add.f32.msk $0xffff, v18;
	v18 =	vand.u32 $0xFFFF0000, v31  }
0x19f: {  	v30 =	vshll.u32 v32, $0x10;
	v55 =	vld.idx.msk [tilespmem:v27+s3+$0x0], $0xffff;
	v31 =	vmul.f32 v18, v20;
	v18 =	vshll.u32 v36, $0x10  }
0x1a0: {  	v7 =	vshll.u32 v35, $0x10;
	[tilespmem:v3+s28+$0x0] =	vst.idx.add.f32.msk $0xffff, v17;
	v17 =	vshll.u32 v37, $0x10;
	v30 =	vmul.f32 v30, v18  }
0x1a1: {  	v32 =	vmul.f32 v6, v18;
	v6 =	vand.u32 $0x3FFF, v19;
	v7 =	vmul.f32 v7, v17;
	[tilespmem:v3+s9+$0x0] =	vst.idx.add.f32.msk $0xffff, v31  }
0x1a2: {  	v31 =	vand.u32 $0xFFFF0000, v35;
	[tilespmem:v4+s28+$0x0] =	vst.idx.add.f32.msk $0xffff, v30;
	v30 =	vshrl.u32 v12, $0xE  }
0x1a3: {  	v12 =	vmul.f32 v31, v17;
	[tilespmem:v5+s28+$0x0] =	vst.idx.add.f32.msk $0xffff, v7  }
0x1a4: {  	v31 =	vand.u32 $0xFFFF0000, v10;
	[tilespmem:v4+s9+$0x0] =	vst.idx.add.f32.msk $0xffff, v32;
	v7 =	vshll.u32 v55, $0x10  }
0x1a5: {  	[tilespmem:v5+s9+$0x0] =	vst.idx.add.f32.msk $0xffff, v12;
	v56 =	vand.u32 $0xFFFF0000, v55;
	v7 =	vmul.f32 v7, v31  }
0x1a6: {  	v10 =	vand.u32 $0x3FFF, v33;
	v57 =	vld.idx.msk [tilespmem:v6+s3+$0x0], $0xffff;
	v32 =	vmul.f32 v56, v31  }
0x1a7: {  	[tilespmem:v30+s28+$0x0] =	vst.idx.add.f32.msk $0xffff, v7  }
0x1a8: {  	v12 =	vand.u32 $0x3FFF, v34;
	[tilespmem:v30+s9+$0x0] =	vst.idx.add.f32.msk $0xffff, v32  }
0x1a9: {  	v7 =	vshrl.u32 v19, $0xE;
	v58 =	vld.idx.msk [tilespmem:v28+s30+$0x0], $0xffff  }
0x1aa: {  	v35 =	vld.idx.msk [tilespmem:v14+s0+$0x0], $0xffff  }
0x1ab: {  	v13 =	vand.u32 $0xFFFF0000, v13;
	v39 =	vld.idx.msk [tilespmem:v10+s3+$0x0], $0xffff;
	v19 =	vshll.u32 v57, $0x10  }
0x1ac: {  	v32 =	vld.idx.msk [tilespmem:v15+s0+$0x0], $0xffff;
	v11 =	vand.u32 $0xFFFF0000, v57;
	v19 =	vmul.f32 v19, v13  }
0x1ad: {  	v40 =	vld.idx.msk [tilespmem:v12+s3+$0x0], $0xffff;
	v14 =	vmul.f32 v11, v13  }
0x1ae: {  	[tilespmem:v7+s28+$0x0] =	vst.idx.add.f32.msk $0xffff, v19;
	v15 =	vshll.u32 v58, $0x10  }
0x1af: {  	v11 =	vshrl.u32 v33, $0xE;
	[tilespmem:v7+s9+$0x0] =	vst.idx.add.f32.msk $0xffff, v14;
	v14 =	vmul.f32 v15, v29;
	v15 =	vand.u32 $0xFFFF0000, v58  }
0x1b0: {  	v59 =	vld.idx.msk [tilespmem:v16+s30+$0x0], $0xffff;
	v38 =	vmul.f32 v15, v29  }
0x1b1: {  	v60 =	vshll.u32 v39, $0x10;
	v19 =	vshrl.u32 v34, $0xE;
	v15 =	vand.u32 $0xFFFF0000, v36;
	[tilespmem:v26+s10+$0x0] =	vst.idx.add.f32.msk $0xffff, v14  }
0x1b2: {  	v61 =	vand.u32 $0xFFFF0000, v39;
	v34 =	vmul.f32 v60, v15;
	[tilespmem:v26+s11+$0x0] =	vst.idx.add.f32.msk $0xffff, v38  }
0x1b3: {  	v62 =	vshll.u32 v40, $0x10;
	v14 =	vand.u32 $0xFFFF0000, v37;
	v36 =	vmul.f32 v61, v15;
	v38 =	vld.idx.msk [tilespmem:v27+s30+$0x0], $0xffff  }
0x1b4: {  	v63 =	vand.u32 $0xFFFF0000, v40;
	v37 =	vmul.f32 v62, v14;
	[tilespmem:v11+s28+$0x0] =	vst.idx.add.f32.msk $0xffff, v34  }
0x1b5: {  	v40 =	vmul.f32 v63, v14;
	[tilespmem:v11+s9+$0x0] =	vst.idx.add.f32.msk $0xffff, v36  }
0x1b6: {  	v63 =	vand.u32 $0xFFFF0000, v41;
	[tilespmem:v19+s28+$0x0] =	vst.idx.add.f32.msk $0xffff, v37  }
0x1b7: {  	v25 =	vmul.f32 v63, v25;
	[tilespmem:v19+s9+$0x0] =	vst.idx.add.f32.msk $0xffff, v40  }
0x1b8: {  	v42 =	vshll.u32 v59, $0x10;
	v44 =	vld.idx.msk [tilespmem:v8+s30+$0x0], $0xffff  }
0x1b9: {  	v33 =	vand.u32 $0xFFFF0000, v59;
	v43 =	vmul.f32 v42, v20;
	[tilespmem:v24+s16+$0x0] =	vst.idx.add.f32.msk $0xffff, v25  }
0x1ba: {  	v33 =	vmul.f32 v33, v20;
	v37 =	vld.idx.msk [tilespmem:v9+s30+$0x0], $0xffff  }
0x1bb: {  	[tilespmem:v3+s10+$0x0] =	vst.idx.add.f32.msk $0xffff, v43;
	v45 =	vshll.u32 v38, $0x10  }
0x1bc: {  	v38 =	vand.u32 $0xFFFF0000, v38;
	[tilespmem:v3+s11+$0x0] =	vst.idx.add.f32.msk $0xffff, v33;
	v46 =	vmul.f32 v45, v31  }
0x1bd: {  	v47 =	vmul.f32 v38, v31;
	v52 =	vld.idx.msk [tilespmem:v6+s30+$0x0], $0xffff  }
0x1be: {  	v50 =	vshll.u32 v44, $0x10;
	[tilespmem:v30+s10+$0x0] =	vst.idx.add.f32.msk $0xffff, v46  }
0x1bf: {  	v36 =	vand.u32 $0xFFFF0000, v44;
	v34 =	vmul.f32 v50, v18;
	[tilespmem:v30+s11+$0x0] =	vst.idx.add.f32.msk $0xffff, v47  }
0x1c0: {  	v53 =	vshll.u32 v37, $0x10;
	v36 =	vmul.f32 v36, v18;
	v51 =	vld.idx.msk [tilespmem:v28+s31+$0x0], $0xffff  }
0x1c1: {  	v54 =	vand.u32 $0xFFFF0000, v37;
	v55 =	vmul.f32 v53, v17;
	[tilespmem:v4+s10+$0x0] =	vst.idx.add.f32.msk $0xffff, v34  }
0x1c2: {  	v33 =	vmul.f32 v54, v17;
	[tilespmem:v4+s11+$0x0] =	vst.idx.add.f32.msk $0xffff, v36  }
0x1c3: {  	[tilespmem:v5+s10+$0x0] =	vst.idx.add.f32.msk $0xffff, v55  }
0x1c4: {  	v53 =	vshll.u32 v35, $0x10;
	[tilespmem:v5+s11+$0x0] =	vst.idx.add.f32.msk $0xffff, v33  }
0x1c5: {  	v58 =	vshll.u32 v52, $0x10;
	v55 =	vmul.f32 v53, v23;
	v34 =	vld.idx.msk [tilespmem:v10+s30+$0x0], $0xffff  }
0x1c6: {  	v59 =	vmul.f32 v58, v13;
	v37 =	vld.idx.msk [tilespmem:v12+s30+$0x0], $0xffff;
	v56 =	vshll.u32 v51, $0x10  }
0x1c7: {  	[tilespmem:v22+s15+$0x0] =	vst.idx.add.f32.msk $0xffff, v55;
	v57 =	vand.u32 $0xFFFF0000, v51;
	v33 =	vmul.f32 v56, v29  }
0x1c8: {  	[tilespmem:v7+s10+$0x0] =	vst.idx.add.f32.msk $0xffff, v59;
	v36 =	vmul.f32 v57, v29  }
0x1c9: {  	v54 =	vand.u32 $0xFFFF0000, v35;
	[tilespmem:v26+s13+$0x0] =	vst.idx.add.f32.msk $0xffff, v33  }
0x1ca: {  	v60 =	vand.u32 $0xFFFF0000, v52;
	v23 =	vmul.f32 v54, v23;
	[tilespmem:v26+s14+$0x0] =	vst.idx.add.f32.msk $0xffff, v36  }
0x1cb: {  	v61 =	vmul.f32 v60, v13;
	v62 =	vld.idx.msk [tilespmem:v27+s31+$0x0], $0xffff  }
0x1cc: {  	[tilespmem:v22+s16+$0x0] =	vst.idx.add.f32.msk $0xffff, v23;
	v42 =	vshll.u32 v34, $0x10  }
0x1cd: {  	[tilespmem:v7+s11+$0x0] =	vst.idx.add.f32.msk $0xffff, v61;
	v34 =	vand.u32 $0xFFFF0000, v34;
	v33 =	vmul.f32 v42, v15  }
0x1ce: {  	v43 =	vshll.u32 v37, $0x10;
	v34 =	vmul.f32 v34, v15;
	v36 =	vld.idx.msk [tilespmem:v16+s31+$0x0], $0xffff  }
0x1cf: {  	v45 =	vmul.f32 v43, v14;
	[tilespmem:v11+s10+$0x0] =	vst.idx.add.f32.msk $0xffff, v33  }
0x1d0: {  	[tilespmem:v11+s11+$0x0] =	vst.idx.add.f32.msk $0xffff, v34;
	v46 =	vshll.u32 v62, $0x10  }
0x1d1: {  	[tilespmem:v19+s10+$0x0] =	vst.idx.add.f32.msk $0xffff, v45;
	v48 =	vand.u32 $0xFFFF0000, v62;
	v47 =	vmul.f32 v46, v31  }
0x1d2: {  	v51 =	vld.idx.msk [tilespmem:v8+s31+$0x0], $0xffff;
	v49 =	vmul.f32 v48, v31  }
0x1d3: {  	v44 =	vand.u32 $0xFFFF0000, v37;
	[tilespmem:v30+s13+$0x0] =	vst.idx.add.f32.msk $0xffff, v47  }
0x1d4: {  	v24 =	vmul.f32 v44, v14;
	[tilespmem:v30+s14+$0x0] =	vst.idx.add.f32.msk $0xffff, v49  }
0x1d5: {  	v50 =	vshll.u32 v36, $0x10;
	v25 =	vld.idx.msk [tilespmem:v28+s0+$0x0], $0xffff  }
0x1d6: {  	[tilespmem:v19+s11+$0x0] =	vst.idx.add.f32.msk $0xffff, v24;
	v24 =	vmul.f32 v50, v20;
	v28 =	vand.u32 $0xFFFF0000, v36  }
0x1d7: {  	v52 =	vld.idx.msk [tilespmem:v9+s31+$0x0], $0xffff;
	v23 =	vshll.u32 v51, $0x10;
	v28 =	vmul.f32 v28, v20  }
0x1d8: {  	[tilespmem:v3+s13+$0x0] =	vst.idx.add.f32.msk $0xffff, v24;
	v23 =	vmul.f32 v23, v18  }
0x1d9: {  	[tilespmem:v3+s14+$0x0] =	vst.idx.add.f32.msk $0xffff, v28;
	v28 =	vshll.u32 v32, $0x10  }
0x1da: {  	[tilespmem:v4+s13+$0x0] =	vst.idx.add.f32.msk $0xffff, v23;
	v28 =	vmul.f32 v28, v21;
	v57 =	vshll.u32 v25, $0x10  }
0x1db: {  	v56 =	vld.idx.msk [tilespmem:v6+s31+$0x0], $0xffff;
	v25 =	vand.u32 $0xFFFF0000, v25;
	v58 =	vmul.f32 v57, v29  }
0x1dc: {  	v22 =	vmul.f32 v25, v29;
	[tilespmem:v2+s15+$0x0] =	vst.idx.add.f32.msk $0xffff, v28  }
0x1dd: {  	v59 =	vand.u32 $0xFFFF0000, v51;
	[tilespmem:v26+s15+$0x0] =	vst.idx.add.f32.msk $0xffff, v58  }
0x1de: {  	v25 =	vmul.f32 v59, v18;
	[tilespmem:v26+s16+$0x0] =	vst.idx.add.f32.msk $0xffff, v22;
	v22 =	vshll.u32 v52, $0x10  }
0x1df: {  	v26 =	vld.idx.msk [tilespmem:v27+s0+$0x0], $0xffff;
	v27 =	vand.u32 $0xFFFF0000, v52;
	v22 =	vmul.f32 v22, v17  }
0x1e0: {  	[tilespmem:v4+s14+$0x0] =	vst.idx.add.f32.msk $0xffff, v25;
	v23 =	vmul.f32 v27, v17  }
0x1e1: {  	[tilespmem:v5+s13+$0x0] =	vst.idx.add.f32.msk $0xffff, v22  }
0x1e2: {  	v22 =	vshll.u32 v56, $0x10;
	[tilespmem:v5+s14+$0x0] =	vst.idx.add.f32.msk $0xffff, v23  }
0x1e3: {  	v24 =	vand.u32 $0xFFFF0000, v56;
	v60 =	vmul.f32 v22, v13;
	v23 =	vld.idx.msk [tilespmem:v10+s31+$0x0], $0xffff  }
0x1e4: {  	v24 =	vmul.f32 v24, v13;
	v22 =	vld.idx.msk [tilespmem:v12+s31+$0x0], $0xffff;
	v27 =	vshll.u32 v26, $0x10  }
0x1e5: {  	[tilespmem:v7+s13+$0x0] =	vst.idx.add.f32.msk $0xffff, v60;
	v26 =	vand.u32 $0xFFFF0000, v26;
	v61 =	vmul.f32 v27, v31  }
0x1e6: {  	[tilespmem:v7+s14+$0x0] =	vst.idx.add.f32.msk $0xffff, v24;
	v62 =	vmul.f32 v26, v31  }
0x1e7: {  	v63 =	vand.u32 $0xFFFF0000, v32;
	[tilespmem:v30+s15+$0x0] =	vst.idx.add.f32.msk $0xffff, v61  }
0x1e8: {  	v28 =	vmul.f32 v63, v21;
	[tilespmem:v30+s16+$0x0] =	vst.idx.add.f32.msk $0xffff, v62  }
.LBB2_13:
0x1e9: {  	s21 =	sadd.s32 $0x40, s21;
	v16 =	vld.idx.msk [tilespmem:v16+s0+$0x0], $0xffff;
	v21 =	vshll.u32 v23, $0x10;
	v23 =	vand.u32 $0xFFFF0000, v23  }
0x1ea: {  	v24 =	vshll.u32 v22, $0x10;
	v22 =	vand.u32 $0xFFFF0000, v22;
	s1 =	sand.u32 $0x1C0, s21;
	p0 =	slt.u32 s21, $0x1C0;
	v21 =	vmul.f32 v21, v15;
	[tilespmem:v2+s16+$0x0] =	vst.idx.add.f32.msk $0xffff, v28;
	v2 =	vmovc v19  }
0x1eb: {  	v23 =	vmul.f32 v23, v15;
	v24 =	vmul.f32 v24, v14;
	v28 =	vld [tilespmem:s1+$0x1DC00]  }
0x1ec: {  	[tilespmem:v11+s13+$0x0] =	vst.idx.add.f32.msk $0xffff, v21;
	v21 =	vmul.f32 v22, v14  }
0x1ed: {  	[tilespmem:v11+s14+$0x0] =	vst.idx.add.f32.msk $0xffff, v23  }
0x1ee: {  	[tilespmem:v19+s13+$0x0] =	vst.idx.add.f32.msk $0xffff, v24  }
0x1ef: {  	v19 =	vshll.u32 v16, $0x10;
	v16 =	vand.u32 $0xFFFF0000, v16;
	[tilespmem:v2+s14+$0x0] =	vst.idx.add.f32.msk $0xffff, v21  }
0x1f0: {  	v19 =	vmul.f32 v19, v20;
	v20 =	vmul.f32 v16, v20;
	v8 =	vld.idx.msk [tilespmem:v8+s0+$0x0], $0xffff  }
0x1f1: {  	v9 =	vld.idx.msk [tilespmem:v9+s0+$0x0], $0xffff  }
0x1f2: {  	s22 =	sadd.s32 $0x40, s22;
	[tilespmem:v3+s15+$0x0] =	vst.idx.add.f32.msk $0xffff, v19  }
0x1f3: {  	v23 =	vld [tilespmem:s22+$0x30]  }
0x1f4: {  	v19 =	vld [tilespmem:s22+$0x0]  }
0x1f5: {  	v21 =	vld [tilespmem:s22+$0x10]  }
0x1f6: {  	v16 =	vshll.u32 v8, $0x10;
	v8 =	vand.u32 $0xFFFF0000, v8;
	v24 =	vld [tilespmem:s22+$0x20]  }
0x1f7: {  	v26 =	vmul.f32 v16, v18;
	v16 =	vshll.u32 v9, $0x10;
	v9 =	vand.u32 $0xFFFF0000, v9;
	v25 =	vld [tilespmem:s22+$0x210]  }
0x1f8: {  	v18 =	vmul.f32 v8, v18;
	v29 =	vmul.f32 v16, v17;
	v27 =	vld [tilespmem:s22+$0x220];
	v22 =	vand.u32 $0x3FFF, v23  }
0x1f9: {  	v30 =	vmul.f32 v9, v17;
	v16 =	vand.u32 $0x3FFF, v19;
	[tilespmem:v3+s16+$0x0] =	vst.idx.add.f32.msk $0xffff, v20;
	v3 =	vshrl.u32 v19, $0xE  }
0x1fa: {  	v17 =	vshrl.u32 v21, $0xE;
	v8 =	vand.u32 $0x3FFF, v21;
	[tilespmem:v4+s15+$0x0] =	vst.idx.add.f32.msk $0xffff, v26  }
0x1fb: {  	s23 =	sadd.s32 $0x40, s23;
	v31 =	vshrl.u32 v24, $0xE;
	v9 =	vand.u32 $0x3FFF, v24;
	[tilespmem:v4+s16+$0x0] =	vst.idx.add.f32.msk $0xffff, v18;
	v4 =	vmov v17  }
0x1fc: {  	v21 =	vshrl.u32 v25, $0xE;
	v32 =	vand.u32 $0x3FFF, v25;
	v33 =	vld [tilespmem:s23+$0x10]  }
0x1fd: {  	v19 =	vshrl.u32 v27, $0xE;
	v34 =	vand.u32 $0x3FFF, v27;
	v17 =	vld.idx.msk [tilespmem:v22+s3+$0x0], $0xffff  }
0x1fe: {  	v26 =	vld [tilespmem:s22+$0x230]  }
0x1ff: {  	v18 =	vld.idx.msk [tilespmem:v16+s3+$0x0], $0xffff  }
0x200: {  	v20 =	vld.idx.msk [tilespmem:v8+s3+$0x0], $0xffff  }
0x201: {  	v23 =	vshrl.u32 v23, $0xE;
	v27 =	vld.idx.msk [tilespmem:v9+s3+$0x0], $0xffff  }
0x202: {  	v35 =	vld [tilespmem:s23+$0xFFFFFFE0]  }
0x203: {  	v25 =	vshll.u32 v33, $0x10;
	v37 =	vshll.u32 v17, $0x10;
	v36 =	vld [tilespmem:s23+$0xFFFFFFF0];
	v24 =	vand.u32 $0x3FFF, v26  }
0x204: {  	v17 =	vand.u32 $0xFFFF0000, v17;
	v37 =	vmul.f32 v37, v25;
	v38 =	vld [tilespmem:s23+$0x0]  }
0x205: {  	v17 =	vmul.f32 v17, v25;
	v39 =	vshll.u32 v18, $0x10;
	v18 =	vand.u32 $0xFFFF0000, v18;
	[tilespmem:v5+s15+$0x0] =	vst.idx.add.f32.msk $0xffff, v29  }
0x206: {  	v29 =	vshll.u32 v20, $0x10;
	v40 =	vand.u32 $0xFFFF0000, v20;
	[tilespmem:v23+s28+$0x0] =	vst.idx.add.f32.msk $0xffff, v37  }
0x207: {  	v37 =	vshll.u32 v27, $0x10;
	v27 =	vand.u32 $0xFFFF0000, v27;
	v20 =	vshll.u32 v35, $0x10;
	[tilespmem:v23+s9+$0x0] =	vst.idx.add.f32.msk $0xffff, v17  }
0x208: {  	v39 =	vmul.f32 v39, v20;
	v41 =	vmul.f32 v18, v20;
	v18 =	vshll.u32 v36, $0x10;
	v42 =	vld.idx.msk [tilespmem:v24+s3+$0x0], $0xffff  }
0x209: {  	v29 =	vmul.f32 v29, v18;
	v40 =	vmul.f32 v40, v18;
	v17 =	vshll.u32 v38, $0x10;
	[tilespmem:v5+s16+$0x0] =	vst.idx.add.f32.msk $0xffff, v30  }
0x20a: {  	v30 =	vand.u32 $0xFFFF0000, v35;
	[tilespmem:v3+s28+$0x0] =	vst.idx.add.f32.msk $0xffff, v39;
	v35 =	vmul.f32 v37, v17;
	v37 =	vmul.f32 v27, v17  }
0x20b: {  	v36 =	vand.u32 $0xFFFF0000, v36;
	v38 =	vand.u32 $0xFFFF0000, v38;
	v5 =	vmovc v31;
	v39 =	vand.u32 $0x3FFF, v28;
	[tilespmem:v3+s9+$0x0] =	vst.idx.add.f32.msk $0xffff, v41  }
0x20c: {  	v26 =	vshrl.u32 v26, $0xE;
	[tilespmem:v4+s28+$0x0] =	vst.idx.add.f32.msk $0xffff, v29  }
0x20d: {  	[tilespmem:v4+s9+$0x0] =	vst.idx.add.f32.msk $0xffff, v40  }
0x20e: {  	v27 =	vand.u32 $0xFFFF0000, v33;
	v29 =	vshll.u32 v42, $0x10;
	[tilespmem:v31+s28+$0x0] =	vst.idx.add.f32.msk $0xffff, v35  }
0x20f: {  	v29 =	vmul.f32 v29, v27;
	[tilespmem:v31+s9+$0x0] =	vst.idx.add.f32.msk $0xffff, v37;
	v31 =	vand.u32 $0xFFFF0000, v42  }
0x210: {  	v33 =	vld.idx.msk [tilespmem:v39+s3+$0x0], $0xffff;
	v31 =	vmul.f32 v31, v27  }
0x211: {  	[tilespmem:v26+s28+$0x0] =	vst.idx.add.f32.msk $0xffff, v29  }
0x212: {  	[tilespmem:v26+s9+$0x0] =	vst.idx.add.f32.msk $0xffff, v31  }
0x213: {  	v31 =	vld.idx.msk [tilespmem:v22+s30+$0x0], $0xffff  }
0x214: {  	v29 =	vshrl.u32 v28, $0xE;
	v28 =	vld.idx.msk [tilespmem:v32+s3+$0x0], $0xffff  }
0x215: {  	v35 =	vld.idx.msk [tilespmem:v34+s3+$0x0], $0xffff  }
0x216: {  	v37 =	vshll.u32 v33, $0x10;
	v33 =	vand.u32 $0xFFFF0000, v33;
	v40 =	vld.idx.msk [tilespmem:v6+s0+$0x0], $0xffff;
	v6 =	vmov v39  }
0x217: {  	v37 =	vmul.f32 v37, v30;
	v33 =	vmul.f32 v33, v30;
	v39 =	vld.idx.msk [tilespmem:v10+s0+$0x0], $0xffff;
	v10 =	vmov v32  }
0x218: {  	v32 =	vld.idx.msk [tilespmem:v12+s0+$0x0], $0xffff;
	v12 =	vmov v34  }
0x219: {  	v34 =	vshll.u32 v31, $0x10;
	[tilespmem:v29+s28+$0x0] =	vst.idx.add.f32.msk $0xffff, v37  }
0x21a: {  	v31 =	vand.u32 $0xFFFF0000, v31;
	v34 =	vmul.f32 v34, v25;
	[tilespmem:v29+s9+$0x0] =	vst.idx.add.f32.msk $0xffff, v33;
	v33 =	vshll.u32 v28, $0x10  }
0x21b: {  	v31 =	vmul.f32 v31, v25;
	v28 =	vand.u32 $0xFFFF0000, v28;
	v41 =	vshll.u32 v35, $0x10;
	v37 =	vld.idx.msk [tilespmem:v16+s30+$0x0], $0xffff  }
0x21c: {  	v35 =	vand.u32 $0xFFFF0000, v35;
	v33 =	vmul.f32 v33, v36;
	v28 =	vmul.f32 v28, v36;
	[tilespmem:v23+s10+$0x0] =	vst.idx.add.f32.msk $0xffff, v34  }
0x21d: {  	v35 =	vmul.f32 v35, v38;
	v34 =	vmul.f32 v41, v38;
	[tilespmem:v23+s11+$0x0] =	vst.idx.add.f32.msk $0xffff, v31;
	v31 =	vshll.u32 v40, $0x10  }
0x21e: {  	v42 =	vshll.u32 v39, $0x10;
	v39 =	vand.u32 $0xFFFF0000, v39;
	v40 =	vand.u32 $0xFFFF0000, v40;
	v41 =	vld.idx.msk [tilespmem:v24+s30+$0x0], $0xffff  }
0x21f: {  	v31 =	vmul.f32 v31, v13;
	[tilespmem:v21+s28+$0x0] =	vst.idx.add.f32.msk $0xffff, v33;
	v33 =	vshll.u32 v32, $0x10;
	v32 =	vand.u32 $0xFFFF0000, v32  }
0x220: {  	v42 =	vmul.f32 v42, v15;
	v40 =	vmul.f32 v40, v13;
	v13 =	vmov v30;
	[tilespmem:v21+s9+$0x0] =	vst.idx.add.f32.msk $0xffff, v28  }
0x221: {  	v28 =	vshll.u32 v37, $0x10;
	v30 =	vand.u32 $0xFFFF0000, v37;
	[tilespmem:v19+s28+$0x0] =	vst.idx.add.f32.msk $0xffff, v34;
	v34 =	vmul.f32 v39, v15;
	v15 =	vmovc v36  }
0x222: {  	v36 =	vmul.f32 v28, v20;
	v30 =	vmul.f32 v30, v20;
	[tilespmem:v19+s9+$0x0] =	vst.idx.add.f32.msk $0xffff, v35  }
0x223: {  	v33 =	vmul.f32 v33, v14;
	v28 =	vmul.f32 v32, v14;
	v14 =	vmov v38;
	v35 =	vld.idx.msk [tilespmem:v8+s30+$0x0], $0xffff  }
0x224: {  	v37 =	vshll.u32 v41, $0x10;
	v32 =	vld.idx.msk [tilespmem:v9+s30+$0x0], $0xffff  }
0x225: {  	[tilespmem:v3+s10+$0x0] =	vst.idx.add.f32.msk $0xffff, v36;
	v36 =	vmul.f32 v37, v27;
	v37 =	vand.u32 $0xFFFF0000, v41  }
0x226: {  	[tilespmem:v3+s11+$0x0] =	vst.idx.add.f32.msk $0xffff, v30;
	v30 =	vmul.f32 v37, v27  }
0x227: {  	[tilespmem:v26+s10+$0x0] =	vst.idx.add.f32.msk $0xffff, v36  }
0x228: {  	[tilespmem:v26+s11+$0x0] =	vst.idx.add.f32.msk $0xffff, v30  }
0x229: {  	v30 =	vshll.u32 v35, $0x10;
	v35 =	vand.u32 $0xFFFF0000, v35;
	v36 =	vld.idx.msk [tilespmem:v22+s31+$0x0], $0xffff  }
0x22a: {  	v30 =	vmul.f32 v30, v18;
	v38 =	vshll.u32 v32, $0x10;
	v32 =	vand.u32 $0xFFFF0000, v32;
	v37 =	vld.idx.msk [tilespmem:v6+s30+$0x0], $0xffff  }
0x22b: {  	v35 =	vmul.f32 v35, v18;
	v38 =	vmul.f32 v38, v17;
	[tilespmem:v7+s15+$0x0] =	vst.idx.add.f32.msk $0xffff, v31  }
0x22c: {  	[tilespmem:v4+s10+$0x0] =	vst.idx.add.f32.msk $0xffff, v30;
	v30 =	vmul.f32 v32, v17  }
0x22d: {  	[tilespmem:v4+s11+$0x0] =	vst.idx.add.f32.msk $0xffff, v35  }
0x22e: {  	[tilespmem:v5+s10+$0x0] =	vst.idx.add.f32.msk $0xffff, v38  }
0x22f: {  	[tilespmem:v5+s11+$0x0] =	vst.idx.add.f32.msk $0xffff, v30;
	v30 =	vshll.u32 v36, $0x10  }
0x230: {  	v35 =	vand.u32 $0xFFFF0000, v36;
	v31 =	vshll.u32 v37, $0x10;
	v32 =	vld.idx.msk [tilespmem:v10+s30+$0x0], $0xffff;
	v30 =	vmul.f32 v30, v25  }
0x231: {  	v36 =	vand.u32 $0xFFFF0000, v37;
	v35 =	vmul.f32 v35, v25;
	v31 =	vmul.f32 v31, v13;
	v37 =	vld.idx.msk [tilespmem:v12+s30+$0x0], $0xffff  }
0x232: {  	v36 =	vmul.f32 v36, v13;
	[tilespmem:v23+s13+$0x0] =	vst.idx.add.f32.msk $0xffff, v30  }
0x233: {  	[tilespmem:v23+s14+$0x0] =	vst.idx.add.f32.msk $0xffff, v35  }
0x234: {  	v30 =	vld.idx.msk [tilespmem:v24+s31+$0x0], $0xffff  }
0x235: {  	[tilespmem:v29+s10+$0x0] =	vst.idx.add.f32.msk $0xffff, v31  }
0x236: {  	v31 =	vshll.u32 v32, $0x10;
	v32 =	vand.u32 $0xFFFF0000, v32;
	[tilespmem:v29+s11+$0x0] =	vst.idx.add.f32.msk $0xffff, v36  }
0x237: {  	v31 =	vmul.f32 v31, v15;
	v36 =	vshll.u32 v37, $0x10;
	v37 =	vand.u32 $0xFFFF0000, v37;
	v35 =	vld.idx.msk [tilespmem:v16+s31+$0x0], $0xffff  }
0x238: {  	v32 =	vmul.f32 v32, v15;
	v36 =	vmul.f32 v36, v14;
	[tilespmem:v7+s16+$0x0] =	vst.idx.add.f32.msk $0xffff, v40;
	v7 =	vmov v29  }
0x239: {  	v29 =	vmul.f32 v37, v14;
	[tilespmem:v21+s10+$0x0] =	vst.idx.add.f32.msk $0xffff, v31  }
0x23a: {  	v31 =	vshll.u32 v30, $0x10;
	[tilespmem:v21+s11+$0x0] =	vst.idx.add.f32.msk $0xffff, v32  }
0x23b: {  	v30 =	vand.u32 $0xFFFF0000, v30;
	v31 =	vmul.f32 v31, v27;
	[tilespmem:v19+s10+$0x0] =	vst.idx.add.f32.msk $0xffff, v36  }
0x23c: {  	[tilespmem:v19+s11+$0x0] =	vst.idx.add.f32.msk $0xffff, v29;
	v29 =	vmul.f32 v30, v27  }
0x23d: {  	v30 =	vshll.u32 v35, $0x10;
	v32 =	vand.u32 $0xFFFF0000, v35;
	[tilespmem:v26+s13+$0x0] =	vst.idx.add.f32.msk $0xffff, v31  }
0x23e: {  	v30 =	vmul.f32 v30, v20;
	v31 =	vmul.f32 v32, v20;
	[tilespmem:v26+s14+$0x0] =	vst.idx.add.f32.msk $0xffff, v29  }
0x23f: {  	v22 =	vld.idx.msk [tilespmem:v22+s0+$0x0], $0xffff  }
0x240: {  	v29 =	vld.idx.msk [tilespmem:v8+s31+$0x0], $0xffff  }
0x241: {  	v32 =	vld.idx.msk [tilespmem:v9+s31+$0x0], $0xffff  }
0x242: {  	[tilespmem:v3+s13+$0x0] =	vst.idx.add.f32.msk $0xffff, v30  }
0x243: {  	[tilespmem:v3+s14+$0x0] =	vst.idx.add.f32.msk $0xffff, v31  }
0x244: {  	v30 =	vld.idx.msk [tilespmem:v6+s31+$0x0], $0xffff  }
0x245: {  	v31 =	vshll.u32 v22, $0x10;
	[tilespmem:v11+s15+$0x0] =	vst.idx.add.f32.msk $0xffff, v42  }
0x246: {  	v22 =	vand.u32 $0xFFFF0000, v22;
	v35 =	vshll.u32 v29, $0x10;
	v31 =	vmul.f32 v31, v25;
	[tilespmem:v11+s16+$0x0] =	vst.idx.add.f32.msk $0xffff, v34;
	v11 =	vmovc v21  }
0x247: {  	v22 =	vmul.f32 v22, v25;
	v21 =	vand.u32 $0xFFFF0000, v29;
	v29 =	vshll.u32 v32, $0x10;
	[tilespmem:v2+s15+$0x0] =	vst.idx.add.f32.msk $0xffff, v33  }
0x248: {  	v25 =	vmul.f32 v35, v18;
	v32 =	vand.u32 $0xFFFF0000, v32;
	v21 =	vmul.f32 v21, v18;
	[tilespmem:v23+s15+$0x0] =	vst.idx.add.f32.msk $0xffff, v31  }
0x249: {  	v29 =	vmul.f32 v29, v17;
	v31 =	vmul.f32 v32, v17;
	[tilespmem:v23+s16+$0x0] =	vst.idx.add.f32.msk $0xffff, v22  }
0x24a: {  	v22 =	vshll.u32 v30, $0x10;
	v23 =	vand.u32 $0xFFFF0000, v30;
	v24 =	vld.idx.msk [tilespmem:v24+s0+$0x0], $0xffff  }
0x24b: {  	v30 =	vmul.f32 v22, v13;
	v32 =	vmul.f32 v23, v13;
	[tilespmem:v4+s13+$0x0] =	vst.idx.add.f32.msk $0xffff, v25  }
0x24c: {  	[tilespmem:v4+s14+$0x0] =	vst.idx.add.f32.msk $0xffff, v21  }
0x24d: {  	[tilespmem:v5+s13+$0x0] =	vst.idx.add.f32.msk $0xffff, v29  }
0x24e: {  	[tilespmem:v5+s14+$0x0] =	vst.idx.add.f32.msk $0xffff, v31  }
0x24f: {  	v23 =	vld.idx.msk [tilespmem:v10+s31+$0x0], $0xffff  }
.Ltmp9:
0x250: {  	v21 =	vshll.u32 v24, $0x10;
	v22 =	vld.idx.msk [tilespmem:v12+s31+$0x0], $0xffff;
	(pc) =	sbr.rel @p0 .LBB2_13-.Ltmp9, $4  }
0x251: {  	v24 =	vand.u32 $0xFFFF0000, v24;
	v21 =	vmul.f32 v21, v27;
	[tilespmem:v7+s13+$0x0] =	vst.idx.add.f32.msk $0xffff, v30  }
0x252: {  	v24 =	vmul.f32 v24, v27;
	[tilespmem:v7+s14+$0x0] =	vst.idx.add.f32.msk $0xffff, v32  }
0x253: {  	[tilespmem:v26+s15+$0x0] =	vst.idx.add.f32.msk $0xffff, v21  }
0x254: {  	[tilespmem:v26+s16+$0x0] =	vst.idx.add.f32.msk $0xffff, v24  }
0x255: {  	_ =	sdelay $0x1  }
0x256: {  	v21 =	vshll.u32 v23, $0x10  }
0x257: {  	v23 =	vand.u32 $0xFFFF0000, v23;
	v21 =	vmul.f32 v21, v15  }
0x258: {  	v16 =	vld.idx.msk [tilespmem:v16+s0+$0x0], $0xffff;
	v23 =	vmul.f32 v23, v15  }
0x259: {  	v24 =	vshll.u32 v22, $0x10;
	[tilespmem:v11+s13+$0x0] =	vst.idx.add.f32.msk $0xffff, v21  }
0x25a: {  	v21 =	vand.u32 $0xFFFF0000, v22;
	v22 =	vmul.f32 v24, v14;
	[tilespmem:v11+s14+$0x0] =	vst.idx.add.f32.msk $0xffff, v23  }
0x25b: {  	v21 =	vmul.f32 v21, v14;
	v8 =	vld.idx.msk [tilespmem:v8+s0+$0x0], $0xffff  }
0x25c: {  	[tilespmem:v19+s13+$0x0] =	vst.idx.add.f32.msk $0xffff, v22  }
0x25d: {  	[tilespmem:v19+s14+$0x0] =	vst.idx.add.f32.msk $0xffff, v21  }
0x25e: {  	v21 =	vshll.u32 v16, $0x10;
	v9 =	vld.idx.msk [tilespmem:v9+s0+$0x0], $0xffff  }
0x25f: {  	v16 =	vand.u32 $0xFFFF0000, v16;
	v21 =	vmul.f32 v21, v20  }
0x260: {  	v16 =	vmul.f32 v16, v20  }
0x261: {  	[tilespmem:v3+s15+$0x0] =	vst.idx.add.f32.msk $0xffff, v21;
	v20 =	vshll.u32 v8, $0x10  }
0x262: {  	v8 =	vand.u32 $0xFFFF0000, v8;
	[tilespmem:v3+s16+$0x0] =	vst.idx.add.f32.msk $0xffff, v16;
	v20 =	vmul.f32 v20, v18  }
0x263: {  	v8 =	vmul.f32 v8, v18;
	v6 =	vld.idx.msk [tilespmem:v6+s0+$0x0], $0xffff;
	v3 =	vshll.u32 v9, $0x10  }
0x264: {  	[tilespmem:v4+s15+$0x0] =	vst.idx.add.f32.msk $0xffff, v20;
	v3 =	vmul.f32 v3, v17  }
0x265: {  	[tilespmem:v4+s16+$0x0] =	vst.idx.add.f32.msk $0xffff, v8;
	v4 =	vand.u32 $0xFFFF0000, v9  }
0x266: {  	v4 =	vmul.f32 v4, v17;
	[tilespmem:v5+s15+$0x0] =	vst.idx.add.f32.msk $0xffff, v3  }
0x267: {  	v3 =	vld.idx.msk [tilespmem:v10+s0+$0x0], $0xffff  }
0x268: {  	[tilespmem:v5+s16+$0x0] =	vst.idx.add.f32.msk $0xffff, v4  }
0x269: {  	v4 =	vld.idx.msk [tilespmem:v12+s0+$0x0], $0xffff  }
0x26a: {  	v5 =	vshll.u32 v6, $0x10  }
0x26b: {  	v6 =	vand.u32 $0xFFFF0000, v6;
	v5 =	vmul.f32 v5, v13  }
0x26c: {  	[tilespmem:v2+s16+$0x0] =	vst.idx.add.f32.msk $0xffff, v28;
	v6 =	vmul.f32 v6, v13;
	v2 =	vshll.u32 v3, $0x10  }
0x26d: {  	v3 =	vand.u32 $0xFFFF0000, v3;
	[tilespmem:v7+s15+$0x0] =	vst.idx.add.f32.msk $0xffff, v5;
	v2 =	vmul.f32 v2, v15  }
0x26e: {  	s21 =	sshll.u32 s20, $0x1;
	p0 =	seq.s32 s20, $0x4E;
	v3 =	vmul.f32 v3, v15;
	[tilespmem:v7+s16+$0x0] =	vst.idx.add.f32.msk $0xffff, v6;
	v5 =	vshll.u32 v4, $0x10  }
0x26f: {  	s1 =	sadd.s32 @!p0 $0x2, s21;
	v4 =	vand.u32 $0xFFFF0000, v4;
	[tilespmem:v11+s15+$0x0] =	vst.idx.add.f32.msk $0xffff, v2;
	v5 =	vmul.f32 v5, v14  }
0x270: {  	s4 =	sadd.s32 @!p0 s6, s1;
	v2 =	vmul.f32 v4, v14;
	[tilespmem:v11+s16+$0x0] =	vst.idx.add.f32.msk $0xffff, v3  }
0x271: {  	s7 =	simm.s32 @!p0 $0x0;
	s1 =	sshll.u32 @!p0 s1, $0x9;
	s4 =	sshll.u32 @!p0 s4, $0x7;
	[tilespmem:v19+s15+$0x0] =	vst.idx.add.f32.msk $0xffff, v5  }
0x272: {  	s12 =	simm.s32 @!p0 $0x1DA00;
	s1 =	sand.u32 @!p0 $0x3FFFFE00, s1;
	s4 =	sadd.s32 @!p0 s5, s4;
	[tilespmem:v19+s16+$0x0] =	vst.idx.add.f32.msk $0xffff, v2  }
0x273: {  	[tilespmem:s12], [sflag:$0x1] =	stream.linear.gather @!p0 [hbm4b:s4+s7], $0x400, $0x38;
	[tilespmem:$0x1FBC0] =	vst v63  }
0x274: {  	s1 =	sadd.s32 @!p0 s1, s2;
	s4 =	simm.s32 @!p0 $0x1E200  }
0x275: {  	[tilespmem:s4], [sflag:$0x2] =	stream.linear.gather @!p0 [spmem:s1], $0x200, $0x38;
	[tilespmem:$0x1FBC0] =	vst v63  }
0x276: {  	_ =	swait.ge [sflag:s17], $0x400  }
0x277: {  	[sflag:s17] =	ssyncset.done $0x0  }
0x278: {  	[sflag:s17] =	ssyncadd.s32 $0xFFFFFC00  }
0x279: {  	_ =	swait.ge [sflag:s18], $0x200  }
0x27a: {  	[sflag:s18] =	ssyncset.done $0x0  }
0x27b: {  	s12 =	simm.s32 $0x1DE00;
	[sflag:s18] =	ssyncadd.s32 $0xFFFFFE00  }
0x27c: {  	v2 =	vld [tilespmem:s12+$0x30];
	_ =	sdelay $0x3  }
0x27d: {  	v3 =	vld [tilespmem:s12+$0x0]  }
0x27e: {  	s22 =	simm.s32 $0x1E420;
	v6 =	vld [tilespmem:s12+$0x10];
	v18 =	vand.u32 $0x3FFF, v2  }
0x27f: {  	s23 =	simm.s32 $0x0;
	v7 =	vld [tilespmem:s22+$0x10]  }
0x280: {  	s7 =	sand.u32 $0x1C0, s23;
	v14 =	vld [tilespmem:s12+$0x230]  }
0x281: {  	v21 =	vld [tilespmem:s7+$0x1E000]  }
0x282: {  	v15 =	vld [tilespmem:s12+$0x20]  }
0x283: {  	v5 =	vld.idx.msk [tilespmem:v18+s3+$0x0], $0xffff  }
0x284: {  	v22 =	vld [tilespmem:s12+$0x210];
	v8 =	vand.u32 $0x3FFF, v3  }
0x285: {  	v25 =	vld [tilespmem:s22+$0xFFFFFFE0];
	v4 =	vand.u32 $0x3FFF, v6  }
0x286: {  	v26 =	vld [tilespmem:s22+$0xFFFFFFF0];
	v13 =	vshrl.u32 v2, $0xE  }
0x287: {  	v27 =	vld [tilespmem:s12+$0x220]  }
0x288: {  	v29 =	vld [tilespmem:s22+$0x0];
	v19 =	vshll.u32 v7, $0x10;
	v16 =	vand.u32 $0x3FFF, v14;
	v9 =	vshll.u32 v5, $0x10  }
0x289: {  	v2 =	vld.idx.msk [tilespmem:v8+s3+$0x0], $0xffff;
	v5 =	vand.u32 $0xFFFF0000, v5;
	v10 =	vmul.f32 v9, v19  }
0x28a: {  	v23 =	vld.idx.msk [tilespmem:v4+s3+$0x0], $0xffff;
	v11 =	vmul.f32 v5, v19  }
0x28b: {  	v9 =	vand.u32 $0x3FFF, v15;
	[tilespmem:v13+s28+$0x0] =	vst.idx.add.f32.msk $0xffff, v10  }
0x28c: {  	v5 =	vshrl.u32 v3, $0xE;
	[tilespmem:v13+s9+$0x0] =	vst.idx.add.f32.msk $0xffff, v11  }
0x28d: {  	s23 =	simm.s32 $0x1DE40;
	v3 =	vshrl.u32 v6, $0xE;
	v6 =	vld.idx.msk [tilespmem:v16+s3+$0x0], $0xffff  }
0x28e: {  	v33 =	vld [tilespmem:s23+$0x210];
	v12 =	vand.u32 $0x3FFF, v21;
	v10 =	vshll.u32 v25, $0x10;
	v11 =	vshll.u32 v2, $0x10  }
0x28f: {  	v34 =	vld [tilespmem:s23+$0x220];
	v17 =	vshrl.u32 v14, $0xE;
	v2 =	vand.u32 $0xFFFF0000, v2;
	v28 =	vmul.f32 v11, v10  }
0x290: {  	v20 =	vshll.u32 v23, $0x10;
	v2 =	vmul.f32 v2, v10;
	v11 =	vshll.u32 v26, $0x10;
	v38 =	vld.idx.msk [tilespmem:v9+s3+$0x0], $0xffff  }
0x291: {  	v14 =	vmul.f32 v20, v11;
	[tilespmem:v5+s28+$0x0] =	vst.idx.add.f32.msk $0xffff, v28  }
0x292: {  	v20 =	vand.u32 $0xFFFF0000, v7;
	[tilespmem:v5+s9+$0x0] =	vst.idx.add.f32.msk $0xffff, v2;
	v2 =	vshll.u32 v6, $0x10  }
0x293: {  	[tilespmem:v3+s28+$0x0] =	vst.idx.add.f32.msk $0xffff, v14;
	v7 =	vand.u32 $0xFFFF0000, v6;
	v2 =	vmul.f32 v2, v20  }
0x294: {  	v14 =	vand.u32 $0x3FFF, v22;
	v28 =	vld.idx.msk [tilespmem:v12+s3+$0x0], $0xffff;
	v6 =	vshrl.u32 v15, $0xE;
	v15 =	vmul.f32 v7, v20  }
0x295: {  	v7 =	vand.u32 $0xFFFF0000, v23;
	[tilespmem:v17+s28+$0x0] =	vst.idx.add.f32.msk $0xffff, v2  }
0x296: {  	v24 =	vand.u32 $0xFFFF0000, v38;
	v23 =	vmul.f32 v7, v11;
	[tilespmem:v17+s9+$0x0] =	vst.idx.add.f32.msk $0xffff, v15  }
0x297: {  	v7 =	vshll.u32 v29, $0x10;
	v2 =	vshll.u32 v38, $0x10;
	v15 =	vand.u32 $0x3FFF, v27;
	v30 =	vld.idx.msk [tilespmem:v18+s30+$0x0], $0xffff  }
0x298: {  	v31 =	vmul.f32 v24, v7;
	v24 =	vshrl.u32 v21, $0xE;
	v2 =	vmul.f32 v2, v7;
	[tilespmem:v3+s9+$0x0] =	vst.idx.add.f32.msk $0xffff, v23  }
0x299: {  	v21 =	vld.idx.msk [tilespmem:v14+s3+$0x0], $0xffff  }
0x29a: {  	v25 =	vand.u32 $0xFFFF0000, v25;
	[tilespmem:v6+s28+$0x0] =	vst.idx.add.f32.msk $0xffff, v2;
	v2 =	vshll.u32 v28, $0x10  }
0x29b: {  	v23 =	vand.u32 $0xFFFF0000, v28;
	[tilespmem:v6+s9+$0x0] =	vst.idx.add.f32.msk $0xffff, v31;
	v2 =	vmul.f32 v2, v25  }
0x29c: {  	v23 =	vmul.f32 v23, v25;
	v28 =	vld.idx.msk [tilespmem:v15+s3+$0x0], $0xffff;
	v31 =	vshll.u32 v30, $0x10  }
0x29d: {  	[tilespmem:v24+s28+$0x0] =	vst.idx.add.f32.msk $0xffff, v2;
	v2 =	vmul.f32 v31, v19  }
0x29e: {  	v22 =	vshrl.u32 v22, $0xE;
	v30 =	vand.u32 $0xFFFF0000, v30;
	[tilespmem:v24+s9+$0x0] =	vst.idx.add.f32.msk $0xffff, v23  }
0x29f: {  	v23 =	vand.u32 $0xFFFF0000, v26;
	v39 =	vshll.u32 v21, $0x10;
	v30 =	vmul.f32 v30, v19;
	[tilespmem:v13+s10+$0x0] =	vst.idx.add.f32.msk $0xffff, v2  }
0x2a0: {  	v2 =	vshrl.u32 v27, $0xE;
	v27 =	vand.u32 $0xFFFF0000, v21;
	v21 =	vand.u32 $0xFFFF0000, v29;
	v29 =	vld.idx.msk [tilespmem:v8+s30+$0x0], $0xffff  }
0x2a1: {  	v26 =	vmul.f32 v39, v23;
	[tilespmem:v13+s11+$0x0] =	vst.idx.add.f32.msk $0xffff, v30  }
0x2a2: {  	v27 =	vmul.f32 v27, v23;
	v30 =	vld.idx.msk [tilespmem:v16+s30+$0x0], $0xffff  }
0x2a3: {  	[tilespmem:v22+s28+$0x0] =	vst.idx.add.f32.msk $0xffff, v26;
	v31 =	vshll.u32 v28, $0x10  }
0x2a4: {  	v28 =	vand.u32 $0xFFFF0000, v28;
	v31 =	vmul.f32 v31, v21;
	[tilespmem:v22+s9+$0x0] =	vst.idx.add.f32.msk $0xffff, v27  }
0x2a5: {  	v40 =	vmul.f32 v28, v21;
	v27 =	vld.idx.msk [tilespmem:v4+s30+$0x0], $0xffff  }
0x2a6: {  	[tilespmem:v2+s28+$0x0] =	vst.idx.add.f32.msk $0xffff, v31;
	v31 =	vshll.u32 v29, $0x10  }
0x2a7: {  	v42 =	vand.u32 $0xFFFF0000, v29;
	[tilespmem:v2+s9+$0x0] =	vst.idx.add.f32.msk $0xffff, v40;
	v29 =	vmul.f32 v31, v10;
	v41 =	vshll.u32 v30, $0x10  }
0x2a8: {  	v28 =	vand.u32 $0xFFFF0000, v30;
	v30 =	vld.idx.msk [tilespmem:v9+s30+$0x0], $0xffff;
	v26 =	vmul.f32 v41, v20  }
0x2a9: {  	v28 =	vmul.f32 v28, v20;
	[tilespmem:v5+s10+$0x0] =	vst.idx.add.f32.msk $0xffff, v29  }
0x2aa: {  	[tilespmem:v17+s10+$0x0] =	vst.idx.add.f32.msk $0xffff, v26  }
0x2ab: {  	v29 =	vshll.u32 v27, $0x10;
	v26 =	vmul.f32 v42, v10;
	[tilespmem:v17+s11+$0x0] =	vst.idx.add.f32.msk $0xffff, v28  }
0x2ac: {  	v43 =	vand.u32 $0xFFFF0000, v27;
	v27 =	vmul.f32 v29, v11;
	v28 =	vld.idx.msk [tilespmem:v18+s31+$0x0], $0xffff  }
0x2ad: {  	[tilespmem:v5+s11+$0x0] =	vst.idx.add.f32.msk $0xffff, v26  }
0x2ae: {  	v31 =	vshll.u32 v30, $0x10;
	v26 =	vmul.f32 v43, v11;
	[tilespmem:v3+s10+$0x0] =	vst.idx.add.f32.msk $0xffff, v27  }
0x2af: {  	v29 =	vld.idx.msk [tilespmem:v12+s30+$0x0], $0xffff;
	v31 =	vmul.f32 v31, v7  }
0x2b0: {  	v30 =	vand.u32 $0xFFFF0000, v30;
	[tilespmem:v3+s11+$0x0] =	vst.idx.add.f32.msk $0xffff, v26  }
0x2b1: {  	v45 =	vmul.f32 v30, v7;
	[tilespmem:v6+s10+$0x0] =	vst.idx.add.f32.msk $0xffff, v31;
	v44 =	vshll.u32 v28, $0x10  }
0x2b2: {  	v27 =	vand.u32 $0xFFFF0000, v28;
	v28 =	vld.idx.msk [tilespmem:v14+s30+$0x0], $0xffff;
	v26 =	vmul.f32 v44, v19  }
0x2b3: {  	[tilespmem:v6+s11+$0x0] =	vst.idx.add.f32.msk $0xffff, v45;
	v27 =	vmul.f32 v27, v19  }
0x2b4: {  	[tilespmem:v13+s13+$0x0] =	vst.idx.add.f32.msk $0xffff, v26  }
0x2b5: {  	[tilespmem:v13+s14+$0x0] =	vst.idx.add.f32.msk $0xffff, v27;
	v27 =	vshll.u32 v29, $0x10  }
0x2b6: {  	v30 =	vld.idx.msk [tilespmem:v16+s31+$0x0], $0xffff;
	v46 =	vmul.f32 v27, v25;
	v27 =	vand.u32 $0xFFFF0000, v29  }
0x2b7: {  	v29 =	vld.idx.msk [tilespmem:v15+s30+$0x0], $0xffff;
	v47 =	vshll.u32 v28, $0x10;
	v27 =	vmul.f32 v27, v25  }
0x2b8: {  	v26 =	vmul.f32 v47, v23;
	[tilespmem:v24+s10+$0x0] =	vst.idx.add.f32.msk $0xffff, v46  }
0x2b9: {  	[tilespmem:v24+s11+$0x0] =	vst.idx.add.f32.msk $0xffff, v27;
	v27 =	vand.u32 $0xFFFF0000, v28  }
0x2ba: {  	[tilespmem:v22+s10+$0x0] =	vst.idx.add.f32.msk $0xffff, v26;
	v27 =	vmul.f32 v27, v23  }
0x2bb: {  	v28 =	vld.idx.msk [tilespmem:v8+s31+$0x0], $0xffff;
	v31 =	vshll.u32 v30, $0x10;
	v30 =	vand.u32 $0xFFFF0000, v30  }
0x2bc: {  	v48 =	vmul.f32 v31, v20;
	[tilespmem:v22+s11+$0x0] =	vst.idx.add.f32.msk $0xffff, v27;
	v27 =	vmul.f32 v30, v20;
	v30 =	vshll.u32 v29, $0x10  }
0x2bd: {  	v49 =	vand.u32 $0xFFFF0000, v29;
	v29 =	vmul.f32 v30, v21;
	v30 =	vld [tilespmem:s23+$0x20]  }
0x2be: {  	[tilespmem:v17+s13+$0x0] =	vst.idx.add.f32.msk $0xffff, v48  }
0x2bf: {  	[tilespmem:v17+s14+$0x0] =	vst.idx.add.f32.msk $0xffff, v27  }
0x2c0: {  	v18 =	vld.idx.msk [tilespmem:v18+s0+$0x0], $0xffff  }
0x2c1: {  	v26 =	vmul.f32 v49, v21;
	[tilespmem:v2+s10+$0x0] =	vst.idx.add.f32.msk $0xffff, v29  }
0x2c2: {  	v50 =	vshll.u32 v28, $0x10;
	v27 =	vand.u32 $0xFFFF0000, v28;
	v28 =	vld.idx.msk [tilespmem:v4+s31+$0x0], $0xffff  }
0x2c3: {  	[tilespmem:v2+s11+$0x0] =	vst.idx.add.f32.msk $0xffff, v26;
	v26 =	vmul.f32 v50, v10  }
0x2c4: {  	v27 =	vmul.f32 v27, v10;
	v29 =	vld.idx.msk [tilespmem:v9+s31+$0x0], $0xffff  }
0x2c5: {  	[tilespmem:v5+s13+$0x0] =	vst.idx.add.f32.msk $0xffff, v26;
	v51 =	vshll.u32 v18, $0x10  }
0x2c6: {  	[tilespmem:v5+s14+$0x0] =	vst.idx.add.f32.msk $0xffff, v27;
	v18 =	vand.u32 $0xFFFF0000, v18;
	v26 =	vmul.f32 v51, v19  }
0x2c7: {  	v27 =	vld.idx.msk [tilespmem:v12+s31+$0x0], $0xffff;
	v18 =	vmul.f32 v18, v19;
	v19 =	vshll.u32 v28, $0x10  }
0x2c8: {  	v19 =	vmul.f32 v19, v11;
	[tilespmem:v13+s15+$0x0] =	vst.idx.add.f32.msk $0xffff, v26  }
0x2c9: {  	v52 =	vand.u32 $0xFFFF0000, v28;
	[tilespmem:v13+s16+$0x0] =	vst.idx.add.f32.msk $0xffff, v18  }
0x2ca: {  	v13 =	vshll.u32 v29, $0x10;
	v18 =	vmul.f32 v52, v11;
	[tilespmem:v3+s13+$0x0] =	vst.idx.add.f32.msk $0xffff, v19  }
0x2cb: {  	v53 =	vand.u32 $0xFFFF0000, v29;
	v16 =	vld.idx.msk [tilespmem:v16+s0+$0x0], $0xffff;
	v13 =	vmul.f32 v13, v7  }
0x2cc: {  	v19 =	vmul.f32 v53, v7;
	[tilespmem:v3+s14+$0x0] =	vst.idx.add.f32.msk $0xffff, v18  }
0x2cd: {  	[tilespmem:v6+s13+$0x0] =	vst.idx.add.f32.msk $0xffff, v13  }
0x2ce: {  	v13 =	vshll.u32 v27, $0x10;
	[tilespmem:v6+s14+$0x0] =	vst.idx.add.f32.msk $0xffff, v19  }
0x2cf: {  	v18 =	vand.u32 $0xFFFF0000, v27;
	v13 =	vmul.f32 v13, v25;
	v19 =	vld.idx.msk [tilespmem:v14+s31+$0x0], $0xffff  }
0x2d0: {  	v18 =	vmul.f32 v18, v25;
	v54 =	vld.idx.msk [tilespmem:v15+s31+$0x0], $0xffff  }
0x2d1: {  	[tilespmem:v24+s13+$0x0] =	vst.idx.add.f32.msk $0xffff, v13  }
0x2d2: {  	v27 =	vshll.u32 v16, $0x10;
	v16 =	vand.u32 $0xFFFF0000, v16;
	[tilespmem:v24+s14+$0x0] =	vst.idx.add.f32.msk $0xffff, v18  }
0x2d3: {  	v13 =	vmul.f32 v27, v20;
	v16 =	vmul.f32 v16, v20;
	v20 =	vld [tilespmem:s23+$0x10]  }
0x2d4: {  	v8 =	vld.idx.msk [tilespmem:v8+s0+$0x0], $0xffff  }
0x2d5: {  	s22 =	simm.s32 $0x40;
	[tilespmem:v17+s15+$0x0] =	vst.idx.add.f32.msk $0xffff, v13  }
0x2d6: {  	s24 =	sand.u32 $0x1C0, s22;
	v13 =	vshll.u32 v19, $0x10;
	[tilespmem:v17+s16+$0x0] =	vst.idx.add.f32.msk $0xffff, v16  }
0x2d7: {  	v16 =	vand.u32 $0xFFFF0000, v19;
	v13 =	vmul.f32 v13, v23;
	v19 =	vld [tilespmem:s24+$0x1E000];
	s24 =	simm.s32 $0x1E460  }
0x2d8: {  	v17 =	vshll.u32 v54, $0x10;
	v16 =	vmul.f32 v16, v23;
	v36 =	vld [tilespmem:s24+$0xFFFFFFF0]  }
0x2d9: {  	v18 =	vand.u32 $0xFFFF0000, v54;
	v17 =	vmul.f32 v17, v21;
	[tilespmem:v22+s13+$0x0] =	vst.idx.add.f32.msk $0xffff, v13  }
0x2da: {  	v13 =	vmul.f32 v18, v21;
	[tilespmem:v22+s14+$0x0] =	vst.idx.add.f32.msk $0xffff, v16  }
0x2db: {  	[tilespmem:v2+s13+$0x0] =	vst.idx.add.f32.msk $0xffff, v17;
	v16 =	vshll.u32 v8, $0x10  }
0x2dc: {  	[tilespmem:v2+s14+$0x0] =	vst.idx.add.f32.msk $0xffff, v13;
	v13 =	vmul.f32 v16, v10  }
0x2dd: {  	v4 =	vld.idx.msk [tilespmem:v4+s0+$0x0], $0xffff  }
0x2de: {  	[tilespmem:v5+s15+$0x0] =	vst.idx.add.f32.msk $0xffff, v13  }
0x2df: {  	v13 =	vld [tilespmem:s23+$0x30]  }
0x2e0: {  	v37 =	vld [tilespmem:s24+$0x0]  }
0x2e1: {  	v18 =	vld [tilespmem:s23+$0x0];
	v8 =	vand.u32 $0xFFFF0000, v8  }
0x2e2: {  	v8 =	vmul.f32 v8, v10;
	v10 =	vld [tilespmem:s24+$0x10]  }
0x2e3: {  	v17 =	vld.idx.msk [tilespmem:v9+s0+$0x0], $0xffff  }
0x2e4: {  	[tilespmem:v5+s16+$0x0] =	vst.idx.add.f32.msk $0xffff, v8;
	v9 =	vshll.u32 v4, $0x10;
	v28 =	vand.u32 $0x3FFF, v13  }
0x2e5: {  	v41 =	vld.idx.msk [tilespmem:v12+s0+$0x0], $0xffff;
	v4 =	vand.u32 $0xFFFF0000, v4;
	v9 =	vmul.f32 v9, v11  }
0x2e6: {  	v16 =	vand.u32 $0x3FFF, v18;
	v4 =	vmul.f32 v4, v11;
	v11 =	vld [tilespmem:s23+$0x230]  }
0x2e7: {  	v8 =	vand.u32 $0x3FFF, v20;
	[tilespmem:v3+s15+$0x0] =	vst.idx.add.f32.msk $0xffff, v9  }
0x2e8: {  	[tilespmem:v3+s16+$0x0] =	vst.idx.add.f32.msk $0xffff, v4  }
0x2e9: {  	v3 =	vld.idx.msk [tilespmem:v28+s3+$0x0], $0xffff  }
0x2ea: {  	v26 =	vshrl.u32 v13, $0xE;
	v13 =	vld [tilespmem:s24+$0xFFFFFFE0];
	v9 =	vand.u32 $0x3FFF, v30;
	v4 =	vshll.u32 v17, $0x10  }
0x2eb: {  	v31 =	vld.idx.msk [tilespmem:v16+s3+$0x0], $0xffff;
	v48 =	vshll.u32 v41, $0x10;
	v4 =	vmul.f32 v4, v7  }
0x2ec: {  	v32 =	vld.idx.msk [tilespmem:v8+s3+$0x0], $0xffff;
	v49 =	vmul.f32 v48, v25  }
0x2ed: {  	v29 =	vshll.u32 v10, $0x10;
	v17 =	vand.u32 $0xFFFF0000, v17;
	[tilespmem:v6+s15+$0x0] =	vst.idx.add.f32.msk $0xffff, v4  }
0x2ee: {  	v7 =	vmul.f32 v17, v7;
	v27 =	vand.u32 $0x3FFF, v11;
	[tilespmem:v24+s15+$0x0] =	vst.idx.add.f32.msk $0xffff, v49;
	v5 =	vshll.u32 v3, $0x10  }
0x2ef: {  	v35 =	vld.idx.msk [tilespmem:v9+s3+$0x0], $0xffff;
	v38 =	vand.u32 $0xFFFF0000, v3;
	v3 =	vshrl.u32 v18, $0xE;
	v5 =	vmul.f32 v5, v29  }
0x2f0: {  	v4 =	vshrl.u32 v20, $0xE;
	[tilespmem:v6+s16+$0x0] =	vst.idx.add.f32.msk $0xffff, v7;
	v18 =	vmul.f32 v38, v29  }
0x2f1: {  	v20 =	vshll.u32 v13, $0x10;
	v17 =	vshll.u32 v31, $0x10;
	v6 =	vand.u32 $0xFFFF0000, v32;
	[tilespmem:v26+s28+$0x0] =	vst.idx.add.f32.msk $0xffff, v5  }
0x2f2: {  	v17 =	vmul.f32 v17, v20;
	v5 =	vshrl.u32 v30, $0xE;
	[tilespmem:v26+s9+$0x0] =	vst.idx.add.f32.msk $0xffff, v18;
	v18 =	vand.u32 $0xFFFF0000, v31  }
0x2f3: {  	v30 =	vshll.u32 v32, $0x10;
	v55 =	vld.idx.msk [tilespmem:v27+s3+$0x0], $0xffff;
	v31 =	vmul.f32 v18, v20;
	v18 =	vshll.u32 v36, $0x10  }
0x2f4: {  	v7 =	vshll.u32 v35, $0x10;
	[tilespmem:v3+s28+$0x0] =	vst.idx.add.f32.msk $0xffff, v17;
	v17 =	vshll.u32 v37, $0x10;
	v30 =	vmul.f32 v30, v18  }
0x2f5: {  	v32 =	vmul.f32 v6, v18;
	v6 =	vand.u32 $0x3FFF, v19;
	v7 =	vmul.f32 v7, v17;
	[tilespmem:v3+s9+$0x0] =	vst.idx.add.f32.msk $0xffff, v31  }
0x2f6: {  	v31 =	vand.u32 $0xFFFF0000, v35;
	[tilespmem:v4+s28+$0x0] =	vst.idx.add.f32.msk $0xffff, v30;
	v30 =	vshrl.u32 v11, $0xE  }
0x2f7: {  	v11 =	vmul.f32 v31, v17;
	[tilespmem:v5+s28+$0x0] =	vst.idx.add.f32.msk $0xffff, v7  }
0x2f8: {  	v31 =	vand.u32 $0xFFFF0000, v10;
	[tilespmem:v4+s9+$0x0] =	vst.idx.add.f32.msk $0xffff, v32;
	v7 =	vshll.u32 v55, $0x10  }
0x2f9: {  	[tilespmem:v5+s9+$0x0] =	vst.idx.add.f32.msk $0xffff, v11;
	v56 =	vand.u32 $0xFFFF0000, v55;
	v7 =	vmul.f32 v7, v31  }
0x2fa: {  	v10 =	vand.u32 $0x3FFF, v33;
	v57 =	vld.idx.msk [tilespmem:v6+s3+$0x0], $0xffff;
	v32 =	vmul.f32 v56, v31  }
0x2fb: {  	[tilespmem:v30+s28+$0x0] =	vst.idx.add.f32.msk $0xffff, v7  }
0x2fc: {  	v11 =	vand.u32 $0x3FFF, v34;
	[tilespmem:v30+s9+$0x0] =	vst.idx.add.f32.msk $0xffff, v32  }
0x2fd: {  	v7 =	vshrl.u32 v19, $0xE;
	v58 =	vld.idx.msk [tilespmem:v28+s30+$0x0], $0xffff  }
0x2fe: {  	v35 =	vld.idx.msk [tilespmem:v14+s0+$0x0], $0xffff  }
0x2ff: {  	v13 =	vand.u32 $0xFFFF0000, v13;
	v39 =	vld.idx.msk [tilespmem:v10+s3+$0x0], $0xffff;
	v19 =	vshll.u32 v57, $0x10  }
0x300: {  	v32 =	vld.idx.msk [tilespmem:v15+s0+$0x0], $0xffff;
	v12 =	vand.u32 $0xFFFF0000, v57;
	v19 =	vmul.f32 v19, v13  }
0x301: {  	v40 =	vld.idx.msk [tilespmem:v11+s3+$0x0], $0xffff;
	v14 =	vmul.f32 v12, v13  }
0x302: {  	v12 =	vshrl.u32 v33, $0xE;
	[tilespmem:v7+s28+$0x0] =	vst.idx.add.f32.msk $0xffff, v19;
	v15 =	vshll.u32 v58, $0x10  }
0x303: {  	[tilespmem:v7+s9+$0x0] =	vst.idx.add.f32.msk $0xffff, v14;
	v14 =	vand.u32 $0xFFFF0000, v58;
	v15 =	vmul.f32 v15, v29  }
0x304: {  	v60 =	vshll.u32 v39, $0x10;
	v59 =	vld.idx.msk [tilespmem:v16+s30+$0x0], $0xffff;
	v38 =	vmul.f32 v14, v29;
	v14 =	vand.u32 $0xFFFF0000, v36  }
0x305: {  	v19 =	vshrl.u32 v34, $0xE;
	v34 =	vmul.f32 v60, v14;
	[tilespmem:v26+s10+$0x0] =	vst.idx.add.f32.msk $0xffff, v15  }
0x306: {  	v61 =	vand.u32 $0xFFFF0000, v39;
	[tilespmem:v26+s11+$0x0] =	vst.idx.add.f32.msk $0xffff, v38  }
0x307: {  	v62 =	vshll.u32 v40, $0x10;
	v36 =	vmul.f32 v61, v14;
	v15 =	vand.u32 $0xFFFF0000, v37;
	[tilespmem:v12+s28+$0x0] =	vst.idx.add.f32.msk $0xffff, v34  }
0x308: {  	v37 =	vmul.f32 v62, v15;
	v38 =	vld.idx.msk [tilespmem:v27+s30+$0x0], $0xffff  }
0x309: {  	v63 =	vand.u32 $0xFFFF0000, v40;
	[tilespmem:v12+s9+$0x0] =	vst.idx.add.f32.msk $0xffff, v36  }
0x30a: {  	v40 =	vmul.f32 v63, v15;
	v63 =	vand.u32 $0xFFFF0000, v41;
	[tilespmem:v19+s28+$0x0] =	vst.idx.add.f32.msk $0xffff, v37  }
0x30b: {  	v25 =	vmul.f32 v63, v25;
	v44 =	vld.idx.msk [tilespmem:v8+s30+$0x0], $0xffff  }
0x30c: {  	v42 =	vshll.u32 v59, $0x10;
	[tilespmem:v19+s9+$0x0] =	vst.idx.add.f32.msk $0xffff, v40  }
0x30d: {  	v33 =	vand.u32 $0xFFFF0000, v59;
	v43 =	vmul.f32 v42, v20;
	[tilespmem:v24+s16+$0x0] =	vst.idx.add.f32.msk $0xffff, v25  }
0x30e: {  	v33 =	vmul.f32 v33, v20;
	v37 =	vld.idx.msk [tilespmem:v9+s30+$0x0], $0xffff  }
0x30f: {  	[tilespmem:v3+s10+$0x0] =	vst.idx.add.f32.msk $0xffff, v43;
	v45 =	vshll.u32 v38, $0x10  }
0x310: {  	v38 =	vand.u32 $0xFFFF0000, v38;
	[tilespmem:v3+s11+$0x0] =	vst.idx.add.f32.msk $0xffff, v33;
	v46 =	vmul.f32 v45, v31  }
0x311: {  	v47 =	vmul.f32 v38, v31;
	v50 =	vshll.u32 v44, $0x10;
	v52 =	vld.idx.msk [tilespmem:v6+s30+$0x0], $0xffff  }
0x312: {  	v34 =	vmul.f32 v50, v18;
	[tilespmem:v30+s10+$0x0] =	vst.idx.add.f32.msk $0xffff, v46  }
0x313: {  	v36 =	vand.u32 $0xFFFF0000, v44;
	[tilespmem:v30+s11+$0x0] =	vst.idx.add.f32.msk $0xffff, v47  }
0x314: {  	v36 =	vmul.f32 v36, v18;
	v53 =	vshll.u32 v37, $0x10;
	[tilespmem:v4+s10+$0x0] =	vst.idx.add.f32.msk $0xffff, v34  }
0x315: {  	v55 =	vmul.f32 v53, v17;
	v51 =	vld.idx.msk [tilespmem:v28+s31+$0x0], $0xffff  }
0x316: {  	v54 =	vand.u32 $0xFFFF0000, v37;
	[tilespmem:v4+s11+$0x0] =	vst.idx.add.f32.msk $0xffff, v36  }
0x317: {  	v33 =	vmul.f32 v54, v17;
	[tilespmem:v5+s10+$0x0] =	vst.idx.add.f32.msk $0xffff, v55  }
0x318: {  	v53 =	vshll.u32 v35, $0x10;
	v34 =	vld.idx.msk [tilespmem:v10+s30+$0x0], $0xffff  }
0x319: {  	v58 =	vshll.u32 v52, $0x10;
	v55 =	vmul.f32 v53, v23;
	[tilespmem:v5+s11+$0x0] =	vst.idx.add.f32.msk $0xffff, v33  }
0x31a: {  	v59 =	vmul.f32 v58, v13;
	v37 =	vld.idx.msk [tilespmem:v11+s30+$0x0], $0xffff;
	v56 =	vshll.u32 v51, $0x10  }
0x31b: {  	[tilespmem:v22+s15+$0x0] =	vst.idx.add.f32.msk $0xffff, v55;
	v57 =	vand.u32 $0xFFFF0000, v51;
	v33 =	vmul.f32 v56, v29  }
0x31c: {  	[tilespmem:v7+s10+$0x0] =	vst.idx.add.f32.msk $0xffff, v59;
	v36 =	vmul.f32 v57, v29  }
0x31d: {  	v54 =	vand.u32 $0xFFFF0000, v35;
	[tilespmem:v26+s13+$0x0] =	vst.idx.add.f32.msk $0xffff, v33  }
0x31e: {  	v60 =	vand.u32 $0xFFFF0000, v52;
	v23 =	vmul.f32 v54, v23;
	[tilespmem:v26+s14+$0x0] =	vst.idx.add.f32.msk $0xffff, v36  }
0x31f: {  	v61 =	vmul.f32 v60, v13;
	v62 =	vld.idx.msk [tilespmem:v27+s31+$0x0], $0xffff  }
0x320: {  	[tilespmem:v22+s16+$0x0] =	vst.idx.add.f32.msk $0xffff, v23;
	v42 =	vshll.u32 v34, $0x10  }
0x321: {  	[tilespmem:v7+s11+$0x0] =	vst.idx.add.f32.msk $0xffff, v61;
	v34 =	vand.u32 $0xFFFF0000, v34;
	v33 =	vmul.f32 v42, v14  }
0x322: {  	v34 =	vmul.f32 v34, v14;
	v43 =	vshll.u32 v37, $0x10;
	v36 =	vld.idx.msk [tilespmem:v16+s31+$0x0], $0xffff  }
0x323: {  	v45 =	vmul.f32 v43, v15;
	[tilespmem:v12+s10+$0x0] =	vst.idx.add.f32.msk $0xffff, v33  }
0x324: {  	[tilespmem:v12+s11+$0x0] =	vst.idx.add.f32.msk $0xffff, v34;
	v46 =	vshll.u32 v62, $0x10  }
0x325: {  	[tilespmem:v19+s10+$0x0] =	vst.idx.add.f32.msk $0xffff, v45;
	v48 =	vand.u32 $0xFFFF0000, v62;
	v47 =	vmul.f32 v46, v31  }
0x326: {  	v51 =	vld.idx.msk [tilespmem:v8+s31+$0x0], $0xffff;
	v49 =	vmul.f32 v48, v31  }
0x327: {  	v44 =	vand.u32 $0xFFFF0000, v37;
	[tilespmem:v30+s13+$0x0] =	vst.idx.add.f32.msk $0xffff, v47  }
0x328: {  	v24 =	vmul.f32 v44, v15;
	[tilespmem:v30+s14+$0x0] =	vst.idx.add.f32.msk $0xffff, v49  }
0x329: {  	v50 =	vshll.u32 v36, $0x10;
	v25 =	vld.idx.msk [tilespmem:v28+s0+$0x0], $0xffff  }
0x32a: {  	[tilespmem:v19+s11+$0x0] =	vst.idx.add.f32.msk $0xffff, v24;
	v24 =	vmul.f32 v50, v20;
	v28 =	vand.u32 $0xFFFF0000, v36  }
0x32b: {  	v52 =	vld.idx.msk [tilespmem:v9+s31+$0x0], $0xffff;
	v23 =	vshll.u32 v51, $0x10;
	v28 =	vmul.f32 v28, v20  }
0x32c: {  	[tilespmem:v3+s13+$0x0] =	vst.idx.add.f32.msk $0xffff, v24;
	v23 =	vmul.f32 v23, v18  }
0x32d: {  	[tilespmem:v3+s14+$0x0] =	vst.idx.add.f32.msk $0xffff, v28;
	v28 =	vshll.u32 v32, $0x10  }
0x32e: {  	[tilespmem:v4+s13+$0x0] =	vst.idx.add.f32.msk $0xffff, v23;
	v28 =	vmul.f32 v28, v21;
	v57 =	vshll.u32 v25, $0x10  }
0x32f: {  	v56 =	vld.idx.msk [tilespmem:v6+s31+$0x0], $0xffff;
	v25 =	vand.u32 $0xFFFF0000, v25;
	v58 =	vmul.f32 v57, v29  }
0x330: {  	v22 =	vmul.f32 v25, v29;
	[tilespmem:v2+s15+$0x0] =	vst.idx.add.f32.msk $0xffff, v28  }
0x331: {  	v59 =	vand.u32 $0xFFFF0000, v51;
	[tilespmem:v26+s15+$0x0] =	vst.idx.add.f32.msk $0xffff, v58  }
0x332: {  	v25 =	vmul.f32 v59, v18;
	[tilespmem:v26+s16+$0x0] =	vst.idx.add.f32.msk $0xffff, v22;
	v22 =	vshll.u32 v52, $0x10  }
0x333: {  	v26 =	vld.idx.msk [tilespmem:v27+s0+$0x0], $0xffff;
	v27 =	vand.u32 $0xFFFF0000, v52;
	v22 =	vmul.f32 v22, v17  }
0x334: {  	[tilespmem:v4+s14+$0x0] =	vst.idx.add.f32.msk $0xffff, v25;
	v23 =	vmul.f32 v27, v17  }
0x335: {  	[tilespmem:v5+s13+$0x0] =	vst.idx.add.f32.msk $0xffff, v22  }
0x336: {  	v22 =	vshll.u32 v56, $0x10;
	[tilespmem:v5+s14+$0x0] =	vst.idx.add.f32.msk $0xffff, v23  }
0x337: {  	v24 =	vand.u32 $0xFFFF0000, v56;
	v60 =	vmul.f32 v22, v13;
	v23 =	vld.idx.msk [tilespmem:v10+s31+$0x0], $0xffff  }
0x338: {  	v24 =	vmul.f32 v24, v13;
	v22 =	vld.idx.msk [tilespmem:v11+s31+$0x0], $0xffff;
	v27 =	vshll.u32 v26, $0x10  }
0x339: {  	[tilespmem:v7+s13+$0x0] =	vst.idx.add.f32.msk $0xffff, v60;
	v26 =	vand.u32 $0xFFFF0000, v26;
	v61 =	vmul.f32 v27, v31  }
0x33a: {  	[tilespmem:v7+s14+$0x0] =	vst.idx.add.f32.msk $0xffff, v24;
	v62 =	vmul.f32 v26, v31  }
0x33b: {  	v63 =	vand.u32 $0xFFFF0000, v32;
	[tilespmem:v30+s15+$0x0] =	vst.idx.add.f32.msk $0xffff, v61  }
0x33c: {  	v28 =	vmul.f32 v63, v21;
	[tilespmem:v30+s16+$0x0] =	vst.idx.add.f32.msk $0xffff, v62  }
.LBB2_15:
0x33d: {  	s22 =	sadd.s32 $0x40, s22;
	v16 =	vld.idx.msk [tilespmem:v16+s0+$0x0], $0xffff;
	v21 =	vshll.u32 v23, $0x10;
	v23 =	vand.u32 $0xFFFF0000, v23  }
0x33e: {  	v24 =	vshll.u32 v22, $0x10;
	v22 =	vand.u32 $0xFFFF0000, v22;
	s1 =	sand.u32 $0x1C0, s22;
	p1 =	slt.u32 s22, $0x1C0;
	v21 =	vmul.f32 v21, v14;
	[tilespmem:v2+s16+$0x0] =	vst.idx.add.f32.msk $0xffff, v28;
	v2 =	vmovc v19  }
0x33f: {  	v23 =	vmul.f32 v23, v14;
	v24 =	vmul.f32 v24, v15;
	v28 =	vld [tilespmem:s1+$0x1E000]  }
0x340: {  	[tilespmem:v12+s13+$0x0] =	vst.idx.add.f32.msk $0xffff, v21;
	v21 =	vmul.f32 v22, v15  }
0x341: {  	[tilespmem:v12+s14+$0x0] =	vst.idx.add.f32.msk $0xffff, v23  }
0x342: {  	[tilespmem:v19+s13+$0x0] =	vst.idx.add.f32.msk $0xffff, v24  }
0x343: {  	v19 =	vshll.u32 v16, $0x10;
	v16 =	vand.u32 $0xFFFF0000, v16;
	[tilespmem:v2+s14+$0x0] =	vst.idx.add.f32.msk $0xffff, v21  }
0x344: {  	v19 =	vmul.f32 v19, v20;
	v20 =	vmul.f32 v16, v20;
	v8 =	vld.idx.msk [tilespmem:v8+s0+$0x0], $0xffff  }
0x345: {  	v9 =	vld.idx.msk [tilespmem:v9+s0+$0x0], $0xffff  }
0x346: {  	s23 =	sadd.s32 $0x40, s23;
	[tilespmem:v3+s15+$0x0] =	vst.idx.add.f32.msk $0xffff, v19  }
0x347: {  	v23 =	vld [tilespmem:s23+$0x30]  }
0x348: {  	v19 =	vld [tilespmem:s23+$0x0]  }
0x349: {  	v21 =	vld [tilespmem:s23+$0x10]  }
0x34a: {  	v16 =	vshll.u32 v8, $0x10;
	v8 =	vand.u32 $0xFFFF0000, v8;
	v24 =	vld [tilespmem:s23+$0x20]  }
0x34b: {  	v26 =	vmul.f32 v16, v18;
	v16 =	vshll.u32 v9, $0x10;
	v9 =	vand.u32 $0xFFFF0000, v9;
	v25 =	vld [tilespmem:s23+$0x210]  }
0x34c: {  	v18 =	vmul.f32 v8, v18;
	v29 =	vmul.f32 v16, v17;
	v27 =	vld [tilespmem:s23+$0x220];
	v22 =	vand.u32 $0x3FFF, v23  }
0x34d: {  	v30 =	vmul.f32 v9, v17;
	v16 =	vand.u32 $0x3FFF, v19;
	[tilespmem:v3+s16+$0x0] =	vst.idx.add.f32.msk $0xffff, v20;
	v3 =	vshrl.u32 v19, $0xE  }
0x34e: {  	v17 =	vshrl.u32 v21, $0xE;
	v8 =	vand.u32 $0x3FFF, v21;
	[tilespmem:v4+s15+$0x0] =	vst.idx.add.f32.msk $0xffff, v26  }
0x34f: {  	s24 =	sadd.s32 $0x40, s24;
	v31 =	vshrl.u32 v24, $0xE;
	v9 =	vand.u32 $0x3FFF, v24;
	[tilespmem:v4+s16+$0x0] =	vst.idx.add.f32.msk $0xffff, v18;
	v4 =	vmov v17  }
0x350: {  	v21 =	vshrl.u32 v25, $0xE;
	v32 =	vand.u32 $0x3FFF, v25;
	v33 =	vld [tilespmem:s24+$0x10]  }
0x351: {  	v19 =	vshrl.u32 v27, $0xE;
	v34 =	vand.u32 $0x3FFF, v27;
	v17 =	vld.idx.msk [tilespmem:v22+s3+$0x0], $0xffff  }
0x352: {  	v26 =	vld [tilespmem:s23+$0x230]  }
0x353: {  	v18 =	vld.idx.msk [tilespmem:v16+s3+$0x0], $0xffff  }
0x354: {  	v20 =	vld.idx.msk [tilespmem:v8+s3+$0x0], $0xffff  }
0x355: {  	v23 =	vshrl.u32 v23, $0xE;
	v27 =	vld.idx.msk [tilespmem:v9+s3+$0x0], $0xffff  }
0x356: {  	v35 =	vld [tilespmem:s24+$0xFFFFFFE0]  }
0x357: {  	v25 =	vshll.u32 v33, $0x10;
	v37 =	vshll.u32 v17, $0x10;
	v36 =	vld [tilespmem:s24+$0xFFFFFFF0];
	v24 =	vand.u32 $0x3FFF, v26  }
0x358: {  	v17 =	vand.u32 $0xFFFF0000, v17;
	v37 =	vmul.f32 v37, v25;
	v38 =	vld [tilespmem:s24+$0x0]  }
0x359: {  	v17 =	vmul.f32 v17, v25;
	v39 =	vshll.u32 v18, $0x10;
	v18 =	vand.u32 $0xFFFF0000, v18;
	[tilespmem:v5+s15+$0x0] =	vst.idx.add.f32.msk $0xffff, v29  }
0x35a: {  	v29 =	vshll.u32 v20, $0x10;
	v40 =	vand.u32 $0xFFFF0000, v20;
	[tilespmem:v23+s28+$0x0] =	vst.idx.add.f32.msk $0xffff, v37  }
0x35b: {  	v37 =	vshll.u32 v27, $0x10;
	v27 =	vand.u32 $0xFFFF0000, v27;
	v20 =	vshll.u32 v35, $0x10;
	[tilespmem:v23+s9+$0x0] =	vst.idx.add.f32.msk $0xffff, v17  }
0x35c: {  	v39 =	vmul.f32 v39, v20;
	v41 =	vmul.f32 v18, v20;
	v18 =	vshll.u32 v36, $0x10;
	v42 =	vld.idx.msk [tilespmem:v24+s3+$0x0], $0xffff  }
0x35d: {  	v29 =	vmul.f32 v29, v18;
	v40 =	vmul.f32 v40, v18;
	v17 =	vshll.u32 v38, $0x10;
	[tilespmem:v5+s16+$0x0] =	vst.idx.add.f32.msk $0xffff, v30  }
0x35e: {  	v30 =	vand.u32 $0xFFFF0000, v35;
	[tilespmem:v3+s28+$0x0] =	vst.idx.add.f32.msk $0xffff, v39;
	v35 =	vmul.f32 v37, v17;
	v37 =	vmul.f32 v27, v17  }
0x35f: {  	v36 =	vand.u32 $0xFFFF0000, v36;
	v38 =	vand.u32 $0xFFFF0000, v38;
	v5 =	vmovc v31;
	v39 =	vand.u32 $0x3FFF, v28;
	[tilespmem:v3+s9+$0x0] =	vst.idx.add.f32.msk $0xffff, v41  }
0x360: {  	v26 =	vshrl.u32 v26, $0xE;
	[tilespmem:v4+s28+$0x0] =	vst.idx.add.f32.msk $0xffff, v29  }
0x361: {  	[tilespmem:v4+s9+$0x0] =	vst.idx.add.f32.msk $0xffff, v40  }
0x362: {  	v27 =	vand.u32 $0xFFFF0000, v33;
	v29 =	vshll.u32 v42, $0x10;
	[tilespmem:v31+s28+$0x0] =	vst.idx.add.f32.msk $0xffff, v35  }
0x363: {  	v29 =	vmul.f32 v29, v27;
	[tilespmem:v31+s9+$0x0] =	vst.idx.add.f32.msk $0xffff, v37;
	v31 =	vand.u32 $0xFFFF0000, v42  }
0x364: {  	v33 =	vld.idx.msk [tilespmem:v39+s3+$0x0], $0xffff;
	v31 =	vmul.f32 v31, v27  }
0x365: {  	[tilespmem:v26+s28+$0x0] =	vst.idx.add.f32.msk $0xffff, v29  }
0x366: {  	[tilespmem:v26+s9+$0x0] =	vst.idx.add.f32.msk $0xffff, v31  }
0x367: {  	v31 =	vld.idx.msk [tilespmem:v22+s30+$0x0], $0xffff  }
0x368: {  	v29 =	vshrl.u32 v28, $0xE;
	v28 =	vld.idx.msk [tilespmem:v32+s3+$0x0], $0xffff  }
0x369: {  	v35 =	vld.idx.msk [tilespmem:v34+s3+$0x0], $0xffff  }
0x36a: {  	v37 =	vshll.u32 v33, $0x10;
	v33 =	vand.u32 $0xFFFF0000, v33;
	v40 =	vld.idx.msk [tilespmem:v6+s0+$0x0], $0xffff;
	v6 =	vmov v39  }
0x36b: {  	v37 =	vmul.f32 v37, v30;
	v33 =	vmul.f32 v33, v30;
	v39 =	vld.idx.msk [tilespmem:v10+s0+$0x0], $0xffff;
	v10 =	vmov v32  }
0x36c: {  	v32 =	vld.idx.msk [tilespmem:v11+s0+$0x0], $0xffff;
	v11 =	vmov v34  }
0x36d: {  	v34 =	vshll.u32 v31, $0x10;
	[tilespmem:v29+s28+$0x0] =	vst.idx.add.f32.msk $0xffff, v37  }
0x36e: {  	v31 =	vand.u32 $0xFFFF0000, v31;
	v34 =	vmul.f32 v34, v25;
	[tilespmem:v29+s9+$0x0] =	vst.idx.add.f32.msk $0xffff, v33;
	v33 =	vshll.u32 v28, $0x10  }
0x36f: {  	v31 =	vmul.f32 v31, v25;
	v28 =	vand.u32 $0xFFFF0000, v28;
	v41 =	vshll.u32 v35, $0x10;
	v37 =	vld.idx.msk [tilespmem:v16+s30+$0x0], $0xffff  }
0x370: {  	v35 =	vand.u32 $0xFFFF0000, v35;
	v33 =	vmul.f32 v33, v36;
	v28 =	vmul.f32 v28, v36;
	[tilespmem:v23+s10+$0x0] =	vst.idx.add.f32.msk $0xffff, v34  }
0x371: {  	v35 =	vmul.f32 v35, v38;
	v34 =	vmul.f32 v41, v38;
	[tilespmem:v23+s11+$0x0] =	vst.idx.add.f32.msk $0xffff, v31;
	v31 =	vshll.u32 v40, $0x10  }
0x372: {  	v42 =	vshll.u32 v39, $0x10;
	v39 =	vand.u32 $0xFFFF0000, v39;
	v40 =	vand.u32 $0xFFFF0000, v40;
	v41 =	vld.idx.msk [tilespmem:v24+s30+$0x0], $0xffff  }
0x373: {  	v31 =	vmul.f32 v31, v13;
	[tilespmem:v21+s28+$0x0] =	vst.idx.add.f32.msk $0xffff, v33;
	v33 =	vshll.u32 v32, $0x10;
	v32 =	vand.u32 $0xFFFF0000, v32  }
0x374: {  	v42 =	vmul.f32 v42, v14;
	v40 =	vmul.f32 v40, v13;
	v13 =	vmov v30;
	[tilespmem:v21+s9+$0x0] =	vst.idx.add.f32.msk $0xffff, v28  }
0x375: {  	v28 =	vshll.u32 v37, $0x10;
	v30 =	vand.u32 $0xFFFF0000, v37;
	[tilespmem:v19+s28+$0x0] =	vst.idx.add.f32.msk $0xffff, v34;
	v34 =	vmul.f32 v39, v14;
	v14 =	vmovc v36  }
0x376: {  	v36 =	vmul.f32 v28, v20;
	v30 =	vmul.f32 v30, v20;
	[tilespmem:v19+s9+$0x0] =	vst.idx.add.f32.msk $0xffff, v35  }
0x377: {  	v33 =	vmul.f32 v33, v15;
	v28 =	vmul.f32 v32, v15;
	v15 =	vmov v38;
	v35 =	vld.idx.msk [tilespmem:v8+s30+$0x0], $0xffff  }
0x378: {  	v37 =	vshll.u32 v41, $0x10;
	v32 =	vld.idx.msk [tilespmem:v9+s30+$0x0], $0xffff  }
0x379: {  	[tilespmem:v3+s10+$0x0] =	vst.idx.add.f32.msk $0xffff, v36;
	v36 =	vmul.f32 v37, v27;
	v37 =	vand.u32 $0xFFFF0000, v41  }
0x37a: {  	[tilespmem:v3+s11+$0x0] =	vst.idx.add.f32.msk $0xffff, v30;
	v30 =	vmul.f32 v37, v27  }
0x37b: {  	[tilespmem:v26+s10+$0x0] =	vst.idx.add.f32.msk $0xffff, v36  }
0x37c: {  	[tilespmem:v26+s11+$0x0] =	vst.idx.add.f32.msk $0xffff, v30  }
0x37d: {  	v30 =	vshll.u32 v35, $0x10;
	v35 =	vand.u32 $0xFFFF0000, v35;
	v36 =	vld.idx.msk [tilespmem:v22+s31+$0x0], $0xffff  }
0x37e: {  	v30 =	vmul.f32 v30, v18;
	v38 =	vshll.u32 v32, $0x10;
	v32 =	vand.u32 $0xFFFF0000, v32;
	v37 =	vld.idx.msk [tilespmem:v6+s30+$0x0], $0xffff  }
0x37f: {  	v35 =	vmul.f32 v35, v18;
	v38 =	vmul.f32 v38, v17;
	[tilespmem:v7+s15+$0x0] =	vst.idx.add.f32.msk $0xffff, v31  }
0x380: {  	[tilespmem:v4+s10+$0x0] =	vst.idx.add.f32.msk $0xffff, v30;
	v30 =	vmul.f32 v32, v17  }
0x381: {  	[tilespmem:v4+s11+$0x0] =	vst.idx.add.f32.msk $0xffff, v35  }
0x382: {  	[tilespmem:v5+s10+$0x0] =	vst.idx.add.f32.msk $0xffff, v38  }
0x383: {  	[tilespmem:v5+s11+$0x0] =	vst.idx.add.f32.msk $0xffff, v30;
	v30 =	vshll.u32 v36, $0x10  }
0x384: {  	v35 =	vand.u32 $0xFFFF0000, v36;
	v31 =	vshll.u32 v37, $0x10;
	v32 =	vld.idx.msk [tilespmem:v10+s30+$0x0], $0xffff;
	v30 =	vmul.f32 v30, v25  }
0x385: {  	v36 =	vand.u32 $0xFFFF0000, v37;
	v35 =	vmul.f32 v35, v25;
	v31 =	vmul.f32 v31, v13;
	v37 =	vld.idx.msk [tilespmem:v11+s30+$0x0], $0xffff  }
0x386: {  	v36 =	vmul.f32 v36, v13;
	[tilespmem:v23+s13+$0x0] =	vst.idx.add.f32.msk $0xffff, v30  }
0x387: {  	[tilespmem:v23+s14+$0x0] =	vst.idx.add.f32.msk $0xffff, v35  }
0x388: {  	v30 =	vld.idx.msk [tilespmem:v24+s31+$0x0], $0xffff  }
0x389: {  	[tilespmem:v29+s10+$0x0] =	vst.idx.add.f32.msk $0xffff, v31  }
0x38a: {  	v31 =	vshll.u32 v32, $0x10;
	v32 =	vand.u32 $0xFFFF0000, v32;
	[tilespmem:v29+s11+$0x0] =	vst.idx.add.f32.msk $0xffff, v36  }
0x38b: {  	v31 =	vmul.f32 v31, v14;
	v36 =	vshll.u32 v37, $0x10;
	v37 =	vand.u32 $0xFFFF0000, v37;
	v35 =	vld.idx.msk [tilespmem:v16+s31+$0x0], $0xffff  }
0x38c: {  	v32 =	vmul.f32 v32, v14;
	v36 =	vmul.f32 v36, v15;
	[tilespmem:v7+s16+$0x0] =	vst.idx.add.f32.msk $0xffff, v40;
	v7 =	vmov v29  }
0x38d: {  	v29 =	vmul.f32 v37, v15;
	[tilespmem:v21+s10+$0x0] =	vst.idx.add.f32.msk $0xffff, v31  }
0x38e: {  	v31 =	vshll.u32 v30, $0x10;
	[tilespmem:v21+s11+$0x0] =	vst.idx.add.f32.msk $0xffff, v32  }
0x38f: {  	v30 =	vand.u32 $0xFFFF0000, v30;
	v31 =	vmul.f32 v31, v27;
	[tilespmem:v19+s10+$0x0] =	vst.idx.add.f32.msk $0xffff, v36  }
0x390: {  	[tilespmem:v19+s11+$0x0] =	vst.idx.add.f32.msk $0xffff, v29;
	v29 =	vmul.f32 v30, v27  }
0x391: {  	v30 =	vshll.u32 v35, $0x10;
	v32 =	vand.u32 $0xFFFF0000, v35;
	[tilespmem:v26+s13+$0x0] =	vst.idx.add.f32.msk $0xffff, v31  }
0x392: {  	v30 =	vmul.f32 v30, v20;
	v31 =	vmul.f32 v32, v20;
	[tilespmem:v26+s14+$0x0] =	vst.idx.add.f32.msk $0xffff, v29  }
0x393: {  	v22 =	vld.idx.msk [tilespmem:v22+s0+$0x0], $0xffff  }
0x394: {  	v29 =	vld.idx.msk [tilespmem:v8+s31+$0x0], $0xffff  }
0x395: {  	v32 =	vld.idx.msk [tilespmem:v9+s31+$0x0], $0xffff  }
0x396: {  	[tilespmem:v3+s13+$0x0] =	vst.idx.add.f32.msk $0xffff, v30  }
0x397: {  	[tilespmem:v3+s14+$0x0] =	vst.idx.add.f32.msk $0xffff, v31  }
0x398: {  	v30 =	vld.idx.msk [tilespmem:v6+s31+$0x0], $0xffff  }
0x399: {  	v31 =	vshll.u32 v22, $0x10;
	[tilespmem:v12+s15+$0x0] =	vst.idx.add.f32.msk $0xffff, v42  }
0x39a: {  	v22 =	vand.u32 $0xFFFF0000, v22;
	v35 =	vshll.u32 v29, $0x10;
	v31 =	vmul.f32 v31, v25;
	[tilespmem:v12+s16+$0x0] =	vst.idx.add.f32.msk $0xffff, v34;
	v12 =	vmovc v21  }
0x39b: {  	v22 =	vmul.f32 v22, v25;
	v21 =	vand.u32 $0xFFFF0000, v29;
	v29 =	vshll.u32 v32, $0x10;
	[tilespmem:v2+s15+$0x0] =	vst.idx.add.f32.msk $0xffff, v33  }
0x39c: {  	v25 =	vmul.f32 v35, v18;
	v32 =	vand.u32 $0xFFFF0000, v32;
	v21 =	vmul.f32 v21, v18;
	[tilespmem:v23+s15+$0x0] =	vst.idx.add.f32.msk $0xffff, v31  }
0x39d: {  	v29 =	vmul.f32 v29, v17;
	v31 =	vmul.f32 v32, v17;
	[tilespmem:v23+s16+$0x0] =	vst.idx.add.f32.msk $0xffff, v22  }
0x39e: {  	v22 =	vshll.u32 v30, $0x10;
	v23 =	vand.u32 $0xFFFF0000, v30;
	v24 =	vld.idx.msk [tilespmem:v24+s0+$0x0], $0xffff  }
0x39f: {  	v30 =	vmul.f32 v22, v13;
	v32 =	vmul.f32 v23, v13;
	[tilespmem:v4+s13+$0x0] =	vst.idx.add.f32.msk $0xffff, v25  }
0x3a0: {  	[tilespmem:v4+s14+$0x0] =	vst.idx.add.f32.msk $0xffff, v21  }
0x3a1: {  	[tilespmem:v5+s13+$0x0] =	vst.idx.add.f32.msk $0xffff, v29  }
0x3a2: {  	[tilespmem:v5+s14+$0x0] =	vst.idx.add.f32.msk $0xffff, v31  }
0x3a3: {  	v23 =	vld.idx.msk [tilespmem:v10+s31+$0x0], $0xffff  }
.Ltmp10:
0x3a4: {  	v21 =	vshll.u32 v24, $0x10;
	v22 =	vld.idx.msk [tilespmem:v11+s31+$0x0], $0xffff;
	(pc) =	sbr.rel @p1 .LBB2_15-.Ltmp10, $4  }
0x3a5: {  	v24 =	vand.u32 $0xFFFF0000, v24;
	v21 =	vmul.f32 v21, v27;
	[tilespmem:v7+s13+$0x0] =	vst.idx.add.f32.msk $0xffff, v30  }
0x3a6: {  	v24 =	vmul.f32 v24, v27;
	[tilespmem:v7+s14+$0x0] =	vst.idx.add.f32.msk $0xffff, v32  }
0x3a7: {  	[tilespmem:v26+s15+$0x0] =	vst.idx.add.f32.msk $0xffff, v21  }
0x3a8: {  	[tilespmem:v26+s16+$0x0] =	vst.idx.add.f32.msk $0xffff, v24  }
0x3a9: {  	_ =	sdelay $0x1  }
0x3aa: {  	v21 =	vshll.u32 v23, $0x10  }
0x3ab: {  	v24 =	vshll.u32 v22, $0x10;
	v21 =	vmul.f32 v21, v14  }
0x3ac: {  	v56 =	vand.u32 $0xFFFF0000, v23;
	v16 =	vld.idx.msk [tilespmem:v16+s0+$0x0], $0xffff;
	v58 =	vmul.f32 v24, v15  }
0x3ad: {  	v23 =	vmul.f32 v56, v14;
	[tilespmem:v12+s13+$0x0] =	vst.idx.add.f32.msk $0xffff, v21  }
0x3ae: {  	v57 =	vand.u32 $0xFFFF0000, v22;
	[tilespmem:v19+s13+$0x0] =	vst.idx.add.f32.msk $0xffff, v58  }
0x3af: {  	v21 =	vmul.f32 v57, v15;
	[tilespmem:v12+s14+$0x0] =	vst.idx.add.f32.msk $0xffff, v23  }
0x3b0: {  	v8 =	vld.idx.msk [tilespmem:v8+s0+$0x0], $0xffff  }
0x3b1: {  	[tilespmem:v19+s14+$0x0] =	vst.idx.add.f32.msk $0xffff, v21  }
0x3b2: {  	v59 =	vshll.u32 v16, $0x10;
	v9 =	vld.idx.msk [tilespmem:v9+s0+$0x0], $0xffff  }
0x3b3: {  	v16 =	vand.u32 $0xFFFF0000, v16;
	v21 =	vmul.f32 v59, v20  }
0x3b4: {  	v16 =	vmul.f32 v16, v20  }
0x3b5: {  	[tilespmem:v3+s15+$0x0] =	vst.idx.add.f32.msk $0xffff, v21;
	v60 =	vshll.u32 v8, $0x10  }
0x3b6: {  	[tilespmem:v3+s16+$0x0] =	vst.idx.add.f32.msk $0xffff, v16;
	v8 =	vand.u32 $0xFFFF0000, v8;
	v20 =	vmul.f32 v60, v18  }
0x3b7: {  	v6 =	vld.idx.msk [tilespmem:v6+s0+$0x0], $0xffff;
	v8 =	vmul.f32 v8, v18;
	v3 =	vshll.u32 v9, $0x10  }
0x3b8: {  	v3 =	vmul.f32 v3, v17;
	[tilespmem:v4+s15+$0x0] =	vst.idx.add.f32.msk $0xffff, v20  }
0x3b9: {  	v61 =	vand.u32 $0xFFFF0000, v9;
	[tilespmem:v4+s16+$0x0] =	vst.idx.add.f32.msk $0xffff, v8  }
0x3ba: {  	v4 =	vmul.f32 v61, v17;
	[tilespmem:v5+s15+$0x0] =	vst.idx.add.f32.msk $0xffff, v3  }
0x3bb: {  	v3 =	vld.idx.msk [tilespmem:v10+s0+$0x0], $0xffff  }
0x3bc: {  	[tilespmem:v5+s16+$0x0] =	vst.idx.add.f32.msk $0xffff, v4  }
0x3bd: {  	v4 =	vld.idx.msk [tilespmem:v11+s0+$0x0], $0xffff  }
0x3be: {  	v62 =	vshll.u32 v6, $0x10  }
0x3bf: {  	v6 =	vand.u32 $0xFFFF0000, v6;
	v5 =	vmul.f32 v62, v13  }
0x3c0: {  	[tilespmem:v2+s16+$0x0] =	vst.idx.add.f32.msk $0xffff, v28;
	v6 =	vmul.f32 v6, v13;
	v2 =	vshll.u32 v3, $0x10  }
0x3c1: {  	[tilespmem:v7+s15+$0x0] =	vst.idx.add.f32.msk $0xffff, v5;
	v3 =	vand.u32 $0xFFFF0000, v3;
	v2 =	vmul.f32 v2, v14  }
.Ltmp11:
0x3c2: {  	[tilespmem:v7+s16+$0x0] =	vst.idx.add.f32.msk $0xffff, v6;
	v3 =	vmul.f32 v3, v14;
	v63 =	vshll.u32 v4, $0x10;
	(pc) =	sbr.rel @p0 .LBB2_18-.Ltmp11, $4  }
0x3c3: {  	v4 =	vand.u32 $0xFFFF0000, v4;
	v5 =	vmul.f32 v63, v15;
	[tilespmem:v12+s15+$0x0] =	vst.idx.add.f32.msk $0xffff, v2  }
0x3c4: {  	v2 =	vmul.f32 v4, v15;
	[tilespmem:v12+s16+$0x0] =	vst.idx.add.f32.msk $0xffff, v3  }
0x3c5: {  	[tilespmem:v19+s15+$0x0] =	vst.idx.add.f32.msk $0xffff, v5  }
0x3c6: {  	[tilespmem:v19+s16+$0x0] =	vst.idx.add.f32.msk $0xffff, v2  }
0x3c7: {  	s1 =	sadd.s32 $0x3, s21  }
0x3c8: {  	s4 =	sadd.s32 s6, s1  }
.Ltmp12:
0x3c9: {  	s1 =	sshll.u32 s1, $0x9;
	s4 =	sshll.u32 s4, $0x7;
	(pc) =	sbr.rel .LBB2_12-.Ltmp12, $4  }
0x3ca: {  	s1 =	sand.u32 $0x3FFFFE00, s1;
	s4 =	sadd.s32 s5, s4  }
0x3cb: {  	[tilespmem:s29], [sflag:$0x3] =	stream.linear.gather [hbm4b:s4+s3], $0x400, $0x38;
	[tilespmem:$0x1FBC0] =	vst v63  }
0x3cc: {  	s24 =	simm.s32 $0x1E400;
	s20 =	sadd.s32 $0x1, s20;
	s1 =	sadd.s32 s1, s2  }
0x3cd: {  	[tilespmem:s24], [sflag:$0x4] =	stream.linear.gather [spmem:s1], $0x200, $0x38;
	[tilespmem:$0x1FBC0] =	vst v63  }
.LBB2_19:
0x3ce: {  	_ =	sfence.sel $0x180000  }
0x3cf: {  	[bflag:$0x0] =	sbarrier.arrive $0xFFFF  }
0x3d0: {  	_ =	strace $0x9000004A  }
0x3d1: {  	[bflag:$0x2] =	sbarrier.arrive $0xFFFF  }
0x3d2: {  	p0 =	sne.s32 s19, $0x0;
	s0 =	rddreg [dreg:$0x3]  }
0x3d3: {  	s0 =	sadd.s32 @!p0 $0x100000, s0  }
0x3d4: {  	[sflag:s0] =	ssyncadd.tile.s32 @!p0 $0x1;
	_ =	shalt  }
.Lfunc_end2:
_tile_overlayer_lowered:
.L_overlay_start_2:
0x3d5: {  	(tag) =	ssettag $0x2  }
0x3d6: {  	s0 =	rddreg [dreg:$0x0];
	s2 =	stileid.u32  }
0x3d7: {  	s1 =	rddreg [dreg:$0x1];
	p0 =	sne.s32 s2, $0x0  }
0x3d8: {  	s3 =	rddreg [dreg:$0x2];
	[bflag:$0x3] =	sbarrier.arrive $0xFFFF;
	s2 =	simm.s32 @!p0 $0x1C05  }
0x3d9: {  	[timem:s3], [sflag:s2] =	dma.local @!p0 [hbm:s0], s1  }
0x3da: {  	s0 =	simm.s32 @!p0 $0x5  }
0x3db: {  	_ =	swait.ge @!p0 [sflag:s0], s1  }
0x3dc: {  	s1 =	ssub.s32 @!p0 $0x0, s1;
	[sflag:s0] =	ssyncset.done @!p0 $0x0  }
0x3dd: {  	[sflag:s0] =	ssyncadd.s32 @!p0 s1  }
0x3de: {  	[bflag:$0x3] =	sbarrier.arrive $0xFFFF  }
0x3df: {  	_ =	shalt  }

// kernel: kernel.7.cloned.1.call-start
scs
__scs_entry_jumppad:
0x0: {  	(pc) =	sbr.rel $0x88, $3  }
0x1: {  	(tag) =	ssettag $0x0;
	lr =	simm.s32 $0x1  }
0x2: {  	[smem:$0x3F95] =	sst lr;
	_ =	strace $0xD0000000  }
0x3: {  	_ = 	snop  }
0x4: {  	_ = 	snop  }
0x5: {  	_ = 	snop  }
0x6: {  	_ = 	snop  }
0x7: {  	_ = 	snop  }
__scs_overlays_trampoline_lowered:
0x8: {  	[smem:$0x3FA4] =	sst s0  }
0x9: {  	[smem:$0x3FA5] =	sst s1  }
0xa: {  	[smem:$0x3FA6] =	sst s2  }
0xb: {  	[smem:$0x3FA7] =	sst s3  }
0xc: {  	[smem:$0x3FA8] =	sst s4  }
0xd: {  	[smem:$0x3FA9] =	sst s5  }
0xe: {  	[smem:$0x3FAA] =	sst s6  }
0xf: {  	[smem:$0x3FAB] =	sst s7  }
0x10: {  	[smem:$0x3FAC] =	sst s8  }
0x11: {  	[smem:$0x3FAD] =	sst s9;
	s0 =	simm.s32 @!p0 $0x0  }
0x12: {  	s1 =	sld [smem:$0x3F93];
	s0 =	simm.s32 @p0 $0x1  }
0x13: {  	[smem:$0x3FAE] =	sst s0;
	s0 =	simm.s32 @!p1 $0x0  }
0x14: {  	s2 =	sld [smem:$0x3F92];
	s0 =	simm.s32 @p1 $0x1  }
0x15: {  	[smem:$0x3FAF] =	sst s0;
	s0 =	simm.s32 @!p2 $0x0  }
0x16: {  	s3 =	sld [smem:$0x3FDB];
	s0 =	simm.s32 @p2 $0x1  }
0x17: {  	s4 =	simm.s32 $0x1BF5;
	[smem:$0x3FB1] =	sst s0  }
0x18: {  	s0 =	sld [smem:$0x3F94];
	_ =	swait.ge [sflag:s4], $0x0  }
0x19: {  	s7 =	sld [smem:$0x3F95]  }
0x1a: {  	s8 =	sadd.s32 $0xFFFFE003, lr  }
0x1b: {  	s9 =	sadd.s32 $0xFFFFFEF7, lr;
	s5 =	simm.s32 $0xFFFFFFFF;
	p2 =	slt.u32 s8, $0xFFFFF086  }
0x1c: {  	p1 =	slt.u32 s9, $0xF7A;
	s5 =	simm.s32 @!p2 $0x0  }
0x1d: {  	s5 =	simm.s32 @p1 $0x1;
	p0 =	seq.s32 s7, s2  }
0x1e: {  	s7 =	smul.u32 @!p0 $0xF7A, s2;
	p2 =	seq.s32 @!p0 s5, $0x0  }
0x1f: {  	s9 =	smul.u32 $0xF7A, s1;
	s8 =	simm.s32 @!p0 $0x1BF5;
	p2 =	por !p2, p0  }
0x20: {  	[sflag:s8] =	ssyncset.s32 @!p0 $0xFFFFF086;
	s6 =	sadd.s32 @!p0 s3, s7;
	s7 =	simm.s32 @!p0 $0x108  }
0x21: {  	s3 =	sadd.s32 s3, s9;
	s6 =	sadd.s32 @!p0 $0x88, s6;
	s7 =	simm.s32 @p2 $0x1082  }
0x22: {  	[simem:s7], [sflag:s8] =	dma.local @!p0 [hbm:s6], $0xF7A  }
0x23: {  	s9 =	sor.u32 $0xD0000000, s2;
	s6 =	simm.s32 $0x108;
	_ =	swait.ge @!p0 [sflag:s8], $0x0  }
0x24: {  	s3 =	sadd.s32 $0x88, s3;
	s6 =	simm.s32 @!p1 $0x1082;
	[sflag:s4] =	ssyncset.s32 $0xFFFFF086  }
0x25: {  	[simem:s6], [sflag:s4] =	dma.local [hbm:s3], $0xF7A  }
0x26: {  	[smem:$0x3F95] =	sst s1;
	(tag) =	ssettag s2;
	_ =	strace s9  }
0x27: {  	s1 =	sld [smem:$0x3FA5]  }
0x28: {  	s2 =	sld [smem:$0x3FA6]  }
0x29: {  	s4 =	sld [smem:$0x3FA8]  }
0x2a: {  	p0 =	seq.s32 s5, $0x0;
	s5 =	sld [smem:$0x3FA9]  }
0x2b: {  	s6 =	sld [smem:$0x3FAA]  }
0x2c: {  	s7 =	sld [smem:$0x3FAB]  }
0x2d: {  	s3 =	simm.s32 $0x108;
	s8 =	sld [smem:$0x3FAC]  }
0x2e: {  	s3 =	simm.s32 @!p0 $0x1082;
	s9 =	sld [smem:$0x3FAD]  }
0x2f: {  	lr =	sadd.s32 s0, s3;
	s0 =	sld [smem:$0x3FA4]  }
0x30: {  	s3 =	sld [smem:$0x3FA7]  }
0x31: {  	[smem:$0x3FB0] =	sst s10  }
0x32: {  	s10 =	sld [smem:$0x3FAE];
	_ =	sdelay $0x3  }
0x33: {  	p0 =	seq.s32 s10, $0x1;
	s10 =	sld [smem:$0x3FB0];
	_ =	sdelay $0x3  }
0x34: {  	[smem:$0x3FB0] =	sst s10  }
0x35: {  	s10 =	sld [smem:$0x3FAF];
	_ =	sdelay $0x3  }
0x36: {  	p1 =	seq.s32 s10, $0x1;
	s10 =	sld [smem:$0x3FB0];
	_ =	sdelay $0x3  }
0x37: {  	[smem:$0x3FB0] =	sst s10  }
0x38: {  	s10 =	sld [smem:$0x3FB1]  }
0x39: {  	_ = 	snop;
	(pc) =	sbr.ind lr, $3  }
0x3a: {  	_ = 	snop  }
0x3b: {  	_ = 	snop  }
0x3c: {  	p2 =	seq.s32 s10, $0x1;
	s10 =	sld [smem:$0x3FB0]  }
0x3d: {  	_ =	shalt  }
0x3e: {  	_ =	shalt  }
0x3f: {  	_ =	shalt  }
0x40: {  	_ =	shalt  }
0x41: {  	_ =	shalt  }
0x42: {  	_ =	shalt  }
0x43: {  	_ =	shalt  }
0x44: {  	_ =	shalt  }
0x45: {  	_ =	shalt  }
0x46: {  	_ =	shalt  }
0x47: {  	_ =	shalt  }
0x48: {  	_ =	shalt  }
0x49: {  	_ =	shalt  }
0x4a: {  	_ =	shalt  }
0x4b: {  	_ =	shalt  }
0x4c: {  	_ =	shalt  }
0x4d: {  	_ =	shalt  }
0x4e: {  	_ =	shalt  }
0x4f: {  	_ =	shalt  }
0x50: {  	_ =	shalt  }
0x51: {  	_ =	shalt  }
0x52: {  	_ =	shalt  }
0x53: {  	_ =	shalt  }
0x54: {  	_ =	shalt  }
0x55: {  	_ =	shalt  }
0x56: {  	_ =	shalt  }
0x57: {  	_ =	shalt  }
0x58: {  	_ =	shalt  }
0x59: {  	_ =	shalt  }
0x5a: {  	_ =	shalt  }
0x5b: {  	_ =	shalt  }
0x5c: {  	_ =	shalt  }
0x5d: {  	_ =	shalt  }
0x5e: {  	_ =	shalt  }
0x5f: {  	_ =	shalt  }
0x60: {  	_ =	shalt  }
0x61: {  	_ =	shalt  }
0x62: {  	_ =	shalt  }
0x63: {  	_ =	shalt  }
0x64: {  	_ =	shalt  }
0x65: {  	_ =	shalt  }
0x66: {  	_ =	shalt  }
0x67: {  	_ =	shalt  }
0x68: {  	_ =	shalt  }
0x69: {  	_ =	shalt  }
0x6a: {  	_ =	shalt  }
0x6b: {  	_ =	shalt  }
0x6c: {  	_ =	shalt  }
0x6d: {  	_ =	shalt  }
0x6e: {  	_ =	shalt  }
0x6f: {  	_ =	shalt  }
0x70: {  	_ =	shalt  }
0x71: {  	_ =	shalt  }
0x72: {  	_ =	shalt  }
0x73: {  	_ =	shalt  }
0x74: {  	_ =	shalt  }
0x75: {  	_ =	shalt  }
0x76: {  	_ =	shalt  }
0x77: {  	_ =	shalt  }
0x78: {  	_ =	shalt  }
0x79: {  	_ =	shalt  }
0x7a: {  	_ =	shalt  }
0x7b: {  	_ =	shalt  }
0x7c: {  	_ =	shalt  }
0x7d: {  	_ =	shalt  }
0x7e: {  	_ =	shalt  }
0x7f: {  	_ =	shalt  }
0x80: {  	_ =	shalt  }
0x81: {  	_ =	shalt  }
0x82: {  	_ =	shalt  }
0x83: {  	_ =	shalt  }
0x84: {  	_ =	shalt  }
0x85: {  	_ =	shalt  }
0x86: {  	_ =	shalt  }
0x87: {  	_ =	shalt  }
.Lfunc_end0:
.L_simem_size_0:
called_computation_lowered:
.L_overlay_start_0:
0x88: {  	s2 =	sld [smem:$0x3FD9]  }
0x89: {  	s3 =	sld [smem:$0x3FFE];
	_ =	sdelay $0x1  }
0x8a: {  	s1 =	srdreg.scid  }
0x8b: {  	s0 =	sand.u32 $0x1, s1  }
0x8c: {  	s17 =	sshll.u32 s0, $0xA;
	s2 =	sadd.s32 s3, s2  }
0x8d: {  	s2 =	sadd.s32 s2, s17  }
0x8e: {  	[smem:$0x3FBC] =	sst s2  }
0x8f: {  	_ = 	snop  }
0x90: {  	s2 =	sld [smem:$0x3FD0];
	(tm) =	ssettm $0x1  }
0x91: {  	s18 =	sld [smem:$0x3FFB];
	_ =	sdelay $0x3  }
0x92: {  	_ =	strace s18  }
0x93: {  	s3 =	sld [smem:$0x3FFC];
	_ =	sdelay $0x3  }
0x94: {  	_ =	strace s3  }
0x95: {  	s3 =	sld [smem:$0x3FFD];
	_ =	sdelay $0x3  }
0x96: {  	_ =	strace s3  }
0x97: {  	_ =	strace $0x8FFFFFFF  }
0x98: {  	s19 =	sld [smem:$0x3FDB];
	_ =	sdelay $0x1  }
0x99: {  	s4 =	simm.s32 $_scs_section_size  }
0x9a: {  	s5 =	simm.s32 $_size__tile_overlayer_lowered;
	s6 =	simm.s32 $_tile_overlayer_lowered  }
0x9b: {  	s22 =	simm.s32 $0x1BFF;
	s21 =	sshll.u32 s6, $0x1;
	s3 =	sadd.s32 s4, s19  }
0x9c: {  	s7 =	simm.s32 $0x0;
	s20 =	sshll.u32 s5, $0x1;
	s5 =	sadd.s32 s21, s3  }
0x9d: {  	[timem:s7], [sflag:s22] =	dma.local [hbm:s5], s20  }
0x9e: {  	_ =	swait.ge [sflag:s22], s20  }
0x9f: {  	s4 =	ssub.s32 $0x0, s20;
	[sflag:s22] =	ssyncset.done $0x0  }
0xa0: {  	[sflag:s22] =	ssyncadd.s32 s4;
	_ =	sdelay $0x1  }
0xa1: {  	s23 =	simm.s32 $0x1B8B  }
0xa2: {  	_ =	swait.ge [sflag:s23], $0x1  }
0xa3: {  	[sflag:s23] =	ssyncset.done $0x0  }
0xa4: {  	s25 =	simm.s32 $0x1B8E;
	s24 =	sld [smem:$0x3FFE];
	[sflag:s23] =	ssyncadd.s32 $0xFFFFFFFF  }
0xa5: {  	s26 =	simm.s32 $execute0_lowered;
	[smem:$0x3FD2] =	sst s25  }
0xa6: {  	s5 =	sshll.u32 s26, $0x1;
	_ =	strace $0x80000046;
	[dreg:$0x1] =	wrdreg $0xFFFFFFFF  }
0xa7: {  	s28 =	simm.s32 $_size_execute0_lowered;
	s3 =	sadd.s32 s3, s5;
	[dreg:$0x0] =	wrdreg $0x0  }
0xa8: {  	s5 =	sshll.u32 s28, $0x1;
	[dreg:$0x2] =	wrdreg s3  }
0xa9: {  	[dreg:$0x3] =	wrdreg s5  }
0xaa: {  	[dreg:$0x4] =	wrdreg $0xC0  }
0xab: {  	_ =	task [dreg:s7], $0x5FFFF  }
0xac: {  	[dreg:$0x1] =	wrdreg $0xFFFFFFFF  }
0xad: {  	[dreg:$0x0] =	wrdreg $0x60  }
0xae: {  	[dreg:$0x2] =	wrdreg s2  }
0xaf: {  	[dreg:$0x3] =	wrdreg s24  }
0xb0: {  	[dreg:$0x4] =	wrdreg $0x1E8000  }
0xb1: {  	[dreg:$0x5] =	wrdreg $0x9  }
0xb2: {  	_ =	task.clear_ibuf [dreg:s7], $0x6FFFF;
	_ =	strace $0x90000046  }
0xb3: {  	s29 =	simm.s32 $0x9;
	_ =	strace $0x80000048  }
0xb4: {  	_ =	swait.ge [sflag:s29], $0x1  }
0xb5: {  	[sflag:s29] =	ssyncadd.s32 $0xFFFFFFFF  }
0xb6: {  	_ =	strace $0x90000048  }
0xb7: {  	_ =	sfence  }
0xb8: {  	s30 =	sld [smem:$0x0];
	_ =	sdelay $0x2  }
0xb9: {  	s31 =	sshll.u32 s1, $0xD;
	s1 =	sshrl.u32 s1, $0x2  }
0xba: {  	s3 =	sand.u32 $0x4000, s31;
	s1 =	sadd.s32 s1, s30  }
0xbb: {  	s0 =	sor.u32 s3, s0;
	s1 =	sshll.u32 s1, $0x11  }
0xbc: {  	s0 =	sor.u32 s1, s0  }
0xbd: {  	s0 =	sadd.s32 $0x8F2B, s0  }
0xbe: {  	[sflag:s0] =	ssyncadd.remote.s32 $0x1  }
0xbf: {  	_ =	sfence.sel $0xFFFF  }
0xc0: {  	[dreg:$0x0] =	wrdreg $0xFFFFFFFF;
	(pc) =	sbr.abs _section_cstart, $3  }
0xc1: {  	[dreg:$0x1] =	wrdreg $0xFFFFFFFF  }
0xc2: {  	_ =	task.clear_ibuf [dreg:s7], $0x2FFFF;
	_ =	strace $0x9FFFFFFF  }
0xc3: {  	(tm) =	ssettm $0x7FFFFFFF  }
tec
execute0_lowered:
.L_overlay_start_1:
0x0: {  	(tag) =	ssettag $0x1  }
0x1: {  	s0 =	rddreg [dreg:$0x0]  }
0x2: {  	s1 =	srdreg.scid;
	s4 =	rddreg [dreg:$0x1]  }
0x3: {  	s2 =	rddreg [dreg:$0x2];
	s19 =	stileid.u32;
	s3 =	simm.s32 $0x0  }
0x4: {  	s28 =	simm.s32 $0x9E00;
	s30 =	simm.s32 $0x2780;
	s31 =	simm.s32 $0x4F00  }
0x5: {  	s29 =	simm.s32 $0x1DE00;
	s1 =	sand.u32 $0x1, s1;
	[smem:$0x7FF] =	sst s3  }
0x6: {  	s17 =	sadd.s32 $0x1C00, s4;
	s7 =	sadd.s32 $0xC000, s4;
	s10 =	sshll.u32 s19, $0x2  }
0x7: {  	s18 =	smul.u32 $0x1388, s19;
	s13 =	sshllo.u32 s19, $0x2;
	s5 =	sshll.u32 s1, $0x4  }
0x8: {  	_ =	strace $0x80000047;
	[dreg:$0x4] =	wrdreg s17;
	s22 =	smul.u32 $0x4E2, s13  }
0x9: {  	s8 =	ssub.s32 $0x2, s1;
	s11 =	sor.u32 $0x1, s10;
	s15 =	smul.u32 $0x4F00, s1  }
0xa: {  	s12 =	sor.u32 $0x2, s10;
	s14 =	sshll.u32 s1, $0x7;
	s20 =	smul.u32 $0x4E2, s11  }
0xb: {  	s5 =	sor.u32 s19, s5;
	s9 =	sshrl.u32 s8, $0x1;
	s21 =	smul.u32 $0x4E2, s12  }
0xc: {  	s16 =	sor.u32 s10, s14;
	s17 =	sor.u32 $0x40, s14;
	s25 =	sor.u32 s14, s11  }
0xd: {  	s6 =	smul.u32 $0x4E2, s5;
	s5 =	sadd.s32 $0x2200, s4;
	s8 =	ssub.s32 s8, s9  }
0xe: {  	s9 =	sadd.s32 s0, s18;
	s23 =	smul.u32 $0x4E2, s16;
	s10 =	sor.u32 s10, s17  }
0xf: {  	s26 =	sor.u32 s11, s17;
	s16 =	sor.u32 s14, s12;
	s24 =	smul.u32 $0x4E2, s10  }
0x10: {  	s12 =	sor.u32 s12, s17;
	s14 =	sor.u32 s14, s13;
	s10 =	smul.u32 $0x4E2, s26  }
0x11: {  	s13 =	sor.u32 s13, s17;
	s17 =	sadd.s32 $0x200, s2;
	s11 =	smul.u32 $0x4E2, s16  }
0x12: {  	[dreg:$0x6] =	wrdreg s9;
	s9 =	sadd.s32 s0, s21;
	s12 =	smul.u32 $0x4E2, s12  }
0x13: {  	s15 =	sadd.s32 s5, s15;
	[dreg:$0xc] =	wrdreg s17;
	s18 =	smul.u32 $0x4E2, s14  }
0x14: {  	s21 =	smul.u32 $0x4E2, s13;
	s26 =	smax.u32 s8, $0x1;
	s8 =	simm.s32 $0x2  }
0x15: {  	s13 =	simm.s32 $0xED00;
	s14 =	simm.s32 $0x18B00;
	[dreg:$0x8] =	wrdreg s9  }
0x16: {  	s16 =	simm.s32 $0x1B280;
	s17 =	simm.s32 $0x3;
	[dreg:$0xa] =	wrdreg s15  }
0x17: {  	s4 =	sadd.s32 s6, s4;
	s15 =	sadd.s32 $0x80, s15;
	[dreg:$0x15] =	wrdreg s26  }
0x18: {  	s6 =	smul.u32 $0x9E, s1;
	s9 =	sadd.s32 s7, s23;
	[dreg:$0xb] =	wrdreg s15  }
0x19: {  	s1 =	smul.u32 $0x27800, s1;
	s4 =	sadd.s32 $0x5A200, s4;
	[dreg:$0xd] =	wrdreg s9  }
0x1a: {  	s26 =	simm.s32 $0x1;
	s23 =	sadd.s32 s7, s12;
	[dreg:$0x5] =	wrdreg s4  }
0x1b: {  	s9 =	simm.s32 $0x13C00;
	s4 =	sadd.s32 s0, s20;
	[dreg:$0x12] =	wrdreg s23  }
0x1c: {  	s15 =	simm.s32 $0x11480;
	s0 =	sadd.s32 s0, s22;
	[dreg:$0x7] =	wrdreg s4  }
0x1d: {  	s20 =	sadd.s32 s7, s10;
	s22 =	sadd.s32 s7, s11;
	[dreg:$0x9] =	wrdreg s0  }
0x1e: {  	s10 =	simm.s32 $0xC580;
	s11 =	simm.s32 $0x16380;
	[dreg:$0x10] =	wrdreg s20  }
0x1f: {  	s4 =	smul.u32 $0x4E2, s25;
	s0 =	sadd.s32 s7, s24;
	[dreg:$0x11] =	wrdreg s22  }
.Ltmp0:
0x20: {  	s24 =	sadd.s32 s7, s21;
	[dreg:$0xe] =	wrdreg s0;
	(pc) =	sbr.rel .LBB2_1-.Ltmp0, $4  }
0x21: {  	v0 =	vlaneseq.u32;
	s25 =	sshll.u32 s19, $0xA;
	s0 =	sadd.s32 s7, s18;
	[dreg:$0x14] =	wrdreg s24  }
0x22: {  	v1 =	vmul.u32 $0xFFFFFFFF, v0;
	s18 =	simm.s32 $0x4;
	s4 =	sadd.s32 s7, s4;
	[dreg:$0x13] =	wrdreg s0  }
0x23: {  	s0 =	sadd.s32 s25, s1;
	s25 =	simm.s32 $0x5;
	[dreg:$0xf] =	wrdreg s4  }
0x24: {  	v0 =	vimm.f32 $0.0e+00;
	v1 =	vadd.s32 $0x4E000, v1;
	[dreg:$0x16] =	wrdreg s0;
	s0 =	simm.s32 $0x7680;
	s4 =	simm.s32 $0x0  }
.LBB2_18:
0x25: {  	s1 =	rddreg [dreg:$0xd]  }
0x26: {  	[hbm4b:s1+s3] =	stream.linear.scatter [tilespmem:s28], [sflag:$0x5], $0x2710, $0x38;
	[tilespmem:$0x1FBC0] =	vst v63  }
0x27: {  	_ =	swait.ge [sflag:s25], $0x2710  }
0x28: {  	[sflag:s25] =	ssyncset.done $0x0  }
0x29: {  	s4 =	rddreg [dreg:$0xe];
	[sflag:s25] =	ssyncadd.s32 $0xFFFFD8F0  }
0x2a: {  	[hbm4b:s4+s3] =	stream.linear.scatter [tilespmem:s9], [sflag:$0x5], $0x2710, $0x38;
	[tilespmem:$0x1FBC0] =	vst v63  }
0x2b: {  	_ =	swait.ge [sflag:s25], $0x2710  }
0x2c: {  	[sflag:s25] =	ssyncset.done $0x0  }
0x2d: {  	s7 =	rddreg [dreg:$0xf];
	[sflag:s25] =	ssyncadd.s32 $0xFFFFD8F0  }
0x2e: {  	[hbm4b:s7+s3] =	stream.linear.scatter [tilespmem:s10], [sflag:$0x5], $0x2710, $0x38;
	[tilespmem:$0x1FBC0] =	vst v63  }
0x2f: {  	_ =	swait.ge [sflag:s25], $0x2710  }
0x30: {  	[sflag:s25] =	ssyncset.done $0x0  }
0x31: {  	s12 =	rddreg [dreg:$0x10];
	[sflag:s25] =	ssyncadd.s32 $0xFFFFD8F0  }
0x32: {  	[hbm4b:s12+s3] =	stream.linear.scatter [tilespmem:s11], [sflag:$0x5], $0x2710, $0x38;
	[tilespmem:$0x1FBC0] =	vst v63  }
0x33: {  	_ =	swait.ge [sflag:s25], $0x2710  }
0x34: {  	[sflag:s25] =	ssyncset.done $0x0  }
0x35: {  	s20 =	rddreg [dreg:$0x11];
	[sflag:s25] =	ssyncadd.s32 $0xFFFFD8F0  }
0x36: {  	[hbm4b:s20+s3] =	stream.linear.scatter [tilespmem:s13], [sflag:$0x5], $0x2710, $0x38;
	[tilespmem:$0x1FBC0] =	vst v63  }
0x37: {  	_ =	swait.ge [sflag:s25], $0x2710  }
0x38: {  	[sflag:s25] =	ssyncset.done $0x0  }
0x39: {  	s21 =	rddreg [dreg:$0x12];
	[sflag:s25] =	ssyncadd.s32 $0xFFFFD8F0  }
0x3a: {  	[hbm4b:s21+s3] =	stream.linear.scatter [tilespmem:s14], [sflag:$0x5], $0x2710, $0x38;
	[tilespmem:$0x1FBC0] =	vst v63  }
0x3b: {  	_ =	swait.ge [sflag:s25], $0x2710  }
0x3c: {  	[sflag:s25] =	ssyncset.done $0x0  }
0x3d: {  	s22 =	rddreg [dreg:$0x13];
	[sflag:s25] =	ssyncadd.s32 $0xFFFFD8F0  }
0x3e: {  	[hbm4b:s22+s3] =	stream.linear.scatter [tilespmem:s15], [sflag:$0x5], $0x2710, $0x38;
	[tilespmem:$0x1FBC0] =	vst v63  }
0x3f: {  	_ =	swait.ge [sflag:s25], $0x2710  }
0x40: {  	[sflag:s25] =	ssyncset.done $0x0  }
0x41: {  	s23 =	rddreg [dreg:$0x14];
	[sflag:s25] =	ssyncadd.s32 $0xFFFFD8F0  }
0x42: {  	[hbm4b:s23+s3] =	stream.linear.scatter [tilespmem:s16], [sflag:$0x5], $0x2710, $0x38;
	[tilespmem:$0x1FBC0] =	vst v63  }
0x43: {  	_ =	swait.ge [sflag:s25], $0x2710  }
0x44: {  	s4 =	rddreg [dreg:$0x17]  }
0x45: {  	s24 =	rddreg [dreg:$0x15];
	s4 =	sadd.s32 $0x1, s4  }
0x46: {  	p0 =	sne.s32 s4, s24  }
.Ltmp1:
0x47: {  	_ = 	snop;
	(pc) =	sbr.rel @!p0 .LBB2_19-.Ltmp1, $3  }
0x48: {  	_ =	sdelay $0x1  }
0x49: {  	[sflag:s25] =	ssyncset.done $0x0  }
0x4a: {  	[sflag:s25] =	ssyncadd.s32 $0xFFFFD8F0  }
.LBB2_1:
0x4b: {  	[dreg:$0x17] =	wrdreg s4  }
0x4c: {  	s1 =	rddreg [dreg:$0x4]  }
0x4d: {  	[tilespmem:s3], [sflag:$0x5] =	stream.linear.gather [hbm4b:s1+s3], $0x2780, $0x38;
	[tilespmem:$0x1FBC0] =	vst v63  }
0x4e: {  	_ =	swait.ge [sflag:s25], $0x2780  }
0x4f: {  	[sflag:s25] =	ssyncset.done $0x0  }
0x50: {  	s1 =	simm.s32 $0x0;
	[sflag:s25] =	ssyncadd.s32 $0xFFFFD880  }
.LBB2_2:
0x51: {  	p0 =	sne.s32 s1, $0x9C00  }
.Ltmp2:
0x52: {  	_ = 	snop;
	(pc) =	sbr.rel @p0 .LBB2_2-.Ltmp2, $3  }
0x53: {  	_ =	sdelay $0x1  }
0x54: {  	s4 =	sshra.s32 s1, $0x2  }
0x55: {  	s1 =	sadd.s32 $0x40, s1;
	[tilespmem:s4+$0x9E00] =	vst v0  }
.Ltmp3:
0x56: {  	(pc) =	sbr.rel .LBB2_4-.Ltmp3, $2  }
0x57: {  	_ =	sdelay $0x2  }
0x58: {  	s20 =	simm.s32 $0x0;
	s21 =	rddreg [dreg:$0x16]  }
.LBB2_8:
0x59: {  	s20 =	sadd.s32 $0x1, s20  }
0x5a: {  	p0 =	sne.s32 s20, $0xA  }
.Ltmp4:
0x5b: {  	_ = 	snop;
	(pc) =	sbr.rel @!p0 .LBB2_9-.Ltmp4, $2  }
0x5c: {  	_ =	sdelay $0x2  }
0x5d: {  	s21 =	sadd.s32 $0x4000, s21  }
.LBB2_4:
0x5e: {  	s1 =	sshll.u32 s20, $0x4  }
0x5f: {  	s22 =	sor.u32 s19, s1  }
0x60: {  	p0 =	sgt.u32 s22, $0x9D  }
.Ltmp5:
0x61: {  	_ = 	snop;
	(pc) =	sbr.rel @p0 .LBB2_8-.Ltmp5, $1  }
0x62: {  	_ =	sdelay $0x3  }
0x63: {  	s1 =	sadd.s32 s6, s22  }
0x64: {  	s1 =	sshll.u32 s1, $0x7  }
0x65: {  	s4 =	simm.s32 $0x1DA00;
	s1 =	sadd.s32 s5, s1  }
0x66: {  	[tilespmem:s4], [sflag:$0x1] =	stream.linear.gather [hbm4b:s1+s3], $0x400, $0x38;
	[tilespmem:$0x1FBC0] =	vst v63  }
0x67: {  	_ =	swait.ge [sflag:s26], $0x400  }
0x68: {  	s12 =	simm.s32 $0x0;
	[sflag:s26] =	ssyncset.done $0x0  }
0x69: {  	s1 =	sand.u32 $0x1C0, s12;
	[sflag:s26] =	ssyncadd.s32 $0xFFFFFC00  }
0x6a: {  	v2 =	vld [tilespmem:s1+$0x1DC00];
	_ =	sdelay $0x1  }
0x6b: {  	v3 =	vld [tilespmem:s4+$0x0];
	_ =	sdelay $0x1  }
0x6c: {  	v5 =	vld [tilespmem:s4+$0x10]  }
0x6d: {  	v4 =	vand.u32 $0x3FFF, v2  }
0x6e: {  	v6 =	vld [tilespmem:s4+$0x210];
	v2 =	vshrl.u32 v2, $0xE  }
0x6f: {  	v8 =	vld [tilespmem:s4+$0x20];
	v7 =	vand.u32 $0x3FFF, v3  }
0x70: {  	v9 =	vld [tilespmem:s4+$0x220];
	v3 =	vshrl.u32 v3, $0xE  }
0x71: {  	v11 =	vld [tilespmem:s4+$0x30];
	v10 =	vand.u32 $0x3FFF, v5  }
0x72: {  	v12 =	vshrl.u32 v5, $0xE;
	v4 =	vld.idx.msk [tilespmem:v4+s3+$0x0], $0xffff  }
0x73: {  	v5 =	vld.idx.msk [tilespmem:v2+s3+$0x0], $0xffff  }
0x74: {  	v7 =	vld.idx.msk [tilespmem:v7+s3+$0x0], $0xffff  }
0x75: {  	v15 =	vand.u32 $0x3FFF, v6;
	v13 =	vshrl.u32 v6, $0xE;
	v6 =	vld.idx.msk [tilespmem:v3+s3+$0x0], $0xffff  }
0x76: {  	v16 =	vand.u32 $0x3FFF, v8;
	v14 =	vshrl.u32 v8, $0xE;
	v8 =	vld.idx.msk [tilespmem:v10+s3+$0x0], $0xffff  }
0x77: {  	v18 =	vld.idx.msk [tilespmem:v12+s3+$0x0], $0xffff;
	_ =	sdelay $0x1  }
0x78: {  	v17 =	vld [tilespmem:s4+$0x230];
	v19 =	vand.u32 $0x3FFF, v11;
	v11 =	vshrl.u32 v11, $0xE  }
0x79: {  	v10 =	vshrl.u32 v9, $0xE;
	v9 =	vand.u32 $0x3FFF, v9;
	v20 =	vld.idx.msk [tilespmem:v15+s3+$0x0], $0xffff;
	v4 =	vshll.u32 v4, $0x10  }
0x7a: {  	v21 =	vld.idx.msk [tilespmem:v13+s3+$0x0], $0xffff;
	v5 =	vand.u32 $0xFFFF0000, v5;
	v7 =	vshll.u32 v7, $0x10;
	v6 =	vand.u32 $0xFFFF0000, v6  }
0x7b: {  	v8 =	vshll.u32 v8, $0x10;
	v18 =	vand.u32 $0xFFFF0000, v18;
	v4 =	vadd.f32 v5, v4;
	v5 =	vld.idx.msk [tilespmem:v16+s3+$0x0], $0xffff  }
0x7c: {  	v6 =	vadd.f32 v6, v7;
	v7 =	vld.idx.msk [tilespmem:v14+s3+$0x0], $0xffff;
	v8 =	vadd.f32 v18, v8  }
0x7d: {  	v15 =	vshrl.u32 v17, $0xE;
	v19 =	vld.idx.msk [tilespmem:v19+s3+$0x0], $0xffff;
	v22 =	vmul.f32 $2.000000030e-01, v4  }
0x7e: {  	v16 =	vand.u32 $0x3FFF, v17;
	v17 =	vld.idx.msk [tilespmem:v10+s3+$0x0], $0xffff;
	v23 =	vmul.f32 $2.000000030e-01, v6;
	v47 =	vmul.f32 $2.000000030e-01, v8  }
0x7f: {  	v9 =	vld.idx.msk [tilespmem:v9+s3+$0x0], $0xffff;
	v18 =	vshll.u32 v20, $0x10;
	v20 =	vand.u32 $0xFFFF0000, v21;
	v4 =	vmax.f32 v4, v22  }
0x80: {  	v46 =	vld.idx.msk [tilespmem:v11+s3+$0x0], $0xffff;
	v6 =	vmax.f32 v6, v23;
	v8 =	vmax.f32 v8, v47;
	v4 =	vmul.f32 $1.442695020e+00, v4  }
0x81: {  	s12 =	simm.s32 $0x1DA40;
	v6 =	vmul.f32 $1.442695020e+00, v6;
	v5 =	vshll.u32 v5, $0x10;
	v7 =	vand.u32 $0xFFFF0000, v7  }
0x82: {  	v48 =	vld [tilespmem:s12+$0x220];
	v5 =	vadd.f32 v7, v5;
	(erf) = vpow2.f32 v4;
	v4 =	vadd.f32 v20, v18  }
0x83: {  	v16 =	vld.idx.msk [tilespmem:v16+s3+$0x0], $0xffff;
	v17 =	vand.u32 $0xFFFF0000, v17;
	v8 =	vmul.f32 $1.442695020e+00, v8;
	(erf) = vpow2.f32 v6  }
0x84: {  	v7 =	vshll.u32 v9, $0x10;
	v6 =	vld.idx.msk [tilespmem:v15+s3+$0x0], $0xffff;
	v18 =	vmul.f32 $2.000000030e-01, v5;
	v9 =	vmul.f32 $2.000000030e-01, v4  }
0x85: {  	v7 =	vadd.f32 v17, v7;
	v17 =	vshll.u32 v19, $0x10;
	v19 =	vand.u32 $0xFFFF0000, v46  }
0x86: {  	v5 =	vmax.f32 v5, v18;
	v4 =	vmax.f32 v4, v9;
	v9 =	vadd.f32 v19, v17  }
0x87: {  	s1 =	sadd.s32 $0xFFFFFFC0, s21;
	v21 =	vand.u32 $0x3FFF, v48;
	v17 =	vmul.f32 $2.000000030e-01, v7;
	v5 =	vmul.f32 $1.442695020e+00, v5  }
0x88: {  	s19 =	sadd.s32 $0x40, s1;
	v16 =	vshll.u32 v16, $0x10;
	v4 =	vmul.f32 $1.442695020e+00, v4;
	v18 =	vmul.f32 $2.000000030e-01, v9  }
0x89: {  	v6 =	vand.u32 $0xFFFF0000, v6;
	v7 =	vmax.f32 v7, v17;
	v17 =	vmov s19  }
0x8a: {  	s24 =	simm.s32 $0x40;
	v6 =	vadd.f32 v6, v16;
	v7 =	vmul.f32 $1.442695020e+00, v7;
	vm0 =	vlt.u32 v17, $0x4E200  }
0x8b: {  	s23 =	sand.u32 $0x1C0, s24;
	vm1 =	vlt.u32 v17, v1;
	v9 =	vmax.f32 v9, v18;
	v16 =	vpop (erf);
	(erf) = vpow2.f32 v8  }
0x8c: {  	v17 =	vld [tilespmem:s23+$0x1DC00];
	v8 =	vmul.f32 $2.000000030e-01, v6;
	v18 =	vpop (erf);
	(erf) = vpow2.f32 v4;
	v16 =	vadd.s32 $0x8000, v16  }
0x8d: {  	v21 =	vld.idx.msk [tilespmem:v21+s3+$0x0], $0xffff;
	v9 =	vmul.f32 $1.442695020e+00, v9;
	v4 =	vadd.s32 $0x8000, v18;
	v16 =	vand.u32 $0xFFFF0000, v16  }
0x8e: {  	v6 =	vmax.f32 v6, v8;
	(erf) = vpow2.f32 v5;
	v4 =	vshrl.u32 v4, $0x10  }
0x8f: {  	s7 =	sadd.s32 $0x50, s1;
	v16 =	vnsel vm1, $0x0, v16;
	v5 =	vmul.f32 $1.442695020e+00, v6;
	v6 =	vld [tilespmem:s12+$0x0];
	(erf) = vpow2.f32 v7  }
0x90: {  	v7 =	vmov s7;
	v4 =	vnsel vm0, $0x0, v4;
	(erf) = vpow2.f32 v9;
	v9 =	vld [tilespmem:s12+$0x10]  }
0x91: {  	s23 =	simm.s32 $0x1E620;
	v8 =	vor.u32 v4, v16;
	(erf) = vpow2.f32 v5;
	v5 =	vand.u32 $0x3FFF, v17  }
0x92: {  	v21 =	vshll.u32 v21, $0x10;
	v19 =	vld [tilespmem:s12+$0x20];
	s19 =	sadd.s32 $0x60, s1;
	v4 =	vshll.u32 v4, $0x10;
	[tilespmem:s23+$0xFFFFFFE0] =	vst v8  }
0x93: {  	vm4 =	vlt.u32 v7, $0x4E200;
	v8 =	vmov s19;
	[tilespmem:v3+s28+$0x0] =	vst.idx.add.f32.msk $0xffff, v4;
	v4 =	vshrl.u32 v17, $0xE  }
0x94: {  	s1 =	sadd.s32 $0x70, s1;
	vm5 =	vlt.u32 v7, v1;
	vm14 =	vlt.u32 v8, $0x4E200;
	vm2 =	vlt.u32 v8, v1;
	v8 =	vld [tilespmem:s12+$0x210];
	v7 =	vpop (erf)  }
0x95: {  	v3 =	vmov s1;
	v18 =	vand.u32 $0x3FFF, v6;
	[tilespmem:v2+s28+$0x0] =	vst.idx.add.f32.msk $0xffff, v16;
	v2 =	vshrl.u32 v9, $0xE;
	v17 =	vpop (erf)  }
0x96: {  	v9 =	vand.u32 $0x3FFF, v9;
	v7 =	vadd.s32 $0x8000, v7;
	v50 =	vld.idx.msk [tilespmem:v5+s3+$0x0], $0xffff;
	v17 =	vadd.s32 $0x8000, v17  }
0x97: {  	v20 =	vshrl.u32 v7, $0x10;
	v7 =	vshrl.u32 v6, $0xE;
	v6 =	vand.u32 $0xFFFF0000, v17;
	v17 =	vld [tilespmem:s12+$0x30]  }
0x98: {  	vm15 =	vlt.u32 v3, $0x4E200;
	vm3 =	vlt.u32 v3, v1;
	v5 =	vshrl.u32 v19, $0xE;
	v26 =	vld.idx.msk [tilespmem:v4+s3+$0x0], $0xffff  }
0x99: {  	v19 =	vand.u32 $0x3FFF, v19;
	v20 =	vnsel vm4, $0x0, v20;
	v49 =	vnsel vm5, $0x0, v6  }
0x9a: {  	v3 =	vshrl.u32 v8, $0xE;
	v24 =	vand.u32 $0x3FFF, v8;
	v18 =	vld.idx.msk [tilespmem:v18+s3+$0x0], $0xffff;
	v16 =	vor.u32 v20, v49;
	v6 =	vpop (erf)  }
0x9b: {  	v32 =	vld.idx.msk [tilespmem:v9+s3+$0x0], $0xffff;
	v20 =	vshll.u32 v20, $0x10;
	v23 =	vshll.u32 v50, $0x10;
	v25 =	vadd.s32 $0x8000, v6;
	v6 =	vpop (erf)  }
0x9c: {  	v30 =	vld.idx.msk [tilespmem:v7+s3+$0x0], $0xffff;
	v27 =	vadd.s32 $0x8000, v6;
	v8 =	vpop (erf);
	v6 =	vshrl.u32 v48, $0xE;
	v25 =	vshrl.u32 v25, $0x10  }
0x9d: {  	v31 =	vld [tilespmem:s12+$0x230];
	v26 =	vand.u32 $0xFFFF0000, v26;
	v28 =	vadd.s32 $0x8000, v8;
	v8 =	vshrl.u32 v17, $0xE  }
0x9e: {  	v51 =	vld.idx.msk [tilespmem:v2+s3+$0x0], $0xffff;
	v29 =	vpop (erf);
	v17 =	vand.u32 $0x3FFF, v17;
	v27 =	vand.u32 $0xFFFF0000, v27;
	v25 =	vnsel vm14, $0x0, v25  }
0x9f: {  	v19 =	vld.idx.msk [tilespmem:v19+s3+$0x0], $0xffff;
	v23 =	vadd.f32 v26, v23;
	v29 =	vadd.s32 $0x8000, v29;
	v28 =	vshrl.u32 v28, $0x10  }
0xa0: {  	v35 =	vld.idx.msk [tilespmem:v5+s3+$0x0], $0xffff;
	v27 =	vnsel vm2, $0x0, v27;
	v32 =	vshll.u32 v32, $0x10;
	v9 =	vand.u32 $0xFFFF0000, v29  }
0xa1: {  	v24 =	vld.idx.msk [tilespmem:v24+s3+$0x0], $0xffff;
	v33 =	vnsel vm3, $0x0, v9;
	v9 =	vshll.u32 v18, $0x10;
	v18 =	vand.u32 $0xFFFF0000, v30  }
0xa2: {  	v52 =	vld.idx.msk [tilespmem:v3+s3+$0x0], $0xffff;
	v28 =	vnsel vm15, $0x0, v28;
	v34 =	vor.u32 v25, v27;
	v18 =	vadd.f32 v18, v9  }
0xa3: {  	v53 =	vmul.f32 $2.000000030e-01, v23;
	v9 =	vshrl.u32 v31, $0xE;
	v31 =	vand.u32 $0x3FFF, v31;
	v54 =	vld.idx.msk [tilespmem:v6+s3+$0x0], $0xffff  }
0xa4: {  	v25 =	vshll.u32 v25, $0x10;
	v29 =	vand.u32 $0xFFFF0000, v51;
	v17 =	vld.idx.msk [tilespmem:v17+s3+$0x0], $0xffff;
	v36 =	vmul.f32 $2.000000030e-01, v18  }
0xa5: {  	v19 =	vshll.u32 v19, $0x10;
	v35 =	vand.u32 $0xFFFF0000, v35;
	v23 =	vmax.f32 v23, v53;
	v56 =	vld.idx.msk [tilespmem:v8+s3+$0x0], $0xffff  }
0xa6: {  	v29 =	vadd.f32 v29, v32;
	v23 =	vmul.f32 $1.442695020e+00, v23;
	v18 =	vmax.f32 v18, v36  }
0xa7: {  	v24 =	vshll.u32 v24, $0x10;
	v26 =	vand.u32 $0xFFFF0000, v52;
	v18 =	vmul.f32 $1.442695020e+00, v18  }
0xa8: {  	v24 =	vadd.f32 v26, v24;
	(erf) = vpow2.f32 v23;
	v57 =	vld.idx.msk [tilespmem:v31+s3+$0x0], $0xffff;
	v60 =	vand.u32 $0xFFFF0000, v54  }
0xa9: {  	v19 =	vadd.f32 v35, v19;
	v59 =	vld.idx.msk [tilespmem:v9+s3+$0x0], $0xffff;
	v21 =	vadd.f32 v60, v21;
	(erf) = vpow2.f32 v18  }
0xaa: {  	[tilespmem:s23+$0xFFFFFFF0] =	vst v16;
	v17 =	vshll.u32 v17, $0x10;
	v62 =	vand.u32 $0xFFFF0000, v56;
	v18 =	vmul.f32 $2.000000030e-01, v24  }
0xab: {  	[tilespmem:v12+s28+$0x0] =	vst.idx.add.f32.msk $0xffff, v20;
	v55 =	vor.u32 v28, v33;
	v61 =	vmul.f32 $2.000000030e-01, v19;
	v17 =	vadd.f32 v62, v17  }
0xac: {  	[tilespmem:v13+s28+$0x0] =	vst.idx.add.f32.msk $0xffff, v49;
	v58 =	vmul.f32 $2.000000030e-01, v29;
	v12 =	vmul.f32 $2.000000030e-01, v21;
	v18 =	vmax.f32 v24, v18  }
0xad: {  	[tilespmem:s23+$0x0] =	vst v34;
	v63 =	vmul.f32 $1.442695020e+00, v18;
	v18 =	vmax.f32 v19, v61;
	v19 =	vmul.f32 $2.000000030e-01, v17  }
0xae: {  	[tilespmem:v14+s28+$0x0] =	vst.idx.add.f32.msk $0xffff, v25;
	v16 =	vmax.f32 v29, v58;
	v20 =	vshll.u32 v57, $0x10;
	v13 =	vand.u32 $0xFFFF0000, v59  }
0xaf: {  	[tilespmem:s23+$0x10] =	vst v55;
	v16 =	vmul.f32 $1.442695020e+00, v16;
	v12 =	vmax.f32 v21, v12;
	v13 =	vadd.f32 v13, v20  }
0xb0: {  	s4 =	sadd.s32 $0x0, s21;
	[tilespmem:v10+s28+$0x0] =	vst.idx.add.f32.msk $0xffff, v27;
	v10 =	vshll.u32 v28, $0x10;
	v14 =	vmul.f32 $1.442695020e+00, v18;
	v12 =	vmul.f32 $1.442695020e+00, v12  }
0xb1: {  	s7 =	sadd.s32 $0x40, s4;
	[tilespmem:v11+s28+$0x0] =	vst.idx.add.f32.msk $0xffff, v10;
	v20 =	vmax.f32 v17, v19;
	v17 =	vmul.f32 $2.000000030e-01, v13;
	v19 =	vpop (erf);
	(erf) = vpow2.f32 v16  }
0xb2: {  	s29 =	sadd.s32 $0x60, s4;
	s1 =	sadd.s32 $0x50, s4;
	s4 =	sadd.s32 $0x70, s4;
	[tilespmem:v15+s28+$0x0] =	vst.idx.add.f32.msk $0xffff, v33;
	v18 =	vmov s7;
	v16 =	vmul.f32 $1.442695020e+00, v20;
	v11 =	vpop (erf);
	(erf) = vpow2.f32 v63  }
.LBB2_6:
0xb3: {  	vm0 =	vlt.u32 v18, $0x4E200;
	v15 =	vadd.s32 $0x8000, v11;
	v19 =	vadd.s32 $0x8000, v19;
	v11 =	vmovc v8;
	v10 =	vmovc v9;
	s19 =	smov.u32 s24;
	s24 =	sadd.s32 $0x40, s24  }
0xb4: {  	vm1 =	vlt.u32 v18, v1;
	s7 =	sand.u32 $0x1C0, s24;
	v8 =	vshrl.u32 v15, $0x10;
	v9 =	vand.u32 $0xFFFF0000, v19  }
0xb5: {  	v13 =	vmax.f32 v13, v17;
	v15 =	vld [tilespmem:s7+$0x1DC00];
	v8 =	vnsel vm0, $0x0, v8;
	v9 =	vnsel vm1, $0x0, v9  }
0xb6: {  	s12 =	sadd.s32 $0x40, s12;
	s23 =	sadd.s32 $0x40, s23;
	v13 =	vmul.f32 $1.442695020e+00, v13;
	v17 =	vor.u32 v8, v9;
	(erf) = vpow2.f32 v14  }
0xb7: {  	v8 =	vshll.u32 v8, $0x10;
	v14 =	vld [tilespmem:s12+$0x0];
	[tilespmem:s23+$0xFFFFFFE0] =	vst v17;
	v17 =	vmov s1;
	(erf) = vpow2.f32 v12  }
0xb8: {  	v18 =	vmov s29;
	p0 =	slt.u32 s24, $0x1C0;
	[tilespmem:v7+s28+$0x0] =	vst.idx.add.f32.msk $0xffff, v8;
	v8 =	vmov s4;
	(erf) = vpow2.f32 v16  }
0xb9: {  	vm4 =	vlt.u32 v17, $0x4E200;
	vm5 =	vlt.u32 v17, v1;
	[tilespmem:v4+s28+$0x0] =	vst.idx.add.f32.msk $0xffff, v9;
	(erf) = vpow2.f32 v13  }
0xba: {  	vm0 =	vlt.u32 v18, $0x4E200;
	vm1 =	vlt.u32 v18, v1;
	v9 =	vand.u32 $0x3FFF, v15;
	v12 =	vld [tilespmem:s12+$0x10];
	v7 =	vpop (erf)  }
0xbb: {  	vm2 =	vlt.u32 v8, $0x4E200;
	v4 =	vshrl.u32 v15, $0xE;
	v13 =	vld [tilespmem:s12+$0x210];
	v7 =	vadd.s32 $0x8000, v7;
	v15 =	vpop (erf)  }
0xbc: {  	v16 =	vand.u32 $0x3FFF, v14;
	v17 =	vld [tilespmem:s12+$0x20];
	v15 =	vadd.s32 $0x8000, v15;
	v18 =	vshrl.u32 v7, $0x10  }
0xbd: {  	vm3 =	vlt.u32 v8, v1;
	v7 =	vshrl.u32 v14, $0xE;
	v14 =	vld [tilespmem:s12+$0x220];
	v15 =	vand.u32 $0xFFFF0000, v15  }
0xbe: {  	v18 =	vnsel vm4, $0x0, v18;
	v19 =	vld [tilespmem:s12+$0x30];
	v15 =	vnsel vm5, $0x0, v15  }
0xbf: {  	v9 =	vld.idx.msk [tilespmem:v9+s3+$0x0], $0xffff;
	v20 =	vshrl.u32 v12, $0xE;
	v12 =	vand.u32 $0x3FFF, v12;
	v24 =	vor.u32 v18, v15;
	v21 =	vpop (erf)  }
0xc0: {  	v22 =	vld.idx.msk [tilespmem:v4+s3+$0x0], $0xffff;
	v23 =	vshrl.u32 v13, $0xE;
	v13 =	vand.u32 $0x3FFF, v13;
	[tilespmem:s23+$0xFFFFFFF0] =	vst v24;
	v21 =	vadd.s32 $0x8000, v21;
	v8 =	vpop (erf)  }
0xc1: {  	v16 =	vld.idx.msk [tilespmem:v16+s3+$0x0], $0xffff;
	v24 =	vshrl.u32 v17, $0xE;
	v17 =	vand.u32 $0x3FFF, v17;
	v25 =	vadd.s32 $0x8000, v8;
	v8 =	vpop (erf)  }
0xc2: {  	v26 =	vld.idx.msk [tilespmem:v7+s3+$0x0], $0xffff;
	v27 =	vshrl.u32 v14, $0xE;
	v14 =	vand.u32 $0x3FFF, v14;
	v28 =	vadd.s32 $0x8000, v8;
	v29 =	vpop (erf)  }
0xc3: {  	v8 =	vshrl.u32 v19, $0xE;
	v30 =	vld [tilespmem:s12+$0x230];
	v19 =	vand.u32 $0x3FFF, v19;
	v29 =	vadd.s32 $0x8000, v29  }
0xc4: {  	v21 =	vshrl.u32 v21, $0x10;
	v25 =	vand.u32 $0xFFFF0000, v25;
	v28 =	vshrl.u32 v28, $0x10;
	v12 =	vld.idx.msk [tilespmem:v12+s3+$0x0], $0xffff  }
0xc5: {  	v21 =	vnsel vm0, $0x0, v21;
	v25 =	vnsel vm1, $0x0, v25;
	v29 =	vand.u32 $0xFFFF0000, v29;
	v31 =	vld.idx.msk [tilespmem:v20+s3+$0x0], $0xffff  }
0xc6: {  	v18 =	vshll.u32 v18, $0x10;
	v28 =	vnsel vm2, $0x0, v28;
	v29 =	vnsel vm3, $0x0, v29;
	v13 =	vld.idx.msk [tilespmem:v13+s3+$0x0], $0xffff  }
0xc7: {  	v9 =	vshll.u32 v9, $0x10;
	v33 =	vor.u32 v21, v25;
	v22 =	vand.u32 $0xFFFF0000, v22;
	v32 =	vld.idx.msk [tilespmem:v23+s3+$0x0], $0xffff  }
0xc8: {  	v16 =	vshll.u32 v16, $0x10;
	v22 =	vadd.f32 v22, v9;
	v26 =	vand.u32 $0xFFFF0000, v26;
	v17 =	vld.idx.msk [tilespmem:v17+s3+$0x0], $0xffff;
	[tilespmem:s23+$0x0] =	vst v33  }
0xc9: {  	v16 =	vadd.f32 v26, v16;
	v9 =	vshrl.u32 v30, $0xE;
	v30 =	vand.u32 $0x3FFF, v30;
	v26 =	vld.idx.msk [tilespmem:v24+s3+$0x0], $0xffff  }
0xca: {  	v21 =	vshll.u32 v21, $0x10;
	v33 =	vmul.f32 $2.000000030e-01, v22;
	v12 =	vshll.u32 v12, $0x10;
	v14 =	vld.idx.msk [tilespmem:v14+s3+$0x0], $0xffff  }
0xcb: {  	v36 =	vor.u32 v28, v29;
	v34 =	vmul.f32 $2.000000030e-01, v16;
	v31 =	vand.u32 $0xFFFF0000, v31;
	v35 =	vld.idx.msk [tilespmem:v27+s3+$0x0], $0xffff  }
0xcc: {  	v22 =	vmax.f32 v22, v33;
	v12 =	vadd.f32 v31, v12;
	v13 =	vshll.u32 v13, $0x10;
	v19 =	vld.idx.msk [tilespmem:v19+s3+$0x0], $0xffff;
	[tilespmem:s23+$0x10] =	vst v36  }
0xcd: {  	v22 =	vmul.f32 $1.442695020e+00, v22;
	v16 =	vmax.f32 v16, v34;
	v31 =	vand.u32 $0xFFFF0000, v32;
	v32 =	vld.idx.msk [tilespmem:v8+s3+$0x0], $0xffff  }
0xce: {  	v16 =	vmul.f32 $1.442695020e+00, v16;
	v13 =	vadd.f32 v31, v13;
	v17 =	vshll.u32 v17, $0x10;
	v30 =	vld.idx.msk [tilespmem:v30+s3+$0x0], $0xffff  }
0xcf: {  	v31 =	vmul.f32 $2.000000030e-01, v12;
	v26 =	vand.u32 $0xFFFF0000, v26;
	v33 =	vld.idx.msk [tilespmem:v9+s3+$0x0], $0xffff;
	(erf) = vpow2.f32 v22  }
0xd0: {  	v17 =	vadd.f32 v26, v17;
	v14 =	vshll.u32 v14, $0x10;
	(erf) = vpow2.f32 v16;
	[tilespmem:v2+s28+$0x0] =	vst.idx.add.f32.msk $0xffff, v18;
	v2 =	vmovc v20  }
0xd1: {  	v12 =	vmax.f32 v12, v31;
	v16 =	vmul.f32 $2.000000030e-01, v13;
	v18 =	vand.u32 $0xFFFF0000, v35;
	[tilespmem:v3+s28+$0x0] =	vst.idx.add.f32.msk $0xffff, v15;
	v3 =	vmovc v23  }
0xd2: {  	v15 =	vmul.f32 $2.000000030e-01, v17;
	v14 =	vadd.f32 v18, v14;
	v18 =	vshll.u32 v19, $0x10;
	[tilespmem:v5+s28+$0x0] =	vst.idx.add.f32.msk $0xffff, v21;
	v5 =	vmovc v24  }
0xd3: {  	v20 =	vmul.f32 $1.442695020e+00, v12;
	v12 =	vmax.f32 v13, v16;
	v13 =	vand.u32 $0xFFFF0000, v32;
	[tilespmem:v6+s28+$0x0] =	vst.idx.add.f32.msk $0xffff, v25;
	v6 =	vmovc v27  }
0xd4: {  	v16 =	vmul.f32 $2.000000030e-01, v14;
	v18 =	vadd.f32 v13, v18;
	v13 =	vshll.u32 v30, $0x10  }
.Ltmp6:
0xd5: {  	v21 =	vmul.f32 $1.442695020e+00, v12;
	v12 =	vmax.f32 v17, v15;
	v15 =	vand.u32 $0xFFFF0000, v33;
	(pc) =	sbr.rel @p0 .LBB2_6-.Ltmp6, $4  }
0xd6: {  	v16 =	vmax.f32 v14, v16;
	v17 =	vmul.f32 $2.000000030e-01, v18;
	v13 =	vadd.f32 v15, v13  }
0xd7: {  	s4 =	sadd.s32 s19, s21;
	v14 =	vmul.f32 $1.442695020e+00, v12;
	v15 =	vshll.u32 v28, $0x10;
	v12 =	vmul.f32 $1.442695020e+00, v16  }
0xd8: {  	s7 =	sadd.s32 $0x40, s4;
	s1 =	sadd.s32 $0x50, s4;
	s29 =	sadd.s32 $0x60, s4;
	v16 =	vmax.f32 v18, v17;
	v17 =	vmul.f32 $2.000000030e-01, v13;
	v19 =	vpop (erf);
	(erf) = vpow2.f32 v20;
	[tilespmem:v11+s28+$0x0] =	vst.idx.add.f32.msk $0xffff, v15  }
0xd9: {  	s4 =	sadd.s32 $0x70, s4;
	v18 =	vmov s7;
	v16 =	vmul.f32 $1.442695020e+00, v16;
	v11 =	vpop (erf);
	(erf) = vpow2.f32 v21;
	[tilespmem:v10+s28+$0x0] =	vst.idx.add.f32.msk $0xffff, v29  }
0xda: {  	(erf) = vpow2.f32 v14  }
0xdb: {  	v10 =	vmax.f32 v13, v17;
	(erf) = vpow2.f32 v12  }
0xdc: {  	vm0 =	vlt.u32 v18, $0x4E200;
	v10 =	vmul.f32 $1.442695020e+00, v10  }
0xdd: {  	v11 =	vadd.s32 $0x8000, v11;
	v38 =	vadd.s32 $0x8000, v19;
	(erf) = vpow2.f32 v16  }
0xde: {  	vm1 =	vlt.u32 v18, v1;
	v42 =	vmov s1;
	(erf) = vpow2.f32 v10  }
0xdf: {  	v43 =	vmov s29;
	v44 =	vmov s4;
	v39 =	vshrl.u32 v11, $0x10  }
0xe0: {  	v40 =	vand.u32 $0xFFFF0000, v38;
	vm13 =	vlt.u32 v42, $0x4E200;
	vm14 =	vlt.u32 v42, v1  }
0xe1: {  	vm2 =	vlt.u32 v43, $0x4E200;
	vm3 =	vlt.u32 v43, v1;
	vm4 =	vlt.u32 v44, $0x4E200;
	v15 =	vpop (erf)  }
0xe2: {  	v11 =	vnsel vm1, $0x0, v40;
	v10 =	vnsel vm0, $0x0, v39;
	v45 =	vpop (erf);
	v15 =	vadd.s32 $0x8000, v15  }
0xe3: {  	s19 =	sadd.s32 $0x40, s23;
	v41 =	vor.u32 v10, v11;
	v13 =	vadd.s32 $0x8000, v45;
	v46 =	vpop (erf);
	v47 =	vshrl.u32 v15, $0x10  }
0xe4: {  	v10 =	vshll.u32 v10, $0x10;
	[tilespmem:s19+$0xFFFFFFE0] =	vst v41;
	v13 =	vand.u32 $0xFFFF0000, v13;
	v48 =	vpop (erf);
	v14 =	vnsel vm13, $0x0, v47  }
0xe5: {  	[tilespmem:v7+s28+$0x0] =	vst.idx.add.f32.msk $0xffff, v10;
	v17 =	vadd.s32 $0x8000, v46;
	v13 =	vnsel vm14, $0x0, v13;
	v52 =	vadd.s32 $0x8000, v48  }
0xe6: {  	[tilespmem:v4+s28+$0x0] =	vst.idx.add.f32.msk $0xffff, v11;
	v49 =	vpop (erf);
	v55 =	vshrl.u32 v17, $0x10;
	v50 =	vor.u32 v14, v13;
	v56 =	vand.u32 $0xFFFF0000, v52  }
0xe7: {  	v51 =	vpop (erf);
	v58 =	vnsel vm2, $0x0, v55;
	v14 =	vshll.u32 v14, $0x10;
	v59 =	vnsel vm3, $0x0, v56;
	[tilespmem:s19+$0xFFFFFFF0] =	vst v50  }
0xe8: {  	v53 =	vadd.s32 $0x8000, v49;
	v54 =	vadd.s32 $0x8000, v51;
	v62 =	vor.u32 v58, v59;
	[tilespmem:v2+s28+$0x0] =	vst.idx.add.f32.msk $0xffff, v14  }
0xe9: {  	vm15 =	vlt.u32 v44, v1;
	v57 =	vshrl.u32 v53, $0x10;
	v60 =	vand.u32 $0xFFFF0000, v54;
	[tilespmem:s19+$0x0] =	vst v62  }
0xea: {  	v61 =	vnsel vm4, $0x0, v57;
	v2 =	vshll.u32 v58, $0x10;
	v10 =	vnsel vm15, $0x0, v60;
	[tilespmem:v3+s28+$0x0] =	vst.idx.add.f32.msk $0xffff, v13  }
0xeb: {  	v63 =	vor.u32 v61, v10;
	[tilespmem:v5+s28+$0x0] =	vst.idx.add.f32.msk $0xffff, v2  }
0xec: {  	[tilespmem:s19+$0x10] =	vst v63  }
0xed: {  	s23 =	sshll.u32 s22, $0x9;
	v2 =	vshll.u32 v61, $0x10;
	[tilespmem:v6+s28+$0x0] =	vst.idx.add.f32.msk $0xffff, v59  }
0xee: {  	s1 =	sand.u32 $0x3FFFFE00, s23;
	[tilespmem:v8+s28+$0x0] =	vst.idx.add.f32.msk $0xffff, v2  }
.Ltmp7:
0xef: {  	s24 =	simm.s32 $0x1E600;
	s1 =	sadd.s32 s1, s2;
	[tilespmem:v9+s28+$0x0] =	vst.idx.add.f32.msk $0xffff, v10;
	(pc) =	sbr.rel .LBB2_8-.Ltmp7, $4  }
0xf0: {  	[spmem:s1] =	stream.linear.scatter [tilespmem:s24], [sflag:$0x5], $0x200, $0x38;
	[tilespmem:$0x1FBC0] =	vst v63  }
0xf1: {  	_ =	swait.ge [sflag:s25], $0x200  }
0xf2: {  	[sflag:s25] =	ssyncset.done $0x0  }
0xf3: {  	s29 =	simm.s32 $0x1DE00;
	s19 =	stileid.u32;
	[sflag:s25] =	ssyncadd.s32 $0xFFFFFE00  }
.LBB2_9:
0xf4: {  	s1 =	simm.s32 $0x0;
	s4 =	rddreg [dreg:$0x5]  }
0xf5: {  	[hbm4b:s4+s1] =	stream.linear.scatter [tilespmem:s28], [sflag:$0x5], $0x2710, $0x38;
	[tilespmem:$0x1FBC0] =	vst v63  }
0xf6: {  	_ =	swait.ge [sflag:s25], $0x2710  }
0xf7: {  	[sflag:s25] =	ssyncset.done $0x0  }
0xf8: {  	s21 =	rddreg [dreg:$0x6];
	[sflag:s25] =	ssyncadd.s32 $0xFFFFD8F0  }
0xf9: {  	[tilespmem:s1], [sflag:$0x5] =	stream.linear.gather [hbm4b:s21+s1], $0x2710, $0x38;
	[tilespmem:$0x1FBC0] =	vst v63  }
0xfa: {  	_ =	swait.ge [sflag:s25], $0x2710  }
0xfb: {  	[sflag:s25] =	ssyncset.done $0x0  }
0xfc: {  	s22 =	rddreg [dreg:$0x7];
	[sflag:s25] =	ssyncadd.s32 $0xFFFFD8F0  }
0xfd: {  	[tilespmem:s30], [sflag:$0x5] =	stream.linear.gather [hbm4b:s22+s1], $0x2710, $0x38;
	[tilespmem:$0x1FBC0] =	vst v63  }
0xfe: {  	_ =	swait.ge [sflag:s25], $0x2710  }
0xff: {  	[sflag:s25] =	ssyncset.done $0x0  }
0x100: {  	s23 =	rddreg [dreg:$0x8];
	[sflag:s25] =	ssyncadd.s32 $0xFFFFD8F0  }
0x101: {  	[tilespmem:s31], [sflag:$0x5] =	stream.linear.gather [hbm4b:s23+s1], $0x2710, $0x38;
	[tilespmem:$0x1FBC0] =	vst v63  }
0x102: {  	_ =	swait.ge [sflag:s25], $0x2710  }
0x103: {  	[sflag:s25] =	ssyncset.done $0x0  }
0x104: {  	s24 =	rddreg [dreg:$0x9];
	[sflag:s25] =	ssyncadd.s32 $0xFFFFD8F0  }
0x105: {  	[tilespmem:s0], [sflag:$0x5] =	stream.linear.gather [hbm4b:s24+s1], $0x2710, $0x38;
	[tilespmem:$0x1FBC0] =	vst v63  }
0x106: {  	_ =	swait.ge [sflag:s25], $0x2710  }
0x107: {  	[sflag:s25] =	ssyncset.done $0x0  }
0x108: {  	s4 =	simm.s32 $0x40;
	s1 =	simm.s32 $0x0;
	[sflag:s25] =	ssyncadd.s32 $0xFFFFD8F0  }
.LBB2_10:
0x109: {  	p0 =	sne.s32 s4, $0x9C00;
	[tilespmem:s1+$0x1B280] =	vst v0  }
0x10a: {  	[tilespmem:s1+$0x9E00] =	vst v0  }
0x10b: {  	[tilespmem:s1+$0xC580] =	vst v0  }
.Ltmp8:
0x10c: {  	[tilespmem:s1+$0xED00] =	vst v0;
	(pc) =	sbr.rel @p0 .LBB2_10-.Ltmp8, $4  }
0x10d: {  	[tilespmem:s1+$0x11480] =	vst v0  }
0x10e: {  	[tilespmem:s1+$0x13C00] =	vst v0  }
0x10f: {  	[tilespmem:s1+$0x16380] =	vst v0  }
0x110: {  	[tilespmem:s1+$0x18B00] =	vst v0;
	s1 =	sshra.s32 s4, $0x2;
	s4 =	sadd.s32 $0x40, s4  }
0x111: {  	[tilespmem:s1+$0x1B280] =	vst v0  }
0x112: {  	[tilespmem:s1+$0x9E00] =	vst v0  }
0x113: {  	[tilespmem:s1+$0xC580] =	vst v0  }
0x114: {  	[tilespmem:s1+$0xED00] =	vst v0  }
0x115: {  	[tilespmem:s1+$0x11480] =	vst v0  }
0x116: {  	[tilespmem:s1+$0x13C00] =	vst v0  }
0x117: {  	[tilespmem:s1+$0x16380] =	vst v0  }
0x118: {  	[tilespmem:s1+$0x18B00] =	vst v0  }
0x119: {  	[bflag:$0x0] =	sbarrier.arrive $0xFFFF  }
0x11a: {  	s20 =	simm.s32 $0x0;
	s4 =	simm.s32 $0x1DA00;
	s12 =	rddreg [dreg:$0xa]  }
0x11b: {  	[tilespmem:s4], [sflag:$0x1] =	stream.linear.gather [hbm4b:s12+s20], $0x400, $0x38;
	[tilespmem:$0x1FBC0] =	vst v63  }
0x11c: {  	s21 =	simm.s32 $0x1E200  }
0x11d: {  	[tilespmem:s21], [sflag:$0x2] =	stream.linear.gather [spmem:s2], $0x200, $0x38;
	[tilespmem:$0x1FBC0] =	vst v63  }
0x11e: {  	s22 =	rddreg [dreg:$0xb]  }
0x11f: {  	[tilespmem:s29], [sflag:$0x3] =	stream.linear.gather [hbm4b:s22+s20], $0x400, $0x38;
	[tilespmem:$0x1FBC0] =	vst v63  }
0x120: {  	s24 =	simm.s32 $0x1E400;
	s23 =	rddreg [dreg:$0xc]  }
0x121: {  	[tilespmem:s24], [sflag:$0x4] =	stream.linear.gather [spmem:s23], $0x200, $0x38;
	[tilespmem:$0x1FBC0] =	vst v63  }
.LBB2_12:
0x122: {  	_ =	swait.ge [sflag:s26], $0x400  }
0x123: {  	[sflag:s26] =	ssyncset.done $0x0  }
0x124: {  	[sflag:s26] =	ssyncadd.s32 $0xFFFFFC00  }
0x125: {  	_ =	swait.ge [sflag:s8], $0x200  }
0x126: {  	[sflag:s8] =	ssyncset.done $0x0  }
0x127: {  	s1 =	simm.s32 $0x1DA00;
	[sflag:s8] =	ssyncadd.s32 $0xFFFFFE00  }
0x128: {  	v2 =	vld [tilespmem:s1+$0x30];
	_ =	sdelay $0x1  }
0x129: {  	v3 =	vld [tilespmem:s1+$0x0]  }
0x12a: {  	s4 =	simm.s32 $0x1E220;
	v6 =	vld [tilespmem:s1+$0x10]  }
0x12b: {  	s7 =	simm.s32 $0x0;
	v7 =	vld [tilespmem:s4+$0x10]  }
0x12c: {  	s7 =	sand.u32 $0x1C0, s7;
	v14 =	vld [tilespmem:s1+$0x230];
	v18 =	vand.u32 $0x3FFF, v2  }
0x12d: {  	v21 =	vld [tilespmem:s7+$0x1DC00]  }
0x12e: {  	v15 =	vld [tilespmem:s1+$0x20]  }
0x12f: {  	v22 =	vld [tilespmem:s1+$0x210]  }
0x130: {  	v25 =	vld [tilespmem:s4+$0xFFFFFFE0]  }
0x131: {  	v5 =	vld.idx.msk [tilespmem:v18+s3+$0x0], $0xffff  }
0x132: {  	v26 =	vld [tilespmem:s4+$0xFFFFFFF0];
	v8 =	vand.u32 $0x3FFF, v3  }
0x133: {  	v27 =	vld [tilespmem:s1+$0x220];
	v4 =	vand.u32 $0x3FFF, v6  }
0x134: {  	s22 =	simm.s32 $0x1DA40;
	v29 =	vld [tilespmem:s4+$0x0];
	v13 =	vshrl.u32 v2, $0xE  }
0x135: {  	v33 =	vld [tilespmem:s22+$0x210]  }
0x136: {  	v34 =	vld [tilespmem:s22+$0x220];
	v19 =	vshll.u32 v7, $0x10;
	v16 =	vand.u32 $0x3FFF, v14;
	v9 =	vshll.u32 v5, $0x10  }
0x137: {  	v2 =	vld.idx.msk [tilespmem:v8+s3+$0x0], $0xffff;
	v5 =	vand.u32 $0xFFFF0000, v5;
	v10 =	vmul.f32 v9, v19  }
0x138: {  	v23 =	vld.idx.msk [tilespmem:v4+s3+$0x0], $0xffff;
	v11 =	vmul.f32 v5, v19  }
0x139: {  	v9 =	vand.u32 $0x3FFF, v15;
	[tilespmem:v13+s28+$0x0] =	vst.idx.add.f32.msk $0xffff, v10  }
0x13a: {  	v5 =	vshrl.u32 v3, $0xE;
	[tilespmem:v13+s9+$0x0] =	vst.idx.add.f32.msk $0xffff, v11  }
0x13b: {  	s23 =	simm.s32 $0x1E260;
	v3 =	vshrl.u32 v6, $0xE;
	v6 =	vld.idx.msk [tilespmem:v16+s3+$0x0], $0xffff  }
0x13c: {  	v36 =	vld [tilespmem:s23+$0xFFFFFFF0];
	v12 =	vshll.u32 v26, $0x10;
	v10 =	vshll.u32 v25, $0x10;
	v11 =	vshll.u32 v2, $0x10  }
0x13d: {  	v37 =	vld [tilespmem:s23+$0x0];
	v2 =	vand.u32 $0xFFFF0000, v2;
	v28 =	vmul.f32 v11, v10;
	v11 =	vand.u32 $0x3FFF, v21  }
0x13e: {  	v17 =	vshrl.u32 v14, $0xE;
	v20 =	vshll.u32 v23, $0x10;
	v2 =	vmul.f32 v2, v10;
	v24 =	vld.idx.msk [tilespmem:v9+s3+$0x0], $0xffff  }
0x13f: {  	v14 =	vmul.f32 v20, v12;
	[tilespmem:v5+s28+$0x0] =	vst.idx.add.f32.msk $0xffff, v28  }
0x140: {  	v20 =	vand.u32 $0xFFFF0000, v7;
	[tilespmem:v5+s9+$0x0] =	vst.idx.add.f32.msk $0xffff, v2;
	v2 =	vshll.u32 v6, $0x10  }
0x141: {  	[tilespmem:v3+s28+$0x0] =	vst.idx.add.f32.msk $0xffff, v14;
	v7 =	vand.u32 $0xFFFF0000, v6;
	v2 =	vmul.f32 v2, v20  }
0x142: {  	v14 =	vand.u32 $0x3FFF, v22;
	v6 =	vshrl.u32 v15, $0xE;
	v28 =	vld.idx.msk [tilespmem:v11+s3+$0x0], $0xffff;
	v15 =	vmul.f32 v7, v20  }
0x143: {  	v7 =	vand.u32 $0xFFFF0000, v23;
	[tilespmem:v17+s28+$0x0] =	vst.idx.add.f32.msk $0xffff, v2  }
0x144: {  	v23 =	vmul.f32 v7, v12;
	v7 =	vshll.u32 v29, $0x10;
	[tilespmem:v17+s9+$0x0] =	vst.idx.add.f32.msk $0xffff, v15  }
0x145: {  	v2 =	vshll.u32 v24, $0x10;
	v24 =	vand.u32 $0xFFFF0000, v24;
	v15 =	vand.u32 $0x3FFF, v27;
	v30 =	vld.idx.msk [tilespmem:v18+s30+$0x0], $0xffff  }
0x146: {  	v2 =	vmul.f32 v2, v7;
	v31 =	vmul.f32 v24, v7;
	[tilespmem:v3+s9+$0x0] =	vst.idx.add.f32.msk $0xffff, v23;
	v24 =	vshrl.u32 v21, $0xE  }
0x147: {  	v21 =	vld.idx.msk [tilespmem:v14+s3+$0x0], $0xffff  }
0x148: {  	v25 =	vand.u32 $0xFFFF0000, v25;
	[tilespmem:v6+s28+$0x0] =	vst.idx.add.f32.msk $0xffff, v2;
	v2 =	vshll.u32 v28, $0x10  }
0x149: {  	v23 =	vand.u32 $0xFFFF0000, v28;
	[tilespmem:v6+s9+$0x0] =	vst.idx.add.f32.msk $0xffff, v31;
	v2 =	vmul.f32 v2, v25  }
0x14a: {  	v23 =	vmul.f32 v23, v25;
	v28 =	vld.idx.msk [tilespmem:v15+s3+$0x0], $0xffff;
	v31 =	vshll.u32 v30, $0x10  }
0x14b: {  	[tilespmem:v24+s28+$0x0] =	vst.idx.add.f32.msk $0xffff, v2;
	v2 =	vmul.f32 v31, v19  }
0x14c: {  	v22 =	vshrl.u32 v22, $0xE;
	v30 =	vand.u32 $0xFFFF0000, v30;
	[tilespmem:v24+s9+$0x0] =	vst.idx.add.f32.msk $0xffff, v23  }
0x14d: {  	v23 =	vand.u32 $0xFFFF0000, v26;
	v39 =	vshll.u32 v21, $0x10;
	v30 =	vmul.f32 v30, v19;
	[tilespmem:v13+s10+$0x0] =	vst.idx.add.f32.msk $0xffff, v2  }
0x14e: {  	v2 =	vshrl.u32 v27, $0xE;
	v27 =	vand.u32 $0xFFFF0000, v21;
	v21 =	vand.u32 $0xFFFF0000, v29;
	v29 =	vld.idx.msk [tilespmem:v8+s30+$0x0], $0xffff  }
0x14f: {  	v26 =	vmul.f32 v39, v23;
	[tilespmem:v13+s11+$0x0] =	vst.idx.add.f32.msk $0xffff, v30  }
0x150: {  	v27 =	vmul.f32 v27, v23;
	v30 =	vld.idx.msk [tilespmem:v16+s30+$0x0], $0xffff  }
0x151: {  	[tilespmem:v22+s28+$0x0] =	vst.idx.add.f32.msk $0xffff, v26;
	v31 =	vshll.u32 v28, $0x10  }
0x152: {  	v28 =	vand.u32 $0xFFFF0000, v28;
	v31 =	vmul.f32 v31, v21;
	[tilespmem:v22+s9+$0x0] =	vst.idx.add.f32.msk $0xffff, v27  }
0x153: {  	v40 =	vmul.f32 v28, v21;
	v27 =	vld.idx.msk [tilespmem:v4+s30+$0x0], $0xffff  }
0x154: {  	[tilespmem:v2+s28+$0x0] =	vst.idx.add.f32.msk $0xffff, v31;
	v31 =	vshll.u32 v29, $0x10  }
0x155: {  	v42 =	vand.u32 $0xFFFF0000, v29;
	[tilespmem:v2+s9+$0x0] =	vst.idx.add.f32.msk $0xffff, v40;
	v29 =	vmul.f32 v31, v10;
	v41 =	vshll.u32 v30, $0x10  }
0x156: {  	v28 =	vand.u32 $0xFFFF0000, v30;
	v30 =	vld.idx.msk [tilespmem:v9+s30+$0x0], $0xffff;
	v26 =	vmul.f32 v41, v20  }
0x157: {  	v28 =	vmul.f32 v28, v20;
	[tilespmem:v5+s10+$0x0] =	vst.idx.add.f32.msk $0xffff, v29  }
0x158: {  	[tilespmem:v17+s10+$0x0] =	vst.idx.add.f32.msk $0xffff, v26  }
0x159: {  	v29 =	vshll.u32 v27, $0x10;
	v26 =	vmul.f32 v42, v10;
	[tilespmem:v17+s11+$0x0] =	vst.idx.add.f32.msk $0xffff, v28  }
0x15a: {  	v43 =	vand.u32 $0xFFFF0000, v27;
	v27 =	vmul.f32 v29, v12;
	v28 =	vld.idx.msk [tilespmem:v18+s31+$0x0], $0xffff  }
0x15b: {  	[tilespmem:v5+s11+$0x0] =	vst.idx.add.f32.msk $0xffff, v26  }
0x15c: {  	v31 =	vshll.u32 v30, $0x10;
	v26 =	vmul.f32 v43, v12;
	[tilespmem:v3+s10+$0x0] =	vst.idx.add.f32.msk $0xffff, v27  }
0x15d: {  	v29 =	vld.idx.msk [tilespmem:v11+s30+$0x0], $0xffff;
	v31 =	vmul.f32 v31, v7  }
0x15e: {  	v30 =	vand.u32 $0xFFFF0000, v30;
	[tilespmem:v3+s11+$0x0] =	vst.idx.add.f32.msk $0xffff, v26  }
0x15f: {  	v45 =	vmul.f32 v30, v7;
	[tilespmem:v6+s10+$0x0] =	vst.idx.add.f32.msk $0xffff, v31;
	v44 =	vshll.u32 v28, $0x10  }
0x160: {  	v27 =	vand.u32 $0xFFFF0000, v28;
	v28 =	vld.idx.msk [tilespmem:v14+s30+$0x0], $0xffff;
	v26 =	vmul.f32 v44, v19  }
0x161: {  	[tilespmem:v6+s11+$0x0] =	vst.idx.add.f32.msk $0xffff, v45;
	v27 =	vmul.f32 v27, v19  }
0x162: {  	[tilespmem:v13+s13+$0x0] =	vst.idx.add.f32.msk $0xffff, v26  }
0x163: {  	[tilespmem:v13+s14+$0x0] =	vst.idx.add.f32.msk $0xffff, v27;
	v27 =	vshll.u32 v29, $0x10  }
0x164: {  	v30 =	vld.idx.msk [tilespmem:v16+s31+$0x0], $0xffff;
	v46 =	vmul.f32 v27, v25;
	v27 =	vand.u32 $0xFFFF0000, v29  }
0x165: {  	v29 =	vld.idx.msk [tilespmem:v15+s30+$0x0], $0xffff;
	v47 =	vshll.u32 v28, $0x10;
	v27 =	vmul.f32 v27, v25  }
0x166: {  	v26 =	vmul.f32 v47, v23;
	[tilespmem:v24+s10+$0x0] =	vst.idx.add.f32.msk $0xffff, v46  }
0x167: {  	[tilespmem:v24+s11+$0x0] =	vst.idx.add.f32.msk $0xffff, v27;
	v27 =	vand.u32 $0xFFFF0000, v28  }
0x168: {  	[tilespmem:v22+s10+$0x0] =	vst.idx.add.f32.msk $0xffff, v26;
	v27 =	vmul.f32 v27, v23  }
0x169: {  	v28 =	vld.idx.msk [tilespmem:v8+s31+$0x0], $0xffff;
	v31 =	vshll.u32 v30, $0x10;
	v30 =	vand.u32 $0xFFFF0000, v30  }
0x16a: {  	v48 =	vmul.f32 v31, v20;
	[tilespmem:v22+s11+$0x0] =	vst.idx.add.f32.msk $0xffff, v27;
	v27 =	vmul.f32 v30, v20;
	v30 =	vshll.u32 v29, $0x10  }
0x16b: {  	v49 =	vand.u32 $0xFFFF0000, v29;
	v29 =	vmul.f32 v30, v21;
	v30 =	vld [tilespmem:s22+$0x20]  }
0x16c: {  	[tilespmem:v17+s13+$0x0] =	vst.idx.add.f32.msk $0xffff, v48  }
0x16d: {  	[tilespmem:v17+s14+$0x0] =	vst.idx.add.f32.msk $0xffff, v27  }
0x16e: {  	v18 =	vld.idx.msk [tilespmem:v18+s0+$0x0], $0xffff  }
0x16f: {  	v26 =	vmul.f32 v49, v21;
	[tilespmem:v2+s10+$0x0] =	vst.idx.add.f32.msk $0xffff, v29  }
0x170: {  	v50 =	vshll.u32 v28, $0x10;
	v27 =	vand.u32 $0xFFFF0000, v28;
	v28 =	vld.idx.msk [tilespmem:v4+s31+$0x0], $0xffff  }
0x171: {  	[tilespmem:v2+s11+$0x0] =	vst.idx.add.f32.msk $0xffff, v26;
	v26 =	vmul.f32 v50, v10  }
0x172: {  	v27 =	vmul.f32 v27, v10;
	v29 =	vld.idx.msk [tilespmem:v9+s31+$0x0], $0xffff  }
0x173: {  	[tilespmem:v5+s13+$0x0] =	vst.idx.add.f32.msk $0xffff, v26;
	v51 =	vshll.u32 v18, $0x10  }
0x174: {  	[tilespmem:v5+s14+$0x0] =	vst.idx.add.f32.msk $0xffff, v27;
	v18 =	vand.u32 $0xFFFF0000, v18;
	v26 =	vmul.f32 v51, v19  }
0x175: {  	v27 =	vld.idx.msk [tilespmem:v11+s31+$0x0], $0xffff;
	v18 =	vmul.f32 v18, v19;
	v19 =	vshll.u32 v28, $0x10  }
0x176: {  	v19 =	vmul.f32 v19, v12;
	[tilespmem:v13+s15+$0x0] =	vst.idx.add.f32.msk $0xffff, v26  }
0x177: {  	v52 =	vand.u32 $0xFFFF0000, v28;
	[tilespmem:v13+s16+$0x0] =	vst.idx.add.f32.msk $0xffff, v18  }
0x178: {  	v13 =	vshll.u32 v29, $0x10;
	v18 =	vmul.f32 v52, v12;
	[tilespmem:v3+s13+$0x0] =	vst.idx.add.f32.msk $0xffff, v19  }
0x179: {  	v53 =	vand.u32 $0xFFFF0000, v29;
	v16 =	vld.idx.msk [tilespmem:v16+s0+$0x0], $0xffff;
	v13 =	vmul.f32 v13, v7  }
0x17a: {  	v19 =	vmul.f32 v53, v7;
	[tilespmem:v3+s14+$0x0] =	vst.idx.add.f32.msk $0xffff, v18  }
0x17b: {  	[tilespmem:v6+s13+$0x0] =	vst.idx.add.f32.msk $0xffff, v13  }
0x17c: {  	v13 =	vshll.u32 v27, $0x10;
	[tilespmem:v6+s14+$0x0] =	vst.idx.add.f32.msk $0xffff, v19  }
0x17d: {  	v18 =	vand.u32 $0xFFFF0000, v27;
	v13 =	vmul.f32 v13, v25;
	v19 =	vld.idx.msk [tilespmem:v14+s31+$0x0], $0xffff  }
0x17e: {  	v18 =	vmul.f32 v18, v25;
	v54 =	vld.idx.msk [tilespmem:v15+s31+$0x0], $0xffff  }
0x17f: {  	v27 =	vshll.u32 v16, $0x10;
	[tilespmem:v24+s13+$0x0] =	vst.idx.add.f32.msk $0xffff, v13  }
0x180: {  	v16 =	vand.u32 $0xFFFF0000, v16;
	v13 =	vmul.f32 v27, v20;
	[tilespmem:v24+s14+$0x0] =	vst.idx.add.f32.msk $0xffff, v18  }
0x181: {  	v16 =	vmul.f32 v16, v20;
	v8 =	vld.idx.msk [tilespmem:v8+s0+$0x0], $0xffff  }
0x182: {  	[tilespmem:v17+s15+$0x0] =	vst.idx.add.f32.msk $0xffff, v13;
	v13 =	vshll.u32 v19, $0x10  }
0x183: {  	[tilespmem:v17+s16+$0x0] =	vst.idx.add.f32.msk $0xffff, v16;
	v16 =	vand.u32 $0xFFFF0000, v19;
	v13 =	vmul.f32 v13, v23  }
0x184: {  	v20 =	vld [tilespmem:s22+$0x10];
	v17 =	vshll.u32 v54, $0x10;
	v16 =	vmul.f32 v16, v23  }
0x185: {  	v18 =	vand.u32 $0xFFFF0000, v54;
	v17 =	vmul.f32 v17, v21;
	[tilespmem:v22+s13+$0x0] =	vst.idx.add.f32.msk $0xffff, v13  }
0x186: {  	v13 =	vmul.f32 v18, v21;
	[tilespmem:v22+s14+$0x0] =	vst.idx.add.f32.msk $0xffff, v16  }
0x187: {  	[tilespmem:v2+s13+$0x0] =	vst.idx.add.f32.msk $0xffff, v17;
	v16 =	vshll.u32 v8, $0x10  }
0x188: {  	[tilespmem:v2+s14+$0x0] =	vst.idx.add.f32.msk $0xffff, v13;
	v13 =	vmul.f32 v16, v10  }
0x189: {  	v4 =	vld.idx.msk [tilespmem:v4+s0+$0x0], $0xffff  }
0x18a: {  	s21 =	simm.s32 $0x40;
	[tilespmem:v5+s15+$0x0] =	vst.idx.add.f32.msk $0xffff, v13  }
0x18b: {  	s24 =	sand.u32 $0x1C0, s21;
	v13 =	vld [tilespmem:s22+$0x30]  }
0x18c: {  	v19 =	vld [tilespmem:s24+$0x1DC00]  }
0x18d: {  	v18 =	vld [tilespmem:s22+$0x0];
	v8 =	vand.u32 $0xFFFF0000, v8  }
0x18e: {  	v8 =	vmul.f32 v8, v10;
	v10 =	vld [tilespmem:s23+$0x10]  }
0x18f: {  	v17 =	vld.idx.msk [tilespmem:v9+s0+$0x0], $0xffff  }
0x190: {  	[tilespmem:v5+s16+$0x0] =	vst.idx.add.f32.msk $0xffff, v8;
	v9 =	vshll.u32 v4, $0x10;
	v28 =	vand.u32 $0x3FFF, v13  }
0x191: {  	v41 =	vld.idx.msk [tilespmem:v11+s0+$0x0], $0xffff;
	v4 =	vand.u32 $0xFFFF0000, v4;
	v9 =	vmul.f32 v9, v12  }
0x192: {  	v16 =	vand.u32 $0x3FFF, v18;
	v4 =	vmul.f32 v4, v12;
	v12 =	vld [tilespmem:s22+$0x230]  }
0x193: {  	v8 =	vand.u32 $0x3FFF, v20;
	[tilespmem:v3+s15+$0x0] =	vst.idx.add.f32.msk $0xffff, v9  }
0x194: {  	[tilespmem:v3+s16+$0x0] =	vst.idx.add.f32.msk $0xffff, v4  }
0x195: {  	v3 =	vld.idx.msk [tilespmem:v28+s3+$0x0], $0xffff  }
0x196: {  	v26 =	vshrl.u32 v13, $0xE;
	v13 =	vld [tilespmem:s23+$0xFFFFFFE0];
	v9 =	vand.u32 $0x3FFF, v30;
	v4 =	vshll.u32 v17, $0x10  }
0x197: {  	v31 =	vld.idx.msk [tilespmem:v16+s3+$0x0], $0xffff;
	v48 =	vshll.u32 v41, $0x10;
	v4 =	vmul.f32 v4, v7  }
0x198: {  	v32 =	vld.idx.msk [tilespmem:v8+s3+$0x0], $0xffff;
	v49 =	vmul.f32 v48, v25  }
0x199: {  	v29 =	vshll.u32 v10, $0x10;
	v17 =	vand.u32 $0xFFFF0000, v17;
	[tilespmem:v6+s15+$0x0] =	vst.idx.add.f32.msk $0xffff, v4  }
0x19a: {  	v7 =	vmul.f32 v17, v7;
	v27 =	vand.u32 $0x3FFF, v12;
	[tilespmem:v24+s15+$0x0] =	vst.idx.add.f32.msk $0xffff, v49;
	v5 =	vshll.u32 v3, $0x10  }
0x19b: {  	v35 =	vld.idx.msk [tilespmem:v9+s3+$0x0], $0xffff;
	v38 =	vand.u32 $0xFFFF0000, v3;
	v3 =	vshrl.u32 v18, $0xE;
	v5 =	vmul.f32 v5, v29  }
0x19c: {  	v4 =	vshrl.u32 v20, $0xE;
	[tilespmem:v6+s16+$0x0] =	vst.idx.add.f32.msk $0xffff, v7;
	v18 =	vmul.f32 v38, v29  }
0x19d: {  	v20 =	vshll.u32 v13, $0x10;
	v17 =	vshll.u32 v31, $0x10;
	v6 =	vand.u32 $0xFFFF0000, v32;
	[tilespmem:v26+s28+$0x0] =	vst.idx.add.f32.msk $0xffff, v5  }
0x19e: {  	v17 =	vmul.f32 v17, v20;
	v5 =	vshrl.u32 v30, $0xE;
	[tilespmem:v26+s9+$0x0] =	vst.idx.add.f32.msk $0xffff, v18;
	v18 =	vand.u32 $0xFFFF0000, v31  }
0x19f: {  	v30 =	vshll.u32 v32, $0x10;
	v55 =	vld.idx.msk [tilespmem:v27+s3+$0x0], $0xffff;
	v31 =	vmul.f32 v18, v20;
	v18 =	vshll.u32 v36, $0x10  }
0x1a0: {  	v7 =	vshll.u32 v35, $0x10;
	[tilespmem:v3+s28+$0x0] =	vst.idx.add.f32.msk $0xffff, v17;
	v17 =	vshll.u32 v37, $0x10;
	v30 =	vmul.f32 v30, v18  }
0x1a1: {  	v32 =	vmul.f32 v6, v18;
	v6 =	vand.u32 $0x3FFF, v19;
	v7 =	vmul.f32 v7, v17;
	[tilespmem:v3+s9+$0x0] =	vst.idx.add.f32.msk $0xffff, v31  }
0x1a2: {  	v31 =	vand.u32 $0xFFFF0000, v35;
	[tilespmem:v4+s28+$0x0] =	vst.idx.add.f32.msk $0xffff, v30;
	v30 =	vshrl.u32 v12, $0xE  }
0x1a3: {  	v12 =	vmul.f32 v31, v17;
	[tilespmem:v5+s28+$0x0] =	vst.idx.add.f32.msk $0xffff, v7  }
0x1a4: {  	v31 =	vand.u32 $0xFFFF0000, v10;
	[tilespmem:v4+s9+$0x0] =	vst.idx.add.f32.msk $0xffff, v32;
	v7 =	vshll.u32 v55, $0x10  }
0x1a5: {  	[tilespmem:v5+s9+$0x0] =	vst.idx.add.f32.msk $0xffff, v12;
	v56 =	vand.u32 $0xFFFF0000, v55;
	v7 =	vmul.f32 v7, v31  }
0x1a6: {  	v10 =	vand.u32 $0x3FFF, v33;
	v57 =	vld.idx.msk [tilespmem:v6+s3+$0x0], $0xffff;
	v32 =	vmul.f32 v56, v31  }
0x1a7: {  	[tilespmem:v30+s28+$0x0] =	vst.idx.add.f32.msk $0xffff, v7  }
0x1a8: {  	v12 =	vand.u32 $0x3FFF, v34;
	[tilespmem:v30+s9+$0x0] =	vst.idx.add.f32.msk $0xffff, v32  }
0x1a9: {  	v7 =	vshrl.u32 v19, $0xE;
	v58 =	vld.idx.msk [tilespmem:v28+s30+$0x0], $0xffff  }
0x1aa: {  	v35 =	vld.idx.msk [tilespmem:v14+s0+$0x0], $0xffff  }
0x1ab: {  	v13 =	vand.u32 $0xFFFF0000, v13;
	v39 =	vld.idx.msk [tilespmem:v10+s3+$0x0], $0xffff;
	v19 =	vshll.u32 v57, $0x10  }
0x1ac: {  	v32 =	vld.idx.msk [tilespmem:v15+s0+$0x0], $0xffff;
	v11 =	vand.u32 $0xFFFF0000, v57;
	v19 =	vmul.f32 v19, v13  }
0x1ad: {  	v40 =	vld.idx.msk [tilespmem:v12+s3+$0x0], $0xffff;
	v14 =	vmul.f32 v11, v13  }
0x1ae: {  	[tilespmem:v7+s28+$0x0] =	vst.idx.add.f32.msk $0xffff, v19;
	v15 =	vshll.u32 v58, $0x10  }
0x1af: {  	v11 =	vshrl.u32 v33, $0xE;
	[tilespmem:v7+s9+$0x0] =	vst.idx.add.f32.msk $0xffff, v14;
	v14 =	vmul.f32 v15, v29;
	v15 =	vand.u32 $0xFFFF0000, v58  }
0x1b0: {  	v59 =	vld.idx.msk [tilespmem:v16+s30+$0x0], $0xffff;
	v38 =	vmul.f32 v15, v29  }
0x1b1: {  	v60 =	vshll.u32 v39, $0x10;
	v19 =	vshrl.u32 v34, $0xE;
	v15 =	vand.u32 $0xFFFF0000, v36;
	[tilespmem:v26+s10+$0x0] =	vst.idx.add.f32.msk $0xffff, v14  }
0x1b2: {  	v61 =	vand.u32 $0xFFFF0000, v39;
	v34 =	vmul.f32 v60, v15;
	[tilespmem:v26+s11+$0x0] =	vst.idx.add.f32.msk $0xffff, v38  }
0x1b3: {  	v62 =	vshll.u32 v40, $0x10;
	v14 =	vand.u32 $0xFFFF0000, v37;
	v36 =	vmul.f32 v61, v15;
	v38 =	vld.idx.msk [tilespmem:v27+s30+$0x0], $0xffff  }
0x1b4: {  	v63 =	vand.u32 $0xFFFF0000, v40;
	v37 =	vmul.f32 v62, v14;
	[tilespmem:v11+s28+$0x0] =	vst.idx.add.f32.msk $0xffff, v34  }
0x1b5: {  	v40 =	vmul.f32 v63, v14;
	[tilespmem:v11+s9+$0x0] =	vst.idx.add.f32.msk $0xffff, v36  }
0x1b6: {  	v63 =	vand.u32 $0xFFFF0000, v41;
	[tilespmem:v19+s28+$0x0] =	vst.idx.add.f32.msk $0xffff, v37  }
0x1b7: {  	v25 =	vmul.f32 v63, v25;
	[tilespmem:v19+s9+$0x0] =	vst.idx.add.f32.msk $0xffff, v40  }
0x1b8: {  	v42 =	vshll.u32 v59, $0x10;
	v44 =	vld.idx.msk [tilespmem:v8+s30+$0x0], $0xffff  }
0x1b9: {  	v33 =	vand.u32 $0xFFFF0000, v59;
	v43 =	vmul.f32 v42, v20;
	[tilespmem:v24+s16+$0x0] =	vst.idx.add.f32.msk $0xffff, v25  }
0x1ba: {  	v33 =	vmul.f32 v33, v20;
	v37 =	vld.idx.msk [tilespmem:v9+s30+$0x0], $0xffff  }
0x1bb: {  	[tilespmem:v3+s10+$0x0] =	vst.idx.add.f32.msk $0xffff, v43;
	v45 =	vshll.u32 v38, $0x10  }
0x1bc: {  	v38 =	vand.u32 $0xFFFF0000, v38;
	[tilespmem:v3+s11+$0x0] =	vst.idx.add.f32.msk $0xffff, v33;
	v46 =	vmul.f32 v45, v31  }
0x1bd: {  	v47 =	vmul.f32 v38, v31;
	v52 =	vld.idx.msk [tilespmem:v6+s30+$0x0], $0xffff  }
0x1be: {  	v50 =	vshll.u32 v44, $0x10;
	[tilespmem:v30+s10+$0x0] =	vst.idx.add.f32.msk $0xffff, v46  }
0x1bf: {  	v36 =	vand.u32 $0xFFFF0000, v44;
	v34 =	vmul.f32 v50, v18;
	[tilespmem:v30+s11+$0x0] =	vst.idx.add.f32.msk $0xffff, v47  }
0x1c0: {  	v53 =	vshll.u32 v37, $0x10;
	v36 =	vmul.f32 v36, v18;
	v51 =	vld.idx.msk [tilespmem:v28+s31+$0x0], $0xffff  }
0x1c1: {  	v54 =	vand.u32 $0xFFFF0000, v37;
	v55 =	vmul.f32 v53, v17;
	[tilespmem:v4+s10+$0x0] =	vst.idx.add.f32.msk $0xffff, v34  }
0x1c2: {  	v33 =	vmul.f32 v54, v17;
	[tilespmem:v4+s11+$0x0] =	vst.idx.add.f32.msk $0xffff, v36  }
0x1c3: {  	[tilespmem:v5+s10+$0x0] =	vst.idx.add.f32.msk $0xffff, v55  }
0x1c4: {  	v53 =	vshll.u32 v35, $0x10;
	[tilespmem:v5+s11+$0x0] =	vst.idx.add.f32.msk $0xffff, v33  }
0x1c5: {  	v58 =	vshll.u32 v52, $0x10;
	v55 =	vmul.f32 v53, v23;
	v34 =	vld.idx.msk [tilespmem:v10+s30+$0x0], $0xffff  }
0x1c6: {  	v59 =	vmul.f32 v58, v13;
	v37 =	vld.idx.msk [tilespmem:v12+s30+$0x0], $0xffff;
	v56 =	vshll.u32 v51, $0x10  }
0x1c7: {  	[tilespmem:v22+s15+$0x0] =	vst.idx.add.f32.msk $0xffff, v55;
	v57 =	vand.u32 $0xFFFF0000, v51;
	v33 =	vmul.f32 v56, v29  }
0x1c8: {  	[tilespmem:v7+s10+$0x0] =	vst.idx.add.f32.msk $0xffff, v59;
	v36 =	vmul.f32 v57, v29  }
0x1c9: {  	v54 =	vand.u32 $0xFFFF0000, v35;
	[tilespmem:v26+s13+$0x0] =	vst.idx.add.f32.msk $0xffff, v33  }
0x1ca: {  	v60 =	vand.u32 $0xFFFF0000, v52;
	v23 =	vmul.f32 v54, v23;
	[tilespmem:v26+s14+$0x0] =	vst.idx.add.f32.msk $0xffff, v36  }
0x1cb: {  	v61 =	vmul.f32 v60, v13;
	v62 =	vld.idx.msk [tilespmem:v27+s31+$0x0], $0xffff  }
0x1cc: {  	[tilespmem:v22+s16+$0x0] =	vst.idx.add.f32.msk $0xffff, v23;
	v42 =	vshll.u32 v34, $0x10  }
0x1cd: {  	[tilespmem:v7+s11+$0x0] =	vst.idx.add.f32.msk $0xffff, v61;
	v34 =	vand.u32 $0xFFFF0000, v34;
	v33 =	vmul.f32 v42, v15  }
0x1ce: {  	v43 =	vshll.u32 v37, $0x10;
	v34 =	vmul.f32 v34, v15;
	v36 =	vld.idx.msk [tilespmem:v16+s31+$0x0], $0xffff  }
0x1cf: {  	v45 =	vmul.f32 v43, v14;
	[tilespmem:v11+s10+$0x0] =	vst.idx.add.f32.msk $0xffff, v33  }
0x1d0: {  	[tilespmem:v11+s11+$0x0] =	vst.idx.add.f32.msk $0xffff, v34;
	v46 =	vshll.u32 v62, $0x10  }
0x1d1: {  	[tilespmem:v19+s10+$0x0] =	vst.idx.add.f32.msk $0xffff, v45;
	v48 =	vand.u32 $0xFFFF0000, v62;
	v47 =	vmul.f32 v46, v31  }
0x1d2: {  	v51 =	vld.idx.msk [tilespmem:v8+s31+$0x0], $0xffff;
	v49 =	vmul.f32 v48, v31  }
0x1d3: {  	v44 =	vand.u32 $0xFFFF0000, v37;
	[tilespmem:v30+s13+$0x0] =	vst.idx.add.f32.msk $0xffff, v47  }
0x1d4: {  	v24 =	vmul.f32 v44, v14;
	[tilespmem:v30+s14+$0x0] =	vst.idx.add.f32.msk $0xffff, v49  }
0x1d5: {  	v50 =	vshll.u32 v36, $0x10;
	v25 =	vld.idx.msk [tilespmem:v28+s0+$0x0], $0xffff  }
0x1d6: {  	[tilespmem:v19+s11+$0x0] =	vst.idx.add.f32.msk $0xffff, v24;
	v24 =	vmul.f32 v50, v20;
	v28 =	vand.u32 $0xFFFF0000, v36  }
0x1d7: {  	v52 =	vld.idx.msk [tilespmem:v9+s31+$0x0], $0xffff;
	v23 =	vshll.u32 v51, $0x10;
	v28 =	vmul.f32 v28, v20  }
0x1d8: {  	[tilespmem:v3+s13+$0x0] =	vst.idx.add.f32.msk $0xffff, v24;
	v23 =	vmul.f32 v23, v18  }
0x1d9: {  	[tilespmem:v3+s14+$0x0] =	vst.idx.add.f32.msk $0xffff, v28;
	v28 =	vshll.u32 v32, $0x10  }
0x1da: {  	[tilespmem:v4+s13+$0x0] =	vst.idx.add.f32.msk $0xffff, v23;
	v28 =	vmul.f32 v28, v21;
	v57 =	vshll.u32 v25, $0x10  }
0x1db: {  	v56 =	vld.idx.msk [tilespmem:v6+s31+$0x0], $0xffff;
	v25 =	vand.u32 $0xFFFF0000, v25;
	v58 =	vmul.f32 v57, v29  }
0x1dc: {  	v22 =	vmul.f32 v25, v29;
	[tilespmem:v2+s15+$0x0] =	vst.idx.add.f32.msk $0xffff, v28  }
0x1dd: {  	v59 =	vand.u32 $0xFFFF0000, v51;
	[tilespmem:v26+s15+$0x0] =	vst.idx.add.f32.msk $0xffff, v58  }
0x1de: {  	v25 =	vmul.f32 v59, v18;
	[tilespmem:v26+s16+$0x0] =	vst.idx.add.f32.msk $0xffff, v22;
	v22 =	vshll.u32 v52, $0x10  }
0x1df: {  	v26 =	vld.idx.msk [tilespmem:v27+s0+$0x0], $0xffff;
	v27 =	vand.u32 $0xFFFF0000, v52;
	v22 =	vmul.f32 v22, v17  }
0x1e0: {  	[tilespmem:v4+s14+$0x0] =	vst.idx.add.f32.msk $0xffff, v25;
	v23 =	vmul.f32 v27, v17  }
0x1e1: {  	[tilespmem:v5+s13+$0x0] =	vst.idx.add.f32.msk $0xffff, v22  }
0x1e2: {  	v22 =	vshll.u32 v56, $0x10;
	[tilespmem:v5+s14+$0x0] =	vst.idx.add.f32.msk $0xffff, v23  }
0x1e3: {  	v24 =	vand.u32 $0xFFFF0000, v56;
	v60 =	vmul.f32 v22, v13;
	v23 =	vld.idx.msk [tilespmem:v10+s31+$0x0], $0xffff  }
0x1e4: {  	v24 =	vmul.f32 v24, v13;
	v22 =	vld.idx.msk [tilespmem:v12+s31+$0x0], $0xffff;
	v27 =	vshll.u32 v26, $0x10  }
0x1e5: {  	[tilespmem:v7+s13+$0x0] =	vst.idx.add.f32.msk $0xffff, v60;
	v26 =	vand.u32 $0xFFFF0000, v26;
	v61 =	vmul.f32 v27, v31  }
0x1e6: {  	[tilespmem:v7+s14+$0x0] =	vst.idx.add.f32.msk $0xffff, v24;
	v62 =	vmul.f32 v26, v31  }
0x1e7: {  	v63 =	vand.u32 $0xFFFF0000, v32;
	[tilespmem:v30+s15+$0x0] =	vst.idx.add.f32.msk $0xffff, v61  }
0x1e8: {  	v28 =	vmul.f32 v63, v21;
	[tilespmem:v30+s16+$0x0] =	vst.idx.add.f32.msk $0xffff, v62  }
.LBB2_13:
0x1e9: {  	s21 =	sadd.s32 $0x40, s21;
	v16 =	vld.idx.msk [tilespmem:v16+s0+$0x0], $0xffff;
	v21 =	vshll.u32 v23, $0x10;
	v23 =	vand.u32 $0xFFFF0000, v23  }
0x1ea: {  	v24 =	vshll.u32 v22, $0x10;
	v22 =	vand.u32 $0xFFFF0000, v22;
	s1 =	sand.u32 $0x1C0, s21;
	p0 =	slt.u32 s21, $0x1C0;
	v21 =	vmul.f32 v21, v15;
	[tilespmem:v2+s16+$0x0] =	vst.idx.add.f32.msk $0xffff, v28;
	v2 =	vmovc v19  }
0x1eb: {  	v23 =	vmul.f32 v23, v15;
	v24 =	vmul.f32 v24, v14;
	v28 =	vld [tilespmem:s1+$0x1DC00]  }
0x1ec: {  	[tilespmem:v11+s13+$0x0] =	vst.idx.add.f32.msk $0xffff, v21;
	v21 =	vmul.f32 v22, v14  }
0x1ed: {  	[tilespmem:v11+s14+$0x0] =	vst.idx.add.f32.msk $0xffff, v23  }
0x1ee: {  	[tilespmem:v19+s13+$0x0] =	vst.idx.add.f32.msk $0xffff, v24  }
0x1ef: {  	v19 =	vshll.u32 v16, $0x10;
	v16 =	vand.u32 $0xFFFF0000, v16;
	[tilespmem:v2+s14+$0x0] =	vst.idx.add.f32.msk $0xffff, v21  }
0x1f0: {  	v19 =	vmul.f32 v19, v20;
	v20 =	vmul.f32 v16, v20;
	v8 =	vld.idx.msk [tilespmem:v8+s0+$0x0], $0xffff  }
0x1f1: {  	v9 =	vld.idx.msk [tilespmem:v9+s0+$0x0], $0xffff  }
0x1f2: {  	s22 =	sadd.s32 $0x40, s22;
	[tilespmem:v3+s15+$0x0] =	vst.idx.add.f32.msk $0xffff, v19  }
0x1f3: {  	v23 =	vld [tilespmem:s22+$0x30]  }
0x1f4: {  	v19 =	vld [tilespmem:s22+$0x0]  }
0x1f5: {  	v21 =	vld [tilespmem:s22+$0x10]  }
0x1f6: {  	v16 =	vshll.u32 v8, $0x10;
	v8 =	vand.u32 $0xFFFF0000, v8;
	v24 =	vld [tilespmem:s22+$0x20]  }
0x1f7: {  	v26 =	vmul.f32 v16, v18;
	v16 =	vshll.u32 v9, $0x10;
	v9 =	vand.u32 $0xFFFF0000, v9;
	v25 =	vld [tilespmem:s22+$0x210]  }
0x1f8: {  	v18 =	vmul.f32 v8, v18;
	v29 =	vmul.f32 v16, v17;
	v27 =	vld [tilespmem:s22+$0x220];
	v22 =	vand.u32 $0x3FFF, v23  }
0x1f9: {  	v30 =	vmul.f32 v9, v17;
	v16 =	vand.u32 $0x3FFF, v19;
	[tilespmem:v3+s16+$0x0] =	vst.idx.add.f32.msk $0xffff, v20;
	v3 =	vshrl.u32 v19, $0xE  }
0x1fa: {  	v17 =	vshrl.u32 v21, $0xE;
	v8 =	vand.u32 $0x3FFF, v21;
	[tilespmem:v4+s15+$0x0] =	vst.idx.add.f32.msk $0xffff, v26  }
0x1fb: {  	s23 =	sadd.s32 $0x40, s23;
	v31 =	vshrl.u32 v24, $0xE;
	v9 =	vand.u32 $0x3FFF, v24;
	[tilespmem:v4+s16+$0x0] =	vst.idx.add.f32.msk $0xffff, v18;
	v4 =	vmov v17  }
0x1fc: {  	v21 =	vshrl.u32 v25, $0xE;
	v32 =	vand.u32 $0x3FFF, v25;
	v33 =	vld [tilespmem:s23+$0x10]  }
0x1fd: {  	v19 =	vshrl.u32 v27, $0xE;
	v34 =	vand.u32 $0x3FFF, v27;
	v17 =	vld.idx.msk [tilespmem:v22+s3+$0x0], $0xffff  }
0x1fe: {  	v26 =	vld [tilespmem:s22+$0x230]  }
0x1ff: {  	v18 =	vld.idx.msk [tilespmem:v16+s3+$0x0], $0xffff  }
0x200: {  	v20 =	vld.idx.msk [tilespmem:v8+s3+$0x0], $0xffff  }
0x201: {  	v23 =	vshrl.u32 v23, $0xE;
	v27 =	vld.idx.msk [tilespmem:v9+s3+$0x0], $0xffff  }
0x202: {  	v35 =	vld [tilespmem:s23+$0xFFFFFFE0]  }
0x203: {  	v25 =	vshll.u32 v33, $0x10;
	v37 =	vshll.u32 v17, $0x10;
	v36 =	vld [tilespmem:s23+$0xFFFFFFF0];
	v24 =	vand.u32 $0x3FFF, v26  }
0x204: {  	v17 =	vand.u32 $0xFFFF0000, v17;
	v37 =	vmul.f32 v37, v25;
	v38 =	vld [tilespmem:s23+$0x0]  }
0x205: {  	v17 =	vmul.f32 v17, v25;
	v39 =	vshll.u32 v18, $0x10;
	v18 =	vand.u32 $0xFFFF0000, v18;
	[tilespmem:v5+s15+$0x0] =	vst.idx.add.f32.msk $0xffff, v29  }
0x206: {  	v29 =	vshll.u32 v20, $0x10;
	v40 =	vand.u32 $0xFFFF0000, v20;
	[tilespmem:v23+s28+$0x0] =	vst.idx.add.f32.msk $0xffff, v37  }
0x207: {  	v37 =	vshll.u32 v27, $0x10;
	v27 =	vand.u32 $0xFFFF0000, v27;
	v20 =	vshll.u32 v35, $0x10;
	[tilespmem:v23+s9+$0x0] =	vst.idx.add.f32.msk $0xffff, v17  }
0x208: {  	v39 =	vmul.f32 v39, v20;
	v41 =	vmul.f32 v18, v20;
	v18 =	vshll.u32 v36, $0x10;
	v42 =	vld.idx.msk [tilespmem:v24+s3+$0x0], $0xffff  }
0x209: {  	v29 =	vmul.f32 v29, v18;
	v40 =	vmul.f32 v40, v18;
	v17 =	vshll.u32 v38, $0x10;
	[tilespmem:v5+s16+$0x0] =	vst.idx.add.f32.msk $0xffff, v30  }
0x20a: {  	v30 =	vand.u32 $0xFFFF0000, v35;
	[tilespmem:v3+s28+$0x0] =	vst.idx.add.f32.msk $0xffff, v39;
	v35 =	vmul.f32 v37, v17;
	v37 =	vmul.f32 v27, v17  }
0x20b: {  	v36 =	vand.u32 $0xFFFF0000, v36;
	v38 =	vand.u32 $0xFFFF0000, v38;
	v5 =	vmovc v31;
	v39 =	vand.u32 $0x3FFF, v28;
	[tilespmem:v3+s9+$0x0] =	vst.idx.add.f32.msk $0xffff, v41  }
0x20c: {  	v26 =	vshrl.u32 v26, $0xE;
	[tilespmem:v4+s28+$0x0] =	vst.idx.add.f32.msk $0xffff, v29  }
0x20d: {  	[tilespmem:v4+s9+$0x0] =	vst.idx.add.f32.msk $0xffff, v40  }
0x20e: {  	v27 =	vand.u32 $0xFFFF0000, v33;
	v29 =	vshll.u32 v42, $0x10;
	[tilespmem:v31+s28+$0x0] =	vst.idx.add.f32.msk $0xffff, v35  }
0x20f: {  	v29 =	vmul.f32 v29, v27;
	[tilespmem:v31+s9+$0x0] =	vst.idx.add.f32.msk $0xffff, v37;
	v31 =	vand.u32 $0xFFFF0000, v42  }
0x210: {  	v33 =	vld.idx.msk [tilespmem:v39+s3+$0x0], $0xffff;
	v31 =	vmul.f32 v31, v27  }
0x211: {  	[tilespmem:v26+s28+$0x0] =	vst.idx.add.f32.msk $0xffff, v29  }
0x212: {  	[tilespmem:v26+s9+$0x0] =	vst.idx.add.f32.msk $0xffff, v31  }
0x213: {  	v31 =	vld.idx.msk [tilespmem:v22+s30+$0x0], $0xffff  }
0x214: {  	v29 =	vshrl.u32 v28, $0xE;
	v28 =	vld.idx.msk [tilespmem:v32+s3+$0x0], $0xffff  }
0x215: {  	v35 =	vld.idx.msk [tilespmem:v34+s3+$0x0], $0xffff  }
0x216: {  	v37 =	vshll.u32 v33, $0x10;
	v33 =	vand.u32 $0xFFFF0000, v33;
	v40 =	vld.idx.msk [tilespmem:v6+s0+$0x0], $0xffff;
	v6 =	vmov v39  }
0x217: {  	v37 =	vmul.f32 v37, v30;
	v33 =	vmul.f32 v33, v30;
	v39 =	vld.idx.msk [tilespmem:v10+s0+$0x0], $0xffff;
	v10 =	vmov v32  }
0x218: {  	v32 =	vld.idx.msk [tilespmem:v12+s0+$0x0], $0xffff;
	v12 =	vmov v34  }
0x219: {  	v34 =	vshll.u32 v31, $0x10;
	[tilespmem:v29+s28+$0x0] =	vst.idx.add.f32.msk $0xffff, v37  }
0x21a: {  	v31 =	vand.u32 $0xFFFF0000, v31;
	v34 =	vmul.f32 v34, v25;
	[tilespmem:v29+s9+$0x0] =	vst.idx.add.f32.msk $0xffff, v33;
	v33 =	vshll.u32 v28, $0x10  }
0x21b: {  	v31 =	vmul.f32 v31, v25;
	v28 =	vand.u32 $0xFFFF0000, v28;
	v41 =	vshll.u32 v35, $0x10;
	v37 =	vld.idx.msk [tilespmem:v16+s30+$0x0], $0xffff  }
0x21c: {  	v35 =	vand.u32 $0xFFFF0000, v35;
	v33 =	vmul.f32 v33, v36;
	v28 =	vmul.f32 v28, v36;
	[tilespmem:v23+s10+$0x0] =	vst.idx.add.f32.msk $0xffff, v34  }
0x21d: {  	v35 =	vmul.f32 v35, v38;
	v34 =	vmul.f32 v41, v38;
	[tilespmem:v23+s11+$0x0] =	vst.idx.add.f32.msk $0xffff, v31;
	v31 =	vshll.u32 v40, $0x10  }
0x21e: {  	v42 =	vshll.u32 v39, $0x10;
	v39 =	vand.u32 $0xFFFF0000, v39;
	v40 =	vand.u32 $0xFFFF0000, v40;
	v41 =	vld.idx.msk [tilespmem:v24+s30+$0x0], $0xffff  }
0x21f: {  	v31 =	vmul.f32 v31, v13;
	[tilespmem:v21+s28+$0x0] =	vst.idx.add.f32.msk $0xffff, v33;
	v33 =	vshll.u32 v32, $0x10;
	v32 =	vand.u32 $0xFFFF0000, v32  }
0x220: {  	v42 =	vmul.f32 v42, v15;
	v40 =	vmul.f32 v40, v13;
	v13 =	vmov v30;
	[tilespmem:v21+s9+$0x0] =	vst.idx.add.f32.msk $0xffff, v28  }
0x221: {  	v28 =	vshll.u32 v37, $0x10;
	v30 =	vand.u32 $0xFFFF0000, v37;
	[tilespmem:v19+s28+$0x0] =	vst.idx.add.f32.msk $0xffff, v34;
	v34 =	vmul.f32 v39, v15;
	v15 =	vmovc v36  }
0x222: {  	v36 =	vmul.f32 v28, v20;
	v30 =	vmul.f32 v30, v20;
	[tilespmem:v19+s9+$0x0] =	vst.idx.add.f32.msk $0xffff, v35  }
0x223: {  	v33 =	vmul.f32 v33, v14;
	v28 =	vmul.f32 v32, v14;
	v14 =	vmov v38;
	v35 =	vld.idx.msk [tilespmem:v8+s30+$0x0], $0xffff  }
0x224: {  	v37 =	vshll.u32 v41, $0x10;
	v32 =	vld.idx.msk [tilespmem:v9+s30+$0x0], $0xffff  }
0x225: {  	[tilespmem:v3+s10+$0x0] =	vst.idx.add.f32.msk $0xffff, v36;
	v36 =	vmul.f32 v37, v27;
	v37 =	vand.u32 $0xFFFF0000, v41  }
0x226: {  	[tilespmem:v3+s11+$0x0] =	vst.idx.add.f32.msk $0xffff, v30;
	v30 =	vmul.f32 v37, v27  }
0x227: {  	[tilespmem:v26+s10+$0x0] =	vst.idx.add.f32.msk $0xffff, v36  }
0x228: {  	[tilespmem:v26+s11+$0x0] =	vst.idx.add.f32.msk $0xffff, v30  }
0x229: {  	v30 =	vshll.u32 v35, $0x10;
	v35 =	vand.u32 $0xFFFF0000, v35;
	v36 =	vld.idx.msk [tilespmem:v22+s31+$0x0], $0xffff  }
0x22a: {  	v30 =	vmul.f32 v30, v18;
	v38 =	vshll.u32 v32, $0x10;
	v32 =	vand.u32 $0xFFFF0000, v32;
	v37 =	vld.idx.msk [tilespmem:v6+s30+$0x0], $0xffff  }
0x22b: {  	v35 =	vmul.f32 v35, v18;
	v38 =	vmul.f32 v38, v17;
	[tilespmem:v7+s15+$0x0] =	vst.idx.add.f32.msk $0xffff, v31  }
0x22c: {  	[tilespmem:v4+s10+$0x0] =	vst.idx.add.f32.msk $0xffff, v30;
	v30 =	vmul.f32 v32, v17  }
0x22d: {  	[tilespmem:v4+s11+$0x0] =	vst.idx.add.f32.msk $0xffff, v35  }
0x22e: {  	[tilespmem:v5+s10+$0x0] =	vst.idx.add.f32.msk $0xffff, v38  }
0x22f: {  	[tilespmem:v5+s11+$0x0] =	vst.idx.add.f32.msk $0xffff, v30;
	v30 =	vshll.u32 v36, $0x10  }
0x230: {  	v35 =	vand.u32 $0xFFFF0000, v36;
	v31 =	vshll.u32 v37, $0x10;
	v32 =	vld.idx.msk [tilespmem:v10+s30+$0x0], $0xffff;
	v30 =	vmul.f32 v30, v25  }
0x231: {  	v36 =	vand.u32 $0xFFFF0000, v37;
	v35 =	vmul.f32 v35, v25;
	v31 =	vmul.f32 v31, v13;
	v37 =	vld.idx.msk [tilespmem:v12+s30+$0x0], $0xffff  }
0x232: {  	v36 =	vmul.f32 v36, v13;
	[tilespmem:v23+s13+$0x0] =	vst.idx.add.f32.msk $0xffff, v30  }
0x233: {  	[tilespmem:v23+s14+$0x0] =	vst.idx.add.f32.msk $0xffff, v35  }
0x234: {  	v30 =	vld.idx.msk [tilespmem:v24+s31+$0x0], $0xffff  }
0x235: {  	[tilespmem:v29+s10+$0x0] =	vst.idx.add.f32.msk $0xffff, v31  }
0x236: {  	v31 =	vshll.u32 v32, $0x10;
	v32 =	vand.u32 $0xFFFF0000, v32;
	[tilespmem:v29+s11+$0x0] =	vst.idx.add.f32.msk $0xffff, v36  }
0x237: {  	v31 =	vmul.f32 v31, v15;
	v36 =	vshll.u32 v37, $0x10;
	v37 =	vand.u32 $0xFFFF0000, v37;
	v35 =	vld.idx.msk [tilespmem:v16+s31+$0x0], $0xffff  }
0x238: {  	v32 =	vmul.f32 v32, v15;
	v36 =	vmul.f32 v36, v14;
	[tilespmem:v7+s16+$0x0] =	vst.idx.add.f32.msk $0xffff, v40;
	v7 =	vmov v29  }
0x239: {  	v29 =	vmul.f32 v37, v14;
	[tilespmem:v21+s10+$0x0] =	vst.idx.add.f32.msk $0xffff, v31  }
0x23a: {  	v31 =	vshll.u32 v30, $0x10;
	[tilespmem:v21+s11+$0x0] =	vst.idx.add.f32.msk $0xffff, v32  }
0x23b: {  	v30 =	vand.u32 $0xFFFF0000, v30;
	v31 =	vmul.f32 v31, v27;
	[tilespmem:v19+s10+$0x0] =	vst.idx.add.f32.msk $0xffff, v36  }
0x23c: {  	[tilespmem:v19+s11+$0x0] =	vst.idx.add.f32.msk $0xffff, v29;
	v29 =	vmul.f32 v30, v27  }
0x23d: {  	v30 =	vshll.u32 v35, $0x10;
	v32 =	vand.u32 $0xFFFF0000, v35;
	[tilespmem:v26+s13+$0x0] =	vst.idx.add.f32.msk $0xffff, v31  }
0x23e: {  	v30 =	vmul.f32 v30, v20;
	v31 =	vmul.f32 v32, v20;
	[tilespmem:v26+s14+$0x0] =	vst.idx.add.f32.msk $0xffff, v29  }
0x23f: {  	v22 =	vld.idx.msk [tilespmem:v22+s0+$0x0], $0xffff  }
0x240: {  	v29 =	vld.idx.msk [tilespmem:v8+s31+$0x0], $0xffff  }
0x241: {  	v32 =	vld.idx.msk [tilespmem:v9+s31+$0x0], $0xffff  }
0x242: {  	[tilespmem:v3+s13+$0x0] =	vst.idx.add.f32.msk $0xffff, v30  }
0x243: {  	[tilespmem:v3+s14+$0x0] =	vst.idx.add.f32.msk $0xffff, v31  }
0x244: {  	v30 =	vld.idx.msk [tilespmem:v6+s31+$0x0], $0xffff  }
0x245: {  	v31 =	vshll.u32 v22, $0x10;
	[tilespmem:v11+s15+$0x0] =	vst.idx.add.f32.msk $0xffff, v42  }
0x246: {  	v22 =	vand.u32 $0xFFFF0000, v22;
	v35 =	vshll.u32 v29, $0x10;
	v31 =	vmul.f32 v31, v25;
	[tilespmem:v11+s16+$0x0] =	vst.idx.add.f32.msk $0xffff, v34;
	v11 =	vmovc v21  }
0x247: {  	v22 =	vmul.f32 v22, v25;
	v21 =	vand.u32 $0xFFFF0000, v29;
	v29 =	vshll.u32 v32, $0x10;
	[tilespmem:v2+s15+$0x0] =	vst.idx.add.f32.msk $0xffff, v33  }
0x248: {  	v25 =	vmul.f32 v35, v18;
	v32 =	vand.u32 $0xFFFF0000, v32;
	v21 =	vmul.f32 v21, v18;
	[tilespmem:v23+s15+$0x0] =	vst.idx.add.f32.msk $0xffff, v31  }
0x249: {  	v29 =	vmul.f32 v29, v17;
	v31 =	vmul.f32 v32, v17;
	[tilespmem:v23+s16+$0x0] =	vst.idx.add.f32.msk $0xffff, v22  }
0x24a: {  	v22 =	vshll.u32 v30, $0x10;
	v23 =	vand.u32 $0xFFFF0000, v30;
	v24 =	vld.idx.msk [tilespmem:v24+s0+$0x0], $0xffff  }
0x24b: {  	v30 =	vmul.f32 v22, v13;
	v32 =	vmul.f32 v23, v13;
	[tilespmem:v4+s13+$0x0] =	vst.idx.add.f32.msk $0xffff, v25  }
0x24c: {  	[tilespmem:v4+s14+$0x0] =	vst.idx.add.f32.msk $0xffff, v21  }
0x24d: {  	[tilespmem:v5+s13+$0x0] =	vst.idx.add.f32.msk $0xffff, v29  }
0x24e: {  	[tilespmem:v5+s14+$0x0] =	vst.idx.add.f32.msk $0xffff, v31  }
0x24f: {  	v23 =	vld.idx.msk [tilespmem:v10+s31+$0x0], $0xffff  }
.Ltmp9:
0x250: {  	v21 =	vshll.u32 v24, $0x10;
	v22 =	vld.idx.msk [tilespmem:v12+s31+$0x0], $0xffff;
	(pc) =	sbr.rel @p0 .LBB2_13-.Ltmp9, $4  }
0x251: {  	v24 =	vand.u32 $0xFFFF0000, v24;
	v21 =	vmul.f32 v21, v27;
	[tilespmem:v7+s13+$0x0] =	vst.idx.add.f32.msk $0xffff, v30  }
0x252: {  	v24 =	vmul.f32 v24, v27;
	[tilespmem:v7+s14+$0x0] =	vst.idx.add.f32.msk $0xffff, v32  }
0x253: {  	[tilespmem:v26+s15+$0x0] =	vst.idx.add.f32.msk $0xffff, v21  }
0x254: {  	[tilespmem:v26+s16+$0x0] =	vst.idx.add.f32.msk $0xffff, v24  }
0x255: {  	_ =	sdelay $0x1  }
0x256: {  	v21 =	vshll.u32 v23, $0x10  }
0x257: {  	v23 =	vand.u32 $0xFFFF0000, v23;
	v21 =	vmul.f32 v21, v15  }
0x258: {  	v16 =	vld.idx.msk [tilespmem:v16+s0+$0x0], $0xffff;
	v23 =	vmul.f32 v23, v15  }
0x259: {  	v24 =	vshll.u32 v22, $0x10;
	[tilespmem:v11+s13+$0x0] =	vst.idx.add.f32.msk $0xffff, v21  }
0x25a: {  	v21 =	vand.u32 $0xFFFF0000, v22;
	v22 =	vmul.f32 v24, v14;
	[tilespmem:v11+s14+$0x0] =	vst.idx.add.f32.msk $0xffff, v23  }
0x25b: {  	v21 =	vmul.f32 v21, v14;
	v8 =	vld.idx.msk [tilespmem:v8+s0+$0x0], $0xffff  }
0x25c: {  	[tilespmem:v19+s13+$0x0] =	vst.idx.add.f32.msk $0xffff, v22  }
0x25d: {  	[tilespmem:v19+s14+$0x0] =	vst.idx.add.f32.msk $0xffff, v21  }
0x25e: {  	v21 =	vshll.u32 v16, $0x10;
	v9 =	vld.idx.msk [tilespmem:v9+s0+$0x0], $0xffff  }
0x25f: {  	v16 =	vand.u32 $0xFFFF0000, v16;
	v21 =	vmul.f32 v21, v20  }
0x260: {  	v16 =	vmul.f32 v16, v20  }
0x261: {  	[tilespmem:v3+s15+$0x0] =	vst.idx.add.f32.msk $0xffff, v21;
	v20 =	vshll.u32 v8, $0x10  }
0x262: {  	v8 =	vand.u32 $0xFFFF0000, v8;
	[tilespmem:v3+s16+$0x0] =	vst.idx.add.f32.msk $0xffff, v16;
	v20 =	vmul.f32 v20, v18  }
0x263: {  	v8 =	vmul.f32 v8, v18;
	v6 =	vld.idx.msk [tilespmem:v6+s0+$0x0], $0xffff;
	v3 =	vshll.u32 v9, $0x10  }
0x264: {  	[tilespmem:v4+s15+$0x0] =	vst.idx.add.f32.msk $0xffff, v20;
	v3 =	vmul.f32 v3, v17  }
0x265: {  	[tilespmem:v4+s16+$0x0] =	vst.idx.add.f32.msk $0xffff, v8;
	v4 =	vand.u32 $0xFFFF0000, v9  }
0x266: {  	v4 =	vmul.f32 v4, v17;
	[tilespmem:v5+s15+$0x0] =	vst.idx.add.f32.msk $0xffff, v3  }
0x267: {  	v3 =	vld.idx.msk [tilespmem:v10+s0+$0x0], $0xffff  }
0x268: {  	[tilespmem:v5+s16+$0x0] =	vst.idx.add.f32.msk $0xffff, v4  }
0x269: {  	v4 =	vld.idx.msk [tilespmem:v12+s0+$0x0], $0xffff  }
0x26a: {  	v5 =	vshll.u32 v6, $0x10  }
0x26b: {  	v6 =	vand.u32 $0xFFFF0000, v6;
	v5 =	vmul.f32 v5, v13  }
0x26c: {  	[tilespmem:v2+s16+$0x0] =	vst.idx.add.f32.msk $0xffff, v28;
	v6 =	vmul.f32 v6, v13;
	v2 =	vshll.u32 v3, $0x10  }
0x26d: {  	v3 =	vand.u32 $0xFFFF0000, v3;
	[tilespmem:v7+s15+$0x0] =	vst.idx.add.f32.msk $0xffff, v5;
	v2 =	vmul.f32 v2, v15  }
0x26e: {  	s21 =	sshll.u32 s20, $0x1;
	p0 =	seq.s32 s20, $0x4E;
	v3 =	vmul.f32 v3, v15;
	[tilespmem:v7+s16+$0x0] =	vst.idx.add.f32.msk $0xffff, v6;
	v5 =	vshll.u32 v4, $0x10  }
0x26f: {  	s1 =	sadd.s32 @!p0 $0x2, s21;
	v4 =	vand.u32 $0xFFFF0000, v4;
	[tilespmem:v11+s15+$0x0] =	vst.idx.add.f32.msk $0xffff, v2;
	v5 =	vmul.f32 v5, v14  }
0x270: {  	s4 =	sadd.s32 @!p0 s6, s1;
	v2 =	vmul.f32 v4, v14;
	[tilespmem:v11+s16+$0x0] =	vst.idx.add.f32.msk $0xffff, v3  }
0x271: {  	s7 =	simm.s32 @!p0 $0x0;
	s1 =	sshll.u32 @!p0 s1, $0x9;
	s4 =	sshll.u32 @!p0 s4, $0x7;
	[tilespmem:v19+s15+$0x0] =	vst.idx.add.f32.msk $0xffff, v5  }
0x272: {  	s12 =	simm.s32 @!p0 $0x1DA00;
	s1 =	sand.u32 @!p0 $0x3FFFFE00, s1;
	s4 =	sadd.s32 @!p0 s5, s4;
	[tilespmem:v19+s16+$0x0] =	vst.idx.add.f32.msk $0xffff, v2  }
0x273: {  	[tilespmem:s12], [sflag:$0x1] =	stream.linear.gather @!p0 [hbm4b:s4+s7], $0x400, $0x38;
	[tilespmem:$0x1FBC0] =	vst v63  }
0x274: {  	s1 =	sadd.s32 @!p0 s1, s2;
	s4 =	simm.s32 @!p0 $0x1E200  }
0x275: {  	[tilespmem:s4], [sflag:$0x2] =	stream.linear.gather @!p0 [spmem:s1], $0x200, $0x38;
	[tilespmem:$0x1FBC0] =	vst v63  }
0x276: {  	_ =	swait.ge [sflag:s17], $0x400  }
0x277: {  	[sflag:s17] =	ssyncset.done $0x0  }
0x278: {  	[sflag:s17] =	ssyncadd.s32 $0xFFFFFC00  }
0x279: {  	_ =	swait.ge [sflag:s18], $0x200  }
0x27a: {  	[sflag:s18] =	ssyncset.done $0x0  }
0x27b: {  	s12 =	simm.s32 $0x1DE00;
	[sflag:s18] =	ssyncadd.s32 $0xFFFFFE00  }
0x27c: {  	v2 =	vld [tilespmem:s12+$0x30];
	_ =	sdelay $0x3  }
0x27d: {  	v3 =	vld [tilespmem:s12+$0x0]  }
0x27e: {  	s22 =	simm.s32 $0x1E420;
	v6 =	vld [tilespmem:s12+$0x10];
	v18 =	vand.u32 $0x3FFF, v2  }
0x27f: {  	s23 =	simm.s32 $0x0;
	v7 =	vld [tilespmem:s22+$0x10]  }
0x280: {  	s7 =	sand.u32 $0x1C0, s23;
	v14 =	vld [tilespmem:s12+$0x230]  }
0x281: {  	v21 =	vld [tilespmem:s7+$0x1E000]  }
0x282: {  	v15 =	vld [tilespmem:s12+$0x20]  }
0x283: {  	v5 =	vld.idx.msk [tilespmem:v18+s3+$0x0], $0xffff  }
0x284: {  	v22 =	vld [tilespmem:s12+$0x210];
	v8 =	vand.u32 $0x3FFF, v3  }
0x285: {  	v25 =	vld [tilespmem:s22+$0xFFFFFFE0];
	v4 =	vand.u32 $0x3FFF, v6  }
0x286: {  	v26 =	vld [tilespmem:s22+$0xFFFFFFF0];
	v13 =	vshrl.u32 v2, $0xE  }
0x287: {  	v27 =	vld [tilespmem:s12+$0x220]  }
0x288: {  	v29 =	vld [tilespmem:s22+$0x0];
	v19 =	vshll.u32 v7, $0x10;
	v16 =	vand.u32 $0x3FFF, v14;
	v9 =	vshll.u32 v5, $0x10  }
0x289: {  	v2 =	vld.idx.msk [tilespmem:v8+s3+$0x0], $0xffff;
	v5 =	vand.u32 $0xFFFF0000, v5;
	v10 =	vmul.f32 v9, v19  }
0x28a: {  	v23 =	vld.idx.msk [tilespmem:v4+s3+$0x0], $0xffff;
	v11 =	vmul.f32 v5, v19  }
0x28b: {  	v9 =	vand.u32 $0x3FFF, v15;
	[tilespmem:v13+s28+$0x0] =	vst.idx.add.f32.msk $0xffff, v10  }
0x28c: {  	v5 =	vshrl.u32 v3, $0xE;
	[tilespmem:v13+s9+$0x0] =	vst.idx.add.f32.msk $0xffff, v11  }
0x28d: {  	s23 =	simm.s32 $0x1DE40;
	v3 =	vshrl.u32 v6, $0xE;
	v6 =	vld.idx.msk [tilespmem:v16+s3+$0x0], $0xffff  }
0x28e: {  	v33 =	vld [tilespmem:s23+$0x210];
	v12 =	vand.u32 $0x3FFF, v21;
	v10 =	vshll.u32 v25, $0x10;
	v11 =	vshll.u32 v2, $0x10  }
0x28f: {  	v34 =	vld [tilespmem:s23+$0x220];
	v17 =	vshrl.u32 v14, $0xE;
	v2 =	vand.u32 $0xFFFF0000, v2;
	v28 =	vmul.f32 v11, v10  }
0x290: {  	v20 =	vshll.u32 v23, $0x10;
	v2 =	vmul.f32 v2, v10;
	v11 =	vshll.u32 v26, $0x10;
	v38 =	vld.idx.msk [tilespmem:v9+s3+$0x0], $0xffff  }
0x291: {  	v14 =	vmul.f32 v20, v11;
	[tilespmem:v5+s28+$0x0] =	vst.idx.add.f32.msk $0xffff, v28  }
0x292: {  	v20 =	vand.u32 $0xFFFF0000, v7;
	[tilespmem:v5+s9+$0x0] =	vst.idx.add.f32.msk $0xffff, v2;
	v2 =	vshll.u32 v6, $0x10  }
0x293: {  	[tilespmem:v3+s28+$0x0] =	vst.idx.add.f32.msk $0xffff, v14;
	v7 =	vand.u32 $0xFFFF0000, v6;
	v2 =	vmul.f32 v2, v20  }
0x294: {  	v14 =	vand.u32 $0x3FFF, v22;
	v28 =	vld.idx.msk [tilespmem:v12+s3+$0x0], $0xffff;
	v6 =	vshrl.u32 v15, $0xE;
	v15 =	vmul.f32 v7, v20  }
0x295: {  	v7 =	vand.u32 $0xFFFF0000, v23;
	[tilespmem:v17+s28+$0x0] =	vst.idx.add.f32.msk $0xffff, v2  }
0x296: {  	v24 =	vand.u32 $0xFFFF0000, v38;
	v23 =	vmul.f32 v7, v11;
	[tilespmem:v17+s9+$0x0] =	vst.idx.add.f32.msk $0xffff, v15  }
0x297: {  	v7 =	vshll.u32 v29, $0x10;
	v2 =	vshll.u32 v38, $0x10;
	v15 =	vand.u32 $0x3FFF, v27;
	v30 =	vld.idx.msk [tilespmem:v18+s30+$0x0], $0xffff  }
0x298: {  	v31 =	vmul.f32 v24, v7;
	v24 =	vshrl.u32 v21, $0xE;
	v2 =	vmul.f32 v2, v7;
	[tilespmem:v3+s9+$0x0] =	vst.idx.add.f32.msk $0xffff, v23  }
0x299: {  	v21 =	vld.idx.msk [tilespmem:v14+s3+$0x0], $0xffff  }
0x29a: {  	v25 =	vand.u32 $0xFFFF0000, v25;
	[tilespmem:v6+s28+$0x0] =	vst.idx.add.f32.msk $0xffff, v2;
	v2 =	vshll.u32 v28, $0x10  }
0x29b: {  	v23 =	vand.u32 $0xFFFF0000, v28;
	[tilespmem:v6+s9+$0x0] =	vst.idx.add.f32.msk $0xffff, v31;
	v2 =	vmul.f32 v2, v25  }
0x29c: {  	v23 =	vmul.f32 v23, v25;
	v28 =	vld.idx.msk [tilespmem:v15+s3+$0x0], $0xffff;
	v31 =	vshll.u32 v30, $0x10  }
0x29d: {  	[tilespmem:v24+s28+$0x0] =	vst.idx.add.f32.msk $0xffff, v2;
	v2 =	vmul.f32 v31, v19  }
0x29e: {  	v22 =	vshrl.u32 v22, $0xE;
	v30 =	vand.u32 $0xFFFF0000, v30;
	[tilespmem:v24+s9+$0x0] =	vst.idx.add.f32.msk $0xffff, v23  }
0x29f: {  	v23 =	vand.u32 $0xFFFF0000, v26;
	v39 =	vshll.u32 v21, $0x10;
	v30 =	vmul.f32 v30, v19;
	[tilespmem:v13+s10+$0x0] =	vst.idx.add.f32.msk $0xffff, v2  }
0x2a0: {  	v2 =	vshrl.u32 v27, $0xE;
	v27 =	vand.u32 $0xFFFF0000, v21;
	v21 =	vand.u32 $0xFFFF0000, v29;
	v29 =	vld.idx.msk [tilespmem:v8+s30+$0x0], $0xffff  }
0x2a1: {  	v26 =	vmul.f32 v39, v23;
	[tilespmem:v13+s11+$0x0] =	vst.idx.add.f32.msk $0xffff, v30  }
0x2a2: {  	v27 =	vmul.f32 v27, v23;
	v30 =	vld.idx.msk [tilespmem:v16+s30+$0x0], $0xffff  }
0x2a3: {  	[tilespmem:v22+s28+$0x0] =	vst.idx.add.f32.msk $0xffff, v26;
	v31 =	vshll.u32 v28, $0x10  }
0x2a4: {  	v28 =	vand.u32 $0xFFFF0000, v28;
	v31 =	vmul.f32 v31, v21;
	[tilespmem:v22+s9+$0x0] =	vst.idx.add.f32.msk $0xffff, v27  }
0x2a5: {  	v40 =	vmul.f32 v28, v21;
	v27 =	vld.idx.msk [tilespmem:v4+s30+$0x0], $0xffff  }
0x2a6: {  	[tilespmem:v2+s28+$0x0] =	vst.idx.add.f32.msk $0xffff, v31;
	v31 =	vshll.u32 v29, $0x10  }
0x2a7: {  	v42 =	vand.u32 $0xFFFF0000, v29;
	[tilespmem:v2+s9+$0x0] =	vst.idx.add.f32.msk $0xffff, v40;
	v29 =	vmul.f32 v31, v10;
	v41 =	vshll.u32 v30, $0x10  }
0x2a8: {  	v28 =	vand.u32 $0xFFFF0000, v30;
	v30 =	vld.idx.msk [tilespmem:v9+s30+$0x0], $0xffff;
	v26 =	vmul.f32 v41, v20  }
0x2a9: {  	v28 =	vmul.f32 v28, v20;
	[tilespmem:v5+s10+$0x0] =	vst.idx.add.f32.msk $0xffff, v29  }
0x2aa: {  	[tilespmem:v17+s10+$0x0] =	vst.idx.add.f32.msk $0xffff, v26  }
0x2ab: {  	v29 =	vshll.u32 v27, $0x10;
	v26 =	vmul.f32 v42, v10;
	[tilespmem:v17+s11+$0x0] =	vst.idx.add.f32.msk $0xffff, v28  }
0x2ac: {  	v43 =	vand.u32 $0xFFFF0000, v27;
	v27 =	vmul.f32 v29, v11;
	v28 =	vld.idx.msk [tilespmem:v18+s31+$0x0], $0xffff  }
0x2ad: {  	[tilespmem:v5+s11+$0x0] =	vst.idx.add.f32.msk $0xffff, v26  }
0x2ae: {  	v31 =	vshll.u32 v30, $0x10;
	v26 =	vmul.f32 v43, v11;
	[tilespmem:v3+s10+$0x0] =	vst.idx.add.f32.msk $0xffff, v27  }
0x2af: {  	v29 =	vld.idx.msk [tilespmem:v12+s30+$0x0], $0xffff;
	v31 =	vmul.f32 v31, v7  }
0x2b0: {  	v30 =	vand.u32 $0xFFFF0000, v30;
	[tilespmem:v3+s11+$0x0] =	vst.idx.add.f32.msk $0xffff, v26  }
0x2b1: {  	v45 =	vmul.f32 v30, v7;
	[tilespmem:v6+s10+$0x0] =	vst.idx.add.f32.msk $0xffff, v31;
	v44 =	vshll.u32 v28, $0x10  }
0x2b2: {  	v27 =	vand.u32 $0xFFFF0000, v28;
	v28 =	vld.idx.msk [tilespmem:v14+s30+$0x0], $0xffff;
	v26 =	vmul.f32 v44, v19  }
0x2b3: {  	[tilespmem:v6+s11+$0x0] =	vst.idx.add.f32.msk $0xffff, v45;
	v27 =	vmul.f32 v27, v19  }
0x2b4: {  	[tilespmem:v13+s13+$0x0] =	vst.idx.add.f32.msk $0xffff, v26  }
0x2b5: {  	[tilespmem:v13+s14+$0x0] =	vst.idx.add.f32.msk $0xffff, v27;
	v27 =	vshll.u32 v29, $0x10  }
0x2b6: {  	v30 =	vld.idx.msk [tilespmem:v16+s31+$0x0], $0xffff;
	v46 =	vmul.f32 v27, v25;
	v27 =	vand.u32 $0xFFFF0000, v29  }
0x2b7: {  	v29 =	vld.idx.msk [tilespmem:v15+s30+$0x0], $0xffff;
	v47 =	vshll.u32 v28, $0x10;
	v27 =	vmul.f32 v27, v25  }
0x2b8: {  	v26 =	vmul.f32 v47, v23;
	[tilespmem:v24+s10+$0x0] =	vst.idx.add.f32.msk $0xffff, v46  }
0x2b9: {  	[tilespmem:v24+s11+$0x0] =	vst.idx.add.f32.msk $0xffff, v27;
	v27 =	vand.u32 $0xFFFF0000, v28  }
0x2ba: {  	[tilespmem:v22+s10+$0x0] =	vst.idx.add.f32.msk $0xffff, v26;
	v27 =	vmul.f32 v27, v23  }
0x2bb: {  	v28 =	vld.idx.msk [tilespmem:v8+s31+$0x0], $0xffff;
	v31 =	vshll.u32 v30, $0x10;
	v30 =	vand.u32 $0xFFFF0000, v30  }
0x2bc: {  	v48 =	vmul.f32 v31, v20;
	[tilespmem:v22+s11+$0x0] =	vst.idx.add.f32.msk $0xffff, v27;
	v27 =	vmul.f32 v30, v20;
	v30 =	vshll.u32 v29, $0x10  }
0x2bd: {  	v49 =	vand.u32 $0xFFFF0000, v29;
	v29 =	vmul.f32 v30, v21;
	v30 =	vld [tilespmem:s23+$0x20]  }
0x2be: {  	[tilespmem:v17+s13+$0x0] =	vst.idx.add.f32.msk $0xffff, v48  }
0x2bf: {  	[tilespmem:v17+s14+$0x0] =	vst.idx.add.f32.msk $0xffff, v27  }
0x2c0: {  	v18 =	vld.idx.msk [tilespmem:v18+s0+$0x0], $0xffff  }
0x2c1: {  	v26 =	vmul.f32 v49, v21;
	[tilespmem:v2+s10+$0x0] =	vst.idx.add.f32.msk $0xffff, v29  }
0x2c2: {  	v50 =	vshll.u32 v28, $0x10;
	v27 =	vand.u32 $0xFFFF0000, v28;
	v28 =	vld.idx.msk [tilespmem:v4+s31+$0x0], $0xffff  }
0x2c3: {  	[tilespmem:v2+s11+$0x0] =	vst.idx.add.f32.msk $0xffff, v26;
	v26 =	vmul.f32 v50, v10  }
0x2c4: {  	v27 =	vmul.f32 v27, v10;
	v29 =	vld.idx.msk [tilespmem:v9+s31+$0x0], $0xffff  }
0x2c5: {  	[tilespmem:v5+s13+$0x0] =	vst.idx.add.f32.msk $0xffff, v26;
	v51 =	vshll.u32 v18, $0x10  }
0x2c6: {  	[tilespmem:v5+s14+$0x0] =	vst.idx.add.f32.msk $0xffff, v27;
	v18 =	vand.u32 $0xFFFF0000, v18;
	v26 =	vmul.f32 v51, v19  }
0x2c7: {  	v27 =	vld.idx.msk [tilespmem:v12+s31+$0x0], $0xffff;
	v18 =	vmul.f32 v18, v19;
	v19 =	vshll.u32 v28, $0x10  }
0x2c8: {  	v19 =	vmul.f32 v19, v11;
	[tilespmem:v13+s15+$0x0] =	vst.idx.add.f32.msk $0xffff, v26  }
0x2c9: {  	v52 =	vand.u32 $0xFFFF0000, v28;
	[tilespmem:v13+s16+$0x0] =	vst.idx.add.f32.msk $0xffff, v18  }
0x2ca: {  	v13 =	vshll.u32 v29, $0x10;
	v18 =	vmul.f32 v52, v11;
	[tilespmem:v3+s13+$0x0] =	vst.idx.add.f32.msk $0xffff, v19  }
0x2cb: {  	v53 =	vand.u32 $0xFFFF0000, v29;
	v16 =	vld.idx.msk [tilespmem:v16+s0+$0x0], $0xffff;
	v13 =	vmul.f32 v13, v7  }
0x2cc: {  	v19 =	vmul.f32 v53, v7;
	[tilespmem:v3+s14+$0x0] =	vst.idx.add.f32.msk $0xffff, v18  }
0x2cd: {  	[tilespmem:v6+s13+$0x0] =	vst.idx.add.f32.msk $0xffff, v13  }
0x2ce: {  	v13 =	vshll.u32 v27, $0x10;
	[tilespmem:v6+s14+$0x0] =	vst.idx.add.f32.msk $0xffff, v19  }
0x2cf: {  	v18 =	vand.u32 $0xFFFF0000, v27;
	v13 =	vmul.f32 v13, v25;
	v19 =	vld.idx.msk [tilespmem:v14+s31+$0x0], $0xffff  }
0x2d0: {  	v18 =	vmul.f32 v18, v25;
	v54 =	vld.idx.msk [tilespmem:v15+s31+$0x0], $0xffff  }
0x2d1: {  	[tilespmem:v24+s13+$0x0] =	vst.idx.add.f32.msk $0xffff, v13  }
0x2d2: {  	v27 =	vshll.u32 v16, $0x10;
	v16 =	vand.u32 $0xFFFF0000, v16;
	[tilespmem:v24+s14+$0x0] =	vst.idx.add.f32.msk $0xffff, v18  }
0x2d3: {  	v13 =	vmul.f32 v27, v20;
	v16 =	vmul.f32 v16, v20;
	v20 =	vld [tilespmem:s23+$0x10]  }
0x2d4: {  	v8 =	vld.idx.msk [tilespmem:v8+s0+$0x0], $0xffff  }
0x2d5: {  	s22 =	simm.s32 $0x40;
	[tilespmem:v17+s15+$0x0] =	vst.idx.add.f32.msk $0xffff, v13  }
0x2d6: {  	s24 =	sand.u32 $0x1C0, s22;
	v13 =	vshll.u32 v19, $0x10;
	[tilespmem:v17+s16+$0x0] =	vst.idx.add.f32.msk $0xffff, v16  }
0x2d7: {  	v16 =	vand.u32 $0xFFFF0000, v19;
	v13 =	vmul.f32 v13, v23;
	v19 =	vld [tilespmem:s24+$0x1E000];
	s24 =	simm.s32 $0x1E460  }
0x2d8: {  	v17 =	vshll.u32 v54, $0x10;
	v16 =	vmul.f32 v16, v23;
	v36 =	vld [tilespmem:s24+$0xFFFFFFF0]  }
0x2d9: {  	v18 =	vand.u32 $0xFFFF0000, v54;
	v17 =	vmul.f32 v17, v21;
	[tilespmem:v22+s13+$0x0] =	vst.idx.add.f32.msk $0xffff, v13  }
0x2da: {  	v13 =	vmul.f32 v18, v21;
	[tilespmem:v22+s14+$0x0] =	vst.idx.add.f32.msk $0xffff, v16  }
0x2db: {  	[tilespmem:v2+s13+$0x0] =	vst.idx.add.f32.msk $0xffff, v17;
	v16 =	vshll.u32 v8, $0x10  }
0x2dc: {  	[tilespmem:v2+s14+$0x0] =	vst.idx.add.f32.msk $0xffff, v13;
	v13 =	vmul.f32 v16, v10  }
0x2dd: {  	v4 =	vld.idx.msk [tilespmem:v4+s0+$0x0], $0xffff  }
0x2de: {  	[tilespmem:v5+s15+$0x0] =	vst.idx.add.f32.msk $0xffff, v13  }
0x2df: {  	v13 =	vld [tilespmem:s23+$0x30]  }
0x2e0: {  	v37 =	vld [tilespmem:s24+$0x0]  }
0x2e1: {  	v18 =	vld [tilespmem:s23+$0x0];
	v8 =	vand.u32 $0xFFFF0000, v8  }
0x2e2: {  	v8 =	vmul.f32 v8, v10;
	v10 =	vld [tilespmem:s24+$0x10]  }
0x2e3: {  	v17 =	vld.idx.msk [tilespmem:v9+s0+$0x0], $0xffff  }
0x2e4: {  	[tilespmem:v5+s16+$0x0] =	vst.idx.add.f32.msk $0xffff, v8;
	v9 =	vshll.u32 v4, $0x10;
	v28 =	vand.u32 $0x3FFF, v13  }
0x2e5: {  	v41 =	vld.idx.msk [tilespmem:v12+s0+$0x0], $0xffff;
	v4 =	vand.u32 $0xFFFF0000, v4;
	v9 =	vmul.f32 v9, v11  }
0x2e6: {  	v16 =	vand.u32 $0x3FFF, v18;
	v4 =	vmul.f32 v4, v11;
	v11 =	vld [tilespmem:s23+$0x230]  }
0x2e7: {  	v8 =	vand.u32 $0x3FFF, v20;
	[tilespmem:v3+s15+$0x0] =	vst.idx.add.f32.msk $0xffff, v9  }
0x2e8: {  	[tilespmem:v3+s16+$0x0] =	vst.idx.add.f32.msk $0xffff, v4  }
0x2e9: {  	v3 =	vld.idx.msk [tilespmem:v28+s3+$0x0], $0xffff  }
0x2ea: {  	v26 =	vshrl.u32 v13, $0xE;
	v13 =	vld [tilespmem:s24+$0xFFFFFFE0];
	v9 =	vand.u32 $0x3FFF, v30;
	v4 =	vshll.u32 v17, $0x10  }
0x2eb: {  	v31 =	vld.idx.msk [tilespmem:v16+s3+$0x0], $0xffff;
	v48 =	vshll.u32 v41, $0x10;
	v4 =	vmul.f32 v4, v7  }
0x2ec: {  	v32 =	vld.idx.msk [tilespmem:v8+s3+$0x0], $0xffff;
	v49 =	vmul.f32 v48, v25  }
0x2ed: {  	v29 =	vshll.u32 v10, $0x10;
	v17 =	vand.u32 $0xFFFF0000, v17;
	[tilespmem:v6+s15+$0x0] =	vst.idx.add.f32.msk $0xffff, v4  }
0x2ee: {  	v7 =	vmul.f32 v17, v7;
	v27 =	vand.u32 $0x3FFF, v11;
	[tilespmem:v24+s15+$0x0] =	vst.idx.add.f32.msk $0xffff, v49;
	v5 =	vshll.u32 v3, $0x10  }
0x2ef: {  	v35 =	vld.idx.msk [tilespmem:v9+s3+$0x0], $0xffff;
	v38 =	vand.u32 $0xFFFF0000, v3;
	v3 =	vshrl.u32 v18, $0xE;
	v5 =	vmul.f32 v5, v29  }
0x2f0: {  	v4 =	vshrl.u32 v20, $0xE;
	[tilespmem:v6+s16+$0x0] =	vst.idx.add.f32.msk $0xffff, v7;
	v18 =	vmul.f32 v38, v29  }
0x2f1: {  	v20 =	vshll.u32 v13, $0x10;
	v17 =	vshll.u32 v31, $0x10;
	v6 =	vand.u32 $0xFFFF0000, v32;
	[tilespmem:v26+s28+$0x0] =	vst.idx.add.f32.msk $0xffff, v5  }
0x2f2: {  	v17 =	vmul.f32 v17, v20;
	v5 =	vshrl.u32 v30, $0xE;
	[tilespmem:v26+s9+$0x0] =	vst.idx.add.f32.msk $0xffff, v18;
	v18 =	vand.u32 $0xFFFF0000, v31  }
0x2f3: {  	v30 =	vshll.u32 v32, $0x10;
	v55 =	vld.idx.msk [tilespmem:v27+s3+$0x0], $0xffff;
	v31 =	vmul.f32 v18, v20;
	v18 =	vshll.u32 v36, $0x10  }
0x2f4: {  	v7 =	vshll.u32 v35, $0x10;
	[tilespmem:v3+s28+$0x0] =	vst.idx.add.f32.msk $0xffff, v17;
	v17 =	vshll.u32 v37, $0x10;
	v30 =	vmul.f32 v30, v18  }
0x2f5: {  	v32 =	vmul.f32 v6, v18;
	v6 =	vand.u32 $0x3FFF, v19;
	v7 =	vmul.f32 v7, v17;
	[tilespmem:v3+s9+$0x0] =	vst.idx.add.f32.msk $0xffff, v31  }
0x2f6: {  	v31 =	vand.u32 $0xFFFF0000, v35;
	[tilespmem:v4+s28+$0x0] =	vst.idx.add.f32.msk $0xffff, v30;
	v30 =	vshrl.u32 v11, $0xE  }
0x2f7: {  	v11 =	vmul.f32 v31, v17;
	[tilespmem:v5+s28+$0x0] =	vst.idx.add.f32.msk $0xffff, v7  }
0x2f8: {  	v31 =	vand.u32 $0xFFFF0000, v10;
	[tilespmem:v4+s9+$0x0] =	vst.idx.add.f32.msk $0xffff, v32;
	v7 =	vshll.u32 v55, $0x10  }
0x2f9: {  	[tilespmem:v5+s9+$0x0] =	vst.idx.add.f32.msk $0xffff, v11;
	v56 =	vand.u32 $0xFFFF0000, v55;
	v7 =	vmul.f32 v7, v31  }
0x2fa: {  	v10 =	vand.u32 $0x3FFF, v33;
	v57 =	vld.idx.msk [tilespmem:v6+s3+$0x0], $0xffff;
	v32 =	vmul.f32 v56, v31  }
0x2fb: {  	[tilespmem:v30+s28+$0x0] =	vst.idx.add.f32.msk $0xffff, v7  }
0x2fc: {  	v11 =	vand.u32 $0x3FFF, v34;
	[tilespmem:v30+s9+$0x0] =	vst.idx.add.f32.msk $0xffff, v32  }
0x2fd: {  	v7 =	vshrl.u32 v19, $0xE;
	v58 =	vld.idx.msk [tilespmem:v28+s30+$0x0], $0xffff  }
0x2fe: {  	v35 =	vld.idx.msk [tilespmem:v14+s0+$0x0], $0xffff  }
0x2ff: {  	v13 =	vand.u32 $0xFFFF0000, v13;
	v39 =	vld.idx.msk [tilespmem:v10+s3+$0x0], $0xffff;
	v19 =	vshll.u32 v57, $0x10  }
0x300: {  	v32 =	vld.idx.msk [tilespmem:v15+s0+$0x0], $0xffff;
	v12 =	vand.u32 $0xFFFF0000, v57;
	v19 =	vmul.f32 v19, v13  }
0x301: {  	v40 =	vld.idx.msk [tilespmem:v11+s3+$0x0], $0xffff;
	v14 =	vmul.f32 v12, v13  }
0x302: {  	v12 =	vshrl.u32 v33, $0xE;
	[tilespmem:v7+s28+$0x0] =	vst.idx.add.f32.msk $0xffff, v19;
	v15 =	vshll.u32 v58, $0x10  }
0x303: {  	[tilespmem:v7+s9+$0x0] =	vst.idx.add.f32.msk $0xffff, v14;
	v14 =	vand.u32 $0xFFFF0000, v58;
	v15 =	vmul.f32 v15, v29  }
0x304: {  	v60 =	vshll.u32 v39, $0x10;
	v59 =	vld.idx.msk [tilespmem:v16+s30+$0x0], $0xffff;
	v38 =	vmul.f32 v14, v29;
	v14 =	vand.u32 $0xFFFF0000, v36  }
0x305: {  	v19 =	vshrl.u32 v34, $0xE;
	v34 =	vmul.f32 v60, v14;
	[tilespmem:v26+s10+$0x0] =	vst.idx.add.f32.msk $0xffff, v15  }
0x306: {  	v61 =	vand.u32 $0xFFFF0000, v39;
	[tilespmem:v26+s11+$0x0] =	vst.idx.add.f32.msk $0xffff, v38  }
0x307: {  	v62 =	vshll.u32 v40, $0x10;
	v36 =	vmul.f32 v61, v14;
	v15 =	vand.u32 $0xFFFF0000, v37;
	[tilespmem:v12+s28+$0x0] =	vst.idx.add.f32.msk $0xffff, v34  }
0x308: {  	v37 =	vmul.f32 v62, v15;
	v38 =	vld.idx.msk [tilespmem:v27+s30+$0x0], $0xffff  }
0x309: {  	v63 =	vand.u32 $0xFFFF0000, v40;
	[tilespmem:v12+s9+$0x0] =	vst.idx.add.f32.msk $0xffff, v36  }
0x30a: {  	v40 =	vmul.f32 v63, v15;
	v63 =	vand.u32 $0xFFFF0000, v41;
	[tilespmem:v19+s28+$0x0] =	vst.idx.add.f32.msk $0xffff, v37  }
0x30b: {  	v25 =	vmul.f32 v63, v25;
	v44 =	vld.idx.msk [tilespmem:v8+s30+$0x0], $0xffff  }
0x30c: {  	v42 =	vshll.u32 v59, $0x10;
	[tilespmem:v19+s9+$0x0] =	vst.idx.add.f32.msk $0xffff, v40  }
0x30d: {  	v33 =	vand.u32 $0xFFFF0000, v59;
	v43 =	vmul.f32 v42, v20;
	[tilespmem:v24+s16+$0x0] =	vst.idx.add.f32.msk $0xffff, v25  }
0x30e: {  	v33 =	vmul.f32 v33, v20;
	v37 =	vld.idx.msk [tilespmem:v9+s30+$0x0], $0xffff  }
0x30f: {  	[tilespmem:v3+s10+$0x0] =	vst.idx.add.f32.msk $0xffff, v43;
	v45 =	vshll.u32 v38, $0x10  }
0x310: {  	v38 =	vand.u32 $0xFFFF0000, v38;
	[tilespmem:v3+s11+$0x0] =	vst.idx.add.f32.msk $0xffff, v33;
	v46 =	vmul.f32 v45, v31  }
0x311: {  	v47 =	vmul.f32 v38, v31;
	v50 =	vshll.u32 v44, $0x10;
	v52 =	vld.idx.msk [tilespmem:v6+s30+$0x0], $0xffff  }
0x312: {  	v34 =	vmul.f32 v50, v18;
	[tilespmem:v30+s10+$0x0] =	vst.idx.add.f32.msk $0xffff, v46  }
0x313: {  	v36 =	vand.u32 $0xFFFF0000, v44;
	[tilespmem:v30+s11+$0x0] =	vst.idx.add.f32.msk $0xffff, v47  }
0x314: {  	v36 =	vmul.f32 v36, v18;
	v53 =	vshll.u32 v37, $0x10;
	[tilespmem:v4+s10+$0x0] =	vst.idx.add.f32.msk $0xffff, v34  }
0x315: {  	v55 =	vmul.f32 v53, v17;
	v51 =	vld.idx.msk [tilespmem:v28+s31+$0x0], $0xffff  }
0x316: {  	v54 =	vand.u32 $0xFFFF0000, v37;
	[tilespmem:v4+s11+$0x0] =	vst.idx.add.f32.msk $0xffff, v36  }
0x317: {  	v33 =	vmul.f32 v54, v17;
	[tilespmem:v5+s10+$0x0] =	vst.idx.add.f32.msk $0xffff, v55  }
0x318: {  	v53 =	vshll.u32 v35, $0x10;
	v34 =	vld.idx.msk [tilespmem:v10+s30+$0x0], $0xffff  }
0x319: {  	v58 =	vshll.u32 v52, $0x10;
	v55 =	vmul.f32 v53, v23;
	[tilespmem:v5+s11+$0x0] =	vst.idx.add.f32.msk $0xffff, v33  }
0x31a: {  	v59 =	vmul.f32 v58, v13;
	v37 =	vld.idx.msk [tilespmem:v11+s30+$0x0], $0xffff;
	v56 =	vshll.u32 v51, $0x10  }
0x31b: {  	[tilespmem:v22+s15+$0x0] =	vst.idx.add.f32.msk $0xffff, v55;
	v57 =	vand.u32 $0xFFFF0000, v51;
	v33 =	vmul.f32 v56, v29  }
0x31c: {  	[tilespmem:v7+s10+$0x0] =	vst.idx.add.f32.msk $0xffff, v59;
	v36 =	vmul.f32 v57, v29  }
0x31d: {  	v54 =	vand.u32 $0xFFFF0000, v35;
	[tilespmem:v26+s13+$0x0] =	vst.idx.add.f32.msk $0xffff, v33  }
0x31e: {  	v60 =	vand.u32 $0xFFFF0000, v52;
	v23 =	vmul.f32 v54, v23;
	[tilespmem:v26+s14+$0x0] =	vst.idx.add.f32.msk $0xffff, v36  }
0x31f: {  	v61 =	vmul.f32 v60, v13;
	v62 =	vld.idx.msk [tilespmem:v27+s31+$0x0], $0xffff  }
0x320: {  	[tilespmem:v22+s16+$0x0] =	vst.idx.add.f32.msk $0xffff, v23;
	v42 =	vshll.u32 v34, $0x10  }
0x321: {  	[tilespmem:v7+s11+$0x0] =	vst.idx.add.f32.msk $0xffff, v61;
	v34 =	vand.u32 $0xFFFF0000, v34;
	v33 =	vmul.f32 v42, v14  }
0x322: {  	v34 =	vmul.f32 v34, v14;
	v43 =	vshll.u32 v37, $0x10;
	v36 =	vld.idx.msk [tilespmem:v16+s31+$0x0], $0xffff  }
0x323: {  	v45 =	vmul.f32 v43, v15;
	[tilespmem:v12+s10+$0x0] =	vst.idx.add.f32.msk $0xffff, v33  }
0x324: {  	[tilespmem:v12+s11+$0x0] =	vst.idx.add.f32.msk $0xffff, v34;
	v46 =	vshll.u32 v62, $0x10  }
0x325: {  	[tilespmem:v19+s10+$0x0] =	vst.idx.add.f32.msk $0xffff, v45;
	v48 =	vand.u32 $0xFFFF0000, v62;
	v47 =	vmul.f32 v46, v31  }
0x326: {  	v51 =	vld.idx.msk [tilespmem:v8+s31+$0x0], $0xffff;
	v49 =	vmul.f32 v48, v31  }
0x327: {  	v44 =	vand.u32 $0xFFFF0000, v37;
	[tilespmem:v30+s13+$0x0] =	vst.idx.add.f32.msk $0xffff, v47  }
0x328: {  	v24 =	vmul.f32 v44, v15;
	[tilespmem:v30+s14+$0x0] =	vst.idx.add.f32.msk $0xffff, v49  }
0x329: {  	v50 =	vshll.u32 v36, $0x10;
	v25 =	vld.idx.msk [tilespmem:v28+s0+$0x0], $0xffff  }
0x32a: {  	[tilespmem:v19+s11+$0x0] =	vst.idx.add.f32.msk $0xffff, v24;
	v24 =	vmul.f32 v50, v20;
	v28 =	vand.u32 $0xFFFF0000, v36  }
0x32b: {  	v52 =	vld.idx.msk [tilespmem:v9+s31+$0x0], $0xffff;
	v23 =	vshll.u32 v51, $0x10;
	v28 =	vmul.f32 v28, v20  }
0x32c: {  	[tilespmem:v3+s13+$0x0] =	vst.idx.add.f32.msk $0xffff, v24;
	v23 =	vmul.f32 v23, v18  }
0x32d: {  	[tilespmem:v3+s14+$0x0] =	vst.idx.add.f32.msk $0xffff, v28;
	v28 =	vshll.u32 v32, $0x10  }
0x32e: {  	[tilespmem:v4+s13+$0x0] =	vst.idx.add.f32.msk $0xffff, v23;
	v28 =	vmul.f32 v28, v21;
	v57 =	vshll.u32 v25, $0x10  }
0x32f: {  	v56 =	vld.idx.msk [tilespmem:v6+s31+$0x0], $0xffff;
	v25 =	vand.u32 $0xFFFF0000, v25;
	v58 =	vmul.f32 v57, v29  }
0x330: {  	v22 =	vmul.f32 v25, v29;
	[tilespmem:v2+s15+$0x0] =	vst.idx.add.f32.msk $0xffff, v28  }
0x331: {  	v59 =	vand.u32 $0xFFFF0000, v51;
	[tilespmem:v26+s15+$0x0] =	vst.idx.add.f32.msk $0xffff, v58  }
0x332: {  	v25 =	vmul.f32 v59, v18;
	[tilespmem:v26+s16+$0x0] =	vst.idx.add.f32.msk $0xffff, v22;
	v22 =	vshll.u32 v52, $0x10  }
0x333: {  	v26 =	vld.idx.msk [tilespmem:v27+s0+$0x0], $0xffff;
	v27 =	vand.u32 $0xFFFF0000, v52;
	v22 =	vmul.f32 v22, v17  }
0x334: {  	[tilespmem:v4+s14+$0x0] =	vst.idx.add.f32.msk $0xffff, v25;
	v23 =	vmul.f32 v27, v17  }
0x335: {  	[tilespmem:v5+s13+$0x0] =	vst.idx.add.f32.msk $0xffff, v22  }
0x336: {  	v22 =	vshll.u32 v56, $0x10;
	[tilespmem:v5+s14+$0x0] =	vst.idx.add.f32.msk $0xffff, v23  }
0x337: {  	v24 =	vand.u32 $0xFFFF0000, v56;
	v60 =	vmul.f32 v22, v13;
	v23 =	vld.idx.msk [tilespmem:v10+s31+$0x0], $0xffff  }
0x338: {  	v24 =	vmul.f32 v24, v13;
	v22 =	vld.idx.msk [tilespmem:v11+s31+$0x0], $0xffff;
	v27 =	vshll.u32 v26, $0x10  }
0x339: {  	[tilespmem:v7+s13+$0x0] =	vst.idx.add.f32.msk $0xffff, v60;
	v26 =	vand.u32 $0xFFFF0000, v26;
	v61 =	vmul.f32 v27, v31  }
0x33a: {  	[tilespmem:v7+s14+$0x0] =	vst.idx.add.f32.msk $0xffff, v24;
	v62 =	vmul.f32 v26, v31  }
0x33b: {  	v63 =	vand.u32 $0xFFFF0000, v32;
	[tilespmem:v30+s15+$0x0] =	vst.idx.add.f32.msk $0xffff, v61  }
0x33c: {  	v28 =	vmul.f32 v63, v21;
	[tilespmem:v30+s16+$0x0] =	vst.idx.add.f32.msk $0xffff, v62  }
.LBB2_15:
0x33d: {  	s22 =	sadd.s32 $0x40, s22;
	v16 =	vld.idx.msk [tilespmem:v16+s0+$0x0], $0xffff;
	v21 =	vshll.u32 v23, $0x10;
	v23 =	vand.u32 $0xFFFF0000, v23  }
0x33e: {  	v24 =	vshll.u32 v22, $0x10;
	v22 =	vand.u32 $0xFFFF0000, v22;
	s1 =	sand.u32 $0x1C0, s22;
	p1 =	slt.u32 s22, $0x1C0;
	v21 =	vmul.f32 v21, v14;
	[tilespmem:v2+s16+$0x0] =	vst.idx.add.f32.msk $0xffff, v28;
	v2 =	vmovc v19  }
0x33f: {  	v23 =	vmul.f32 v23, v14;
	v24 =	vmul.f32 v24, v15;
	v28 =	vld [tilespmem:s1+$0x1E000]  }
0x340: {  	[tilespmem:v12+s13+$0x0] =	vst.idx.add.f32.msk $0xffff, v21;
	v21 =	vmul.f32 v22, v15  }
0x341: {  	[tilespmem:v12+s14+$0x0] =	vst.idx.add.f32.msk $0xffff, v23  }
0x342: {  	[tilespmem:v19+s13+$0x0] =	vst.idx.add.f32.msk $0xffff, v24  }
0x343: {  	v19 =	vshll.u32 v16, $0x10;
	v16 =	vand.u32 $0xFFFF0000, v16;
	[tilespmem:v2+s14+$0x0] =	vst.idx.add.f32.msk $0xffff, v21  }
0x344: {  	v19 =	vmul.f32 v19, v20;
	v20 =	vmul.f32 v16, v20;
	v8 =	vld.idx.msk [tilespmem:v8+s0+$0x0], $0xffff  }
0x345: {  	v9 =	vld.idx.msk [tilespmem:v9+s0+$0x0], $0xffff  }
0x346: {  	s23 =	sadd.s32 $0x40, s23;
	[tilespmem:v3+s15+$0x0] =	vst.idx.add.f32.msk $0xffff, v19  }
0x347: {  	v23 =	vld [tilespmem:s23+$0x30]  }
0x348: {  	v19 =	vld [tilespmem:s23+$0x0]  }
0x349: {  	v21 =	vld [tilespmem:s23+$0x10]  }
0x34a: {  	v16 =	vshll.u32 v8, $0x10;
	v8 =	vand.u32 $0xFFFF0000, v8;
	v24 =	vld [tilespmem:s23+$0x20]  }
0x34b: {  	v26 =	vmul.f32 v16, v18;
	v16 =	vshll.u32 v9, $0x10;
	v9 =	vand.u32 $0xFFFF0000, v9;
	v25 =	vld [tilespmem:s23+$0x210]  }
0x34c: {  	v18 =	vmul.f32 v8, v18;
	v29 =	vmul.f32 v16, v17;
	v27 =	vld [tilespmem:s23+$0x220];
	v22 =	vand.u32 $0x3FFF, v23  }
0x34d: {  	v30 =	vmul.f32 v9, v17;
	v16 =	vand.u32 $0x3FFF, v19;
	[tilespmem:v3+s16+$0x0] =	vst.idx.add.f32.msk $0xffff, v20;
	v3 =	vshrl.u32 v19, $0xE  }
0x34e: {  	v17 =	vshrl.u32 v21, $0xE;
	v8 =	vand.u32 $0x3FFF, v21;
	[tilespmem:v4+s15+$0x0] =	vst.idx.add.f32.msk $0xffff, v26  }
0x34f: {  	s24 =	sadd.s32 $0x40, s24;
	v31 =	vshrl.u32 v24, $0xE;
	v9 =	vand.u32 $0x3FFF, v24;
	[tilespmem:v4+s16+$0x0] =	vst.idx.add.f32.msk $0xffff, v18;
	v4 =	vmov v17  }
0x350: {  	v21 =	vshrl.u32 v25, $0xE;
	v32 =	vand.u32 $0x3FFF, v25;
	v33 =	vld [tilespmem:s24+$0x10]  }
0x351: {  	v19 =	vshrl.u32 v27, $0xE;
	v34 =	vand.u32 $0x3FFF, v27;
	v17 =	vld.idx.msk [tilespmem:v22+s3+$0x0], $0xffff  }
0x352: {  	v26 =	vld [tilespmem:s23+$0x230]  }
0x353: {  	v18 =	vld.idx.msk [tilespmem:v16+s3+$0x0], $0xffff  }
0x354: {  	v20 =	vld.idx.msk [tilespmem:v8+s3+$0x0], $0xffff  }
0x355: {  	v23 =	vshrl.u32 v23, $0xE;
	v27 =	vld.idx.msk [tilespmem:v9+s3+$0x0], $0xffff  }
0x356: {  	v35 =	vld [tilespmem:s24+$0xFFFFFFE0]  }
0x357: {  	v25 =	vshll.u32 v33, $0x10;
	v37 =	vshll.u32 v17, $0x10;
	v36 =	vld [tilespmem:s24+$0xFFFFFFF0];
	v24 =	vand.u32 $0x3FFF, v26  }
0x358: {  	v17 =	vand.u32 $0xFFFF0000, v17;
	v37 =	vmul.f32 v37, v25;
	v38 =	vld [tilespmem:s24+$0x0]  }
0x359: {  	v17 =	vmul.f32 v17, v25;
	v39 =	vshll.u32 v18, $0x10;
	v18 =	vand.u32 $0xFFFF0000, v18;
	[tilespmem:v5+s15+$0x0] =	vst.idx.add.f32.msk $0xffff, v29  }
0x35a: {  	v29 =	vshll.u32 v20, $0x10;
	v40 =	vand.u32 $0xFFFF0000, v20;
	[tilespmem:v23+s28+$0x0] =	vst.idx.add.f32.msk $0xffff, v37  }
0x35b: {  	v37 =	vshll.u32 v27, $0x10;
	v27 =	vand.u32 $0xFFFF0000, v27;
	v20 =	vshll.u32 v35, $0x10;
	[tilespmem:v23+s9+$0x0] =	vst.idx.add.f32.msk $0xffff, v17  }
0x35c: {  	v39 =	vmul.f32 v39, v20;
	v41 =	vmul.f32 v18, v20;
	v18 =	vshll.u32 v36, $0x10;
	v42 =	vld.idx.msk [tilespmem:v24+s3+$0x0], $0xffff  }
0x35d: {  	v29 =	vmul.f32 v29, v18;
	v40 =	vmul.f32 v40, v18;
	v17 =	vshll.u32 v38, $0x10;
	[tilespmem:v5+s16+$0x0] =	vst.idx.add.f32.msk $0xffff, v30  }
0x35e: {  	v30 =	vand.u32 $0xFFFF0000, v35;
	[tilespmem:v3+s28+$0x0] =	vst.idx.add.f32.msk $0xffff, v39;
	v35 =	vmul.f32 v37, v17;
	v37 =	vmul.f32 v27, v17  }
0x35f: {  	v36 =	vand.u32 $0xFFFF0000, v36;
	v38 =	vand.u32 $0xFFFF0000, v38;
	v5 =	vmovc v31;
	v39 =	vand.u32 $0x3FFF, v28;
	[tilespmem:v3+s9+$0x0] =	vst.idx.add.f32.msk $0xffff, v41  }
0x360: {  	v26 =	vshrl.u32 v26, $0xE;
	[tilespmem:v4+s28+$0x0] =	vst.idx.add.f32.msk $0xffff, v29  }
0x361: {  	[tilespmem:v4+s9+$0x0] =	vst.idx.add.f32.msk $0xffff, v40  }
0x362: {  	v27 =	vand.u32 $0xFFFF0000, v33;
	v29 =	vshll.u32 v42, $0x10;
	[tilespmem:v31+s28+$0x0] =	vst.idx.add.f32.msk $0xffff, v35  }
0x363: {  	v29 =	vmul.f32 v29, v27;
	[tilespmem:v31+s9+$0x0] =	vst.idx.add.f32.msk $0xffff, v37;
	v31 =	vand.u32 $0xFFFF0000, v42  }
0x364: {  	v33 =	vld.idx.msk [tilespmem:v39+s3+$0x0], $0xffff;
	v31 =	vmul.f32 v31, v27  }
0x365: {  	[tilespmem:v26+s28+$0x0] =	vst.idx.add.f32.msk $0xffff, v29  }
0x366: {  	[tilespmem:v26+s9+$0x0] =	vst.idx.add.f32.msk $0xffff, v31  }
0x367: {  	v31 =	vld.idx.msk [tilespmem:v22+s30+$0x0], $0xffff  }
0x368: {  	v29 =	vshrl.u32 v28, $0xE;
	v28 =	vld.idx.msk [tilespmem:v32+s3+$0x0], $0xffff  }
0x369: {  	v35 =	vld.idx.msk [tilespmem:v34+s3+$0x0], $0xffff  }
0x36a: {  	v37 =	vshll.u32 v33, $0x10;
	v33 =	vand.u32 $0xFFFF0000, v33;
	v40 =	vld.idx.msk [tilespmem:v6+s0+$0x0], $0xffff;
	v6 =	vmov v39  }
0x36b: {  	v37 =	vmul.f32 v37, v30;
	v33 =	vmul.f32 v33, v30;
	v39 =	vld.idx.msk [tilespmem:v10+s0+$0x0], $0xffff;
	v10 =	vmov v32  }
0x36c: {  	v32 =	vld.idx.msk [tilespmem:v11+s0+$0x0], $0xffff;
	v11 =	vmov v34  }
0x36d: {  	v34 =	vshll.u32 v31, $0x10;
	[tilespmem:v29+s28+$0x0] =	vst.idx.add.f32.msk $0xffff, v37  }
0x36e: {  	v31 =	vand.u32 $0xFFFF0000, v31;
	v34 =	vmul.f32 v34, v25;
	[tilespmem:v29+s9+$0x0] =	vst.idx.add.f32.msk $0xffff, v33;
	v33 =	vshll.u32 v28, $0x10  }
0x36f: {  	v31 =	vmul.f32 v31, v25;
	v28 =	vand.u32 $0xFFFF0000, v28;
	v41 =	vshll.u32 v35, $0x10;
	v37 =	vld.idx.msk [tilespmem:v16+s30+$0x0], $0xffff  }
0x370: {  	v35 =	vand.u32 $0xFFFF0000, v35;
	v33 =	vmul.f32 v33, v36;
	v28 =	vmul.f32 v28, v36;
	[tilespmem:v23+s10+$0x0] =	vst.idx.add.f32.msk $0xffff, v34  }
0x371: {  	v35 =	vmul.f32 v35, v38;
	v34 =	vmul.f32 v41, v38;
	[tilespmem:v23+s11+$0x0] =	vst.idx.add.f32.msk $0xffff, v31;
	v31 =	vshll.u32 v40, $0x10  }
0x372: {  	v42 =	vshll.u32 v39, $0x10;
	v39 =	vand.u32 $0xFFFF0000, v39;
	v40 =	vand.u32 $0xFFFF0000, v40;
	v41 =	vld.idx.msk [tilespmem:v24+s30+$0x0], $0xffff  }
0x373: {  	v31 =	vmul.f32 v31, v13;
	[tilespmem:v21+s28+$0x0] =	vst.idx.add.f32.msk $0xffff, v33;
	v33 =	vshll.u32 v32, $0x10;
	v32 =	vand.u32 $0xFFFF0000, v32  }
0x374: {  	v42 =	vmul.f32 v42, v14;
	v40 =	vmul.f32 v40, v13;
	v13 =	vmov v30;
	[tilespmem:v21+s9+$0x0] =	vst.idx.add.f32.msk $0xffff, v28  }
0x375: {  	v28 =	vshll.u32 v37, $0x10;
	v30 =	vand.u32 $0xFFFF0000, v37;
	[tilespmem:v19+s28+$0x0] =	vst.idx.add.f32.msk $0xffff, v34;
	v34 =	vmul.f32 v39, v14;
	v14 =	vmovc v36  }
0x376: {  	v36 =	vmul.f32 v28, v20;
	v30 =	vmul.f32 v30, v20;
	[tilespmem:v19+s9+$0x0] =	vst.idx.add.f32.msk $0xffff, v35  }
0x377: {  	v33 =	vmul.f32 v33, v15;
	v28 =	vmul.f32 v32, v15;
	v15 =	vmov v38;
	v35 =	vld.idx.msk [tilespmem:v8+s30+$0x0], $0xffff  }
0x378: {  	v37 =	vshll.u32 v41, $0x10;
	v32 =	vld.idx.msk [tilespmem:v9+s30+$0x0], $0xffff  }
0x379: {  	[tilespmem:v3+s10+$0x0] =	vst.idx.add.f32.msk $0xffff, v36;
	v36 =	vmul.f32 v37, v27;
	v37 =	vand.u32 $0xFFFF0000, v41  }
0x37a: {  	[tilespmem:v3+s11+$0x0] =	vst.idx.add.f32.msk $0xffff, v30;
	v30 =	vmul.f32 v37, v27  }
0x37b: {  	[tilespmem:v26+s10+$0x0] =	vst.idx.add.f32.msk $0xffff, v36  }
0x37c: {  	[tilespmem:v26+s11+$0x0] =	vst.idx.add.f32.msk $0xffff, v30  }
0x37d: {  	v30 =	vshll.u32 v35, $0x10;
	v35 =	vand.u32 $0xFFFF0000, v35;
	v36 =	vld.idx.msk [tilespmem:v22+s31+$0x0], $0xffff  }
0x37e: {  	v30 =	vmul.f32 v30, v18;
	v38 =	vshll.u32 v32, $0x10;
	v32 =	vand.u32 $0xFFFF0000, v32;
	v37 =	vld.idx.msk [tilespmem:v6+s30+$0x0], $0xffff  }
0x37f: {  	v35 =	vmul.f32 v35, v18;
	v38 =	vmul.f32 v38, v17;
	[tilespmem:v7+s15+$0x0] =	vst.idx.add.f32.msk $0xffff, v31  }
0x380: {  	[tilespmem:v4+s10+$0x0] =	vst.idx.add.f32.msk $0xffff, v30;
	v30 =	vmul.f32 v32, v17  }
0x381: {  	[tilespmem:v4+s11+$0x0] =	vst.idx.add.f32.msk $0xffff, v35  }
0x382: {  	[tilespmem:v5+s10+$0x0] =	vst.idx.add.f32.msk $0xffff, v38  }
0x383: {  	[tilespmem:v5+s11+$0x0] =	vst.idx.add.f32.msk $0xffff, v30;
	v30 =	vshll.u32 v36, $0x10  }
0x384: {  	v35 =	vand.u32 $0xFFFF0000, v36;
	v31 =	vshll.u32 v37, $0x10;
	v32 =	vld.idx.msk [tilespmem:v10+s30+$0x0], $0xffff;
	v30 =	vmul.f32 v30, v25  }
0x385: {  	v36 =	vand.u32 $0xFFFF0000, v37;
	v35 =	vmul.f32 v35, v25;
	v31 =	vmul.f32 v31, v13;
	v37 =	vld.idx.msk [tilespmem:v11+s30+$0x0], $0xffff  }
0x386: {  	v36 =	vmul.f32 v36, v13;
	[tilespmem:v23+s13+$0x0] =	vst.idx.add.f32.msk $0xffff, v30  }
0x387: {  	[tilespmem:v23+s14+$0x0] =	vst.idx.add.f32.msk $0xffff, v35  }
0x388: {  	v30 =	vld.idx.msk [tilespmem:v24+s31+$0x0], $0xffff  }
0x389: {  	[tilespmem:v29+s10+$0x0] =	vst.idx.add.f32.msk $0xffff, v31  }
0x38a: {  	v31 =	vshll.u32 v32, $0x10;
	v32 =	vand.u32 $0xFFFF0000, v32;
	[tilespmem:v29+s11+$0x0] =	vst.idx.add.f32.msk $0xffff, v36  }
0x38b: {  	v31 =	vmul.f32 v31, v14;
	v36 =	vshll.u32 v37, $0x10;
	v37 =	vand.u32 $0xFFFF0000, v37;
	v35 =	vld.idx.msk [tilespmem:v16+s31+$0x0], $0xffff  }
0x38c: {  	v32 =	vmul.f32 v32, v14;
	v36 =	vmul.f32 v36, v15;
	[tilespmem:v7+s16+$0x0] =	vst.idx.add.f32.msk $0xffff, v40;
	v7 =	vmov v29  }
0x38d: {  	v29 =	vmul.f32 v37, v15;
	[tilespmem:v21+s10+$0x0] =	vst.idx.add.f32.msk $0xffff, v31  }
0x38e: {  	v31 =	vshll.u32 v30, $0x10;
	[tilespmem:v21+s11+$0x0] =	vst.idx.add.f32.msk $0xffff, v32  }
0x38f: {  	v30 =	vand.u32 $0xFFFF0000, v30;
	v31 =	vmul.f32 v31, v27;
	[tilespmem:v19+s10+$0x0] =	vst.idx.add.f32.msk $0xffff, v36  }
0x390: {  	[tilespmem:v19+s11+$0x0] =	vst.idx.add.f32.msk $0xffff, v29;
	v29 =	vmul.f32 v30, v27  }
0x391: {  	v30 =	vshll.u32 v35, $0x10;
	v32 =	vand.u32 $0xFFFF0000, v35;
	[tilespmem:v26+s13+$0x0] =	vst.idx.add.f32.msk $0xffff, v31  }
0x392: {  	v30 =	vmul.f32 v30, v20;
	v31 =	vmul.f32 v32, v20;
	[tilespmem:v26+s14+$0x0] =	vst.idx.add.f32.msk $0xffff, v29  }
0x393: {  	v22 =	vld.idx.msk [tilespmem:v22+s0+$0x0], $0xffff  }
0x394: {  	v29 =	vld.idx.msk [tilespmem:v8+s31+$0x0], $0xffff  }
0x395: {  	v32 =	vld.idx.msk [tilespmem:v9+s31+$0x0], $0xffff  }
0x396: {  	[tilespmem:v3+s13+$0x0] =	vst.idx.add.f32.msk $0xffff, v30  }
0x397: {  	[tilespmem:v3+s14+$0x0] =	vst.idx.add.f32.msk $0xffff, v31  }
0x398: {  	v30 =	vld.idx.msk [tilespmem:v6+s31+$0x0], $0xffff  }
0x399: {  	v31 =	vshll.u32 v22, $0x10;
	[tilespmem:v12+s15+$0x0] =	vst.idx.add.f32.msk $0xffff, v42  }
0x39a: {  	v22 =	vand.u32 $0xFFFF0000, v22;
	v35 =	vshll.u32 v29, $0x10;
	v31 =	vmul.f32 v31, v25;
	[tilespmem:v12+s16+$0x0] =	vst.idx.add.f32.msk $0xffff, v34;
	v12 =	vmovc v21  }
0x39b: {  	v22 =	vmul.f32 v22, v25;
	v21 =	vand.u32 $0xFFFF0000, v29;
	v29 =	vshll.u32 v32, $0x10;
	[tilespmem:v2+s15+$0x0] =	vst.idx.add.f32.msk $0xffff, v33  }
0x39c: {  	v25 =	vmul.f32 v35, v18;
	v32 =	vand.u32 $0xFFFF0000, v32;
	v21 =	vmul.f32 v21, v18;
	[tilespmem:v23+s15+$0x0] =	vst.idx.add.f32.msk $0xffff, v31  }
0x39d: {  	v29 =	vmul.f32 v29, v17;
	v31 =	vmul.f32 v32, v17;
	[tilespmem:v23+s16+$0x0] =	vst.idx.add.f32.msk $0xffff, v22  }
0x39e: {  	v22 =	vshll.u32 v30, $0x10;
	v23 =	vand.u32 $0xFFFF0000, v30;
	v24 =	vld.idx.msk [tilespmem:v24+s0+$0x0], $0xffff  }
0x39f: {  	v30 =	vmul.f32 v22, v13;
	v32 =	vmul.f32 v23, v13;
	[tilespmem:v4+s13+$0x0] =	vst.idx.add.f32.msk $0xffff, v25  }
0x3a0: {  	[tilespmem:v4+s14+$0x0] =	vst.idx.add.f32.msk $0xffff, v21  }
0x3a1: {  	[tilespmem:v5+s13+$0x0] =	vst.idx.add.f32.msk $0xffff, v29  }
0x3a2: {  	[tilespmem:v5+s14+$0x0] =	vst.idx.add.f32.msk $0xffff, v31  }
0x3a3: {  	v23 =	vld.idx.msk [tilespmem:v10+s31+$0x0], $0xffff  }
.Ltmp10:
0x3a4: {  	v21 =	vshll.u32 v24, $0x10;
	v22 =	vld.idx.msk [tilespmem:v11+s31+$0x0], $0xffff;
	(pc) =	sbr.rel @p1 .LBB2_15-.Ltmp10, $4  }
0x3a5: {  	v24 =	vand.u32 $0xFFFF0000, v24;
	v21 =	vmul.f32 v21, v27;
	[tilespmem:v7+s13+$0x0] =	vst.idx.add.f32.msk $0xffff, v30  }
0x3a6: {  	v24 =	vmul.f32 v24, v27;
	[tilespmem:v7+s14+$0x0] =	vst.idx.add.f32.msk $0xffff, v32  }
0x3a7: {  	[tilespmem:v26+s15+$0x0] =	vst.idx.add.f32.msk $0xffff, v21  }
0x3a8: {  	[tilespmem:v26+s16+$0x0] =	vst.idx.add.f32.msk $0xffff, v24  }
0x3a9: {  	_ =	sdelay $0x1  }
0x3aa: {  	v21 =	vshll.u32 v23, $0x10  }
0x3ab: {  	v24 =	vshll.u32 v22, $0x10;
	v21 =	vmul.f32 v21, v14  }
0x3ac: {  	v56 =	vand.u32 $0xFFFF0000, v23;
	v16 =	vld.idx.msk [tilespmem:v16+s0+$0x0], $0xffff;
	v58 =	vmul.f32 v24, v15  }
0x3ad: {  	v23 =	vmul.f32 v56, v14;
	[tilespmem:v12+s13+$0x0] =	vst.idx.add.f32.msk $0xffff, v21  }
0x3ae: {  	v57 =	vand.u32 $0xFFFF0000, v22;
	[tilespmem:v19+s13+$0x0] =	vst.idx.add.f32.msk $0xffff, v58  }
0x3af: {  	v21 =	vmul.f32 v57, v15;
	[tilespmem:v12+s14+$0x0] =	vst.idx.add.f32.msk $0xffff, v23  }
0x3b0: {  	v8 =	vld.idx.msk [tilespmem:v8+s0+$0x0], $0xffff  }
0x3b1: {  	[tilespmem:v19+s14+$0x0] =	vst.idx.add.f32.msk $0xffff, v21  }
0x3b2: {  	v59 =	vshll.u32 v16, $0x10;
	v9 =	vld.idx.msk [tilespmem:v9+s0+$0x0], $0xffff  }
0x3b3: {  	v16 =	vand.u32 $0xFFFF0000, v16;
	v21 =	vmul.f32 v59, v20  }
0x3b4: {  	v16 =	vmul.f32 v16, v20  }
0x3b5: {  	[tilespmem:v3+s15+$0x0] =	vst.idx.add.f32.msk $0xffff, v21;
	v60 =	vshll.u32 v8, $0x10  }
0x3b6: {  	[tilespmem:v3+s16+$0x0] =	vst.idx.add.f32.msk $0xffff, v16;
	v8 =	vand.u32 $0xFFFF0000, v8;
	v20 =	vmul.f32 v60, v18  }
0x3b7: {  	v6 =	vld.idx.msk [tilespmem:v6+s0+$0x0], $0xffff;
	v8 =	vmul.f32 v8, v18;
	v3 =	vshll.u32 v9, $0x10  }
0x3b8: {  	v3 =	vmul.f32 v3, v17;
	[tilespmem:v4+s15+$0x0] =	vst.idx.add.f32.msk $0xffff, v20  }
0x3b9: {  	v61 =	vand.u32 $0xFFFF0000, v9;
	[tilespmem:v4+s16+$0x0] =	vst.idx.add.f32.msk $0xffff, v8  }
0x3ba: {  	v4 =	vmul.f32 v61, v17;
	[tilespmem:v5+s15+$0x0] =	vst.idx.add.f32.msk $0xffff, v3  }
0x3bb: {  	v3 =	vld.idx.msk [tilespmem:v10+s0+$0x0], $0xffff  }
0x3bc: {  	[tilespmem:v5+s16+$0x0] =	vst.idx.add.f32.msk $0xffff, v4  }
0x3bd: {  	v4 =	vld.idx.msk [tilespmem:v11+s0+$0x0], $0xffff  }
0x3be: {  	v62 =	vshll.u32 v6, $0x10  }
0x3bf: {  	v6 =	vand.u32 $0xFFFF0000, v6;
	v5 =	vmul.f32 v62, v13  }
0x3c0: {  	[tilespmem:v2+s16+$0x0] =	vst.idx.add.f32.msk $0xffff, v28;
	v6 =	vmul.f32 v6, v13;
	v2 =	vshll.u32 v3, $0x10  }
0x3c1: {  	[tilespmem:v7+s15+$0x0] =	vst.idx.add.f32.msk $0xffff, v5;
	v3 =	vand.u32 $0xFFFF0000, v3;
	v2 =	vmul.f32 v2, v14  }
.Ltmp11:
0x3c2: {  	[tilespmem:v7+s16+$0x0] =	vst.idx.add.f32.msk $0xffff, v6;
	v3 =	vmul.f32 v3, v14;
	v63 =	vshll.u32 v4, $0x10;
	(pc) =	sbr.rel @p0 .LBB2_18-.Ltmp11, $4  }
0x3c3: {  	v4 =	vand.u32 $0xFFFF0000, v4;
	v5 =	vmul.f32 v63, v15;
	[tilespmem:v12+s15+$0x0] =	vst.idx.add.f32.msk $0xffff, v2  }
0x3c4: {  	v2 =	vmul.f32 v4, v15;
	[tilespmem:v12+s16+$0x0] =	vst.idx.add.f32.msk $0xffff, v3  }
0x3c5: {  	[tilespmem:v19+s15+$0x0] =	vst.idx.add.f32.msk $0xffff, v5  }
0x3c6: {  	[tilespmem:v19+s16+$0x0] =	vst.idx.add.f32.msk $0xffff, v2  }
0x3c7: {  	s1 =	sadd.s32 $0x3, s21  }
0x3c8: {  	s4 =	sadd.s32 s6, s1  }
.Ltmp12:
0x3c9: {  	s1 =	sshll.u32 s1, $0x9;
	s4 =	sshll.u32 s4, $0x7;
	(pc) =	sbr.rel .LBB2_12-.Ltmp12, $4  }
0x3ca: {  	s1 =	sand.u32 $0x3FFFFE00, s1;
	s4 =	sadd.s32 s5, s4  }
0x3cb: {  	[tilespmem:s29], [sflag:$0x3] =	stream.linear.gather [hbm4b:s4+s3], $0x400, $0x38;
	[tilespmem:$0x1FBC0] =	vst v63  }
0x3cc: {  	s24 =	simm.s32 $0x1E400;
	s20 =	sadd.s32 $0x1, s20;
	s1 =	sadd.s32 s1, s2  }
0x3cd: {  	[tilespmem:s24], [sflag:$0x4] =	stream.linear.gather [spmem:s1], $0x200, $0x38;
	[tilespmem:$0x1FBC0] =	vst v63  }
.LBB2_19:
0x3ce: {  	_ =	sfence.sel $0x180000  }
0x3cf: {  	[bflag:$0x0] =	sbarrier.arrive $0xFFFF  }
0x3d0: {  	_ =	strace $0x90000047  }
0x3d1: {  	[bflag:$0x2] =	sbarrier.arrive $0xFFFF  }
0x3d2: {  	p0 =	sne.s32 s19, $0x0;
	s0 =	rddreg [dreg:$0x3]  }
0x3d3: {  	s0 =	sadd.s32 @!p0 $0x100000, s0  }
0x3d4: {  	[sflag:s0] =	ssyncadd.tile.s32 @!p0 $0x1;
	_ =	shalt  }
.Lfunc_end2:
_tile_overlayer_lowered:
.L_overlay_start_2:
0x3d5: {  	(tag) =	ssettag $0x2  }
0x3d6: {  	s0 =	rddreg [dreg:$0x0];
	s2 =	stileid.u32  }
0x3d7: {  	s1 =	rddreg [dreg:$0x1];
	p0 =	sne.s32 s2, $0x0  }
0x3d8: {  	s3 =	rddreg [dreg:$0x2];
	[bflag:$0x3] =	sbarrier.arrive $0xFFFF;
	s2 =	simm.s32 @!p0 $0x1C05  }
0x3d9: {  	[timem:s3], [sflag:s2] =	dma.local @!p0 [hbm:s0], s1  }
0x3da: {  	s0 =	simm.s32 @!p0 $0x5  }
0x3db: {  	_ =	swait.ge @!p0 [sflag:s0], s1  }
0x3dc: {  	s1 =	ssub.s32 @!p0 $0x0, s1;
	[sflag:s0] =	ssyncset.done @!p0 $0x0  }
0x3dd: {  	[sflag:s0] =	ssyncadd.s32 @!p0 s1  }
0x3de: {  	[bflag:$0x3] =	sbarrier.arrive $0xFFFF  }
0x3df: {  	_ =	shalt  }

</sc_bundles>
